<compile_context>
chip_gen: v7x
topology: tpu7x:2x2x1
jax: 0.10.2.dev20260603
libtpu: 0.0.44.dev20260713+nightly
codegen_flags: <defaults>
</compile_context>

<pallas_src>
import jax
import jax.numpy as jnp
from jax import lax
from jax.experimental import pallas as pl
from jax.experimental.pallas import tpu as pltpu
from jax.experimental.pallas import tpu_sc as plsc

_P1 = 384
_NC = 1
_NS = 16
_CH = 4


def _sc_reduce_body(n_nodes, node0, k, hdim, npw, nch):
    nlv = hdim // 16

    def body(c_hbm, cs_hbm, cbuf0, cbuf1, cob, cs0, cs1):
        wid = lax.axis_index("s") * _NC + lax.axis_index("c")
        base = node0 + wid * npw

        def start(ch, cb, csem):
            @pl.when((ch < nch) & (base + ch * _CH < n_nodes))
            def _():
                r0 = (base + ch * _CH) * k
                pltpu.make_async_copy(c_hbm.at[pl.ds(r0, _CH * k)], cb, csem).start()

        def process(ch, cb, csem):
            @pl.when(base + ch * _CH < n_nodes)
            def _():
                pltpu.make_async_copy(c_hbm.at[pl.ds(0, _CH * k)], cb, csem).wait()
                for nd in range(_CH):
                    row0 = nd * k
                    zero = jnp.zeros((16,), jnp.float32)

                    def kbody(k2, ca):
                        for u in range(4):
                            r = row0 + k2 * 4 + u
                            ca = tuple(ca[j] + cb[r, pl.ds(j * 16, 16)]
                                       for j in range(nlv))
                        return ca

                    ca = lax.fori_loop(0, k // 4, kbody, (zero,) * nlv)
                    for j in range(nlv):
                        cob[nd, pl.ds(j * 16, 16)] = ca[j]
                out0 = base - node0 + ch * _CH
                pltpu.sync_copy(cob, cs_hbm.at[pl.ds(out0, _CH)])

        start(0, cbuf0, cs0)

        def outer(h2, _):
            ch = h2 * 2
            start(ch + 1, cbuf1, cs1)
            process(ch, cbuf0, cs0)
            start(ch + 2, cbuf0, cs0)
            process(ch + 1, cbuf1, cs1)
            return 0

        lax.fori_loop(0, nch // 2, outer, 0)

    return body


def _sc_reduce(c2, n, k, hdim):
    nw = _NC * _NS
    half = -(-n // (2 * nw * _CH)) * nw * _CH
    npw = half // nw
    nch = npw // _CH
    if nch % 2:
        nch += 1
    mesh = plsc.VectorSubcoreMesh(core_axis_name="c", subcore_axis_name="s",
                                  num_cores=_NC, num_subcores=_NS)

    def launch(node0):
        fn = pl.kernel(
            _sc_reduce_body(n, node0, k, hdim, npw, nch),
            out_type=jax.ShapeDtypeStruct((half, hdim), jnp.float32),
            mesh=mesh,
            cost_estimate=pl.CostEstimate(
                flops=half * k * hdim,
                transcendentals=0,
                bytes_accessed=(half * k * hdim + half * hdim) * 4,
            ),
            scratch_types=[
                pltpu.VMEM((_CH * k, hdim), jnp.float32),
                pltpu.VMEM((_CH * k, hdim), jnp.float32),
                pltpu.VMEM((_CH, hdim), jnp.float32),
                pltpu.SemaphoreType.DMA,
                pltpu.SemaphoreType.DMA,
            ],
        )
        return fn(c2)

    return jnp.concatenate([launch(0), launch(half)], axis=0)


def _edge_kernel(h_ref, emb_ref, src_ref, dst_ref, et_ref, w1_ref, e1b_ref,
                 w2t_ref, e2b_ref, hs_ref, es_ref):
    bn, k, hdim = h_ref.shape
    rows = bn * k
    x = jnp.concatenate([src_ref[...].reshape(rows, hdim),
                         dst_ref[...].reshape(rows, hdim),
                         et_ref[...].reshape(rows, 3),
                         jnp.zeros((rows, _P1 - 2 * hdim - 3), jnp.float32)],
                        axis=1)
    acc = jnp.dot(x.astype(jnp.bfloat16), w1_ref[...],
                  preferred_element_type=jnp.float32)
    ew1 = jnp.maximum(acc + e1b_ref[...], 0.0).astype(jnp.bfloat16)
    ew = jnp.dot(ew1, w2t_ref[...], preferred_element_type=jnp.float32) + e2b_ref[...]
    hm = h_ref[...].reshape(rows, hdim) * ew
    hs_ref[...] = jnp.sum(hm.reshape(bn, k, hdim), axis=1)
    es_ref[...] = jnp.sum(emb_ref[...], axis=1)


def _tail_kernel(hs_ref, cs_ref, es_ref, a1_ref, a2_ref, bp_ref,
                 ho_ref, co_ref):
    hdim = hs_ref.shape[1]
    g = (jnp.dot(hs_ref[...], a1_ref[...], preferred_element_type=jnp.float32)
         + jnp.dot(es_ref[...], a2_ref[...], preferred_element_type=jnp.float32)
         + bp_ref[...])
    f = jax.nn.sigmoid(g[:, :hdim])
    i = jax.nn.sigmoid(g[:, hdim:2 * hdim])
    u = jnp.tanh(g[:, 2 * hdim:3 * hdim])
    o = jax.nn.sigmoid(g[:, 3 * hdim:])
    c_new = i * u + f * cs_ref[...]
    ho_ref[...] = o * jnp.tanh(c_new)
    co_ref[...] = c_new


def kernel(h, c, embed, src_embed, dst_embed, edge_type, mask_h, mask_c,
           Wf, bWf, bf, Wi, bWi, bi, Wu, bWu, bu, Wo, bWo, bo,
           e1W, e1b, e2W, e2b, nW, nb):
    n, k, hdim = h.shape
    d = embed.shape[2]
    e = e1W.shape[0]

    w1 = (jnp.zeros((_P1, _P1), jnp.float32).at[:e, :e]
          .set(e1W.T).astype(jnp.bfloat16))
    e1bp = jnp.zeros((1, _P1), jnp.float32).at[0, :e].set(e1b)
    w2t = (jnp.zeros((_P1, hdim), jnp.float32).at[:e, :]
           .set(e2W.T).astype(jnp.bfloat16))
    e2bp = e2b[None, :]
    wg = jnp.concatenate([Wf.T, Wi.T, Wu.T, Wo.T], axis=1)
    a1 = nW[:, :hdim].T @ wg
    a2 = nW[:, hdim:].T @ wg
    bp = ((k * nb) @ wg
          + jnp.concatenate([bWf + bf, bWi + bi, bWu + bu, bWo + bo]))[None, :]

    csum_p = _sc_reduce(c.reshape(n * k, hdim), n, k, hdim)

    bn = 80 if n % 80 == 0 else 8
    grid = (n // bn,)

    def big(i):
        return (i, 0, 0)

    def wspec(shape):
        return pl.BlockSpec(shape, lambda i: (0,) * len(shape))

    hs_hm, esum = pl.pallas_call(
        _edge_kernel,
        grid=grid,
        in_specs=[
            pl.BlockSpec((bn, k, hdim), big),
            pl.BlockSpec((bn, k, d), big),
            pl.BlockSpec((bn, k, d), big),
            pl.BlockSpec((bn, k, d), big),
            pl.BlockSpec((bn, k, 3), big),
            wspec((_P1, _P1)),
            wspec((1, _P1)),
            wspec((_P1, hdim)),
            wspec((1, hdim)),
        ],
        out_specs=[
            pl.BlockSpec((bn, hdim), lambda i: (i, 0)),
            pl.BlockSpec((bn, hdim), lambda i: (i, 0)),
        ],
        out_shape=[
            jax.ShapeDtypeStruct((n, hdim), jnp.float32),
            jax.ShapeDtypeStruct((n, hdim), jnp.float32),
        ],
    )(h, embed, src_embed, dst_embed, edge_type, w1, e1bp, w2t, e2bp)

    row = lambda i: (i, 0)
    h_new, c_new = pl.pallas_call(
        _tail_kernel,
        grid=grid,
        in_specs=[
            pl.BlockSpec((bn, hdim), row),
            pl.BlockSpec((bn, hdim), row),
            pl.BlockSpec((bn, hdim), row),
            wspec((hdim, 4 * hdim)),
            wspec((hdim, 4 * hdim)),
            wspec((1, 4 * hdim)),
        ],
        out_specs=[
            pl.BlockSpec((bn, hdim), row),
            pl.BlockSpec((bn, hdim), row),
        ],
        out_shape=[
            jax.ShapeDtypeStruct((n, hdim), jnp.float32),
            jax.ShapeDtypeStruct((n, hdim), jnp.float32),
        ],
    )(hs_hm, csum_p, esum, a1, a2, bp)
    return (h_new, c_new)

# --- scband reference (transcript-rebuilt; emitter-appended) ---
"""Pipeline reference for scband-child-sum-tree-lstmcell-64622077935700 (READ-ONLY COPY).

The authoritative reference and input builder live on the scoring server;
editing this copy changes nothing except your own understanding.
"""

import jax, jax.numpy as jnp
import numpy as np

N, K, D, H = 10000, 32, 128, 128

def setup_inputs(seed: int = 0):
    key = jax.random.key(seed)
    ks = jax.random.split(key, 30)
    s = 0.05
    inp = {
        "h": jax.random.normal(ks[0], (N, K, H), jnp.float32),
        "c": jax.random.normal(ks[1], (N, K, H), jnp.float32),
        "embed": jax.random.normal(ks[2], (N, K, D), jnp.float32),
        "src_embed": jax.random.normal(ks[3], (N, K, D), jnp.float32),
        "dst_embed": jax.random.normal(ks[4], (N, K, D), jnp.float32),
        "edge_type": jax.random.normal(ks[5], (N, K, 3), jnp.float32),
        "mask_h": jnp.ones((N, K), jnp.float32),
        "mask_c": jnp.ones((N, K), jnp.float32),
        "Wf": jax.random.normal(ks[6], (H, D + H), jnp.float32) * s,
        "bWf": jax.random.normal(ks[7], (H,), jnp.float32) * s,
        "bf": jnp.zeros((H,), jnp.float32),
        "Wi": jax.random.normal(ks[8], (H, D + H), jnp.float32) * s,
        "bWi": jax.random.normal(ks[9], (H,), jnp.float32) * s,
        "bi": jnp.zeros((H,), jnp.float32),
        "Wu": jax.random.normal(ks[10], (H, D + H), jnp.float32) * s,
        "bWu": jax.random.normal(ks[11], (H,), jnp.float32) * s,
        "bu": jnp.zeros((H,), jnp.float32),
        "Wo": jax.random.normal(ks[12], (H, D + H), jnp.float32) * s,
        "bWo": jax.random.normal(ks[13], (H,), jnp.float32) * s,
        "bo": jnp.zeros((H,), jnp.float32),
        "e1W": jax.random.normal(ks[14], (2 * D + 3, 2 * D + 3), jnp.float32) * s,
        "e1b": jax.random.normal(ks[15], (2 * D + 3,), jnp.float32) * s,
        "e2W": jax.random.normal(ks[16], (H, 2 * D + 3), jnp.float32) * s,
        "e2b": jax.random.normal(ks[17], (H,), jnp.float32) * s,
        "nW": jax.random.normal(ks[18], (D + H, D + H), jnp.float32) * s,
        "nb": jax.random.normal(ks[19], (D + H,), jnp.float32) * s,
    }
    return inp

def reference(h, c, embed, src_embed, dst_embed, edge_type, mask_h, mask_c,
              Wf, bWf, bf, Wi, bWi, bi, Wu, bWu, bu, Wo, bWo, bo,
              e1W, e1b, e2W, e2b, nW, nb):
    # reduce_func
    ew = jnp.concatenate([src_embed, dst_embed, edge_type], axis=2)
    ew = jax.nn.relu(ew @ e1W.T + e1b)
    ew = ew @ e2W.T + e2b
    hm = h * ew
    h2 = jnp.concatenate([hm, embed], axis=2)
    masked_h2 = (h2 @ nW.T + nb) * mask_h[..., None]
    h_sum = jnp.sum(masked_h2, axis=1)
    f = jax.nn.sigmoid(h_sum @ Wf.T + bWf + bf)
    masked_c = c * mask_c[..., None]
    c_tilde = jnp.sum(f[:, None, :] * masked_c, axis=1)
    # apply_node_func
    i = jax.nn.sigmoid(h_sum @ Wi.T + bWi + bi)
    u = jnp.tanh(h_sum @ Wu.T + bWu + bu)
    c_new = i * u + c_tilde
    o = jax.nn.sigmoid(h_sum @ Wo.T + bWo + bo)
    h_new = o * jnp.tanh(c_new)
    return (h_new, c_new)

if __name__ == "__main__":
    import jax
    _d = setup_inputs()
    print(jax.jit(kernel)(*tuple(_d.values())))

</pallas_src>

<mosaic_0001>
#map = affine_map<(d0, d1) -> (0, 0)>
module attributes {stable_mosaic.version = 14 : i64} {
  func.func @body(%arg0: i32, %arg1: i32, %arg2: memref<320000x128xf32, #tpu.memory_space<hbm>>, %arg3: memref<5056x128xf32, #tpu.memory_space<hbm>>, %arg4: memref<128x128xf32, #tpu.memory_space<vmem>>, %arg5: memref<128x128xf32, #tpu.memory_space<vmem>>, %arg6: memref<4x128xf32, #tpu.memory_space<vmem>>, %arg7: memref<!tpu.dma_semaphore, #tpu.memory_space<semaphore_mem>>, %arg8: memref<!tpu.dma_semaphore, #tpu.memory_space<semaphore_mem>>) attributes {dimension_semantics = [#tpu.dimension_semantics<core_parallel>, #tpu.dimension_semantics<subcore_parallel>], iteration_bounds = array<i64: 1, 16>, scalar_prefetch = 0 : i64, scratch_operands = 5 : i64, tpu.core_type = #tpu.core_type<sc_vector_subcore>, window_params = [{transform_indices = #map}, {transform_indices = #map}]} {
    %mul3A = arith.constant 1 : i32
    %mul3A_0 = arith.muli %arg1, %mul3A : i32
    %add3A = arith.addi %mul3A_0, %arg0 : i32
    %mul3A_1 = arith.constant 316 : i32
    %mul3A_2 = arith.muli %add3A, %mul3A_1 : i32
    %add3A_3 = arith.constant 0 : i32
    %add3A_4 = arith.addi %add3A_3, %mul3A_2 : i32
    %add3A_5 = arith.constant 0 : i32
    %add3A_6 = arith.addi %add3A_4, %add3A_5 : i32
    %lt3A = arith.constant 10000 : i32
    %lt3A_7 = arith.cmpi slt, %add3A_6, %lt3A : i32
    %and3A = arith.constant true
    %and3A_8 = arith.andi %and3A, %lt3A_7 : i1
    %convert_element_type3A = arith.extui %and3A_8 : i1 to i32
    %cond3A = arith.constant 0 : i32
    %cond3A_9 = arith.cmpi ne, %convert_element_type3A, %cond3A : i32
    scf.if %cond3A_9 {
      %add3A_16 = arith.constant 0 : i32
      %add3A_17 = arith.addi %add3A_4, %add3A_16 : i32
      %mul3A_18 = arith.constant 32 : i32
      %mul3A_19 = arith.muli %add3A_17, %mul3A_18 : i32
      %dma_start3A = arith.constant 0 : i32
      %dma_start3A_20 = tpu.memref_slice %arg2[%mul3A_19, %dma_start3A] : memref<320000x128xf32, #tpu.memory_space<hbm>> -> memref<128x128xf32, #tpu.memory_space<hbm>>
      %dma_start3A_21 = arith.constant 0 : i32
      %dma_start3A_22 = tpu.memref_slice %arg2[%mul3A_19, %dma_start3A_21] : memref<320000x128xf32, #tpu.memory_space<hbm>> -> memref<128x128xf32, #tpu.memory_space<hbm>>
      tpu.enqueue_dma source(%dma_start3A_22 : memref<128x128xf32, #tpu.memory_space<hbm>>) target(%arg4 : memref<128x128xf32, #tpu.memory_space<vmem>>) target_semaphore(%arg7 : memref<!tpu.dma_semaphore, #tpu.memory_space<semaphore_mem>>)
    } else {
    }
    %scan3A = arith.constant 0 : i32
    %scan3A_10 = arith.constant 0 : i32
    %scan3A_11 = arith.constant 40 : i32
    %scan3A_12 = arith.addi %scan3A_10, %scan3A_11 : i32
    %scan3A_13 = arith.constant 1 : i32
    %scan3A_14 = scf.for %scan3A_16 = %scan3A_10 to %scan3A_12 step %scan3A_13 iter_args(%scan3A_17 = %scan3A) -> (i32)  : i32 {
      %mul3A_18 = arith.constant 2 : i32
      %mul3A_19 = arith.muli %scan3A_16, %mul3A_18 : i32
      %add3A_20 = arith.constant 1 : i32
      %add3A_21 = arith.addi %mul3A_19, %add3A_20 : i32
      %lt3A_22 = arith.constant 80 : i32
      %lt3A_23 = arith.cmpi slt, %add3A_21, %lt3A_22 : i32
      %mul3A_24 = arith.constant 4 : i32
      %mul3A_25 = arith.muli %add3A_21, %mul3A_24 : i32
      %add3A_26 = arith.addi %add3A_4, %mul3A_25 : i32
      %lt3A_27 = arith.constant 10000 : i32
      %lt3A_28 = arith.cmpi slt, %add3A_26, %lt3A_27 : i32
      %and3A_29 = arith.andi %lt3A_23, %lt3A_28 : i1
      %convert_element_type3A_30 = arith.extui %and3A_29 : i1 to i32
      %cond3A_31 = arith.constant 0 : i32
      %cond3A_32 = arith.cmpi ne, %convert_element_type3A_30, %cond3A_31 : i32
      scf.if %cond3A_32 {
        %mul3A_65 = arith.constant 4 : i32
        %mul3A_66 = arith.muli %add3A_21, %mul3A_65 : i32
        %add3A_67 = arith.addi %add3A_4, %mul3A_66 : i32
        %mul3A_68 = arith.constant 32 : i32
        %mul3A_69 = arith.muli %add3A_67, %mul3A_68 : i32
        %dma_start3A = arith.constant 0 : i32
        %dma_start3A_70 = tpu.memref_slice %arg2[%mul3A_69, %dma_start3A] : memref<320000x128xf32, #tpu.memory_space<hbm>> -> memref<128x128xf32, #tpu.memory_space<hbm>>
        %dma_start3A_71 = arith.constant 0 : i32
        %dma_start3A_72 = tpu.memref_slice %arg2[%mul3A_69, %dma_start3A_71] : memref<320000x128xf32, #tpu.memory_space<hbm>> -> memref<128x128xf32, #tpu.memory_space<hbm>>
        tpu.enqueue_dma source(%dma_start3A_72 : memref<128x128xf32, #tpu.memory_space<hbm>>) target(%arg5 : memref<128x128xf32, #tpu.memory_space<vmem>>) target_semaphore(%arg8 : memref<!tpu.dma_semaphore, #tpu.memory_space<semaphore_mem>>)
      } else {
      }
      %mul3A_33 = arith.constant 4 : i32
      %mul3A_34 = arith.muli %mul3A_19, %mul3A_33 : i32
      %add3A_35 = arith.addi %add3A_4, %mul3A_34 : i32
      %lt3A_36 = arith.constant 10000 : i32
      %lt3A_37 = arith.cmpi slt, %add3A_35, %lt3A_36 : i32
      %convert_element_type3A_38 = arith.extui %lt3A_37 : i1 to i32
      %cond3A_39 = arith.constant 0 : i32
      %cond3A_40 = arith.cmpi ne, %convert_element_type3A_38, %cond3A_39 : i32
      scf.if %cond3A_40 {
        %dma_wait3A = arith.constant 0 : i32
        %dma_wait3A_65 = arith.constant 0 : i32
        %dma_wait3A_66 = tpu.memref_slice %arg2[%dma_wait3A, %dma_wait3A_65] : memref<320000x128xf32, #tpu.memory_space<hbm>> -> memref<128x128xf32, #tpu.memory_space<hbm>>
        %dma_wait3A_67 = arith.constant 0 : i32
        %dma_wait3A_68 = arith.constant 0 : i32
        %dma_wait3A_69 = tpu.memref_slice %arg2[%dma_wait3A_67, %dma_wait3A_68] : memref<320000x128xf32, #tpu.memory_space<hbm>> -> memref<128x128xf32, #tpu.memory_space<hbm>>
        tpu.wait_dma2 semaphore(%arg7 : memref<!tpu.dma_semaphore, #tpu.memory_space<semaphore_mem>>) src(%dma_wait3A_69 : memref<128x128xf32, #tpu.memory_space<hbm>>) dst(%arg4 : memref<128x128xf32, #tpu.memory_space<vmem>>)
        %broadcast_in_dim3A = arith.constant 0.000000e+00 : f32
        %broadcast_in_dim3A_70 = vector.broadcast %broadcast_in_dim3A : f32 to vector<16xf32>
        %scan3A_71 = arith.constant 0 : i32
        %scan3A_72 = arith.constant 8 : i32
        %scan3A_73 = arith.addi %scan3A_71, %scan3A_72 : i32
        %scan3A_74 = arith.constant 1 : i32
        %scan3A_75:8 = scf.for %scan3A_296 = %scan3A_71 to %scan3A_73 step %scan3A_74 iter_args(%scan3A_297 = %broadcast_in_dim3A_70, %scan3A_298 = %broadcast_in_dim3A_70, %scan3A_299 = %broadcast_in_dim3A_70, %scan3A_300 = %broadcast_in_dim3A_70, %scan3A_301 = %broadcast_in_dim3A_70, %scan3A_302 = %broadcast_in_dim3A_70, %scan3A_303 = %broadcast_in_dim3A_70, %scan3A_304 = %broadcast_in_dim3A_70) -> (vector<16xf32>, vector<16xf32>, vector<16xf32>, vector<16xf32>, vector<16xf32>, vector<16xf32>, vector<16xf32>, vector<16xf32>)  : i32 {
          %mul3A_305 = arith.constant 4 : i32
          %mul3A_306 = arith.muli %scan3A_296, %mul3A_305 : i32
          %add3A_307 = arith.constant 0 : i32
          %add3A_308 = arith.addi %add3A_307, %mul3A_306 : i32
          %add3A_309 = arith.constant 0 : i32
          %add3A_310 = arith.addi %add3A_308, %add3A_309 : i32
          %get3A = arith.index_cast %add3A_310 : i32 to index
          %get3A_311 = arith.constant 0 : index
          %get3A_312 = tpu.vector_load %arg4[%get3A, %get3A_311] {strides = array<i32>} : memref<128x128xf32, #tpu.memory_space<vmem>>, vector<1x16xf32>,
          %get3A_313 = vector.shape_cast %get3A_312 : vector<1x16xf32> to vector<16xf32>
          %add3A_314 = arith.addf %scan3A_297, %get3A_313 : vector<16xf32>
          %get3A_315 = arith.index_cast %add3A_310 : i32 to index
          %get3A_316 = arith.constant 16 : index
          %get3A_317 = tpu.vector_load %arg4[%get3A_315, %get3A_316] {strides = array<i32>} : memref<128x128xf32, #tpu.memory_space<vmem>>, vector<1x16xf32>,
          %get3A_318 = vector.shape_cast %get3A_317 : vector<1x16xf32> to vector<16xf32>
          %add3A_319 = arith.addf %scan3A_298, %get3A_318 : vector<16xf32>
          %get3A_320 = arith.index_cast %add3A_310 : i32 to index
          %get3A_321 = arith.constant 32 : index
          %get3A_322 = tpu.vector_load %arg4[%get3A_320, %get3A_321] {strides = array<i32>} : memref<128x128xf32, #tpu.memory_space<vmem>>, vector<1x16xf32>,
          %get3A_323 = vector.shape_cast %get3A_322 : vector<1x16xf32> to vector<16xf32>
          %add3A_324 = arith.addf %scan3A_299, %get3A_323 : vector<16xf32>
          %get3A_325 = arith.index_cast %add3A_310 : i32 to index
          %get3A_326 = arith.constant 48 : index
          %get3A_327 = tpu.vector_load %arg4[%get3A_325, %get3A_326] {strides = array<i32>} : memref<128x128xf32, #tpu.memory_space<vmem>>, vector<1x16xf32>,
          %get3A_328 = vector.shape_cast %get3A_327 : vector<1x16xf32> to vector<16xf32>
          %add3A_329 = arith.addf %scan3A_300, %get3A_328 : vector<16xf32>
          %get3A_330 = arith.index_cast %add3A_310 : i32 to index
          %get3A_331 = arith.constant 64 : index
          %get3A_332 = tpu.vector_load %arg4[%get3A_330, %get3A_331] {strides = array<i32>} : memref<128x128xf32, #tpu.memory_space<vmem>>, vector<1x16xf32>,
          %get3A_333 = vector.shape_cast %get3A_332 : vector<1x16xf32> to vector<16xf32>
          %add3A_334 = arith.addf %scan3A_301, %get3A_333 : vector<16xf32>
          %get3A_335 = arith.index_cast %add3A_310 : i32 to index
          %get3A_336 = arith.constant 80 : index
          %get3A_337 = tpu.vector_load %arg4[%get3A_335, %get3A_336] {strides = array<i32>} : memref<128x128xf32, #tpu.memory_space<vmem>>, vector<1x16xf32>,
          %get3A_338 = vector.shape_cast %get3A_337 : vector<1x16xf32> to vector<16xf32>
          %add3A_339 = arith.addf %scan3A_302, %get3A_338 : vector<16xf32>
          %get3A_340 = arith.index_cast %add3A_310 : i32 to index
          %get3A_341 = arith.constant 96 : index
          %get3A_342 = tpu.vector_load %arg4[%get3A_340, %get3A_341] {strides = array<i32>} : memref<128x128xf32, #tpu.memory_space<vmem>>, vector<1x16xf32>,
          %get3A_343 = vector.shape_cast %get3A_342 : vector<1x16xf32> to vector<16xf32>
          %add3A_344 = arith.addf %scan3A_303, %get3A_343 : vector<16xf32>
          %get3A_345 = arith.index_cast %add3A_310 : i32 to index
          %get3A_346 = arith.constant 112 : index
          %get3A_347 = tpu.vector_load %arg4[%get3A_345, %get3A_346] {strides = array<i32>} : memref<128x128xf32, #tpu.memory_space<vmem>>, vector<1x16xf32>,
          %get3A_348 = vector.shape_cast %get3A_347 : vector<1x16xf32> to vector<16xf32>
          %add3A_349 = arith.addf %scan3A_304, %get3A_348 : vector<16xf32>
          %mul3A_350 = arith.constant 4 : i32
          %mul3A_351 = arith.muli %scan3A_296, %mul3A_350 : i32
          %add3A_352 = arith.constant 0 : i32
          %add3A_353 = arith.addi %add3A_352, %mul3A_351 : i32
          %add3A_354 = arith.constant 1 : i32
          %add3A_355 = arith.addi %add3A_353, %add3A_354 : i32
          %get3A_356 = arith.index_cast %add3A_355 : i32 to index
          %get3A_357 = arith.constant 0 : index
          %get3A_358 = tpu.vector_load %arg4[%get3A_356, %get3A_357] {strides = array<i32>} : memref<128x128xf32, #tpu.memory_space<vmem>>, vector<1x16xf32>,
          %get3A_359 = vector.shape_cast %get3A_358 : vector<1x16xf32> to vector<16xf32>
          %add3A_360 = arith.addf %add3A_314, %get3A_359 : vector<16xf32>
          %get3A_361 = arith.index_cast %add3A_355 : i32 to index
          %get3A_362 = arith.constant 16 : index
          %get3A_363 = tpu.vector_load %arg4[%get3A_361, %get3A_362] {strides = array<i32>} : memref<128x128xf32, #tpu.memory_space<vmem>>, vector<1x16xf32>,
          %get3A_364 = vector.shape_cast %get3A_363 : vector<1x16xf32> to vector<16xf32>
          %add3A_365 = arith.addf %add3A_319, %get3A_364 : vector<16xf32>
          %get3A_366 = arith.index_cast %add3A_355 : i32 to index
          %get3A_367 = arith.constant 32 : index
          %get3A_368 = tpu.vector_load %arg4[%get3A_366, %get3A_367] {strides = array<i32>} : memref<128x128xf32, #tpu.memory_space<vmem>>, vector<1x16xf32>,
          %get3A_369 = vector.shape_cast %get3A_368 : vector<1x16xf32> to vector<16xf32>
          %add3A_370 = arith.addf %add3A_324, %get3A_369 : vector<16xf32>
          %get3A_371 = arith.index_cast %add3A_355 : i32 to index
          %get3A_372 = arith.constant 48 : index
          %get3A_373 = tpu.vector_load %arg4[%get3A_371, %get3A_372] {strides = array<i32>} : memref<128x128xf32, #tpu.memory_space<vmem>>, vector<1x16xf32>,
          %get3A_374 = vector.shape_cast %get3A_373 : vector<1x16xf32> to vector<16xf32>
          %add3A_375 = arith.addf %add3A_329, %get3A_374 : vector<16xf32>
          %get3A_376 = arith.index_cast %add3A_355 : i32 to index
          %get3A_377 = arith.constant 64 : index
          %get3A_378 = tpu.vector_load %arg4[%get3A_376, %get3A_377] {strides = array<i32>} : memref<128x128xf32, #tpu.memory_space<vmem>>, vector<1x16xf32>,
          %get3A_379 = vector.shape_cast %get3A_378 : vector<1x16xf32> to vector<16xf32>
          %add3A_380 = arith.addf %add3A_334, %get3A_379 : vector<16xf32>
          %get3A_381 = arith.index_cast %add3A_355 : i32 to index
          %get3A_382 = arith.constant 80 : index
          %get3A_383 = tpu.vector_load %arg4[%get3A_381, %get3A_382] {strides = array<i32>} : memref<128x128xf32, #tpu.memory_space<vmem>>, vector<1x16xf32>,
          %get3A_384 = vector.shape_cast %get3A_383 : vector<1x16xf32> to vector<16xf32>
          %add3A_385 = arith.addf %add3A_339, %get3A_384 : vector<16xf32>
          %get3A_386 = arith.index_cast %add3A_355 : i32 to index
          %get3A_387 = arith.constant 96 : index
          %get3A_388 = tpu.vector_load %arg4[%get3A_386, %get3A_387] {strides = array<i32>} : memref<128x128xf32, #tpu.memory_space<vmem>>, vector<1x16xf32>,
          %get3A_389 = vector.shape_cast %get3A_388 : vector<1x16xf32> to vector<16xf32>
          %add3A_390 = arith.addf %add3A_344, %get3A_389 : vector<16xf32>
          %get3A_391 = arith.index_cast %add3A_355 : i32 to index
          %get3A_392 = arith.constant 112 : index
          %get3A_393 = tpu.vector_load %arg4[%get3A_391, %get3A_392] {strides = array<i32>} : memref<128x128xf32, #tpu.memory_space<vmem>>, vector<1x16xf32>,
          %get3A_394 = vector.shape_cast %get3A_393 : vector<1x16xf32> to vector<16xf32>
          %add3A_395 = arith.addf %add3A_349, %get3A_394 : vector<16xf32>
          %mul3A_396 = arith.constant 4 : i32
          %mul3A_397 = arith.muli %scan3A_296, %mul3A_396 : i32
          %add3A_398 = arith.constant 0 : i32
          %add3A_399 = arith.addi %add3A_398, %mul3A_397 : i32
          %add3A_400 = arith.constant 2 : i32
          %add3A_401 = arith.addi %add3A_399, %add3A_400 : i32
          %get3A_402 = arith.index_cast %add3A_401 : i32 to index
          %get3A_403 = arith.constant 0 : index
          %get3A_404 = tpu.vector_load %arg4[%get3A_402, %get3A_403] {strides = array<i32>} : memref<128x128xf32, #tpu.memory_space<vmem>>, vector<1x16xf32>,
          %get3A_405 = vector.shape_cast %get3A_404 : vector<1x16xf32> to vector<16xf32>
          %add3A_406 = arith.addf %add3A_360, %get3A_405 : vector<16xf32>
          %get3A_407 = arith.index_cast %add3A_401 : i32 to index
          %get3A_408 = arith.constant 16 : index
          %get3A_409 = tpu.vector_load %arg4[%get3A_407, %get3A_408] {strides = array<i32>} : memref<128x128xf32, #tpu.memory_space<vmem>>, vector<1x16xf32>,
          %get3A_410 = vector.shape_cast %get3A_409 : vector<1x16xf32> to vector<16xf32>
          %add3A_411 = arith.addf %add3A_365, %get3A_410 : vector<16xf32>
          %get3A_412 = arith.index_cast %add3A_401 : i32 to index
          %get3A_413 = arith.constant 32 : index
          %get3A_414 = tpu.vector_load %arg4[%get3A_412, %get3A_413] {strides = array<i32>} : memref<128x128xf32, #tpu.memory_space<vmem>>, vector<1x16xf32>,
          %get3A_415 = vector.shape_cast %get3A_414 : vector<1x16xf32> to vector<16xf32>
          %add3A_416 = arith.addf %add3A_370, %get3A_415 : vector<16xf32>
          %get3A_417 = arith.index_cast %add3A_401 : i32 to index
          %get3A_418 = arith.constant 48 : index
          %get3A_419 = tpu.vector_load %arg4[%get3A_417, %get3A_418] {strides = array<i32>} : memref<128x128xf32, #tpu.memory_space<vmem>>, vector<1x16xf32>,
          %get3A_420 = vector.shape_cast %get3A_419 : vector<1x16xf32> to vector<16xf32>
          %add3A_421 = arith.addf %add3A_375, %get3A_420 : vector<16xf32>
          %get3A_422 = arith.index_cast %add3A_401 : i32 to index
          %get3A_423 = arith.constant 64 : index
          %get3A_424 = tpu.vector_load %arg4[%get3A_422, %get3A_423] {strides = array<i32>} : memref<128x128xf32, #tpu.memory_space<vmem>>, vector<1x16xf32>,
          %get3A_425 = vector.shape_cast %get3A_424 : vector<1x16xf32> to vector<16xf32>
          %add3A_426 = arith.addf %add3A_380, %get3A_425 : vector<16xf32>
          %get3A_427 = arith.index_cast %add3A_401 : i32 to index
          %get3A_428 = arith.constant 80 : index
          %get3A_429 = tpu.vector_load %arg4[%get3A_427, %get3A_428] {strides = array<i32>} : memref<128x128xf32, #tpu.memory_space<vmem>>, vector<1x16xf32>,
          %get3A_430 = vector.shape_cast %get3A_429 : vector<1x16xf32> to vector<16xf32>
          %add3A_431 = arith.addf %add3A_385, %get3A_430 : vector<16xf32>
          %get3A_432 = arith.index_cast %add3A_401 : i32 to index
          %get3A_433 = arith.constant 96 : index
          %get3A_434 = tpu.vector_load %arg4[%get3A_432, %get3A_433] {strides = array<i32>} : memref<128x128xf32, #tpu.memory_space<vmem>>, vector<1x16xf32>,
          %get3A_435 = vector.shape_cast %get3A_434 : vector<1x16xf32> to vector<16xf32>
          %add3A_436 = arith.addf %add3A_390, %get3A_435 : vector<16xf32>
          %get3A_437 = arith.index_cast %add3A_401 : i32 to index
          %get3A_438 = arith.constant 112 : index
          %get3A_439 = tpu.vector_load %arg4[%get3A_437, %get3A_438] {strides = array<i32>} : memref<128x128xf32, #tpu.memory_space<vmem>>, vector<1x16xf32>,
          %get3A_440 = vector.shape_cast %get3A_439 : vector<1x16xf32> to vector<16xf32>
          %add3A_441 = arith.addf %add3A_395, %get3A_440 : vector<16xf32>
          %mul3A_442 = arith.constant 4 : i32
          %mul3A_443 = arith.muli %scan3A_296, %mul3A_442 : i32
          %add3A_444 = arith.constant 0 : i32
          %add3A_445 = arith.addi %add3A_444, %mul3A_443 : i32
          %add3A_446 = arith.constant 3 : i32
          %add3A_447 = arith.addi %add3A_445, %add3A_446 : i32
          %get3A_448 = arith.index_cast %add3A_447 : i32 to index
          %get3A_449 = arith.constant 0 : index
          %get3A_450 = tpu.vector_load %arg4[%get3A_448, %get3A_449] {strides = array<i32>} : memref<128x128xf32, #tpu.memory_space<vmem>>, vector<1x16xf32>,
          %get3A_451 = vector.shape_cast %get3A_450 : vector<1x16xf32> to vector<16xf32>
          %add3A_452 = arith.addf %add3A_406, %get3A_451 : vector<16xf32>
          %get3A_453 = arith.index_cast %add3A_447 : i32 to index
          %get3A_454 = arith.constant 16 : index
          %get3A_455 = tpu.vector_load %arg4[%get3A_453, %get3A_454] {strides = array<i32>} : memref<128x128xf32, #tpu.memory_space<vmem>>, vector<1x16xf32>,
          %get3A_456 = vector.shape_cast %get3A_455 : vector<1x16xf32> to vector<16xf32>
          %add3A_457 = arith.addf %add3A_411, %get3A_456 : vector<16xf32>
          %get3A_458 = arith.index_cast %add3A_447 : i32 to index
          %get3A_459 = arith.constant 32 : index
          %get3A_460 = tpu.vector_load %arg4[%get3A_458, %get3A_459] {strides = array<i32>} : memref<128x128xf32, #tpu.memory_space<vmem>>, vector<1x16xf32>,
          %get3A_461 = vector.shape_cast %get3A_460 : vector<1x16xf32> to vector<16xf32>
          %add3A_462 = arith.addf %add3A_416, %get3A_461 : vector<16xf32>
          %get3A_463 = arith.index_cast %add3A_447 : i32 to index
          %get3A_464 = arith.constant 48 : index
          %get3A_465 = tpu.vector_load %arg4[%get3A_463, %get3A_464] {strides = array<i32>} : memref<128x128xf32, #tpu.memory_space<vmem>>, vector<1x16xf32>,
          %get3A_466 = vector.shape_cast %get3A_465 : vector<1x16xf32> to vector<16xf32>
          %add3A_467 = arith.addf %add3A_421, %get3A_466 : vector<16xf32>
          %get3A_468 = arith.index_cast %add3A_447 : i32 to index
          %get3A_469 = arith.constant 64 : index
          %get3A_470 = tpu.vector_load %arg4[%get3A_468, %get3A_469] {strides = array<i32>} : memref<128x128xf32, #tpu.memory_space<vmem>>, vector<1x16xf32>,
          %get3A_471 = vector.shape_cast %get3A_470 : vector<1x16xf32> to vector<16xf32>
          %add3A_472 = arith.addf %add3A_426, %get3A_471 : vector<16xf32>
          %get3A_473 = arith.index_cast %add3A_447 : i32 to index
          %get3A_474 = arith.constant 80 : index
          %get3A_475 = tpu.vector_load %arg4[%get3A_473, %get3A_474] {strides = array<i32>} : memref<128x128xf32, #tpu.memory_space<vmem>>, vector<1x16xf32>,
          %get3A_476 = vector.shape_cast %get3A_475 : vector<1x16xf32> to vector<16xf32>
          %add3A_477 = arith.addf %add3A_431, %get3A_476 : vector<16xf32>
          %get3A_478 = arith.index_cast %add3A_447 : i32 to index
          %get3A_479 = arith.constant 96 : index
          %get3A_480 = tpu.vector_load %arg4[%get3A_478, %get3A_479] {strides = array<i32>} : memref<128x128xf32, #tpu.memory_space<vmem>>, vector<1x16xf32>,
          %get3A_481 = vector.shape_cast %get3A_480 : vector<1x16xf32> to vector<16xf32>
          %add3A_482 = arith.addf %add3A_436, %get3A_481 : vector<16xf32>
          %get3A_483 = arith.index_cast %add3A_447 : i32 to index
          %get3A_484 = arith.constant 112 : index
          %get3A_485 = tpu.vector_load %arg4[%get3A_483, %get3A_484] {strides = array<i32>} : memref<128x128xf32, #tpu.memory_space<vmem>>, vector<1x16xf32>,
          %get3A_486 = vector.shape_cast %get3A_485 : vector<1x16xf32> to vector<16xf32>
          %add3A_487 = arith.addf %add3A_441, %get3A_486 : vector<16xf32>
          scf.yield %add3A_452, %add3A_457, %add3A_462, %add3A_467, %add3A_472, %add3A_477, %add3A_482, %add3A_487 : vector<16xf32>, vector<16xf32>, vector<16xf32>, vector<16xf32>, vector<16xf32>, vector<16xf32>, vector<16xf32>, vector<16xf32>
        }
        %scan3A_76 = arith.constant 8 : i32
        %swap3A = arith.constant 0 : i32
        %swap3A_77 = arith.index_cast %swap3A : i32 to index
        %swap3A_78 = arith.constant 0 : index
        %swap3A_79 = tpu.vector_load %arg6[%swap3A_77, %swap3A_78] {strides = array<i32>} : memref<4x128xf32, #tpu.memory_space<vmem>>, vector<1x16xf32>,
        %swap3A_80 = vector.shape_cast %swap3A_79 : vector<1x16xf32> to vector<16xf32>
        %swap3A_81 = vector.shape_cast %scan3A_75#0 : vector<16xf32> to vector<1x16xf32>
        tpu.vector_store %arg6[%swap3A_77, %swap3A_78], %swap3A_81 {strides = array<i32>} : memref<4x128xf32, #tpu.memory_space<vmem>>, vector<1x16xf32>,
        %swap3A_82 = arith.constant 0 : i32
        %swap3A_83 = arith.index_cast %swap3A_82 : i32 to index
        %swap3A_84 = arith.constant 16 : index
        %swap3A_85 = tpu.vector_load %arg6[%swap3A_83, %swap3A_84] {strides = array<i32>} : memref<4x128xf32, #tpu.memory_space<vmem>>, vector<1x16xf32>,
        %swap3A_86 = vector.shape_cast %swap3A_85 : vector<1x16xf32> to vector<16xf32>
        %swap3A_87 = vector.shape_cast %scan3A_75#1 : vector<16xf32> to vector<1x16xf32>
        tpu.vector_store %arg6[%swap3A_83, %swap3A_84], %swap3A_87 {strides = array<i32>} : memref<4x128xf32, #tpu.memory_space<vmem>>, vector<1x16xf32>,
        %swap3A_88 = arith.constant 0 : i32
        %swap3A_89 = arith.index_cast %swap3A_88 : i32 to index
        %swap3A_90 = arith.constant 32 : index
        %swap3A_91 = tpu.vector_load %arg6[%swap3A_89, %swap3A_90] {strides = array<i32>} : memref<4x128xf32, #tpu.memory_space<vmem>>, vector<1x16xf32>,
        %swap3A_92 = vector.shape_cast %swap3A_91 : vector<1x16xf32> to vector<16xf32>
        %swap3A_93 = vector.shape_cast %scan3A_75#2 : vector<16xf32> to vector<1x16xf32>
        tpu.vector_store %arg6[%swap3A_89, %swap3A_90], %swap3A_93 {strides = array<i32>} : memref<4x128xf32, #tpu.memory_space<vmem>>, vector<1x16xf32>,
        %swap3A_94 = arith.constant 0 : i32
        %swap3A_95 = arith.index_cast %swap3A_94 : i32 to index
        %swap3A_96 = arith.constant 48 : index
        %swap3A_97 = tpu.vector_load %arg6[%swap3A_95, %swap3A_96] {strides = array<i32>} : memref<4x128xf32, #tpu.memory_space<vmem>>, vector<1x16xf32>,
        %swap3A_98 = vector.shape_cast %swap3A_97 : vector<1x16xf32> to vector<16xf32>
        %swap3A_99 = vector.shape_cast %scan3A_75#3 : vector<16xf32> to vector<1x16xf32>
        tpu.vector_store %arg6[%swap3A_95, %swap3A_96], %swap3A_99 {strides = array<i32>} : memref<4x128xf32, #tpu.memory_space<vmem>>, vector<1x16xf32>,
        %swap3A_100 = arith.constant 0 : i32
        %swap3A_101 = arith.index_cast %swap3A_100 : i32 to index
        %swap3A_102 = arith.constant 64 : index
        %swap3A_103 = tpu.vector_load %arg6[%swap3A_101, %swap3A_102] {strides = array<i32>} : memref<4x128xf32, #tpu.memory_space<vmem>>, vector<1x16xf32>,
        %swap3A_104 = vector.shape_cast %swap3A_103 : vector<1x16xf32> to vector<16xf32>
        %swap3A_105 = vector.shape_cast %scan3A_75#4 : vector<16xf32> to vector<1x16xf32>
        tpu.vector_store %arg6[%swap3A_101, %swap3A_102], %swap3A_105 {strides = array<i32>} : memref<4x128xf32, #tpu.memory_space<vmem>>, vector<1x16xf32>,
        %swap3A_106 = arith.constant 0 : i32
        %swap3A_107 = arith.index_cast %swap3A_106 : i32 to index
        %swap3A_108 = arith.constant 80 : index
        %swap3A_109 = tpu.vector_load %arg6[%swap3A_107, %swap3A_108] {strides = array<i32>} : memref<4x128xf32, #tpu.memory_space<vmem>>, vector<1x16xf32>,
        %swap3A_110 = vector.shape_cast %swap3A_109 : vector<1x16xf32> to vector<16xf32>
        %swap3A_111 = vector.shape_cast %scan3A_75#5 : vector<16xf32> to vector<1x16xf32>
        tpu.vector_store %arg6[%swap3A_107, %swap3A_108], %swap3A_111 {strides = array<i32>} : memref<4x128xf32, #tpu.memory_space<vmem>>, vector<1x16xf32>,
        %swap3A_112 = arith.constant 0 : i32
        %swap3A_113 = arith.index_cast %swap3A_112 : i32 to index
        %swap3A_114 = arith.constant 96 : index
        %swap3A_115 = tpu.vector_load %arg6[%swap3A_113, %swap3A_114] {strides = array<i32>} : memref<4x128xf32, #tpu.memory_space<vmem>>, vector<1x16xf32>,
        %swap3A_116 = vector.shape_cast %swap3A_115 : vector<1x16xf32> to vector<16xf32>
        %swap3A_117 = vector.shape_cast %scan3A_75#6 : vector<16xf32> to vector<1x16xf32>
        tpu.vector_store %arg6[%swap3A_113, %swap3A_114], %swap3A_117 {strides = array<i32>} : memref<4x128xf32, #tpu.memory_space<vmem>>, vector<1x16xf32>,
        %swap3A_118 = arith.constant 0 : i32
        %swap3A_119 = arith.index_cast %swap3A_118 : i32 to index
        %swap3A_120 = arith.constant 112 : index
        %swap3A_121 = tpu.vector_load %arg6[%swap3A_119, %swap3A_120] {strides = array<i32>} : memref<4x128xf32, #tpu.memory_space<vmem>>, vector<1x16xf32>,
        %swap3A_122 = vector.shape_cast %swap3A_121 : vector<1x16xf32> to vector<16xf32>
        %swap3A_123 = vector.shape_cast %scan3A_75#7 : vector<16xf32> to vector<1x16xf32>
        tpu.vector_store %arg6[%swap3A_119, %swap3A_120], %swap3A_123 {strides = array<i32>} : memref<4x128xf32, #tpu.memory_space<vmem>>, vector<1x16xf32>,
        %broadcast_in_dim3A_124 = arith.constant 0.000000e+00 : f32
        %broadcast_in_dim3A_125 = vector.broadcast %broadcast_in_dim3A_124 : f32 to vector<16xf32>
        %scan3A_126 = arith.constant 0 : i32
        %scan3A_127 = arith.constant 8 : i32
        %scan3A_128 = arith.addi %scan3A_126, %scan3A_127 : i32
        %scan3A_129 = arith.constant 1 : i32
        %scan3A_130:8 = scf.for %scan3A_296 = %scan3A_126 to %scan3A_128 step %scan3A_129 iter_args(%scan3A_297 = %broadcast_in_dim3A_125, %scan3A_298 = %broadcast_in_dim3A_125, %scan3A_299 = %broadcast_in_dim3A_125, %scan3A_300 = %broadcast_in_dim3A_125, %scan3A_301 = %broadcast_in_dim3A_125, %scan3A_302 = %broadcast_in_dim3A_125, %scan3A_303 = %broadcast_in_dim3A_125, %scan3A_304 = %broadcast_in_dim3A_125) -> (vector<16xf32>, vector<16xf32>, vector<16xf32>, vector<16xf32>, vector<16xf32>, vector<16xf32>, vector<16xf32>, vector<16xf32>)  : i32 {
          %mul3A_305 = arith.constant 4 : i32
          %mul3A_306 = arith.muli %scan3A_296, %mul3A_305 : i32
          %add3A_307 = arith.constant 32 : i32
          %add3A_308 = arith.addi %add3A_307, %mul3A_306 : i32
          %add3A_309 = arith.constant 0 : i32
          %add3A_310 = arith.addi %add3A_308, %add3A_309 : i32
          %get3A = arith.index_cast %add3A_310 : i32 to index
          %get3A_311 = arith.constant 0 : index
          %get3A_312 = tpu.vector_load %arg4[%get3A, %get3A_311] {strides = array<i32>} : memref<128x128xf32, #tpu.memory_space<vmem>>, vector<1x16xf32>,
          %get3A_313 = vector.shape_cast %get3A_312 : vector<1x16xf32> to vector<16xf32>
          %add3A_314 = arith.addf %scan3A_297, %get3A_313 : vector<16xf32>
          %get3A_315 = arith.index_cast %add3A_310 : i32 to index
          %get3A_316 = arith.constant 16 : index
          %get3A_317 = tpu.vector_load %arg4[%get3A_315, %get3A_316] {strides = array<i32>} : memref<128x128xf32, #tpu.memory_space<vmem>>, vector<1x16xf32>,
          %get3A_318 = vector.shape_cast %get3A_317 : vector<1x16xf32> to vector<16xf32>
          %add3A_319 = arith.addf %scan3A_298, %get3A_318 : vector<16xf32>
          %get3A_320 = arith.index_cast %add3A_310 : i32 to index
          %get3A_321 = arith.constant 32 : index
          %get3A_322 = tpu.vector_load %arg4[%get3A_320, %get3A_321] {strides = array<i32>} : memref<128x128xf32, #tpu.memory_space<vmem>>, vector<1x16xf32>,
          %get3A_323 = vector.shape_cast %get3A_322 : vector<1x16xf32> to vector<16xf32>
          %add3A_324 = arith.addf %scan3A_299, %get3A_323 : vector<16xf32>
          %get3A_325 = arith.index_cast %add3A_310 : i32 to index
          %get3A_326 = arith.constant 48 : index
          %get3A_327 = tpu.vector_load %arg4[%get3A_325, %get3A_326] {strides = array<i32>} : memref<128x128xf32, #tpu.memory_space<vmem>>, vector<1x16xf32>,
          %get3A_328 = vector.shape_cast %get3A_327 : vector<1x16xf32> to vector<16xf32>
          %add3A_329 = arith.addf %scan3A_300, %get3A_328 : vector<16xf32>
          %get3A_330 = arith.index_cast %add3A_310 : i32 to index
          %get3A_331 = arith.constant 64 : index
          %get3A_332 = tpu.vector_load %arg4[%get3A_330, %get3A_331] {strides = array<i32>} : memref<128x128xf32, #tpu.memory_space<vmem>>, vector<1x16xf32>,
          %get3A_333 = vector.shape_cast %get3A_332 : vector<1x16xf32> to vector<16xf32>
          %add3A_334 = arith.addf %scan3A_301, %get3A_333 : vector<16xf32>
          %get3A_335 = arith.index_cast %add3A_310 : i32 to index
          %get3A_336 = arith.constant 80 : index
          %get3A_337 = tpu.vector_load %arg4[%get3A_335, %get3A_336] {strides = array<i32>} : memref<128x128xf32, #tpu.memory_space<vmem>>, vector<1x16xf32>,
          %get3A_338 = vector.shape_cast %get3A_337 : vector<1x16xf32> to vector<16xf32>
          %add3A_339 = arith.addf %scan3A_302, %get3A_338 : vector<16xf32>
          %get3A_340 = arith.index_cast %add3A_310 : i32 to index
          %get3A_341 = arith.constant 96 : index
          %get3A_342 = tpu.vector_load %arg4[%get3A_340, %get3A_341] {strides = array<i32>} : memref<128x128xf32, #tpu.memory_space<vmem>>, vector<1x16xf32>,
          %get3A_343 = vector.shape_cast %get3A_342 : vector<1x16xf32> to vector<16xf32>
          %add3A_344 = arith.addf %scan3A_303, %get3A_343 : vector<16xf32>
          %get3A_345 = arith.index_cast %add3A_310 : i32 to index
          %get3A_346 = arith.constant 112 : index
          %get3A_347 = tpu.vector_load %arg4[%get3A_345, %get3A_346] {strides = array<i32>} : memref<128x128xf32, #tpu.memory_space<vmem>>, vector<1x16xf32>,
          %get3A_348 = vector.shape_cast %get3A_347 : vector<1x16xf32> to vector<16xf32>
          %add3A_349 = arith.addf %scan3A_304, %get3A_348 : vector<16xf32>
          %mul3A_350 = arith.constant 4 : i32
          %mul3A_351 = arith.muli %scan3A_296, %mul3A_350 : i32
          %add3A_352 = arith.constant 32 : i32
          %add3A_353 = arith.addi %add3A_352, %mul3A_351 : i32
          %add3A_354 = arith.constant 1 : i32
          %add3A_355 = arith.addi %add3A_353, %add3A_354 : i32
          %get3A_356 = arith.index_cast %add3A_355 : i32 to index
          %get3A_357 = arith.constant 0 : index
          %get3A_358 = tpu.vector_load %arg4[%get3A_356, %get3A_357] {strides = array<i32>} : memref<128x128xf32, #tpu.memory_space<vmem>>, vector<1x16xf32>,
          %get3A_359 = vector.shape_cast %get3A_358 : vector<1x16xf32> to vector<16xf32>
          %add3A_360 = arith.addf %add3A_314, %get3A_359 : vector<16xf32>
          %get3A_361 = arith.index_cast %add3A_355 : i32 to index
          %get3A_362 = arith.constant 16 : index
          %get3A_363 = tpu.vector_load %arg4[%get3A_361, %get3A_362] {strides = array<i32>} : memref<128x128xf32, #tpu.memory_space<vmem>>, vector<1x16xf32>,
          %get3A_364 = vector.shape_cast %get3A_363 : vector<1x16xf32> to vector<16xf32>
          %add3A_365 = arith.addf %add3A_319, %get3A_364 : vector<16xf32>
          %get3A_366 = arith.index_cast %add3A_355 : i32 to index
          %get3A_367 = arith.constant 32 : index
          %get3A_368 = tpu.vector_load %arg4[%get3A_366, %get3A_367] {strides = array<i32>} : memref<128x128xf32, #tpu.memory_space<vmem>>, vector<1x16xf32>,
          %get3A_369 = vector.shape_cast %get3A_368 : vector<1x16xf32> to vector<16xf32>
          %add3A_370 = arith.addf %add3A_324, %get3A_369 : vector<16xf32>
          %get3A_371 = arith.index_cast %add3A_355 : i32 to index
          %get3A_372 = arith.constant 48 : index
          %get3A_373 = tpu.vector_load %arg4[%get3A_371, %get3A_372] {strides = array<i32>} : memref<128x128xf32, #tpu.memory_space<vmem>>, vector<1x16xf32>,
          %get3A_374 = vector.shape_cast %get3A_373 : vector<1x16xf32> to vector<16xf32>
          %add3A_375 = arith.addf %add3A_329, %get3A_374 : vector<16xf32>
          %get3A_376 = arith.index_cast %add3A_355 : i32 to index
          %get3A_377 = arith.constant 64 : index
          %get3A_378 = tpu.vector_load %arg4[%get3A_376, %get3A_377] {strides = array<i32>} : memref<128x128xf32, #tpu.memory_space<vmem>>, vector<1x16xf32>,
          %get3A_379 = vector.shape_cast %get3A_378 : vector<1x16xf32> to vector<16xf32>
          %add3A_380 = arith.addf %add3A_334, %get3A_379 : vector<16xf32>
          %get3A_381 = arith.index_cast %add3A_355 : i32 to index
          %get3A_382 = arith.constant 80 : index
          %get3A_383 = tpu.vector_load %arg4[%get3A_381, %get3A_382] {strides = array<i32>} : memref<128x128xf32, #tpu.memory_space<vmem>>, vector<1x16xf32>,
          %get3A_384 = vector.shape_cast %get3A_383 : vector<1x16xf32> to vector<16xf32>
          %add3A_385 = arith.addf %add3A_339, %get3A_384 : vector<16xf32>
          %get3A_386 = arith.index_cast %add3A_355 : i32 to index
          %get3A_387 = arith.constant 96 : index
          %get3A_388 = tpu.vector_load %arg4[%get3A_386, %get3A_387] {strides = array<i32>} : memref<128x128xf32, #tpu.memory_space<vmem>>, vector<1x16xf32>,
          %get3A_389 = vector.shape_cast %get3A_388 : vector<1x16xf32> to vector<16xf32>
          %add3A_390 = arith.addf %add3A_344, %get3A_389 : vector<16xf32>
          %get3A_391 = arith.index_cast %add3A_355 : i32 to index
          %get3A_392 = arith.constant 112 : index
          %get3A_393 = tpu.vector_load %arg4[%get3A_391, %get3A_392] {strides = array<i32>} : memref<128x128xf32, #tpu.memory_space<vmem>>, vector<1x16xf32>,
          %get3A_394 = vector.shape_cast %get3A_393 : vector<1x16xf32> to vector<16xf32>
          %add3A_395 = arith.addf %add3A_349, %get3A_394 : vector<16xf32>
          %mul3A_396 = arith.constant 4 : i32
          %mul3A_397 = arith.muli %scan3A_296, %mul3A_396 : i32
          %add3A_398 = arith.constant 32 : i32
          %add3A_399 = arith.addi %add3A_398, %mul3A_397 : i32
          %add3A_400 = arith.constant 2 : i32
          %add3A_401 = arith.addi %add3A_399, %add3A_400 : i32
          %get3A_402 = arith.index_cast %add3A_401 : i32 to index
          %get3A_403 = arith.constant 0 : index
          %get3A_404 = tpu.vector_load %arg4[%get3A_402, %get3A_403] {strides = array<i32>} : memref<128x128xf32, #tpu.memory_space<vmem>>, vector<1x16xf32>,
          %get3A_405 = vector.shape_cast %get3A_404 : vector<1x16xf32> to vector<16xf32>
          %add3A_406 = arith.addf %add3A_360, %get3A_405 : vector<16xf32>
          %get3A_407 = arith.index_cast %add3A_401 : i32 to index
          %get3A_408 = arith.constant 16 : index
          %get3A_409 = tpu.vector_load %arg4[%get3A_407, %get3A_408] {strides = array<i32>} : memref<128x128xf32, #tpu.memory_space<vmem>>, vector<1x16xf32>,
          %get3A_410 = vector.shape_cast %get3A_409 : vector<1x16xf32> to vector<16xf32>
          %add3A_411 = arith.addf %add3A_365, %get3A_410 : vector<16xf32>
          %get3A_412 = arith.index_cast %add3A_401 : i32 to index
          %get3A_413 = arith.constant 32 : index
          %get3A_414 = tpu.vector_load %arg4[%get3A_412, %get3A_413] {strides = array<i32>} : memref<128x128xf32, #tpu.memory_space<vmem>>, vector<1x16xf32>,
          %get3A_415 = vector.shape_cast %get3A_414 : vector<1x16xf32> to vector<16xf32>
          %add3A_416 = arith.addf %add3A_370, %get3A_415 : vector<16xf32>
          %get3A_417 = arith.index_cast %add3A_401 : i32 to index
          %get3A_418 = arith.constant 48 : index
          %get3A_419 = tpu.vector_load %arg4[%get3A_417, %get3A_418] {strides = array<i32>} : memref<128x128xf32, #tpu.memory_space<vmem>>, vector<1x16xf32>,
          %get3A_420 = vector.shape_cast %get3A_419 : vector<1x16xf32> to vector<16xf32>
          %add3A_421 = arith.addf %add3A_375, %get3A_420 : vector<16xf32>
          %get3A_422 = arith.index_cast %add3A_401 : i32 to index
          %get3A_423 = arith.constant 64 : index
          %get3A_424 = tpu.vector_load %arg4[%get3A_422, %get3A_423] {strides = array<i32>} : memref<128x128xf32, #tpu.memory_space<vmem>>, vector<1x16xf32>,
          %get3A_425 = vector.shape_cast %get3A_424 : vector<1x16xf32> to vector<16xf32>
          %add3A_426 = arith.addf %add3A_380, %get3A_425 : vector<16xf32>
          %get3A_427 = arith.index_cast %add3A_401 : i32 to index
          %get3A_428 = arith.constant 80 : index
          %get3A_429 = tpu.vector_load %arg4[%get3A_427, %get3A_428] {strides = array<i32>} : memref<128x128xf32, #tpu.memory_space<vmem>>, vector<1x16xf32>,
          %get3A_430 = vector.shape_cast %get3A_429 : vector<1x16xf32> to vector<16xf32>
          %add3A_431 = arith.addf %add3A_385, %get3A_430 : vector<16xf32>
          %get3A_432 = arith.index_cast %add3A_401 : i32 to index
          %get3A_433 = arith.constant 96 : index
          %get3A_434 = tpu.vector_load %arg4[%get3A_432, %get3A_433] {strides = array<i32>} : memref<128x128xf32, #tpu.memory_space<vmem>>, vector<1x16xf32>,
          %get3A_435 = vector.shape_cast %get3A_434 : vector<1x16xf32> to vector<16xf32>
          %add3A_436 = arith.addf %add3A_390, %get3A_435 : vector<16xf32>
          %get3A_437 = arith.index_cast %add3A_401 : i32 to index
          %get3A_438 = arith.constant 112 : index
          %get3A_439 = tpu.vector_load %arg4[%get3A_437, %get3A_438] {strides = array<i32>} : memref<128x128xf32, #tpu.memory_space<vmem>>, vector<1x16xf32>,
          %get3A_440 = vector.shape_cast %get3A_439 : vector<1x16xf32> to vector<16xf32>
          %add3A_441 = arith.addf %add3A_395, %get3A_440 : vector<16xf32>
          %mul3A_442 = arith.constant 4 : i32
          %mul3A_443 = arith.muli %scan3A_296, %mul3A_442 : i32
          %add3A_444 = arith.constant 32 : i32
          %add3A_445 = arith.addi %add3A_444, %mul3A_443 : i32
          %add3A_446 = arith.constant 3 : i32
          %add3A_447 = arith.addi %add3A_445, %add3A_446 : i32
          %get3A_448 = arith.index_cast %add3A_447 : i32 to index
          %get3A_449 = arith.constant 0 : index
          %get3A_450 = tpu.vector_load %arg4[%get3A_448, %get3A_449] {strides = array<i32>} : memref<128x128xf32, #tpu.memory_space<vmem>>, vector<1x16xf32>,
          %get3A_451 = vector.shape_cast %get3A_450 : vector<1x16xf32> to vector<16xf32>
          %add3A_452 = arith.addf %add3A_406, %get3A_451 : vector<16xf32>
          %get3A_453 = arith.index_cast %add3A_447 : i32 to index
          %get3A_454 = arith.constant 16 : index
          %get3A_455 = tpu.vector_load %arg4[%get3A_453, %get3A_454] {strides = array<i32>} : memref<128x128xf32, #tpu.memory_space<vmem>>, vector<1x16xf32>,
          %get3A_456 = vector.shape_cast %get3A_455 : vector<1x16xf32> to vector<16xf32>
          %add3A_457 = arith.addf %add3A_411, %get3A_456 : vector<16xf32>
          %get3A_458 = arith.index_cast %add3A_447 : i32 to index
          %get3A_459 = arith.constant 32 : index
          %get3A_460 = tpu.vector_load %arg4[%get3A_458, %get3A_459] {strides = array<i32>} : memref<128x128xf32, #tpu.memory_space<vmem>>, vector<1x16xf32>,
          %get3A_461 = vector.shape_cast %get3A_460 : vector<1x16xf32> to vector<16xf32>
          %add3A_462 = arith.addf %add3A_416, %get3A_461 : vector<16xf32>
          %get3A_463 = arith.index_cast %add3A_447 : i32 to index
          %get3A_464 = arith.constant 48 : index
          %get3A_465 = tpu.vector_load %arg4[%get3A_463, %get3A_464] {strides = array<i32>} : memref<128x128xf32, #tpu.memory_space<vmem>>, vector<1x16xf32>,
          %get3A_466 = vector.shape_cast %get3A_465 : vector<1x16xf32> to vector<16xf32>
          %add3A_467 = arith.addf %add3A_421, %get3A_466 : vector<16xf32>
          %get3A_468 = arith.index_cast %add3A_447 : i32 to index
          %get3A_469 = arith.constant 64 : index
          %get3A_470 = tpu.vector_load %arg4[%get3A_468, %get3A_469] {strides = array<i32>} : memref<128x128xf32, #tpu.memory_space<vmem>>, vector<1x16xf32>,
          %get3A_471 = vector.shape_cast %get3A_470 : vector<1x16xf32> to vector<16xf32>
          %add3A_472 = arith.addf %add3A_426, %get3A_471 : vector<16xf32>
          %get3A_473 = arith.index_cast %add3A_447 : i32 to index
          %get3A_474 = arith.constant 80 : index
          %get3A_475 = tpu.vector_load %arg4[%get3A_473, %get3A_474] {strides = array<i32>} : memref<128x128xf32, #tpu.memory_space<vmem>>, vector<1x16xf32>,
          %get3A_476 = vector.shape_cast %get3A_475 : vector<1x16xf32> to vector<16xf32>
          %add3A_477 = arith.addf %add3A_431, %get3A_476 : vector<16xf32>
          %get3A_478 = arith.index_cast %add3A_447 : i32 to index
          %get3A_479 = arith.constant 96 : index
          %get3A_480 = tpu.vector_load %arg4[%get3A_478, %get3A_479] {strides = array<i32>} : memref<128x128xf32, #tpu.memory_space<vmem>>, vector<1x16xf32>,
          %get3A_481 = vector.shape_cast %get3A_480 : vector<1x16xf32> to vector<16xf32>
          %add3A_482 = arith.addf %add3A_436, %get3A_481 : vector<16xf32>
          %get3A_483 = arith.index_cast %add3A_447 : i32 to index
          %get3A_484 = arith.constant 112 : index
          %get3A_485 = tpu.vector_load %arg4[%get3A_483, %get3A_484] {strides = array<i32>} : memref<128x128xf32, #tpu.memory_space<vmem>>, vector<1x16xf32>,
          %get3A_486 = vector.shape_cast %get3A_485 : vector<1x16xf32> to vector<16xf32>
          %add3A_487 = arith.addf %add3A_441, %get3A_486 : vector<16xf32>
          scf.yield %add3A_452, %add3A_457, %add3A_462, %add3A_467, %add3A_472, %add3A_477, %add3A_482, %add3A_487 : vector<16xf32>, vector<16xf32>, vector<16xf32>, vector<16xf32>, vector<16xf32>, vector<16xf32>, vector<16xf32>, vector<16xf32>
        }
        %scan3A_131 = arith.constant 8 : i32
        %swap3A_132 = arith.constant 1 : i32
        %swap3A_133 = arith.index_cast %swap3A_132 : i32 to index
        %swap3A_134 = arith.constant 0 : index
        %swap3A_135 = tpu.vector_load %arg6[%swap3A_133, %swap3A_134] {strides = array<i32>} : memref<4x128xf32, #tpu.memory_space<vmem>>, vector<1x16xf32>,
        %swap3A_136 = vector.shape_cast %swap3A_135 : vector<1x16xf32> to vector<16xf32>
        %swap3A_137 = vector.shape_cast %scan3A_130#0 : vector<16xf32> to vector<1x16xf32>
        tpu.vector_store %arg6[%swap3A_133, %swap3A_134], %swap3A_137 {strides = array<i32>} : memref<4x128xf32, #tpu.memory_space<vmem>>, vector<1x16xf32>,
        %swap3A_138 = arith.constant 1 : i32
        %swap3A_139 = arith.index_cast %swap3A_138 : i32 to index
        %swap3A_140 = arith.constant 16 : index
        %swap3A_141 = tpu.vector_load %arg6[%swap3A_139, %swap3A_140] {strides = array<i32>} : memref<4x128xf32, #tpu.memory_space<vmem>>, vector<1x16xf32>,
        %swap3A_142 = vector.shape_cast %swap3A_141 : vector<1x16xf32> to vector<16xf32>
        %swap3A_143 = vector.shape_cast %scan3A_130#1 : vector<16xf32> to vector<1x16xf32>
        tpu.vector_store %arg6[%swap3A_139, %swap3A_140], %swap3A_143 {strides = array<i32>} : memref<4x128xf32, #tpu.memory_space<vmem>>, vector<1x16xf32>,
        %swap3A_144 = arith.constant 1 : i32
        %swap3A_145 = arith.index_cast %swap3A_144 : i32 to index
        %swap3A_146 = arith.constant 32 : index
        %swap3A_147 = tpu.vector_load %arg6[%swap3A_145, %swap3A_146] {strides = array<i32>} : memref<4x128xf32, #tpu.memory_space<vmem>>, vector<1x16xf32>,
        %swap3A_148 = vector.shape_cast %swap3A_147 : vector<1x16xf32> to vector<16xf32>
        %swap3A_149 = vector.shape_cast %scan3A_130#2 : vector<16xf32> to vector<1x16xf32>
        tpu.vector_store %arg6[%swap3A_145, %swap3A_146], %swap3A_149 {strides = array<i32>} : memref<4x128xf32, #tpu.memory_space<vmem>>, vector<1x16xf32>,
        %swap3A_150 = arith.constant 1 : i32
        %swap3A_151 = arith.index_cast %swap3A_150 : i32 to index
        %swap3A_152 = arith.constant 48 : index
        %swap3A_153 = tpu.vector_load %arg6[%swap3A_151, %swap3A_152] {strides = array<i32>} : memref<4x128xf32, #tpu.memory_space<vmem>>, vector<1x16xf32>,
        %swap3A_154 = vector.shape_cast %swap3A_153 : vector<1x16xf32> to vector<16xf32>
        %swap3A_155 = vector.shape_cast %scan3A_130#3 : vector<16xf32> to vector<1x16xf32>
        tpu.vector_store %arg6[%swap3A_151, %swap3A_152], %swap3A_155 {strides = array<i32>} : memref<4x128xf32, #tpu.memory_space<vmem>>, vector<1x16xf32>,
        %swap3A_156 = arith.constant 1 : i32
        %swap3A_157 = arith.index_cast %swap3A_156 : i32 to index
        %swap3A_158 = arith.constant 64 : index
        %swap3A_159 = tpu.vector_load %arg6[%swap3A_157, %swap3A_158] {strides = array<i32>} : memref<4x128xf32, #tpu.memory_space<vmem>>, vector<1x16xf32>,
        %swap3A_160 = vector.shape_cast %swap3A_159 : vector<1x16xf32> to vector<16xf32>
        %swap3A_161 = vector.shape_cast %scan3A_130#4 : vector<16xf32> to vector<1x16xf32>
        tpu.vector_store %arg6[%swap3A_157, %swap3A_158], %swap3A_161 {strides = array<i32>} : memref<4x128xf32, #tpu.memory_space<vmem>>, vector<1x16xf32>,
        %swap3A_162 = arith.constant 1 : i32
        %swap3A_163 = arith.index_cast %swap3A_162 : i32 to index
        %swap3A_164 = arith.constant 80 : index
        %swap3A_165 = tpu.vector_load %arg6[%swap3A_163, %swap3A_164] {strides = array<i32>} : memref<4x128xf32, #tpu.memory_space<vmem>>, vector<1x16xf32>,
        %swap3A_166 = vector.shape_cast %swap3A_165 : vector<1x16xf32> to vector<16xf32>
        %swap3A_167 = vector.shape_cast %scan3A_130#5 : vector<16xf32> to vector<1x16xf32>
        tpu.vector_store %arg6[%swap3A_163, %swap3A_164], %swap3A_167 {strides = array<i32>} : memref<4x128xf32, #tpu.memory_space<vmem>>, vector<1x16xf32>,
        %swap3A_168 = arith.constant 1 : i32
        %swap3A_169 = arith.index_cast %swap3A_168 : i32 to index
        %swap3A_170 = arith.constant 96 : index
        %swap3A_171 = tpu.vector_load %arg6[%swap3A_169, %swap3A_170] {strides = array<i32>} : memref<4x128xf32, #tpu.memory_space<vmem>>, vector<1x16xf32>,
        %swap3A_172 = vector.shape_cast %swap3A_171 : vector<1x16xf32> to vector<16xf32>
        %swap3A_173 = vector.shape_cast %scan3A_130#6 : vector<16xf32> to vector<1x16xf32>
        tpu.vector_store %arg6[%swap3A_169, %swap3A_170], %swap3A_173 {strides = array<i32>} : memref<4x128xf32, #tpu.memory_space<vmem>>, vector<1x16xf32>,
        %swap3A_174 = arith.constant 1 : i32
        %swap3A_175 = arith.index_cast %swap3A_174 : i32 to index
        %swap3A_176 = arith.constant 112 : index
        %swap3A_177 = tpu.vector_load %arg6[%swap3A_175, %swap3A_176] {strides = array<i32>} : memref<4x128xf32, #tpu.memory_space<vmem>>, vector<1x16xf32>,
        %swap3A_178 = vector.shape_cast %swap3A_177 : vector<1x16xf32> to vector<16xf32>
        %swap3A_179 = vector.shape_cast %scan3A_130#7 : vector<16xf32> to vector<1x16xf32>
        tpu.vector_store %arg6[%swap3A_175, %swap3A_176], %swap3A_179 {strides = array<i32>} : memref<4x128xf32, #tpu.memory_space<vmem>>, vector<1x16xf32>,
        %broadcast_in_dim3A_180 = arith.constant 0.000000e+00 : f32
        %broadcast_in_dim3A_181 = vector.broadcast %broadcast_in_dim3A_180 : f32 to vector<16xf32>
        %scan3A_182 = arith.constant 0 : i32
        %scan3A_183 = arith.constant 8 : i32
        %scan3A_184 = arith.addi %scan3A_182, %scan3A_183 : i32
        %scan3A_185 = arith.constant 1 : i32
        %scan3A_186:8 = scf.for %scan3A_296 = %scan3A_182 to %scan3A_184 step %scan3A_185 iter_args(%scan3A_297 = %broadcast_in_dim3A_181, %scan3A_298 = %broadcast_in_dim3A_181, %scan3A_299 = %broadcast_in_dim3A_181, %scan3A_300 = %broadcast_in_dim3A_181, %scan3A_301 = %broadcast_in_dim3A_181, %scan3A_302 = %broadcast_in_dim3A_181, %scan3A_303 = %broadcast_in_dim3A_181, %scan3A_304 = %broadcast_in_dim3A_181) -> (vector<16xf32>, vector<16xf32>, vector<16xf32>, vector<16xf32>, vector<16xf32>, vector<16xf32>, vector<16xf32>, vector<16xf32>)  : i32 {
          %mul3A_305 = arith.constant 4 : i32
          %mul3A_306 = arith.muli %scan3A_296, %mul3A_305 : i32
          %add3A_307 = arith.constant 64 : i32
          %add3A_308 = arith.addi %add3A_307, %mul3A_306 : i32
          %add3A_309 = arith.constant 0 : i32
          %add3A_310 = arith.addi %add3A_308, %add3A_309 : i32
          %get3A = arith.index_cast %add3A_310 : i32 to index
          %get3A_311 = arith.constant 0 : index
          %get3A_312 = tpu.vector_load %arg4[%get3A, %get3A_311] {strides = array<i32>} : memref<128x128xf32, #tpu.memory_space<vmem>>, vector<1x16xf32>,
          %get3A_313 = vector.shape_cast %get3A_312 : vector<1x16xf32> to vector<16xf32>
          %add3A_314 = arith.addf %scan3A_297, %get3A_313 : vector<16xf32>
          %get3A_315 = arith.index_cast %add3A_310 : i32 to index
          %get3A_316 = arith.constant 16 : index
          %get3A_317 = tpu.vector_load %arg4[%get3A_315, %get3A_316] {strides = array<i32>} : memref<128x128xf32, #tpu.memory_space<vmem>>, vector<1x16xf32>,
          %get3A_318 = vector.shape_cast %get3A_317 : vector<1x16xf32> to vector<16xf32>
          %add3A_319 = arith.addf %scan3A_298, %get3A_318 : vector<16xf32>
          %get3A_320 = arith.index_cast %add3A_310 : i32 to index
          %get3A_321 = arith.constant 32 : index
          %get3A_322 = tpu.vector_load %arg4[%get3A_320, %get3A_321] {strides = array<i32>} : memref<128x128xf32, #tpu.memory_space<vmem>>, vector<1x16xf32>,
          %get3A_323 = vector.shape_cast %get3A_322 : vector<1x16xf32> to vector<16xf32>
          %add3A_324 = arith.addf %scan3A_299, %get3A_323 : vector<16xf32>
          %get3A_325 = arith.index_cast %add3A_310 : i32 to index
          %get3A_326 = arith.constant 48 : index
          %get3A_327 = tpu.vector_load %arg4[%get3A_325, %get3A_326] {strides = array<i32>} : memref<128x128xf32, #tpu.memory_space<vmem>>, vector<1x16xf32>,
          %get3A_328 = vector.shape_cast %get3A_327 : vector<1x16xf32> to vector<16xf32>
          %add3A_329 = arith.addf %scan3A_300, %get3A_328 : vector<16xf32>
          %get3A_330 = arith.index_cast %add3A_310 : i32 to index
          %get3A_331 = arith.constant 64 : index
          %get3A_332 = tpu.vector_load %arg4[%get3A_330, %get3A_331] {strides = array<i32>} : memref<128x128xf32, #tpu.memory_space<vmem>>, vector<1x16xf32>,
          %get3A_333 = vector.shape_cast %get3A_332 : vector<1x16xf32> to vector<16xf32>
          %add3A_334 = arith.addf %scan3A_301, %get3A_333 : vector<16xf32>
          %get3A_335 = arith.index_cast %add3A_310 : i32 to index
          %get3A_336 = arith.constant 80 : index
          %get3A_337 = tpu.vector_load %arg4[%get3A_335, %get3A_336] {strides = array<i32>} : memref<128x128xf32, #tpu.memory_space<vmem>>, vector<1x16xf32>,
          %get3A_338 = vector.shape_cast %get3A_337 : vector<1x16xf32> to vector<16xf32>
          %add3A_339 = arith.addf %scan3A_302, %get3A_338 : vector<16xf32>
          %get3A_340 = arith.index_cast %add3A_310 : i32 to index
          %get3A_341 = arith.constant 96 : index
          %get3A_342 = tpu.vector_load %arg4[%get3A_340, %get3A_341] {strides = array<i32>} : memref<128x128xf32, #tpu.memory_space<vmem>>, vector<1x16xf32>,
          %get3A_343 = vector.shape_cast %get3A_342 : vector<1x16xf32> to vector<16xf32>
          %add3A_344 = arith.addf %scan3A_303, %get3A_343 : vector<16xf32>
          %get3A_345 = arith.index_cast %add3A_310 : i32 to index
          %get3A_346 = arith.constant 112 : index
          %get3A_347 = tpu.vector_load %arg4[%get3A_345, %get3A_346] {strides = array<i32>} : memref<128x128xf32, #tpu.memory_space<vmem>>, vector<1x16xf32>,
          %get3A_348 = vector.shape_cast %get3A_347 : vector<1x16xf32> to vector<16xf32>
          %add3A_349 = arith.addf %scan3A_304, %get3A_348 : vector<16xf32>
          %mul3A_350 = arith.constant 4 : i32
          %mul3A_351 = arith.muli %scan3A_296, %mul3A_350 : i32
          %add3A_352 = arith.constant 64 : i32
          %add3A_353 = arith.addi %add3A_352, %mul3A_351 : i32
          %add3A_354 = arith.constant 1 : i32
          %add3A_355 = arith.addi %add3A_353, %add3A_354 : i32
          %get3A_356 = arith.index_cast %add3A_355 : i32 to index
          %get3A_357 = arith.constant 0 : index
          %get3A_358 = tpu.vector_load %arg4[%get3A_356, %get3A_357] {strides = array<i32>} : memref<128x128xf32, #tpu.memory_space<vmem>>, vector<1x16xf32>,
          %get3A_359 = vector.shape_cast %get3A_358 : vector<1x16xf32> to vector<16xf32>
          %add3A_360 = arith.addf %add3A_314, %get3A_359 : vector<16xf32>
          %get3A_361 = arith.index_cast %add3A_355 : i32 to index
          %get3A_362 = arith.constant 16 : index
          %get3A_363 = tpu.vector_load %arg4[%get3A_361, %get3A_362] {strides = array<i32>} : memref<128x128xf32, #tpu.memory_space<vmem>>, vector<1x16xf32>,
          %get3A_364 = vector.shape_cast %get3A_363 : vector<1x16xf32> to vector<16xf32>
          %add3A_365 = arith.addf %add3A_319, %get3A_364 : vector<16xf32>
          %get3A_366 = arith.index_cast %add3A_355 : i32 to index
          %get3A_367 = arith.constant 32 : index
          %get3A_368 = tpu.vector_load %arg4[%get3A_366, %get3A_367] {strides = array<i32>} : memref<128x128xf32, #tpu.memory_space<vmem>>, vector<1x16xf32>,
          %get3A_369 = vector.shape_cast %get3A_368 : vector<1x16xf32> to vector<16xf32>
          %add3A_370 = arith.addf %add3A_324, %get3A_369 : vector<16xf32>
          %get3A_371 = arith.index_cast %add3A_355 : i32 to index
          %get3A_372 = arith.constant 48 : index
          %get3A_373 = tpu.vector_load %arg4[%get3A_371, %get3A_372] {strides = array<i32>} : memref<128x128xf32, #tpu.memory_space<vmem>>, vector<1x16xf32>,
          %get3A_374 = vector.shape_cast %get3A_373 : vector<1x16xf32> to vector<16xf32>
          %add3A_375 = arith.addf %add3A_329, %get3A_374 : vector<16xf32>
          %get3A_376 = arith.index_cast %add3A_355 : i32 to index
          %get3A_377 = arith.constant 64 : index
          %get3A_378 = tpu.vector_load %arg4[%get3A_376, %get3A_377] {strides = array<i32>} : memref<128x128xf32, #tpu.memory_space<vmem>>, vector<1x16xf32>,
          %get3A_379 = vector.shape_cast %get3A_378 : vector<1x16xf32> to vector<16xf32>
          %add3A_380 = arith.addf %add3A_334, %get3A_379 : vector<16xf32>
          %get3A_381 = arith.index_cast %add3A_355 : i32 to index
          %get3A_382 = arith.constant 80 : index
          %get3A_383 = tpu.vector_load %arg4[%get3A_381, %get3A_382] {strides = array<i32>} : memref<128x128xf32, #tpu.memory_space<vmem>>, vector<1x16xf32>,
          %get3A_384 = vector.shape_cast %get3A_383 : vector<1x16xf32> to vector<16xf32>
          %add3A_385 = arith.addf %add3A_339, %get3A_384 : vector<16xf32>
          %get3A_386 = arith.index_cast %add3A_355 : i32 to index
          %get3A_387 = arith.constant 96 : index
          %get3A_388 = tpu.vector_load %arg4[%get3A_386, %get3A_387] {strides = array<i32>} : memref<128x128xf32, #tpu.memory_space<vmem>>, vector<1x16xf32>,
          %get3A_389 = vector.shape_cast %get3A_388 : vector<1x16xf32> to vector<16xf32>
          %add3A_390 = arith.addf %add3A_344, %get3A_389 : vector<16xf32>
          %get3A_391 = arith.index_cast %add3A_355 : i32 to index
          %get3A_392 = arith.constant 112 : index
          %get3A_393 = tpu.vector_load %arg4[%get3A_391, %get3A_392] {strides = array<i32>} : memref<128x128xf32, #tpu.memory_space<vmem>>, vector<1x16xf32>,
          %get3A_394 = vector.shape_cast %get3A_393 : vector<1x16xf32> to vector<16xf32>
          %add3A_395 = arith.addf %add3A_349, %get3A_394 : vector<16xf32>
          %mul3A_396 = arith.constant 4 : i32
          %mul3A_397 = arith.muli %scan3A_296, %mul3A_396 : i32
          %add3A_398 = arith.constant 64 : i32
          %add3A_399 = arith.addi %add3A_398, %mul3A_397 : i32
          %add3A_400 = arith.constant 2 : i32
          %add3A_401 = arith.addi %add3A_399, %add3A_400 : i32
          %get3A_402 = arith.index_cast %add3A_401 : i32 to index
          %get3A_403 = arith.constant 0 : index
          %get3A_404 = tpu.vector_load %arg4[%get3A_402, %get3A_403] {strides = array<i32>} : memref<128x128xf32, #tpu.memory_space<vmem>>, vector<1x16xf32>,
          %get3A_405 = vector.shape_cast %get3A_404 : vector<1x16xf32> to vector<16xf32>
          %add3A_406 = arith.addf %add3A_360, %get3A_405 : vector<16xf32>
          %get3A_407 = arith.index_cast %add3A_401 : i32 to index
          %get3A_408 = arith.constant 16 : index
          %get3A_409 = tpu.vector_load %arg4[%get3A_407, %get3A_408] {strides = array<i32>} : memref<128x128xf32, #tpu.memory_space<vmem>>, vector<1x16xf32>,
          %get3A_410 = vector.shape_cast %get3A_409 : vector<1x16xf32> to vector<16xf32>
          %add3A_411 = arith.addf %add3A_365, %get3A_410 : vector<16xf32>
          %get3A_412 = arith.index_cast %add3A_401 : i32 to index
          %get3A_413 = arith.constant 32 : index
          %get3A_414 = tpu.vector_load %arg4[%get3A_412, %get3A_413] {strides = array<i32>} : memref<128x128xf32, #tpu.memory_space<vmem>>, vector<1x16xf32>,
          %get3A_415 = vector.shape_cast %get3A_414 : vector<1x16xf32> to vector<16xf32>
          %add3A_416 = arith.addf %add3A_370, %get3A_415 : vector<16xf32>
          %get3A_417 = arith.index_cast %add3A_401 : i32 to index
          %get3A_418 = arith.constant 48 : index
          %get3A_419 = tpu.vector_load %arg4[%get3A_417, %get3A_418] {strides = array<i32>} : memref<128x128xf32, #tpu.memory_space<vmem>>, vector<1x16xf32>,
          %get3A_420 = vector.shape_cast %get3A_419 : vector<1x16xf32> to vector<16xf32>
          %add3A_421 = arith.addf %add3A_375, %get3A_420 : vector<16xf32>
          %get3A_422 = arith.index_cast %add3A_401 : i32 to index
          %get3A_423 = arith.constant 64 : index
          %get3A_424 = tpu.vector_load %arg4[%get3A_422, %get3A_423] {strides = array<i32>} : memref<128x128xf32, #tpu.memory_space<vmem>>, vector<1x16xf32>,
          %get3A_425 = vector.shape_cast %get3A_424 : vector<1x16xf32> to vector<16xf32>
          %add3A_426 = arith.addf %add3A_380, %get3A_425 : vector<16xf32>
          %get3A_427 = arith.index_cast %add3A_401 : i32 to index
          %get3A_428 = arith.constant 80 : index
          %get3A_429 = tpu.vector_load %arg4[%get3A_427, %get3A_428] {strides = array<i32>} : memref<128x128xf32, #tpu.memory_space<vmem>>, vector<1x16xf32>,
          %get3A_430 = vector.shape_cast %get3A_429 : vector<1x16xf32> to vector<16xf32>
          %add3A_431 = arith.addf %add3A_385, %get3A_430 : vector<16xf32>
          %get3A_432 = arith.index_cast %add3A_401 : i32 to index
          %get3A_433 = arith.constant 96 : index
          %get3A_434 = tpu.vector_load %arg4[%get3A_432, %get3A_433] {strides = array<i32>} : memref<128x128xf32, #tpu.memory_space<vmem>>, vector<1x16xf32>,
          %get3A_435 = vector.shape_cast %get3A_434 : vector<1x16xf32> to vector<16xf32>
          %add3A_436 = arith.addf %add3A_390, %get3A_435 : vector<16xf32>
          %get3A_437 = arith.index_cast %add3A_401 : i32 to index
          %get3A_438 = arith.constant 112 : index
          %get3A_439 = tpu.vector_load %arg4[%get3A_437, %get3A_438] {strides = array<i32>} : memref<128x128xf32, #tpu.memory_space<vmem>>, vector<1x16xf32>,
          %get3A_440 = vector.shape_cast %get3A_439 : vector<1x16xf32> to vector<16xf32>
          %add3A_441 = arith.addf %add3A_395, %get3A_440 : vector<16xf32>
          %mul3A_442 = arith.constant 4 : i32
          %mul3A_443 = arith.muli %scan3A_296, %mul3A_442 : i32
          %add3A_444 = arith.constant 64 : i32
          %add3A_445 = arith.addi %add3A_444, %mul3A_443 : i32
          %add3A_446 = arith.constant 3 : i32
          %add3A_447 = arith.addi %add3A_445, %add3A_446 : i32
          %get3A_448 = arith.index_cast %add3A_447 : i32 to index
          %get3A_449 = arith.constant 0 : index
          %get3A_450 = tpu.vector_load %arg4[%get3A_448, %get3A_449] {strides = array<i32>} : memref<128x128xf32, #tpu.memory_space<vmem>>, vector<1x16xf32>,
          %get3A_451 = vector.shape_cast %get3A_450 : vector<1x16xf32> to vector<16xf32>
          %add3A_452 = arith.addf %add3A_406, %get3A_451 : vector<16xf32>
          %get3A_453 = arith.index_cast %add3A_447 : i32 to index
          %get3A_454 = arith.constant 16 : index
          %get3A_455 = tpu.vector_load %arg4[%get3A_453, %get3A_454] {strides = array<i32>} : memref<128x128xf32, #tpu.memory_space<vmem>>, vector<1x16xf32>,
          %get3A_456 = vector.shape_cast %get3A_455 : vector<1x16xf32> to vector<16xf32>
          %add3A_457 = arith.addf %add3A_411, %get3A_456 : vector<16xf32>
          %get3A_458 = arith.index_cast %add3A_447 : i32 to index
          %get3A_459 = arith.constant 32 : index
          %get3A_460 = tpu.vector_load %arg4[%get3A_458, %get3A_459] {strides = array<i32>} : memref<128x128xf32, #tpu.memory_space<vmem>>, vector<1x16xf32>,
          %get3A_461 = vector.shape_cast %get3A_460 : vector<1x16xf32> to vector<16xf32>
          %add3A_462 = arith.addf %add3A_416, %get3A_461 : vector<16xf32>
          %get3A_463 = arith.index_cast %add3A_447 : i32 to index
          %get3A_464 = arith.constant 48 : index
          %get3A_465 = tpu.vector_load %arg4[%get3A_463, %get3A_464] {strides = array<i32>} : memref<128x128xf32, #tpu.memory_space<vmem>>, vector<1x16xf32>,
          %get3A_466 = vector.shape_cast %get3A_465 : vector<1x16xf32> to vector<16xf32>
          %add3A_467 = arith.addf %add3A_421, %get3A_466 : vector<16xf32>
          %get3A_468 = arith.index_cast %add3A_447 : i32 to index
          %get3A_469 = arith.constant 64 : index
          %get3A_470 = tpu.vector_load %arg4[%get3A_468, %get3A_469] {strides = array<i32>} : memref<128x128xf32, #tpu.memory_space<vmem>>, vector<1x16xf32>,
          %get3A_471 = vector.shape_cast %get3A_470 : vector<1x16xf32> to vector<16xf32>
          %add3A_472 = arith.addf %add3A_426, %get3A_471 : vector<16xf32>
          %get3A_473 = arith.index_cast %add3A_447 : i32 to index
          %get3A_474 = arith.constant 80 : index
          %get3A_475 = tpu.vector_load %arg4[%get3A_473, %get3A_474] {strides = array<i32>} : memref<128x128xf32, #tpu.memory_space<vmem>>, vector<1x16xf32>,
          %get3A_476 = vector.shape_cast %get3A_475 : vector<1x16xf32> to vector<16xf32>
          %add3A_477 = arith.addf %add3A_431, %get3A_476 : vector<16xf32>
          %get3A_478 = arith.index_cast %add3A_447 : i32 to index
          %get3A_479 = arith.constant 96 : index
          %get3A_480 = tpu.vector_load %arg4[%get3A_478, %get3A_479] {strides = array<i32>} : memref<128x128xf32, #tpu.memory_space<vmem>>, vector<1x16xf32>,
          %get3A_481 = vector.shape_cast %get3A_480 : vector<1x16xf32> to vector<16xf32>
          %add3A_482 = arith.addf %add3A_436, %get3A_481 : vector<16xf32>
          %get3A_483 = arith.index_cast %add3A_447 : i32 to index
          %get3A_484 = arith.constant 112 : index
          %get3A_485 = tpu.vector_load %arg4[%get3A_483, %get3A_484] {strides = array<i32>} : memref<128x128xf32, #tpu.memory_space<vmem>>, vector<1x16xf32>,
          %get3A_486 = vector.shape_cast %get3A_485 : vector<1x16xf32> to vector<16xf32>
          %add3A_487 = arith.addf %add3A_441, %get3A_486 : vector<16xf32>
          scf.yield %add3A_452, %add3A_457, %add3A_462, %add3A_467, %add3A_472, %add3A_477, %add3A_482, %add3A_487 : vector<16xf32>, vector<16xf32>, vector<16xf32>, vector<16xf32>, vector<16xf32>, vector<16xf32>, vector<16xf32>, vector<16xf32>
        }
        %scan3A_187 = arith.constant 8 : i32
        %swap3A_188 = arith.constant 2 : i32
        %swap3A_189 = arith.index_cast %swap3A_188 : i32 to index
        %swap3A_190 = arith.constant 0 : index
        %swap3A_191 = tpu.vector_load %arg6[%swap3A_189, %swap3A_190] {strides = array<i32>} : memref<4x128xf32, #tpu.memory_space<vmem>>, vector<1x16xf32>,
        %swap3A_192 = vector.shape_cast %swap3A_191 : vector<1x16xf32> to vector<16xf32>
        %swap3A_193 = vector.shape_cast %scan3A_186#0 : vector<16xf32> to vector<1x16xf32>
        tpu.vector_store %arg6[%swap3A_189, %swap3A_190], %swap3A_193 {strides = array<i32>} : memref<4x128xf32, #tpu.memory_space<vmem>>, vector<1x16xf32>,
        %swap3A_194 = arith.constant 2 : i32
        %swap3A_195 = arith.index_cast %swap3A_194 : i32 to index
        %swap3A_196 = arith.constant 16 : index
        %swap3A_197 = tpu.vector_load %arg6[%swap3A_195, %swap3A_196] {strides = array<i32>} : memref<4x128xf32, #tpu.memory_space<vmem>>, vector<1x16xf32>,
        %swap3A_198 = vector.shape_cast %swap3A_197 : vector<1x16xf32> to vector<16xf32>
        %swap3A_199 = vector.shape_cast %scan3A_186#1 : vector<16xf32> to vector<1x16xf32>
        tpu.vector_store %arg6[%swap3A_195, %swap3A_196], %swap3A_199 {strides = array<i32>} : memref<4x128xf32, #tpu.memory_space<vmem>>, vector<1x16xf32>,
        %swap3A_200 = arith.constant 2 : i32
        %swap3A_201 = arith.index_cast %swap3A_200 : i32 to index
        %swap3A_202 = arith.constant 32 : index
        %swap3A_203 = tpu.vector_load %arg6[%swap3A_201, %swap3A_202] {strides = array<i32>} : memref<4x128xf32, #tpu.memory_space<vmem>>, vector<1x16xf32>,
        %swap3A_204 = vector.shape_cast %swap3A_203 : vector<1x16xf32> to vector<16xf32>
        %swap3A_205 = vector.shape_cast %scan3A_186#2 : vector<16xf32> to vector<1x16xf32>
        tpu.vector_store %arg6[%swap3A_201, %swap3A_202], %swap3A_205 {strides = array<i32>} : memref<4x128xf32, #tpu.memory_space<vmem>>, vector<1x16xf32>,
        %swap3A_206 = arith.constant 2 : i32
        %swap3A_207 = arith.index_cast %swap3A_206 : i32 to index
        %swap3A_208 = arith.constant 48 : index
        %swap3A_209 = tpu.vector_load %arg6[%swap3A_207, %swap3A_208] {strides = array<i32>} : memref<4x128xf32, #tpu.memory_space<vmem>>, vector<1x16xf32>,
        %swap3A_210 = vector.shape_cast %swap3A_209 : vector<1x16xf32> to vector<16xf32>
        %swap3A_211 = vector.shape_cast %scan3A_186#3 : vector<16xf32> to vector<1x16xf32>
        tpu.vector_store %arg6[%swap3A_207, %swap3A_208], %swap3A_211 {strides = array<i32>} : memref<4x128xf32, #tpu.memory_space<vmem>>, vector<1x16xf32>,
        %swap3A_212 = arith.constant 2 : i32
        %swap3A_213 = arith.index_cast %swap3A_212 : i32 to index
        %swap3A_214 = arith.constant 64 : index
        %swap3A_215 = tpu.vector_load %arg6[%swap3A_213, %swap3A_214] {strides = array<i32>} : memref<4x128xf32, #tpu.memory_space<vmem>>, vector<1x16xf32>,
        %swap3A_216 = vector.shape_cast %swap3A_215 : vector<1x16xf32> to vector<16xf32>
        %swap3A_217 = vector.shape_cast %scan3A_186#4 : vector<16xf32> to vector<1x16xf32>
        tpu.vector_store %arg6[%swap3A_213, %swap3A_214], %swap3A_217 {strides = array<i32>} : memref<4x128xf32, #tpu.memory_space<vmem>>, vector<1x16xf32>,
        %swap3A_218 = arith.constant 2 : i32
        %swap3A_219 = arith.index_cast %swap3A_218 : i32 to index
        %swap3A_220 = arith.constant 80 : index
        %swap3A_221 = tpu.vector_load %arg6[%swap3A_219, %swap3A_220] {strides = array<i32>} : memref<4x128xf32, #tpu.memory_space<vmem>>, vector<1x16xf32>,
        %swap3A_222 = vector.shape_cast %swap3A_221 : vector<1x16xf32> to vector<16xf32>
        %swap3A_223 = vector.shape_cast %scan3A_186#5 : vector<16xf32> to vector<1x16xf32>
        tpu.vector_store %arg6[%swap3A_219, %swap3A_220], %swap3A_223 {strides = array<i32>} : memref<4x128xf32, #tpu.memory_space<vmem>>, vector<1x16xf32>,
        %swap3A_224 = arith.constant 2 : i32
        %swap3A_225 = arith.index_cast %swap3A_224 : i32 to index
        %swap3A_226 = arith.constant 96 : index
        %swap3A_227 = tpu.vector_load %arg6[%swap3A_225, %swap3A_226] {strides = array<i32>} : memref<4x128xf32, #tpu.memory_space<vmem>>, vector<1x16xf32>,
        %swap3A_228 = vector.shape_cast %swap3A_227 : vector<1x16xf32> to vector<16xf32>
        %swap3A_229 = vector.shape_cast %scan3A_186#6 : vector<16xf32> to vector<1x16xf32>
        tpu.vector_store %arg6[%swap3A_225, %swap3A_226], %swap3A_229 {strides = array<i32>} : memref<4x128xf32, #tpu.memory_space<vmem>>, vector<1x16xf32>,
        %swap3A_230 = arith.constant 2 : i32
        %swap3A_231 = arith.index_cast %swap3A_230 : i32 to index
        %swap3A_232 = arith.constant 112 : index
        %swap3A_233 = tpu.vector_load %arg6[%swap3A_231, %swap3A_232] {strides = array<i32>} : memref<4x128xf32, #tpu.memory_space<vmem>>, vector<1x16xf32>,
        %swap3A_234 = vector.shape_cast %swap3A_233 : vector<1x16xf32> to vector<16xf32>
        %swap3A_235 = vector.shape_cast %scan3A_186#7 : vector<16xf32> to vector<1x16xf32>
        tpu.vector_store %arg6[%swap3A_231, %swap3A_232], %swap3A_235 {strides = array<i32>} : memref<4x128xf32, #tpu.memory_space<vmem>>, vector<1x16xf32>,
        %broadcast_in_dim3A_236 = arith.constant 0.000000e+00 : f32
        %broadcast_in_dim3A_237 = vector.broadcast %broadcast_in_dim3A_236 : f32 to vector<16xf32>
        %scan3A_238 = arith.constant 0 : i32
        %scan3A_239 = arith.constant 8 : i32
        %scan3A_240 = arith.addi %scan3A_238, %scan3A_239 : i32
        %scan3A_241 = arith.constant 1 : i32
        %scan3A_242:8 = scf.for %scan3A_296 = %scan3A_238 to %scan3A_240 step %scan3A_241 iter_args(%scan3A_297 = %broadcast_in_dim3A_237, %scan3A_298 = %broadcast_in_dim3A_237, %scan3A_299 = %broadcast_in_dim3A_237, %scan3A_300 = %broadcast_in_dim3A_237, %scan3A_301 = %broadcast_in_dim3A_237, %scan3A_302 = %broadcast_in_dim3A_237, %scan3A_303 = %broadcast_in_dim3A_237, %scan3A_304 = %broadcast_in_dim3A_237) -> (vector<16xf32>, vector<16xf32>, vector<16xf32>, vector<16xf32>, vector<16xf32>, vector<16xf32>, vector<16xf32>, vector<16xf32>)  : i32 {
          %mul3A_305 = arith.constant 4 : i32
          %mul3A_306 = arith.muli %scan3A_296, %mul3A_305 : i32
          %add3A_307 = arith.constant 96 : i32
          %add3A_308 = arith.addi %add3A_307, %mul3A_306 : i32
          %add3A_309 = arith.constant 0 : i32
          %add3A_310 = arith.addi %add3A_308, %add3A_309 : i32
          %get3A = arith.index_cast %add3A_310 : i32 to index
          %get3A_311 = arith.constant 0 : index
          %get3A_312 = tpu.vector_load %arg4[%get3A, %get3A_311] {strides = array<i32>} : memref<128x128xf32, #tpu.memory_space<vmem>>, vector<1x16xf32>,
          %get3A_313 = vector.shape_cast %get3A_312 : vector<1x16xf32> to vector<16xf32>
          %add3A_314 = arith.addf %scan3A_297, %get3A_313 : vector<16xf32>
          %get3A_315 = arith.index_cast %add3A_310 : i32 to index
          %get3A_316 = arith.constant 16 : index
          %get3A_317 = tpu.vector_load %arg4[%get3A_315, %get3A_316] {strides = array<i32>} : memref<128x128xf32, #tpu.memory_space<vmem>>, vector<1x16xf32>,
          %get3A_318 = vector.shape_cast %get3A_317 : vector<1x16xf32> to vector<16xf32>
          %add3A_319 = arith.addf %scan3A_298, %get3A_318 : vector<16xf32>
          %get3A_320 = arith.index_cast %add3A_310 : i32 to index
          %get3A_321 = arith.constant 32 : index
          %get3A_322 = tpu.vector_load %arg4[%get3A_320, %get3A_321] {strides = array<i32>} : memref<128x128xf32, #tpu.memory_space<vmem>>, vector<1x16xf32>,
          %get3A_323 = vector.shape_cast %get3A_322 : vector<1x16xf32> to vector<16xf32>
          %add3A_324 = arith.addf %scan3A_299, %get3A_323 : vector<16xf32>
          %get3A_325 = arith.index_cast %add3A_310 : i32 to index
          %get3A_326 = arith.constant 48 : index
          %get3A_327 = tpu.vector_load %arg4[%get3A_325, %get3A_326] {strides = array<i32>} : memref<128x128xf32, #tpu.memory_space<vmem>>, vector<1x16xf32>,
          %get3A_328 = vector.shape_cast %get3A_327 : vector<1x16xf32> to vector<16xf32>
          %add3A_329 = arith.addf %scan3A_300, %get3A_328 : vector<16xf32>
          %get3A_330 = arith.index_cast %add3A_310 : i32 to index
          %get3A_331 = arith.constant 64 : index
          %get3A_332 = tpu.vector_load %arg4[%get3A_330, %get3A_331] {strides = array<i32>} : memref<128x128xf32, #tpu.memory_space<vmem>>, vector<1x16xf32>,
          %get3A_333 = vector.shape_cast %get3A_332 : vector<1x16xf32> to vector<16xf32>
          %add3A_334 = arith.addf %scan3A_301, %get3A_333 : vector<16xf32>
          %get3A_335 = arith.index_cast %add3A_310 : i32 to index
          %get3A_336 = arith.constant 80 : index
          %get3A_337 = tpu.vector_load %arg4[%get3A_335, %get3A_336] {strides = array<i32>} : memref<128x128xf32, #tpu.memory_space<vmem>>, vector<1x16xf32>,
          %get3A_338 = vector.shape_cast %get3A_337 : vector<1x16xf32> to vector<16xf32>
          %add3A_339 = arith.addf %scan3A_302, %get3A_338 : vector<16xf32>
          %get3A_340 = arith.index_cast %add3A_310 : i32 to index
          %get3A_341 = arith.constant 96 : index
          %get3A_342 = tpu.vector_load %arg4[%get3A_340, %get3A_341] {strides = array<i32>} : memref<128x128xf32, #tpu.memory_space<vmem>>, vector<1x16xf32>,
          %get3A_343 = vector.shape_cast %get3A_342 : vector<1x16xf32> to vector<16xf32>
          %add3A_344 = arith.addf %scan3A_303, %get3A_343 : vector<16xf32>
          %get3A_345 = arith.index_cast %add3A_310 : i32 to index
          %get3A_346 = arith.constant 112 : index
          %get3A_347 = tpu.vector_load %arg4[%get3A_345, %get3A_346] {strides = array<i32>} : memref<128x128xf32, #tpu.memory_space<vmem>>, vector<1x16xf32>,
          %get3A_348 = vector.shape_cast %get3A_347 : vector<1x16xf32> to vector<16xf32>
          %add3A_349 = arith.addf %scan3A_304, %get3A_348 : vector<16xf32>
          %mul3A_350 = arith.constant 4 : i32
          %mul3A_351 = arith.muli %scan3A_296, %mul3A_350 : i32
          %add3A_352 = arith.constant 96 : i32
          %add3A_353 = arith.addi %add3A_352, %mul3A_351 : i32
          %add3A_354 = arith.constant 1 : i32
          %add3A_355 = arith.addi %add3A_353, %add3A_354 : i32
          %get3A_356 = arith.index_cast %add3A_355 : i32 to index
          %get3A_357 = arith.constant 0 : index
          %get3A_358 = tpu.vector_load %arg4[%get3A_356, %get3A_357] {strides = array<i32>} : memref<128x128xf32, #tpu.memory_space<vmem>>, vector<1x16xf32>,
          %get3A_359 = vector.shape_cast %get3A_358 : vector<1x16xf32> to vector<16xf32>
          %add3A_360 = arith.addf %add3A_314, %get3A_359 : vector<16xf32>
          %get3A_361 = arith.index_cast %add3A_355 : i32 to index
          %get3A_362 = arith.constant 16 : index
          %get3A_363 = tpu.vector_load %arg4[%get3A_361, %get3A_362] {strides = array<i32>} : memref<128x128xf32, #tpu.memory_space<vmem>>, vector<1x16xf32>,
          %get3A_364 = vector.shape_cast %get3A_363 : vector<1x16xf32> to vector<16xf32>
          %add3A_365 = arith.addf %add3A_319, %get3A_364 : vector<16xf32>
          %get3A_366 = arith.index_cast %add3A_355 : i32 to index
          %get3A_367 = arith.constant 32 : index
          %get3A_368 = tpu.vector_load %arg4[%get3A_366, %get3A_367] {strides = array<i32>} : memref<128x128xf32, #tpu.memory_space<vmem>>, vector<1x16xf32>,
          %get3A_369 = vector.shape_cast %get3A_368 : vector<1x16xf32> to vector<16xf32>
          %add3A_370 = arith.addf %add3A_324, %get3A_369 : vector<16xf32>
          %get3A_371 = arith.index_cast %add3A_355 : i32 to index
          %get3A_372 = arith.constant 48 : index
          %get3A_373 = tpu.vector_load %arg4[%get3A_371, %get3A_372] {strides = array<i32>} : memref<128x128xf32, #tpu.memory_space<vmem>>, vector<1x16xf32>,
          %get3A_374 = vector.shape_cast %get3A_373 : vector<1x16xf32> to vector<16xf32>
          %add3A_375 = arith.addf %add3A_329, %get3A_374 : vector<16xf32>
          %get3A_376 = arith.index_cast %add3A_355 : i32 to index
          %get3A_377 = arith.constant 64 : index
          %get3A_378 = tpu.vector_load %arg4[%get3A_376, %get3A_377] {strides = array<i32>} : memref<128x128xf32, #tpu.memory_space<vmem>>, vector<1x16xf32>,
          %get3A_379 = vector.shape_cast %get3A_378 : vector<1x16xf32> to vector<16xf32>
          %add3A_380 = arith.addf %add3A_334, %get3A_379 : vector<16xf32>
          %get3A_381 = arith.index_cast %add3A_355 : i32 to index
          %get3A_382 = arith.constant 80 : index
          %get3A_383 = tpu.vector_load %arg4[%get3A_381, %get3A_382] {strides = array<i32>} : memref<128x128xf32, #tpu.memory_space<vmem>>, vector<1x16xf32>,
          %get3A_384 = vector.shape_cast %get3A_383 : vector<1x16xf32> to vector<16xf32>
          %add3A_385 = arith.addf %add3A_339, %get3A_384 : vector<16xf32>
          %get3A_386 = arith.index_cast %add3A_355 : i32 to index
          %get3A_387 = arith.constant 96 : index
          %get3A_388 = tpu.vector_load %arg4[%get3A_386, %get3A_387] {strides = array<i32>} : memref<128x128xf32, #tpu.memory_space<vmem>>, vector<1x16xf32>,
          %get3A_389 = vector.shape_cast %get3A_388 : vector<1x16xf32> to vector<16xf32>
          %add3A_390 = arith.addf %add3A_344, %get3A_389 : vector<16xf32>
          %get3A_391 = arith.index_cast %add3A_355 : i32 to index
          %get3A_392 = arith.constant 112 : index
          %get3A_393 = tpu.vector_load %arg4[%get3A_391, %get3A_392] {strides = array<i32>} : memref<128x128xf32, #tpu.memory_space<vmem>>, vector<1x16xf32>,
          %get3A_394 = vector.shape_cast %get3A_393 : vector<1x16xf32> to vector<16xf32>
          %add3A_395 = arith.addf %add3A_349, %get3A_394 : vector<16xf32>
          %mul3A_396 = arith.constant 4 : i32
          %mul3A_397 = arith.muli %scan3A_296, %mul3A_396 : i32
          %add3A_398 = arith.constant 96 : i32
          %add3A_399 = arith.addi %add3A_398, %mul3A_397 : i32
          %add3A_400 = arith.constant 2 : i32
          %add3A_401 = arith.addi %add3A_399, %add3A_400 : i32
          %get3A_402 = arith.index_cast %add3A_401 : i32 to index
          %get3A_403 = arith.constant 0 : index
          %get3A_404 = tpu.vector_load %arg4[%get3A_402, %get3A_403] {strides = array<i32>} : memref<128x128xf32, #tpu.memory_space<vmem>>, vector<1x16xf32>,
          %get3A_405 = vector.shape_cast %get3A_404 : vector<1x16xf32> to vector<16xf32>
          %add3A_406 = arith.addf %add3A_360, %get3A_405 : vector<16xf32>
          %get3A_407 = arith.index_cast %add3A_401 : i32 to index
          %get3A_408 = arith.constant 16 : index
          %get3A_409 = tpu.vector_load %arg4[%get3A_407, %get3A_408] {strides = array<i32>} : memref<128x128xf32, #tpu.memory_space<vmem>>, vector<1x16xf32>,
          %get3A_410 = vector.shape_cast %get3A_409 : vector<1x16xf32> to vector<16xf32>
          %add3A_411 = arith.addf %add3A_365, %get3A_410 : vector<16xf32>
          %get3A_412 = arith.index_cast %add3A_401 : i32 to index
          %get3A_413 = arith.constant 32 : index
          %get3A_414 = tpu.vector_load %arg4[%get3A_412, %get3A_413] {strides = array<i32>} : memref<128x128xf32, #tpu.memory_space<vmem>>, vector<1x16xf32>,
          %get3A_415 = vector.shape_cast %get3A_414 : vector<1x16xf32> to vector<16xf32>
          %add3A_416 = arith.addf %add3A_370, %get3A_415 : vector<16xf32>
          %get3A_417 = arith.index_cast %add3A_401 : i32 to index
          %get3A_418 = arith.constant 48 : index
          %get3A_419 = tpu.vector_load %arg4[%get3A_417, %get3A_418] {strides = array<i32>} : memref<128x128xf32, #tpu.memory_space<vmem>>, vector<1x16xf32>,
          %get3A_420 = vector.shape_cast %get3A_419 : vector<1x16xf32> to vector<16xf32>
          %add3A_421 = arith.addf %add3A_375, %get3A_420 : vector<16xf32>
          %get3A_422 = arith.index_cast %add3A_401 : i32 to index
          %get3A_423 = arith.constant 64 : index
          %get3A_424 = tpu.vector_load %arg4[%get3A_422, %get3A_423] {strides = array<i32>} : memref<128x128xf32, #tpu.memory_space<vmem>>, vector<1x16xf32>,
          %get3A_425 = vector.shape_cast %get3A_424 : vector<1x16xf32> to vector<16xf32>
          %add3A_426 = arith.addf %add3A_380, %get3A_425 : vector<16xf32>
          %get3A_427 = arith.index_cast %add3A_401 : i32 to index
          %get3A_428 = arith.constant 80 : index
          %get3A_429 = tpu.vector_load %arg4[%get3A_427, %get3A_428] {strides = array<i32>} : memref<128x128xf32, #tpu.memory_space<vmem>>, vector<1x16xf32>,
          %get3A_430 = vector.shape_cast %get3A_429 : vector<1x16xf32> to vector<16xf32>
          %add3A_431 = arith.addf %add3A_385, %get3A_430 : vector<16xf32>
          %get3A_432 = arith.index_cast %add3A_401 : i32 to index
          %get3A_433 = arith.constant 96 : index
          %get3A_434 = tpu.vector_load %arg4[%get3A_432, %get3A_433] {strides = array<i32>} : memref<128x128xf32, #tpu.memory_space<vmem>>, vector<1x16xf32>,
          %get3A_435 = vector.shape_cast %get3A_434 : vector<1x16xf32> to vector<16xf32>
          %add3A_436 = arith.addf %add3A_390, %get3A_435 : vector<16xf32>
          %get3A_437 = arith.index_cast %add3A_401 : i32 to index
          %get3A_438 = arith.constant 112 : index
          %get3A_439 = tpu.vector_load %arg4[%get3A_437, %get3A_438] {strides = array<i32>} : memref<128x128xf32, #tpu.memory_space<vmem>>, vector<1x16xf32>,
          %get3A_440 = vector.shape_cast %get3A_439 : vector<1x16xf32> to vector<16xf32>
          %add3A_441 = arith.addf %add3A_395, %get3A_440 : vector<16xf32>
          %mul3A_442 = arith.constant 4 : i32
          %mul3A_443 = arith.muli %scan3A_296, %mul3A_442 : i32
          %add3A_444 = arith.constant 96 : i32
          %add3A_445 = arith.addi %add3A_444, %mul3A_443 : i32
          %add3A_446 = arith.constant 3 : i32
          %add3A_447 = arith.addi %add3A_445, %add3A_446 : i32
          %get3A_448 = arith.index_cast %add3A_447 : i32 to index
          %get3A_449 = arith.constant 0 : index
          %get3A_450 = tpu.vector_load %arg4[%get3A_448, %get3A_449] {strides = array<i32>} : memref<128x128xf32, #tpu.memory_space<vmem>>, vector<1x16xf32>,
          %get3A_451 = vector.shape_cast %get3A_450 : vector<1x16xf32> to vector<16xf32>
          %add3A_452 = arith.addf %add3A_406, %get3A_451 : vector<16xf32>
          %get3A_453 = arith.index_cast %add3A_447 : i32 to index
          %get3A_454 = arith.constant 16 : index
          %get3A_455 = tpu.vector_load %arg4[%get3A_453, %get3A_454] {strides = array<i32>} : memref<128x128xf32, #tpu.memory_space<vmem>>, vector<1x16xf32>,
          %get3A_456 = vector.shape_cast %get3A_455 : vector<1x16xf32> to vector<16xf32>
          %add3A_457 = arith.addf %add3A_411, %get3A_456 : vector<16xf32>
          %get3A_458 = arith.index_cast %add3A_447 : i32 to index
          %get3A_459 = arith.constant 32 : index
          %get3A_460 = tpu.vector_load %arg4[%get3A_458, %get3A_459] {strides = array<i32>} : memref<128x128xf32, #tpu.memory_space<vmem>>, vector<1x16xf32>,
          %get3A_461 = vector.shape_cast %get3A_460 : vector<1x16xf32> to vector<16xf32>
          %add3A_462 = arith.addf %add3A_416, %get3A_461 : vector<16xf32>
          %get3A_463 = arith.index_cast %add3A_447 : i32 to index
          %get3A_464 = arith.constant 48 : index
          %get3A_465 = tpu.vector_load %arg4[%get3A_463, %get3A_464] {strides = array<i32>} : memref<128x128xf32, #tpu.memory_space<vmem>>, vector<1x16xf32>,
          %get3A_466 = vector.shape_cast %get3A_465 : vector<1x16xf32> to vector<16xf32>
          %add3A_467 = arith.addf %add3A_421, %get3A_466 : vector<16xf32>
          %get3A_468 = arith.index_cast %add3A_447 : i32 to index
          %get3A_469 = arith.constant 64 : index
          %get3A_470 = tpu.vector_load %arg4[%get3A_468, %get3A_469] {strides = array<i32>} : memref<128x128xf32, #tpu.memory_space<vmem>>, vector<1x16xf32>,
          %get3A_471 = vector.shape_cast %get3A_470 : vector<1x16xf32> to vector<16xf32>
          %add3A_472 = arith.addf %add3A_426, %get3A_471 : vector<16xf32>
          %get3A_473 = arith.index_cast %add3A_447 : i32 to index
          %get3A_474 = arith.constant 80 : index
          %get3A_475 = tpu.vector_load %arg4[%get3A_473, %get3A_474] {strides = array<i32>} : memref<128x128xf32, #tpu.memory_space<vmem>>, vector<1x16xf32>,
          %get3A_476 = vector.shape_cast %get3A_475 : vector<1x16xf32> to vector<16xf32>
          %add3A_477 = arith.addf %add3A_431, %get3A_476 : vector<16xf32>
          %get3A_478 = arith.index_cast %add3A_447 : i32 to index
          %get3A_479 = arith.constant 96 : index
          %get3A_480 = tpu.vector_load %arg4[%get3A_478, %get3A_479] {strides = array<i32>} : memref<128x128xf32, #tpu.memory_space<vmem>>, vector<1x16xf32>,
          %get3A_481 = vector.shape_cast %get3A_480 : vector<1x16xf32> to vector<16xf32>
          %add3A_482 = arith.addf %add3A_436, %get3A_481 : vector<16xf32>
          %get3A_483 = arith.index_cast %add3A_447 : i32 to index
          %get3A_484 = arith.constant 112 : index
          %get3A_485 = tpu.vector_load %arg4[%get3A_483, %get3A_484] {strides = array<i32>} : memref<128x128xf32, #tpu.memory_space<vmem>>, vector<1x16xf32>,
          %get3A_486 = vector.shape_cast %get3A_485 : vector<1x16xf32> to vector<16xf32>
          %add3A_487 = arith.addf %add3A_441, %get3A_486 : vector<16xf32>
          scf.yield %add3A_452, %add3A_457, %add3A_462, %add3A_467, %add3A_472, %add3A_477, %add3A_482, %add3A_487 : vector<16xf32>, vector<16xf32>, vector<16xf32>, vector<16xf32>, vector<16xf32>, vector<16xf32>, vector<16xf32>, vector<16xf32>
        }
        %scan3A_243 = arith.constant 8 : i32
        %swap3A_244 = arith.constant 3 : i32
        %swap3A_245 = arith.index_cast %swap3A_244 : i32 to index
        %swap3A_246 = arith.constant 0 : index
        %swap3A_247 = tpu.vector_load %arg6[%swap3A_245, %swap3A_246] {strides = array<i32>} : memref<4x128xf32, #tpu.memory_space<vmem>>, vector<1x16xf32>,
        %swap3A_248 = vector.shape_cast %swap3A_247 : vector<1x16xf32> to vector<16xf32>
        %swap3A_249 = vector.shape_cast %scan3A_242#0 : vector<16xf32> to vector<1x16xf32>
        tpu.vector_store %arg6[%swap3A_245, %swap3A_246], %swap3A_249 {strides = array<i32>} : memref<4x128xf32, #tpu.memory_space<vmem>>, vector<1x16xf32>,
        %swap3A_250 = arith.constant 3 : i32
        %swap3A_251 = arith.index_cast %swap3A_250 : i32 to index
        %swap3A_252 = arith.constant 16 : index
        %swap3A_253 = tpu.vector_load %arg6[%swap3A_251, %swap3A_252] {strides = array<i32>} : memref<4x128xf32, #tpu.memory_space<vmem>>, vector<1x16xf32>,
        %swap3A_254 = vector.shape_cast %swap3A_253 : vector<1x16xf32> to vector<16xf32>
        %swap3A_255 = vector.shape_cast %scan3A_242#1 : vector<16xf32> to vector<1x16xf32>
        tpu.vector_store %arg6[%swap3A_251, %swap3A_252], %swap3A_255 {strides = array<i32>} : memref<4x128xf32, #tpu.memory_space<vmem>>, vector<1x16xf32>,
        %swap3A_256 = arith.constant 3 : i32
        %swap3A_257 = arith.index_cast %swap3A_256 : i32 to index
        %swap3A_258 = arith.constant 32 : index
        %swap3A_259 = tpu.vector_load %arg6[%swap3A_257, %swap3A_258] {strides = array<i32>} : memref<4x128xf32, #tpu.memory_space<vmem>>, vector<1x16xf32>,
        %swap3A_260 = vector.shape_cast %swap3A_259 : vector<1x16xf32> to vector<16xf32>
        %swap3A_261 = vector.shape_cast %scan3A_242#2 : vector<16xf32> to vector<1x16xf32>
        tpu.vector_store %arg6[%swap3A_257, %swap3A_258], %swap3A_261 {strides = array<i32>} : memref<4x128xf32, #tpu.memory_space<vmem>>, vector<1x16xf32>,
        %swap3A_262 = arith.constant 3 : i32
        %swap3A_263 = arith.index_cast %swap3A_262 : i32 to index
        %swap3A_264 = arith.constant 48 : index
        %swap3A_265 = tpu.vector_load %arg6[%swap3A_263, %swap3A_264] {strides = array<i32>} : memref<4x128xf32, #tpu.memory_space<vmem>>, vector<1x16xf32>,
        %swap3A_266 = vector.shape_cast %swap3A_265 : vector<1x16xf32> to vector<16xf32>
        %swap3A_267 = vector.shape_cast %scan3A_242#3 : vector<16xf32> to vector<1x16xf32>
        tpu.vector_store %arg6[%swap3A_263, %swap3A_264], %swap3A_267 {strides = array<i32>} : memref<4x128xf32, #tpu.memory_space<vmem>>, vector<1x16xf32>,
        %swap3A_268 = arith.constant 3 : i32
        %swap3A_269 = arith.index_cast %swap3A_268 : i32 to index
        %swap3A_270 = arith.constant 64 : index
        %swap3A_271 = tpu.vector_load %arg6[%swap3A_269, %swap3A_270] {strides = array<i32>} : memref<4x128xf32, #tpu.memory_space<vmem>>, vector<1x16xf32>,
        %swap3A_272 = vector.shape_cast %swap3A_271 : vector<1x16xf32> to vector<16xf32>
        %swap3A_273 = vector.shape_cast %scan3A_242#4 : vector<16xf32> to vector<1x16xf32>
        tpu.vector_store %arg6[%swap3A_269, %swap3A_270], %swap3A_273 {strides = array<i32>} : memref<4x128xf32, #tpu.memory_space<vmem>>, vector<1x16xf32>,
        %swap3A_274 = arith.constant 3 : i32
        %swap3A_275 = arith.index_cast %swap3A_274 : i32 to index
        %swap3A_276 = arith.constant 80 : index
        %swap3A_277 = tpu.vector_load %arg6[%swap3A_275, %swap3A_276] {strides = array<i32>} : memref<4x128xf32, #tpu.memory_space<vmem>>, vector<1x16xf32>,
        %swap3A_278 = vector.shape_cast %swap3A_277 : vector<1x16xf32> to vector<16xf32>
        %swap3A_279 = vector.shape_cast %scan3A_242#5 : vector<16xf32> to vector<1x16xf32>
        tpu.vector_store %arg6[%swap3A_275, %swap3A_276], %swap3A_279 {strides = array<i32>} : memref<4x128xf32, #tpu.memory_space<vmem>>, vector<1x16xf32>,
        %swap3A_280 = arith.constant 3 : i32
        %swap3A_281 = arith.index_cast %swap3A_280 : i32 to index
        %swap3A_282 = arith.constant 96 : index
        %swap3A_283 = tpu.vector_load %arg6[%swap3A_281, %swap3A_282] {strides = array<i32>} : memref<4x128xf32, #tpu.memory_space<vmem>>, vector<1x16xf32>,
        %swap3A_284 = vector.shape_cast %swap3A_283 : vector<1x16xf32> to vector<16xf32>
        %swap3A_285 = vector.shape_cast %scan3A_242#6 : vector<16xf32> to vector<1x16xf32>
        tpu.vector_store %arg6[%swap3A_281, %swap3A_282], %swap3A_285 {strides = array<i32>} : memref<4x128xf32, #tpu.memory_space<vmem>>, vector<1x16xf32>,
        %swap3A_286 = arith.constant 3 : i32
        %swap3A_287 = arith.index_cast %swap3A_286 : i32 to index
        %swap3A_288 = arith.constant 112 : index
        %swap3A_289 = tpu.vector_load %arg6[%swap3A_287, %swap3A_288] {strides = array<i32>} : memref<4x128xf32, #tpu.memory_space<vmem>>, vector<1x16xf32>,
        %swap3A_290 = vector.shape_cast %swap3A_289 : vector<1x16xf32> to vector<16xf32>
        %swap3A_291 = vector.shape_cast %scan3A_242#7 : vector<16xf32> to vector<1x16xf32>
        tpu.vector_store %arg6[%swap3A_287, %swap3A_288], %swap3A_291 {strides = array<i32>} : memref<4x128xf32, #tpu.memory_space<vmem>>, vector<1x16xf32>,
        %sub3A = arith.constant 0 : i32
        %sub3A_292 = arith.subi %add3A_4, %sub3A : i32
        %mul3A_293 = arith.constant 4 : i32
        %mul3A_294 = arith.muli %mul3A_19, %mul3A_293 : i32
        %add3A_295 = arith.addi %sub3A_292, %mul3A_294 : i32
        "tpu.region"() ({
          %run_scoped3A = tpu.sem_alloc : memref<!tpu.dma_semaphore, #tpu.memory_space<semaphore_mem>>
          %dma_start3A = arith.constant 0 : i32
          %dma_start3A_296 = tpu.memref_slice %arg3[%add3A_295, %dma_start3A] : memref<5056x128xf32, #tpu.memory_space<hbm>> -> memref<4x128xf32, #tpu.memory_space<hbm>>
          %dma_start3A_297 = arith.constant 0 : i32
          %dma_start3A_298 = tpu.memref_slice %arg3[%add3A_295, %dma_start3A_297] : memref<5056x128xf32, #tpu.memory_space<hbm>> -> memref<4x128xf32, #tpu.memory_space<hbm>>
          tpu.enqueue_dma source(%arg6 : memref<4x128xf32, #tpu.memory_space<vmem>>) target(%dma_start3A_298 : memref<4x128xf32, #tpu.memory_space<hbm>>) target_semaphore(%run_scoped3A : memref<!tpu.dma_semaphore, #tpu.memory_space<semaphore_mem>>)
          %dma_wait3A_299 = arith.constant 0 : i32
          %dma_wait3A_300 = tpu.memref_slice %arg3[%add3A_295, %dma_wait3A_299] : memref<5056x128xf32, #tpu.memory_space<hbm>> -> memref<4x128xf32, #tpu.memory_space<hbm>>
          %dma_wait3A_301 = arith.constant 0 : i32
          %dma_wait3A_302 = tpu.memref_slice %arg3[%add3A_295, %dma_wait3A_301] : memref<5056x128xf32, #tpu.memory_space<hbm>> -> memref<4x128xf32, #tpu.memory_space<hbm>>
          tpu.wait_dma2 semaphore(%run_scoped3A : memref<!tpu.dma_semaphore, #tpu.memory_space<semaphore_mem>>) src(%arg6 : memref<4x128xf32, #tpu.memory_space<vmem>>) dst(%dma_wait3A_302 : memref<4x128xf32, #tpu.memory_space<hbm>>)
          tpu.yield
        }) : () -> ()
      } else {
      }
      %add3A_41 = arith.constant 2 : i32
      %add3A_42 = arith.addi %mul3A_19, %add3A_41 : i32
      %lt3A_43 = arith.constant 80 : i32
      %lt3A_44 = arith.cmpi slt, %add3A_42, %lt3A_43 : i32
      %mul3A_45 = arith.constant 4 : i32
      %mul3A_46 = arith.muli %add3A_42, %mul3A_45 : i32
      %add3A_47 = arith.addi %add3A_4, %mul3A_46 : i32
      %lt3A_48 = arith.constant 10000 : i32
      %lt3A_49 = arith.cmpi slt, %add3A_47, %lt3A_48 : i32
      %and3A_50 = arith.andi %lt3A_44, %lt3A_49 : i1
      %convert_element_type3A_51 = arith.extui %and3A_50 : i1 to i32
      %cond3A_52 = arith.constant 0 : i32
      %cond3A_53 = arith.cmpi ne, %convert_element_type3A_51, %cond3A_52 : i32
      scf.if %cond3A_53 {
        %mul3A_65 = arith.constant 4 : i32
        %mul3A_66 = arith.muli %add3A_42, %mul3A_65 : i32
        %add3A_67 = arith.addi %add3A_4, %mul3A_66 : i32
        %mul3A_68 = arith.constant 32 : i32
        %mul3A_69 = arith.muli %add3A_67, %mul3A_68 : i32
        %dma_start3A = arith.constant 0 : i32
        %dma_start3A_70 = tpu.memref_slice %arg2[%mul3A_69, %dma_start3A] : memref<320000x128xf32, #tpu.memory_space<hbm>> -> memref<128x128xf32, #tpu.memory_space<hbm>>
        %dma_start3A_71 = arith.constant 0 : i32
        %dma_start3A_72 = tpu.memref_slice %arg2[%mul3A_69, %dma_start3A_71] : memref<320000x128xf32, #tpu.memory_space<hbm>> -> memref<128x128xf32, #tpu.memory_space<hbm>>
        tpu.enqueue_dma source(%dma_start3A_72 : memref<128x128xf32, #tpu.memory_space<hbm>>) target(%arg4 : memref<128x128xf32, #tpu.memory_space<vmem>>) target_semaphore(%arg7 : memref<!tpu.dma_semaphore, #tpu.memory_space<semaphore_mem>>)
      } else {
      }
      %add3A_54 = arith.constant 1 : i32
      %add3A_55 = arith.addi %mul3A_19, %add3A_54 : i32
      %mul3A_56 = arith.constant 4 : i32
      %mul3A_57 = arith.muli %add3A_55, %mul3A_56 : i32
      %add3A_58 = arith.addi %add3A_4, %mul3A_57 : i32
      %lt3A_59 = arith.constant 10000 : i32
      %lt3A_60 = arith.cmpi slt, %add3A_58, %lt3A_59 : i32
      %convert_element_type3A_61 = arith.extui %lt3A_60 : i1 to i32
      %cond3A_62 = arith.constant 0 : i32
      %cond3A_63 = arith.cmpi ne, %convert_element_type3A_61, %cond3A_62 : i32
      scf.if %cond3A_63 {
        %dma_wait3A = arith.constant 0 : i32
        %dma_wait3A_65 = arith.constant 0 : i32
        %dma_wait3A_66 = tpu.memref_slice %arg2[%dma_wait3A, %dma_wait3A_65] : memref<320000x128xf32, #tpu.memory_space<hbm>> -> memref<128x128xf32, #tpu.memory_space<hbm>>
        %dma_wait3A_67 = arith.constant 0 : i32
        %dma_wait3A_68 = arith.constant 0 : i32
        %dma_wait3A_69 = tpu.memref_slice %arg2[%dma_wait3A_67, %dma_wait3A_68] : memref<320000x128xf32, #tpu.memory_space<hbm>> -> memref<128x128xf32, #tpu.memory_space<hbm>>
        tpu.wait_dma2 semaphore(%arg8 : memref<!tpu.dma_semaphore, #tpu.memory_space<semaphore_mem>>) src(%dma_wait3A_69 : memref<128x128xf32, #tpu.memory_space<hbm>>) dst(%arg5 : memref<128x128xf32, #tpu.memory_space<vmem>>)
        %broadcast_in_dim3A = arith.constant 0.000000e+00 : f32
        %broadcast_in_dim3A_70 = vector.broadcast %broadcast_in_dim3A : f32 to vector<16xf32>
        %scan3A_71 = arith.constant 0 : i32
        %scan3A_72 = arith.constant 8 : i32
        %scan3A_73 = arith.addi %scan3A_71, %scan3A_72 : i32
        %scan3A_74 = arith.constant 1 : i32
        %scan3A_75:8 = scf.for %scan3A_296 = %scan3A_71 to %scan3A_73 step %scan3A_74 iter_args(%scan3A_297 = %broadcast_in_dim3A_70, %scan3A_298 = %broadcast_in_dim3A_70, %scan3A_299 = %broadcast_in_dim3A_70, %scan3A_300 = %broadcast_in_dim3A_70, %scan3A_301 = %broadcast_in_dim3A_70, %scan3A_302 = %broadcast_in_dim3A_70, %scan3A_303 = %broadcast_in_dim3A_70, %scan3A_304 = %broadcast_in_dim3A_70) -> (vector<16xf32>, vector<16xf32>, vector<16xf32>, vector<16xf32>, vector<16xf32>, vector<16xf32>, vector<16xf32>, vector<16xf32>)  : i32 {
          %mul3A_305 = arith.constant 4 : i32
          %mul3A_306 = arith.muli %scan3A_296, %mul3A_305 : i32
          %add3A_307 = arith.constant 0 : i32
          %add3A_308 = arith.addi %add3A_307, %mul3A_306 : i32
          %add3A_309 = arith.constant 0 : i32
          %add3A_310 = arith.addi %add3A_308, %add3A_309 : i32
          %get3A = arith.index_cast %add3A_310 : i32 to index
          %get3A_311 = arith.constant 0 : index
          %get3A_312 = tpu.vector_load %arg5[%get3A, %get3A_311] {strides = array<i32>} : memref<128x128xf32, #tpu.memory_space<vmem>>, vector<1x16xf32>,
          %get3A_313 = vector.shape_cast %get3A_312 : vector<1x16xf32> to vector<16xf32>
          %add3A_314 = arith.addf %scan3A_297, %get3A_313 : vector<16xf32>
          %get3A_315 = arith.index_cast %add3A_310 : i32 to index
          %get3A_316 = arith.constant 16 : index
          %get3A_317 = tpu.vector_load %arg5[%get3A_315, %get3A_316] {strides = array<i32>} : memref<128x128xf32, #tpu.memory_space<vmem>>, vector<1x16xf32>,
          %get3A_318 = vector.shape_cast %get3A_317 : vector<1x16xf32> to vector<16xf32>
          %add3A_319 = arith.addf %scan3A_298, %get3A_318 : vector<16xf32>
          %get3A_320 = arith.index_cast %add3A_310 : i32 to index
          %get3A_321 = arith.constant 32 : index
          %get3A_322 = tpu.vector_load %arg5[%get3A_320, %get3A_321] {strides = array<i32>} : memref<128x128xf32, #tpu.memory_space<vmem>>, vector<1x16xf32>,
          %get3A_323 = vector.shape_cast %get3A_322 : vector<1x16xf32> to vector<16xf32>
          %add3A_324 = arith.addf %scan3A_299, %get3A_323 : vector<16xf32>
          %get3A_325 = arith.index_cast %add3A_310 : i32 to index
          %get3A_326 = arith.constant 48 : index
          %get3A_327 = tpu.vector_load %arg5[%get3A_325, %get3A_326] {strides = array<i32>} : memref<128x128xf32, #tpu.memory_space<vmem>>, vector<1x16xf32>,
          %get3A_328 = vector.shape_cast %get3A_327 : vector<1x16xf32> to vector<16xf32>
          %add3A_329 = arith.addf %scan3A_300, %get3A_328 : vector<16xf32>
          %get3A_330 = arith.index_cast %add3A_310 : i32 to index
          %get3A_331 = arith.constant 64 : index
          %get3A_332 = tpu.vector_load %arg5[%get3A_330, %get3A_331] {strides = array<i32>} : memref<128x128xf32, #tpu.memory_space<vmem>>, vector<1x16xf32>,
          %get3A_333 = vector.shape_cast %get3A_332 : vector<1x16xf32> to vector<16xf32>
          %add3A_334 = arith.addf %scan3A_301, %get3A_333 : vector<16xf32>
          %get3A_335 = arith.index_cast %add3A_310 : i32 to index
          %get3A_336 = arith.constant 80 : index
          %get3A_337 = tpu.vector_load %arg5[%get3A_335, %get3A_336] {strides = array<i32>} : memref<128x128xf32, #tpu.memory_space<vmem>>, vector<1x16xf32>,
          %get3A_338 = vector.shape_cast %get3A_337 : vector<1x16xf32> to vector<16xf32>
          %add3A_339 = arith.addf %scan3A_302, %get3A_338 : vector<16xf32>
          %get3A_340 = arith.index_cast %add3A_310 : i32 to index
          %get3A_341 = arith.constant 96 : index
          %get3A_342 = tpu.vector_load %arg5[%get3A_340, %get3A_341] {strides = array<i32>} : memref<128x128xf32, #tpu.memory_space<vmem>>, vector<1x16xf32>,
          %get3A_343 = vector.shape_cast %get3A_342 : vector<1x16xf32> to vector<16xf32>
          %add3A_344 = arith.addf %scan3A_303, %get3A_343 : vector<16xf32>
          %get3A_345 = arith.index_cast %add3A_310 : i32 to index
          %get3A_346 = arith.constant 112 : index
          %get3A_347 = tpu.vector_load %arg5[%get3A_345, %get3A_346] {strides = array<i32>} : memref<128x128xf32, #tpu.memory_space<vmem>>, vector<1x16xf32>,
          %get3A_348 = vector.shape_cast %get3A_347 : vector<1x16xf32> to vector<16xf32>
          %add3A_349 = arith.addf %scan3A_304, %get3A_348 : vector<16xf32>
          %mul3A_350 = arith.constant 4 : i32
          %mul3A_351 = arith.muli %scan3A_296, %mul3A_350 : i32
          %add3A_352 = arith.constant 0 : i32
          %add3A_353 = arith.addi %add3A_352, %mul3A_351 : i32
          %add3A_354 = arith.constant 1 : i32
          %add3A_355 = arith.addi %add3A_353, %add3A_354 : i32
          %get3A_356 = arith.index_cast %add3A_355 : i32 to index
          %get3A_357 = arith.constant 0 : index
          %get3A_358 = tpu.vector_load %arg5[%get3A_356, %get3A_357] {strides = array<i32>} : memref<128x128xf32, #tpu.memory_space<vmem>>, vector<1x16xf32>,
          %get3A_359 = vector.shape_cast %get3A_358 : vector<1x16xf32> to vector<16xf32>
          %add3A_360 = arith.addf %add3A_314, %get3A_359 : vector<16xf32>
          %get3A_361 = arith.index_cast %add3A_355 : i32 to index
          %get3A_362 = arith.constant 16 : index
          %get3A_363 = tpu.vector_load %arg5[%get3A_361, %get3A_362] {strides = array<i32>} : memref<128x128xf32, #tpu.memory_space<vmem>>, vector<1x16xf32>,
          %get3A_364 = vector.shape_cast %get3A_363 : vector<1x16xf32> to vector<16xf32>
          %add3A_365 = arith.addf %add3A_319, %get3A_364 : vector<16xf32>
          %get3A_366 = arith.index_cast %add3A_355 : i32 to index
          %get3A_367 = arith.constant 32 : index
          %get3A_368 = tpu.vector_load %arg5[%get3A_366, %get3A_367] {strides = array<i32>} : memref<128x128xf32, #tpu.memory_space<vmem>>, vector<1x16xf32>,
          %get3A_369 = vector.shape_cast %get3A_368 : vector<1x16xf32> to vector<16xf32>
          %add3A_370 = arith.addf %add3A_324, %get3A_369 : vector<16xf32>
          %get3A_371 = arith.index_cast %add3A_355 : i32 to index
          %get3A_372 = arith.constant 48 : index
          %get3A_373 = tpu.vector_load %arg5[%get3A_371, %get3A_372] {strides = array<i32>} : memref<128x128xf32, #tpu.memory_space<vmem>>, vector<1x16xf32>,
          %get3A_374 = vector.shape_cast %get3A_373 : vector<1x16xf32> to vector<16xf32>
          %add3A_375 = arith.addf %add3A_329, %get3A_374 : vector<16xf32>
          %get3A_376 = arith.index_cast %add3A_355 : i32 to index
          %get3A_377 = arith.constant 64 : index
          %get3A_378 = tpu.vector_load %arg5[%get3A_376, %get3A_377] {strides = array<i32>} : memref<128x128xf32, #tpu.memory_space<vmem>>, vector<1x16xf32>,
          %get3A_379 = vector.shape_cast %get3A_378 : vector<1x16xf32> to vector<16xf32>
          %add3A_380 = arith.addf %add3A_334, %get3A_379 : vector<16xf32>
          %get3A_381 = arith.index_cast %add3A_355 : i32 to index
          %get3A_382 = arith.constant 80 : index
          %get3A_383 = tpu.vector_load %arg5[%get3A_381, %get3A_382] {strides = array<i32>} : memref<128x128xf32, #tpu.memory_space<vmem>>, vector<1x16xf32>,
          %get3A_384 = vector.shape_cast %get3A_383 : vector<1x16xf32> to vector<16xf32>
          %add3A_385 = arith.addf %add3A_339, %get3A_384 : vector<16xf32>
          %get3A_386 = arith.index_cast %add3A_355 : i32 to index
          %get3A_387 = arith.constant 96 : index
          %get3A_388 = tpu.vector_load %arg5[%get3A_386, %get3A_387] {strides = array<i32>} : memref<128x128xf32, #tpu.memory_space<vmem>>, vector<1x16xf32>,
          %get3A_389 = vector.shape_cast %get3A_388 : vector<1x16xf32> to vector<16xf32>
          %add3A_390 = arith.addf %add3A_344, %get3A_389 : vector<16xf32>
          %get3A_391 = arith.index_cast %add3A_355 : i32 to index
          %get3A_392 = arith.constant 112 : index
          %get3A_393 = tpu.vector_load %arg5[%get3A_391, %get3A_392] {strides = array<i32>} : memref<128x128xf32, #tpu.memory_space<vmem>>, vector<1x16xf32>,
          %get3A_394 = vector.shape_cast %get3A_393 : vector<1x16xf32> to vector<16xf32>
          %add3A_395 = arith.addf %add3A_349, %get3A_394 : vector<16xf32>
          %mul3A_396 = arith.constant 4 : i32
          %mul3A_397 = arith.muli %scan3A_296, %mul3A_396 : i32
          %add3A_398 = arith.constant 0 : i32
          %add3A_399 = arith.addi %add3A_398, %mul3A_397 : i32
          %add3A_400 = arith.constant 2 : i32
          %add3A_401 = arith.addi %add3A_399, %add3A_400 : i32
          %get3A_402 = arith.index_cast %add3A_401 : i32 to index
          %get3A_403 = arith.constant 0 : index
          %get3A_404 = tpu.vector_load %arg5[%get3A_402, %get3A_403] {strides = array<i32>} : memref<128x128xf32, #tpu.memory_space<vmem>>, vector<1x16xf32>,
          %get3A_405 = vector.shape_cast %get3A_404 : vector<1x16xf32> to vector<16xf32>
          %add3A_406 = arith.addf %add3A_360, %get3A_405 : vector<16xf32>
          %get3A_407 = arith.index_cast %add3A_401 : i32 to index
          %get3A_408 = arith.constant 16 : index
          %get3A_409 = tpu.vector_load %arg5[%get3A_407, %get3A_408] {strides = array<i32>} : memref<128x128xf32, #tpu.memory_space<vmem>>, vector<1x16xf32>,
          %get3A_410 = vector.shape_cast %get3A_409 : vector<1x16xf32> to vector<16xf32>
          %add3A_411 = arith.addf %add3A_365, %get3A_410 : vector<16xf32>
          %get3A_412 = arith.index_cast %add3A_401 : i32 to index
          %get3A_413 = arith.constant 32 : index
          %get3A_414 = tpu.vector_load %arg5[%get3A_412, %get3A_413] {strides = array<i32>} : memref<128x128xf32, #tpu.memory_space<vmem>>, vector<1x16xf32>,
          %get3A_415 = vector.shape_cast %get3A_414 : vector<1x16xf32> to vector<16xf32>
          %add3A_416 = arith.addf %add3A_370, %get3A_415 : vector<16xf32>
          %get3A_417 = arith.index_cast %add3A_401 : i32 to index
          %get3A_418 = arith.constant 48 : index
          %get3A_419 = tpu.vector_load %arg5[%get3A_417, %get3A_418] {strides = array<i32>} : memref<128x128xf32, #tpu.memory_space<vmem>>, vector<1x16xf32>,
          %get3A_420 = vector.shape_cast %get3A_419 : vector<1x16xf32> to vector<16xf32>
          %add3A_421 = arith.addf %add3A_375, %get3A_420 : vector<16xf32>
          %get3A_422 = arith.index_cast %add3A_401 : i32 to index
          %get3A_423 = arith.constant 64 : index
          %get3A_424 = tpu.vector_load %arg5[%get3A_422, %get3A_423] {strides = array<i32>} : memref<128x128xf32, #tpu.memory_space<vmem>>, vector<1x16xf32>,
          %get3A_425 = vector.shape_cast %get3A_424 : vector<1x16xf32> to vector<16xf32>
          %add3A_426 = arith.addf %add3A_380, %get3A_425 : vector<16xf32>
          %get3A_427 = arith.index_cast %add3A_401 : i32 to index
          %get3A_428 = arith.constant 80 : index
          %get3A_429 = tpu.vector_load %arg5[%get3A_427, %get3A_428] {strides = array<i32>} : memref<128x128xf32, #tpu.memory_space<vmem>>, vector<1x16xf32>,
          %get3A_430 = vector.shape_cast %get3A_429 : vector<1x16xf32> to vector<16xf32>
          %add3A_431 = arith.addf %add3A_385, %get3A_430 : vector<16xf32>
          %get3A_432 = arith.index_cast %add3A_401 : i32 to index
          %get3A_433 = arith.constant 96 : index
          %get3A_434 = tpu.vector_load %arg5[%get3A_432, %get3A_433] {strides = array<i32>} : memref<128x128xf32, #tpu.memory_space<vmem>>, vector<1x16xf32>,
          %get3A_435 = vector.shape_cast %get3A_434 : vector<1x16xf32> to vector<16xf32>
          %add3A_436 = arith.addf %add3A_390, %get3A_435 : vector<16xf32>
          %get3A_437 = arith.index_cast %add3A_401 : i32 to index
          %get3A_438 = arith.constant 112 : index
          %get3A_439 = tpu.vector_load %arg5[%get3A_437, %get3A_438] {strides = array<i32>} : memref<128x128xf32, #tpu.memory_space<vmem>>, vector<1x16xf32>,
          %get3A_440 = vector.shape_cast %get3A_439 : vector<1x16xf32> to vector<16xf32>
          %add3A_441 = arith.addf %add3A_395, %get3A_440 : vector<16xf32>
          %mul3A_442 = arith.constant 4 : i32
          %mul3A_443 = arith.muli %scan3A_296, %mul3A_442 : i32
          %add3A_444 = arith.constant 0 : i32
          %add3A_445 = arith.addi %add3A_444, %mul3A_443 : i32
          %add3A_446 = arith.constant 3 : i32
          %add3A_447 = arith.addi %add3A_445, %add3A_446 : i32
          %get3A_448 = arith.index_cast %add3A_447 : i32 to index
          %get3A_449 = arith.constant 0 : index
          %get3A_450 = tpu.vector_load %arg5[%get3A_448, %get3A_449] {strides = array<i32>} : memref<128x128xf32, #tpu.memory_space<vmem>>, vector<1x16xf32>,
          %get3A_451 = vector.shape_cast %get3A_450 : vector<1x16xf32> to vector<16xf32>
          %add3A_452 = arith.addf %add3A_406, %get3A_451 : vector<16xf32>
          %get3A_453 = arith.index_cast %add3A_447 : i32 to index
          %get3A_454 = arith.constant 16 : index
          %get3A_455 = tpu.vector_load %arg5[%get3A_453, %get3A_454] {strides = array<i32>} : memref<128x128xf32, #tpu.memory_space<vmem>>, vector<1x16xf32>,
          %get3A_456 = vector.shape_cast %get3A_455 : vector<1x16xf32> to vector<16xf32>
          %add3A_457 = arith.addf %add3A_411, %get3A_456 : vector<16xf32>
          %get3A_458 = arith.index_cast %add3A_447 : i32 to index
          %get3A_459 = arith.constant 32 : index
          %get3A_460 = tpu.vector_load %arg5[%get3A_458, %get3A_459] {strides = array<i32>} : memref<128x128xf32, #tpu.memory_space<vmem>>, vector<1x16xf32>,
          %get3A_461 = vector.shape_cast %get3A_460 : vector<1x16xf32> to vector<16xf32>
          %add3A_462 = arith.addf %add3A_416, %get3A_461 : vector<16xf32>
          %get3A_463 = arith.index_cast %add3A_447 : i32 to index
          %get3A_464 = arith.constant 48 : index
          %get3A_465 = tpu.vector_load %arg5[%get3A_463, %get3A_464] {strides = array<i32>} : memref<128x128xf32, #tpu.memory_space<vmem>>, vector<1x16xf32>,
          %get3A_466 = vector.shape_cast %get3A_465 : vector<1x16xf32> to vector<16xf32>
          %add3A_467 = arith.addf %add3A_421, %get3A_466 : vector<16xf32>
          %get3A_468 = arith.index_cast %add3A_447 : i32 to index
          %get3A_469 = arith.constant 64 : index
          %get3A_470 = tpu.vector_load %arg5[%get3A_468, %get3A_469] {strides = array<i32>} : memref<128x128xf32, #tpu.memory_space<vmem>>, vector<1x16xf32>,
          %get3A_471 = vector.shape_cast %get3A_470 : vector<1x16xf32> to vector<16xf32>
          %add3A_472 = arith.addf %add3A_426, %get3A_471 : vector<16xf32>
          %get3A_473 = arith.index_cast %add3A_447 : i32 to index
          %get3A_474 = arith.constant 80 : index
          %get3A_475 = tpu.vector_load %arg5[%get3A_473, %get3A_474] {strides = array<i32>} : memref<128x128xf32, #tpu.memory_space<vmem>>, vector<1x16xf32>,
          %get3A_476 = vector.shape_cast %get3A_475 : vector<1x16xf32> to vector<16xf32>
          %add3A_477 = arith.addf %add3A_431, %get3A_476 : vector<16xf32>
          %get3A_478 = arith.index_cast %add3A_447 : i32 to index
          %get3A_479 = arith.constant 96 : index
          %get3A_480 = tpu.vector_load %arg5[%get3A_478, %get3A_479] {strides = array<i32>} : memref<128x128xf32, #tpu.memory_space<vmem>>, vector<1x16xf32>,
          %get3A_481 = vector.shape_cast %get3A_480 : vector<1x16xf32> to vector<16xf32>
          %add3A_482 = arith.addf %add3A_436, %get3A_481 : vector<16xf32>
          %get3A_483 = arith.index_cast %add3A_447 : i32 to index
          %get3A_484 = arith.constant 112 : index
          %get3A_485 = tpu.vector_load %arg5[%get3A_483, %get3A_484] {strides = array<i32>} : memref<128x128xf32, #tpu.memory_space<vmem>>, vector<1x16xf32>,
          %get3A_486 = vector.shape_cast %get3A_485 : vector<1x16xf32> to vector<16xf32>
          %add3A_487 = arith.addf %add3A_441, %get3A_486 : vector<16xf32>
          scf.yield %add3A_452, %add3A_457, %add3A_462, %add3A_467, %add3A_472, %add3A_477, %add3A_482, %add3A_487 : vector<16xf32>, vector<16xf32>, vector<16xf32>, vector<16xf32>, vector<16xf32>, vector<16xf32>, vector<16xf32>, vector<16xf32>
        }
        %scan3A_76 = arith.constant 8 : i32
        %swap3A = arith.constant 0 : i32
        %swap3A_77 = arith.index_cast %swap3A : i32 to index
        %swap3A_78 = arith.constant 0 : index
        %swap3A_79 = tpu.vector_load %arg6[%swap3A_77, %swap3A_78] {strides = array<i32>} : memref<4x128xf32, #tpu.memory_space<vmem>>, vector<1x16xf32>,
        %swap3A_80 = vector.shape_cast %swap3A_79 : vector<1x16xf32> to vector<16xf32>
        %swap3A_81 = vector.shape_cast %scan3A_75#0 : vector<16xf32> to vector<1x16xf32>
        tpu.vector_store %arg6[%swap3A_77, %swap3A_78], %swap3A_81 {strides = array<i32>} : memref<4x128xf32, #tpu.memory_space<vmem>>, vector<1x16xf32>,
        %swap3A_82 = arith.constant 0 : i32
        %swap3A_83 = arith.index_cast %swap3A_82 : i32 to index
        %swap3A_84 = arith.constant 16 : index
        %swap3A_85 = tpu.vector_load %arg6[%swap3A_83, %swap3A_84] {strides = array<i32>} : memref<4x128xf32, #tpu.memory_space<vmem>>, vector<1x16xf32>,
        %swap3A_86 = vector.shape_cast %swap3A_85 : vector<1x16xf32> to vector<16xf32>
        %swap3A_87 = vector.shape_cast %scan3A_75#1 : vector<16xf32> to vector<1x16xf32>
        tpu.vector_store %arg6[%swap3A_83, %swap3A_84], %swap3A_87 {strides = array<i32>} : memref<4x128xf32, #tpu.memory_space<vmem>>, vector<1x16xf32>,
        %swap3A_88 = arith.constant 0 : i32
        %swap3A_89 = arith.index_cast %swap3A_88 : i32 to index
        %swap3A_90 = arith.constant 32 : index
        %swap3A_91 = tpu.vector_load %arg6[%swap3A_89, %swap3A_90] {strides = array<i32>} : memref<4x128xf32, #tpu.memory_space<vmem>>, vector<1x16xf32>,
        %swap3A_92 = vector.shape_cast %swap3A_91 : vector<1x16xf32> to vector<16xf32>
        %swap3A_93 = vector.shape_cast %scan3A_75#2 : vector<16xf32> to vector<1x16xf32>
        tpu.vector_store %arg6[%swap3A_89, %swap3A_90], %swap3A_93 {strides = array<i32>} : memref<4x128xf32, #tpu.memory_space<vmem>>, vector<1x16xf32>,
        %swap3A_94 = arith.constant 0 : i32
        %swap3A_95 = arith.index_cast %swap3A_94 : i32 to index
        %swap3A_96 = arith.constant 48 : index
        %swap3A_97 = tpu.vector_load %arg6[%swap3A_95, %swap3A_96] {strides = array<i32>} : memref<4x128xf32, #tpu.memory_space<vmem>>, vector<1x16xf32>,
        %swap3A_98 = vector.shape_cast %swap3A_97 : vector<1x16xf32> to vector<16xf32>
        %swap3A_99 = vector.shape_cast %scan3A_75#3 : vector<16xf32> to vector<1x16xf32>
        tpu.vector_store %arg6[%swap3A_95, %swap3A_96], %swap3A_99 {strides = array<i32>} : memref<4x128xf32, #tpu.memory_space<vmem>>, vector<1x16xf32>,
        %swap3A_100 = arith.constant 0 : i32
        %swap3A_101 = arith.index_cast %swap3A_100 : i32 to index
        %swap3A_102 = arith.constant 64 : index
        %swap3A_103 = tpu.vector_load %arg6[%swap3A_101, %swap3A_102] {strides = array<i32>} : memref<4x128xf32, #tpu.memory_space<vmem>>, vector<1x16xf32>,
        %swap3A_104 = vector.shape_cast %swap3A_103 : vector<1x16xf32> to vector<16xf32>
        %swap3A_105 = vector.shape_cast %scan3A_75#4 : vector<16xf32> to vector<1x16xf32>
        tpu.vector_store %arg6[%swap3A_101, %swap3A_102], %swap3A_105 {strides = array<i32>} : memref<4x128xf32, #tpu.memory_space<vmem>>, vector<1x16xf32>,
        %swap3A_106 = arith.constant 0 : i32
        %swap3A_107 = arith.index_cast %swap3A_106 : i32 to index
        %swap3A_108 = arith.constant 80 : index
        %swap3A_109 = tpu.vector_load %arg6[%swap3A_107, %swap3A_108] {strides = array<i32>} : memref<4x128xf32, #tpu.memory_space<vmem>>, vector<1x16xf32>,
        %swap3A_110 = vector.shape_cast %swap3A_109 : vector<1x16xf32> to vector<16xf32>
        %swap3A_111 = vector.shape_cast %scan3A_75#5 : vector<16xf32> to vector<1x16xf32>
        tpu.vector_store %arg6[%swap3A_107, %swap3A_108], %swap3A_111 {strides = array<i32>} : memref<4x128xf32, #tpu.memory_space<vmem>>, vector<1x16xf32>,
        %swap3A_112 = arith.constant 0 : i32
        %swap3A_113 = arith.index_cast %swap3A_112 : i32 to index
        %swap3A_114 = arith.constant 96 : index
        %swap3A_115 = tpu.vector_load %arg6[%swap3A_113, %swap3A_114] {strides = array<i32>} : memref<4x128xf32, #tpu.memory_space<vmem>>, vector<1x16xf32>,
        %swap3A_116 = vector.shape_cast %swap3A_115 : vector<1x16xf32> to vector<16xf32>
        %swap3A_117 = vector.shape_cast %scan3A_75#6 : vector<16xf32> to vector<1x16xf32>
        tpu.vector_store %arg6[%swap3A_113, %swap3A_114], %swap3A_117 {strides = array<i32>} : memref<4x128xf32, #tpu.memory_space<vmem>>, vector<1x16xf32>,
        %swap3A_118 = arith.constant 0 : i32
        %swap3A_119 = arith.index_cast %swap3A_118 : i32 to index
        %swap3A_120 = arith.constant 112 : index
        %swap3A_121 = tpu.vector_load %arg6[%swap3A_119, %swap3A_120] {strides = array<i32>} : memref<4x128xf32, #tpu.memory_space<vmem>>, vector<1x16xf32>,
        %swap3A_122 = vector.shape_cast %swap3A_121 : vector<1x16xf32> to vector<16xf32>
        %swap3A_123 = vector.shape_cast %scan3A_75#7 : vector<16xf32> to vector<1x16xf32>
        tpu.vector_store %arg6[%swap3A_119, %swap3A_120], %swap3A_123 {strides = array<i32>} : memref<4x128xf32, #tpu.memory_space<vmem>>, vector<1x16xf32>,
        %broadcast_in_dim3A_124 = arith.constant 0.000000e+00 : f32
        %broadcast_in_dim3A_125 = vector.broadcast %broadcast_in_dim3A_124 : f32 to vector<16xf32>
        %scan3A_126 = arith.constant 0 : i32
        %scan3A_127 = arith.constant 8 : i32
        %scan3A_128 = arith.addi %scan3A_126, %scan3A_127 : i32
        %scan3A_129 = arith.constant 1 : i32
        %scan3A_130:8 = scf.for %scan3A_296 = %scan3A_126 to %scan3A_128 step %scan3A_129 iter_args(%scan3A_297 = %broadcast_in_dim3A_125, %scan3A_298 = %broadcast_in_dim3A_125, %scan3A_299 = %broadcast_in_dim3A_125, %scan3A_300 = %broadcast_in_dim3A_125, %scan3A_301 = %broadcast_in_dim3A_125, %scan3A_302 = %broadcast_in_dim3A_125, %scan3A_303 = %broadcast_in_dim3A_125, %scan3A_304 = %broadcast_in_dim3A_125) -> (vector<16xf32>, vector<16xf32>, vector<16xf32>, vector<16xf32>, vector<16xf32>, vector<16xf32>, vector<16xf32>, vector<16xf32>)  : i32 {
          %mul3A_305 = arith.constant 4 : i32
          %mul3A_306 = arith.muli %scan3A_296, %mul3A_305 : i32
          %add3A_307 = arith.constant 32 : i32
          %add3A_308 = arith.addi %add3A_307, %mul3A_306 : i32
          %add3A_309 = arith.constant 0 : i32
          %add3A_310 = arith.addi %add3A_308, %add3A_309 : i32
          %get3A = arith.index_cast %add3A_310 : i32 to index
          %get3A_311 = arith.constant 0 : index
          %get3A_312 = tpu.vector_load %arg5[%get3A, %get3A_311] {strides = array<i32>} : memref<128x128xf32, #tpu.memory_space<vmem>>, vector<1x16xf32>,
          %get3A_313 = vector.shape_cast %get3A_312 : vector<1x16xf32> to vector<16xf32>
          %add3A_314 = arith.addf %scan3A_297, %get3A_313 : vector<16xf32>
          %get3A_315 = arith.index_cast %add3A_310 : i32 to index
          %get3A_316 = arith.constant 16 : index
          %get3A_317 = tpu.vector_load %arg5[%get3A_315, %get3A_316] {strides = array<i32>} : memref<128x128xf32, #tpu.memory_space<vmem>>, vector<1x16xf32>,
          %get3A_318 = vector.shape_cast %get3A_317 : vector<1x16xf32> to vector<16xf32>
          %add3A_319 = arith.addf %scan3A_298, %get3A_318 : vector<16xf32>
          %get3A_320 = arith.index_cast %add3A_310 : i32 to index
          %get3A_321 = arith.constant 32 : index
          %get3A_322 = tpu.vector_load %arg5[%get3A_320, %get3A_321] {strides = array<i32>} : memref<128x128xf32, #tpu.memory_space<vmem>>, vector<1x16xf32>,
          %get3A_323 = vector.shape_cast %get3A_322 : vector<1x16xf32> to vector<16xf32>
          %add3A_324 = arith.addf %scan3A_299, %get3A_323 : vector<16xf32>
          %get3A_325 = arith.index_cast %add3A_310 : i32 to index
          %get3A_326 = arith.constant 48 : index
          %get3A_327 = tpu.vector_load %arg5[%get3A_325, %get3A_326] {strides = array<i32>} : memref<128x128xf32, #tpu.memory_space<vmem>>, vector<1x16xf32>,
          %get3A_328 = vector.shape_cast %get3A_327 : vector<1x16xf32> to vector<16xf32>
          %add3A_329 = arith.addf %scan3A_300, %get3A_328 : vector<16xf32>
          %get3A_330 = arith.index_cast %add3A_310 : i32 to index
          %get3A_331 = arith.constant 64 : index
          %get3A_332 = tpu.vector_load %arg5[%get3A_330, %get3A_331] {strides = array<i32>} : memref<128x128xf32, #tpu.memory_space<vmem>>, vector<1x16xf32>,
          %get3A_333 = vector.shape_cast %get3A_332 : vector<1x16xf32> to vector<16xf32>
          %add3A_334 = arith.addf %scan3A_301, %get3A_333 : vector<16xf32>
          %get3A_335 = arith.index_cast %add3A_310 : i32 to index
          %get3A_336 = arith.constant 80 : index
          %get3A_337 = tpu.vector_load %arg5[%get3A_335, %get3A_336] {strides = array<i32>} : memref<128x128xf32, #tpu.memory_space<vmem>>, vector<1x16xf32>,
          %get3A_338 = vector.shape_cast %get3A_337 : vector<1x16xf32> to vector<16xf32>
          %add3A_339 = arith.addf %scan3A_302, %get3A_338 : vector<16xf32>
          %get3A_340 = arith.index_cast %add3A_310 : i32 to index
          %get3A_341 = arith.constant 96 : index
          %get3A_342 = tpu.vector_load %arg5[%get3A_340, %get3A_341] {strides = array<i32>} : memref<128x128xf32, #tpu.memory_space<vmem>>, vector<1x16xf32>,
          %get3A_343 = vector.shape_cast %get3A_342 : vector<1x16xf32> to vector<16xf32>
          %add3A_344 = arith.addf %scan3A_303, %get3A_343 : vector<16xf32>
          %get3A_345 = arith.index_cast %add3A_310 : i32 to index
          %get3A_346 = arith.constant 112 : index
          %get3A_347 = tpu.vector_load %arg5[%get3A_345, %get3A_346] {strides = array<i32>} : memref<128x128xf32, #tpu.memory_space<vmem>>, vector<1x16xf32>,
          %get3A_348 = vector.shape_cast %get3A_347 : vector<1x16xf32> to vector<16xf32>
          %add3A_349 = arith.addf %scan3A_304, %get3A_348 : vector<16xf32>
          %mul3A_350 = arith.constant 4 : i32
          %mul3A_351 = arith.muli %scan3A_296, %mul3A_350 : i32
          %add3A_352 = arith.constant 32 : i32
          %add3A_353 = arith.addi %add3A_352, %mul3A_351 : i32
          %add3A_354 = arith.constant 1 : i32
          %add3A_355 = arith.addi %add3A_353, %add3A_354 : i32
          %get3A_356 = arith.index_cast %add3A_355 : i32 to index
          %get3A_357 = arith.constant 0 : index
          %get3A_358 = tpu.vector_load %arg5[%get3A_356, %get3A_357] {strides = array<i32>} : memref<128x128xf32, #tpu.memory_space<vmem>>, vector<1x16xf32>,
          %get3A_359 = vector.shape_cast %get3A_358 : vector<1x16xf32> to vector<16xf32>
          %add3A_360 = arith.addf %add3A_314, %get3A_359 : vector<16xf32>
          %get3A_361 = arith.index_cast %add3A_355 : i32 to index
          %get3A_362 = arith.constant 16 : index
          %get3A_363 = tpu.vector_load %arg5[%get3A_361, %get3A_362] {strides = array<i32>} : memref<128x128xf32, #tpu.memory_space<vmem>>, vector<1x16xf32>,
          %get3A_364 = vector.shape_cast %get3A_363 : vector<1x16xf32> to vector<16xf32>
          %add3A_365 = arith.addf %add3A_319, %get3A_364 : vector<16xf32>
          %get3A_366 = arith.index_cast %add3A_355 : i32 to index
          %get3A_367 = arith.constant 32 : index
          %get3A_368 = tpu.vector_load %arg5[%get3A_366, %get3A_367] {strides = array<i32>} : memref<128x128xf32, #tpu.memory_space<vmem>>, vector<1x16xf32>,
          %get3A_369 = vector.shape_cast %get3A_368 : vector<1x16xf32> to vector<16xf32>
          %add3A_370 = arith.addf %add3A_324, %get3A_369 : vector<16xf32>
          %get3A_371 = arith.index_cast %add3A_355 : i32 to index
          %get3A_372 = arith.constant 48 : index
          %get3A_373 = tpu.vector_load %arg5[%get3A_371, %get3A_372] {strides = array<i32>} : memref<128x128xf32, #tpu.memory_space<vmem>>, vector<1x16xf32>,
          %get3A_374 = vector.shape_cast %get3A_373 : vector<1x16xf32> to vector<16xf32>
          %add3A_375 = arith.addf %add3A_329, %get3A_374 : vector<16xf32>
          %get3A_376 = arith.index_cast %add3A_355 : i32 to index
          %get3A_377 = arith.constant 64 : index
          %get3A_378 = tpu.vector_load %arg5[%get3A_376, %get3A_377] {strides = array<i32>} : memref<128x128xf32, #tpu.memory_space<vmem>>, vector<1x16xf32>,
          %get3A_379 = vector.shape_cast %get3A_378 : vector<1x16xf32> to vector<16xf32>
          %add3A_380 = arith.addf %add3A_334, %get3A_379 : vector<16xf32>
          %get3A_381 = arith.index_cast %add3A_355 : i32 to index
          %get3A_382 = arith.constant 80 : index
          %get3A_383 = tpu.vector_load %arg5[%get3A_381, %get3A_382] {strides = array<i32>} : memref<128x128xf32, #tpu.memory_space<vmem>>, vector<1x16xf32>,
          %get3A_384 = vector.shape_cast %get3A_383 : vector<1x16xf32> to vector<16xf32>
          %add3A_385 = arith.addf %add3A_339, %get3A_384 : vector<16xf32>
          %get3A_386 = arith.index_cast %add3A_355 : i32 to index
          %get3A_387 = arith.constant 96 : index
          %get3A_388 = tpu.vector_load %arg5[%get3A_386, %get3A_387] {strides = array<i32>} : memref<128x128xf32, #tpu.memory_space<vmem>>, vector<1x16xf32>,
          %get3A_389 = vector.shape_cast %get3A_388 : vector<1x16xf32> to vector<16xf32>
          %add3A_390 = arith.addf %add3A_344, %get3A_389 : vector<16xf32>
          %get3A_391 = arith.index_cast %add3A_355 : i32 to index
          %get3A_392 = arith.constant 112 : index
          %get3A_393 = tpu.vector_load %arg5[%get3A_391, %get3A_392] {strides = array<i32>} : memref<128x128xf32, #tpu.memory_space<vmem>>, vector<1x16xf32>,
          %get3A_394 = vector.shape_cast %get3A_393 : vector<1x16xf32> to vector<16xf32>
          %add3A_395 = arith.addf %add3A_349, %get3A_394 : vector<16xf32>
          %mul3A_396 = arith.constant 4 : i32
          %mul3A_397 = arith.muli %scan3A_296, %mul3A_396 : i32
          %add3A_398 = arith.constant 32 : i32
          %add3A_399 = arith.addi %add3A_398, %mul3A_397 : i32
          %add3A_400 = arith.constant 2 : i32
          %add3A_401 = arith.addi %add3A_399, %add3A_400 : i32
          %get3A_402 = arith.index_cast %add3A_401 : i32 to index
          %get3A_403 = arith.constant 0 : index
          %get3A_404 = tpu.vector_load %arg5[%get3A_402, %get3A_403] {strides = array<i32>} : memref<128x128xf32, #tpu.memory_space<vmem>>, vector<1x16xf32>,
          %get3A_405 = vector.shape_cast %get3A_404 : vector<1x16xf32> to vector<16xf32>
          %add3A_406 = arith.addf %add3A_360, %get3A_405 : vector<16xf32>
          %get3A_407 = arith.index_cast %add3A_401 : i32 to index
          %get3A_408 = arith.constant 16 : index
          %get3A_409 = tpu.vector_load %arg5[%get3A_407, %get3A_408] {strides = array<i32>} : memref<128x128xf32, #tpu.memory_space<vmem>>, vector<1x16xf32>,
          %get3A_410 = vector.shape_cast %get3A_409 : vector<1x16xf32> to vector<16xf32>
          %add3A_411 = arith.addf %add3A_365, %get3A_410 : vector<16xf32>
          %get3A_412 = arith.index_cast %add3A_401 : i32 to index
          %get3A_413 = arith.constant 32 : index
          %get3A_414 = tpu.vector_load %arg5[%get3A_412, %get3A_413] {strides = array<i32>} : memref<128x128xf32, #tpu.memory_space<vmem>>, vector<1x16xf32>,
          %get3A_415 = vector.shape_cast %get3A_414 : vector<1x16xf32> to vector<16xf32>
          %add3A_416 = arith.addf %add3A_370, %get3A_415 : vector<16xf32>
          %get3A_417 = arith.index_cast %add3A_401 : i32 to index
          %get3A_418 = arith.constant 48 : index
          %get3A_419 = tpu.vector_load %arg5[%get3A_417, %get3A_418] {strides = array<i32>} : memref<128x128xf32, #tpu.memory_space<vmem>>, vector<1x16xf32>,
          %get3A_420 = vector.shape_cast %get3A_419 : vector<1x16xf32> to vector<16xf32>
          %add3A_421 = arith.addf %add3A_375, %get3A_420 : vector<16xf32>
          %get3A_422 = arith.index_cast %add3A_401 : i32 to index
          %get3A_423 = arith.constant 64 : index
          %get3A_424 = tpu.vector_load %arg5[%get3A_422, %get3A_423] {strides = array<i32>} : memref<128x128xf32, #tpu.memory_space<vmem>>, vector<1x16xf32>,
          %get3A_425 = vector.shape_cast %get3A_424 : vector<1x16xf32> to vector<16xf32>
          %add3A_426 = arith.addf %add3A_380, %get3A_425 : vector<16xf32>
          %get3A_427 = arith.index_cast %add3A_401 : i32 to index
          %get3A_428 = arith.constant 80 : index
          %get3A_429 = tpu.vector_load %arg5[%get3A_427, %get3A_428] {strides = array<i32>} : memref<128x128xf32, #tpu.memory_space<vmem>>, vector<1x16xf32>,
          %get3A_430 = vector.shape_cast %get3A_429 : vector<1x16xf32> to vector<16xf32>
          %add3A_431 = arith.addf %add3A_385, %get3A_430 : vector<16xf32>
          %get3A_432 = arith.index_cast %add3A_401 : i32 to index
          %get3A_433 = arith.constant 96 : index
          %get3A_434 = tpu.vector_load %arg5[%get3A_432, %get3A_433] {strides = array<i32>} : memref<128x128xf32, #tpu.memory_space<vmem>>, vector<1x16xf32>,
          %get3A_435 = vector.shape_cast %get3A_434 : vector<1x16xf32> to vector<16xf32>
          %add3A_436 = arith.addf %add3A_390, %get3A_435 : vector<16xf32>
          %get3A_437 = arith.index_cast %add3A_401 : i32 to index
          %get3A_438 = arith.constant 112 : index
          %get3A_439 = tpu.vector_load %arg5[%get3A_437, %get3A_438] {strides = array<i32>} : memref<128x128xf32, #tpu.memory_space<vmem>>, vector<1x16xf32>,
          %get3A_440 = vector.shape_cast %get3A_439 : vector<1x16xf32> to vector<16xf32>
          %add3A_441 = arith.addf %add3A_395, %get3A_440 : vector<16xf32>
          %mul3A_442 = arith.constant 4 : i32
          %mul3A_443 = arith.muli %scan3A_296, %mul3A_442 : i32
          %add3A_444 = arith.constant 32 : i32
          %add3A_445 = arith.addi %add3A_444, %mul3A_443 : i32
          %add3A_446 = arith.constant 3 : i32
          %add3A_447 = arith.addi %add3A_445, %add3A_446 : i32
          %get3A_448 = arith.index_cast %add3A_447 : i32 to index
          %get3A_449 = arith.constant 0 : index
          %get3A_450 = tpu.vector_load %arg5[%get3A_448, %get3A_449] {strides = array<i32>} : memref<128x128xf32, #tpu.memory_space<vmem>>, vector<1x16xf32>,
          %get3A_451 = vector.shape_cast %get3A_450 : vector<1x16xf32> to vector<16xf32>
          %add3A_452 = arith.addf %add3A_406, %get3A_451 : vector<16xf32>
          %get3A_453 = arith.index_cast %add3A_447 : i32 to index
          %get3A_454 = arith.constant 16 : index
          %get3A_455 = tpu.vector_load %arg5[%get3A_453, %get3A_454] {strides = array<i32>} : memref<128x128xf32, #tpu.memory_space<vmem>>, vector<1x16xf32>,
          %get3A_456 = vector.shape_cast %get3A_455 : vector<1x16xf32> to vector<16xf32>
          %add3A_457 = arith.addf %add3A_411, %get3A_456 : vector<16xf32>
          %get3A_458 = arith.index_cast %add3A_447 : i32 to index
          %get3A_459 = arith.constant 32 : index
          %get3A_460 = tpu.vector_load %arg5[%get3A_458, %get3A_459] {strides = array<i32>} : memref<128x128xf32, #tpu.memory_space<vmem>>, vector<1x16xf32>,
          %get3A_461 = vector.shape_cast %get3A_460 : vector<1x16xf32> to vector<16xf32>
          %add3A_462 = arith.addf %add3A_416, %get3A_461 : vector<16xf32>
          %get3A_463 = arith.index_cast %add3A_447 : i32 to index
          %get3A_464 = arith.constant 48 : index
          %get3A_465 = tpu.vector_load %arg5[%get3A_463, %get3A_464] {strides = array<i32>} : memref<128x128xf32, #tpu.memory_space<vmem>>, vector<1x16xf32>,
          %get3A_466 = vector.shape_cast %get3A_465 : vector<1x16xf32> to vector<16xf32>
          %add3A_467 = arith.addf %add3A_421, %get3A_466 : vector<16xf32>
          %get3A_468 = arith.index_cast %add3A_447 : i32 to index
          %get3A_469 = arith.constant 64 : index
          %get3A_470 = tpu.vector_load %arg5[%get3A_468, %get3A_469] {strides = array<i32>} : memref<128x128xf32, #tpu.memory_space<vmem>>, vector<1x16xf32>,
          %get3A_471 = vector.shape_cast %get3A_470 : vector<1x16xf32> to vector<16xf32>
          %add3A_472 = arith.addf %add3A_426, %get3A_471 : vector<16xf32>
          %get3A_473 = arith.index_cast %add3A_447 : i32 to index
          %get3A_474 = arith.constant 80 : index
          %get3A_475 = tpu.vector_load %arg5[%get3A_473, %get3A_474] {strides = array<i32>} : memref<128x128xf32, #tpu.memory_space<vmem>>, vector<1x16xf32>,
          %get3A_476 = vector.shape_cast %get3A_475 : vector<1x16xf32> to vector<16xf32>
          %add3A_477 = arith.addf %add3A_431, %get3A_476 : vector<16xf32>
          %get3A_478 = arith.index_cast %add3A_447 : i32 to index
          %get3A_479 = arith.constant 96 : index
          %get3A_480 = tpu.vector_load %arg5[%get3A_478, %get3A_479] {strides = array<i32>} : memref<128x128xf32, #tpu.memory_space<vmem>>, vector<1x16xf32>,
          %get3A_481 = vector.shape_cast %get3A_480 : vector<1x16xf32> to vector<16xf32>
          %add3A_482 = arith.addf %add3A_436, %get3A_481 : vector<16xf32>
          %get3A_483 = arith.index_cast %add3A_447 : i32 to index
          %get3A_484 = arith.constant 112 : index
          %get3A_485 = tpu.vector_load %arg5[%get3A_483, %get3A_484] {strides = array<i32>} : memref<128x128xf32, #tpu.memory_space<vmem>>, vector<1x16xf32>,
          %get3A_486 = vector.shape_cast %get3A_485 : vector<1x16xf32> to vector<16xf32>
          %add3A_487 = arith.addf %add3A_441, %get3A_486 : vector<16xf32>
          scf.yield %add3A_452, %add3A_457, %add3A_462, %add3A_467, %add3A_472, %add3A_477, %add3A_482, %add3A_487 : vector<16xf32>, vector<16xf32>, vector<16xf32>, vector<16xf32>, vector<16xf32>, vector<16xf32>, vector<16xf32>, vector<16xf32>
        }
        %scan3A_131 = arith.constant 8 : i32
        %swap3A_132 = arith.constant 1 : i32
        %swap3A_133 = arith.index_cast %swap3A_132 : i32 to index
        %swap3A_134 = arith.constant 0 : index
        %swap3A_135 = tpu.vector_load %arg6[%swap3A_133, %swap3A_134] {strides = array<i32>} : memref<4x128xf32, #tpu.memory_space<vmem>>, vector<1x16xf32>,
        %swap3A_136 = vector.shape_cast %swap3A_135 : vector<1x16xf32> to vector<16xf32>
        %swap3A_137 = vector.shape_cast %scan3A_130#0 : vector<16xf32> to vector<1x16xf32>
        tpu.vector_store %arg6[%swap3A_133, %swap3A_134], %swap3A_137 {strides = array<i32>} : memref<4x128xf32, #tpu.memory_space<vmem>>, vector<1x16xf32>,
        %swap3A_138 = arith.constant 1 : i32
        %swap3A_139 = arith.index_cast %swap3A_138 : i32 to index
        %swap3A_140 = arith.constant 16 : index
        %swap3A_141 = tpu.vector_load %arg6[%swap3A_139, %swap3A_140] {strides = array<i32>} : memref<4x128xf32, #tpu.memory_space<vmem>>, vector<1x16xf32>,
        %swap3A_142 = vector.shape_cast %swap3A_141 : vector<1x16xf32> to vector<16xf32>
        %swap3A_143 = vector.shape_cast %scan3A_130#1 : vector<16xf32> to vector<1x16xf32>
        tpu.vector_store %arg6[%swap3A_139, %swap3A_140], %swap3A_143 {strides = array<i32>} : memref<4x128xf32, #tpu.memory_space<vmem>>, vector<1x16xf32>,
        %swap3A_144 = arith.constant 1 : i32
        %swap3A_145 = arith.index_cast %swap3A_144 : i32 to index
        %swap3A_146 = arith.constant 32 : index
        %swap3A_147 = tpu.vector_load %arg6[%swap3A_145, %swap3A_146] {strides = array<i32>} : memref<4x128xf32, #tpu.memory_space<vmem>>, vector<1x16xf32>,
        %swap3A_148 = vector.shape_cast %swap3A_147 : vector<1x16xf32> to vector<16xf32>
        %swap3A_149 = vector.shape_cast %scan3A_130#2 : vector<16xf32> to vector<1x16xf32>
        tpu.vector_store %arg6[%swap3A_145, %swap3A_146], %swap3A_149 {strides = array<i32>} : memref<4x128xf32, #tpu.memory_space<vmem>>, vector<1x16xf32>,
        %swap3A_150 = arith.constant 1 : i32
        %swap3A_151 = arith.index_cast %swap3A_150 : i32 to index
        %swap3A_152 = arith.constant 48 : index
        %swap3A_153 = tpu.vector_load %arg6[%swap3A_151, %swap3A_152] {strides = array<i32>} : memref<4x128xf32, #tpu.memory_space<vmem>>, vector<1x16xf32>,
        %swap3A_154 = vector.shape_cast %swap3A_153 : vector<1x16xf32> to vector<16xf32>
        %swap3A_155 = vector.shape_cast %scan3A_130#3 : vector<16xf32> to vector<1x16xf32>
        tpu.vector_store %arg6[%swap3A_151, %swap3A_152], %swap3A_155 {strides = array<i32>} : memref<4x128xf32, #tpu.memory_space<vmem>>, vector<1x16xf32>,
        %swap3A_156 = arith.constant 1 : i32
        %swap3A_157 = arith.index_cast %swap3A_156 : i32 to index
        %swap3A_158 = arith.constant 64 : index
        %swap3A_159 = tpu.vector_load %arg6[%swap3A_157, %swap3A_158] {strides = array<i32>} : memref<4x128xf32, #tpu.memory_space<vmem>>, vector<1x16xf32>,
        %swap3A_160 = vector.shape_cast %swap3A_159 : vector<1x16xf32> to vector<16xf32>
        %swap3A_161 = vector.shape_cast %scan3A_130#4 : vector<16xf32> to vector<1x16xf32>
        tpu.vector_store %arg6[%swap3A_157, %swap3A_158], %swap3A_161 {strides = array<i32>} : memref<4x128xf32, #tpu.memory_space<vmem>>, vector<1x16xf32>,
        %swap3A_162 = arith.constant 1 : i32
        %swap3A_163 = arith.index_cast %swap3A_162 : i32 to index
        %swap3A_164 = arith.constant 80 : index
        %swap3A_165 = tpu.vector_load %arg6[%swap3A_163, %swap3A_164] {strides = array<i32>} : memref<4x128xf32, #tpu.memory_space<vmem>>, vector<1x16xf32>,
        %swap3A_166 = vector.shape_cast %swap3A_165 : vector<1x16xf32> to vector<16xf32>
        %swap3A_167 = vector.shape_cast %scan3A_130#5 : vector<16xf32> to vector<1x16xf32>
        tpu.vector_store %arg6[%swap3A_163, %swap3A_164], %swap3A_167 {strides = array<i32>} : memref<4x128xf32, #tpu.memory_space<vmem>>, vector<1x16xf32>,
        %swap3A_168 = arith.constant 1 : i32
        %swap3A_169 = arith.index_cast %swap3A_168 : i32 to index
        %swap3A_170 = arith.constant 96 : index
        %swap3A_171 = tpu.vector_load %arg6[%swap3A_169, %swap3A_170] {strides = array<i32>} : memref<4x128xf32, #tpu.memory_space<vmem>>, vector<1x16xf32>,
        %swap3A_172 = vector.shape_cast %swap3A_171 : vector<1x16xf32> to vector<16xf32>
        %swap3A_173 = vector.shape_cast %scan3A_130#6 : vector<16xf32> to vector<1x16xf32>
        tpu.vector_store %arg6[%swap3A_169, %swap3A_170], %swap3A_173 {strides = array<i32>} : memref<4x128xf32, #tpu.memory_space<vmem>>, vector<1x16xf32>,
        %swap3A_174 = arith.constant 1 : i32
        %swap3A_175 = arith.index_cast %swap3A_174 : i32 to index
        %swap3A_176 = arith.constant 112 : index
        %swap3A_177 = tpu.vector_load %arg6[%swap3A_175, %swap3A_176] {strides = array<i32>} : memref<4x128xf32, #tpu.memory_space<vmem>>, vector<1x16xf32>,
        %swap3A_178 = vector.shape_cast %swap3A_177 : vector<1x16xf32> to vector<16xf32>
        %swap3A_179 = vector.shape_cast %scan3A_130#7 : vector<16xf32> to vector<1x16xf32>
        tpu.vector_store %arg6[%swap3A_175, %swap3A_176], %swap3A_179 {strides = array<i32>} : memref<4x128xf32, #tpu.memory_space<vmem>>, vector<1x16xf32>,
        %broadcast_in_dim3A_180 = arith.constant 0.000000e+00 : f32
        %broadcast_in_dim3A_181 = vector.broadcast %broadcast_in_dim3A_180 : f32 to vector<16xf32>
        %scan3A_182 = arith.constant 0 : i32
        %scan3A_183 = arith.constant 8 : i32
        %scan3A_184 = arith.addi %scan3A_182, %scan3A_183 : i32
        %scan3A_185 = arith.constant 1 : i32
        %scan3A_186:8 = scf.for %scan3A_296 = %scan3A_182 to %scan3A_184 step %scan3A_185 iter_args(%scan3A_297 = %broadcast_in_dim3A_181, %scan3A_298 = %broadcast_in_dim3A_181, %scan3A_299 = %broadcast_in_dim3A_181, %scan3A_300 = %broadcast_in_dim3A_181, %scan3A_301 = %broadcast_in_dim3A_181, %scan3A_302 = %broadcast_in_dim3A_181, %scan3A_303 = %broadcast_in_dim3A_181, %scan3A_304 = %broadcast_in_dim3A_181) -> (vector<16xf32>, vector<16xf32>, vector<16xf32>, vector<16xf32>, vector<16xf32>, vector<16xf32>, vector<16xf32>, vector<16xf32>)  : i32 {
          %mul3A_305 = arith.constant 4 : i32
          %mul3A_306 = arith.muli %scan3A_296, %mul3A_305 : i32
          %add3A_307 = arith.constant 64 : i32
          %add3A_308 = arith.addi %add3A_307, %mul3A_306 : i32
          %add3A_309 = arith.constant 0 : i32
          %add3A_310 = arith.addi %add3A_308, %add3A_309 : i32
          %get3A = arith.index_cast %add3A_310 : i32 to index
          %get3A_311 = arith.constant 0 : index
          %get3A_312 = tpu.vector_load %arg5[%get3A, %get3A_311] {strides = array<i32>} : memref<128x128xf32, #tpu.memory_space<vmem>>, vector<1x16xf32>,
          %get3A_313 = vector.shape_cast %get3A_312 : vector<1x16xf32> to vector<16xf32>
          %add3A_314 = arith.addf %scan3A_297, %get3A_313 : vector<16xf32>
          %get3A_315 = arith.index_cast %add3A_310 : i32 to index
          %get3A_316 = arith.constant 16 : index
          %get3A_317 = tpu.vector_load %arg5[%get3A_315, %get3A_316] {strides = array<i32>} : memref<128x128xf32, #tpu.memory_space<vmem>>, vector<1x16xf32>,
          %get3A_318 = vector.shape_cast %get3A_317 : vector<1x16xf32> to vector<16xf32>
          %add3A_319 = arith.addf %scan3A_298, %get3A_318 : vector<16xf32>
          %get3A_320 = arith.index_cast %add3A_310 : i32 to index
          %get3A_321 = arith.constant 32 : index
          %get3A_322 = tpu.vector_load %arg5[%get3A_320, %get3A_321] {strides = array<i32>} : memref<128x128xf32, #tpu.memory_space<vmem>>, vector<1x16xf32>,
          %get3A_323 = vector.shape_cast %get3A_322 : vector<1x16xf32> to vector<16xf32>
          %add3A_324 = arith.addf %scan3A_299, %get3A_323 : vector<16xf32>
          %get3A_325 = arith.index_cast %add3A_310 : i32 to index
          %get3A_326 = arith.constant 48 : index
          %get3A_327 = tpu.vector_load %arg5[%get3A_325, %get3A_326] {strides = array<i32>} : memref<128x128xf32, #tpu.memory_space<vmem>>, vector<1x16xf32>,
          %get3A_328 = vector.shape_cast %get3A_327 : vector<1x16xf32> to vector<16xf32>
          %add3A_329 = arith.addf %scan3A_300, %get3A_328 : vector<16xf32>
          %get3A_330 = arith.index_cast %add3A_310 : i32 to index
          %get3A_331 = arith.constant 64 : index
          %get3A_332 = tpu.vector_load %arg5[%get3A_330, %get3A_331] {strides = array<i32>} : memref<128x128xf32, #tpu.memory_space<vmem>>, vector<1x16xf32>,
          %get3A_333 = vector.shape_cast %get3A_332 : vector<1x16xf32> to vector<16xf32>
          %add3A_334 = arith.addf %scan3A_301, %get3A_333 : vector<16xf32>
          %get3A_335 = arith.index_cast %add3A_310 : i32 to index
          %get3A_336 = arith.constant 80 : index
          %get3A_337 = tpu.vector_load %arg5[%get3A_335, %get3A_336] {strides = array<i32>} : memref<128x128xf32, #tpu.memory_space<vmem>>, vector<1x16xf32>,
          %get3A_338 = vector.shape_cast %get3A_337 : vector<1x16xf32> to vector<16xf32>
          %add3A_339 = arith.addf %scan3A_302, %get3A_338 : vector<16xf32>
          %get3A_340 = arith.index_cast %add3A_310 : i32 to index
          %get3A_341 = arith.constant 96 : index
          %get3A_342 = tpu.vector_load %arg5[%get3A_340, %get3A_341] {strides = array<i32>} : memref<128x128xf32, #tpu.memory_space<vmem>>, vector<1x16xf32>,
          %get3A_343 = vector.shape_cast %get3A_342 : vector<1x16xf32> to vector<16xf32>
          %add3A_344 = arith.addf %scan3A_303, %get3A_343 : vector<16xf32>
          %get3A_345 = arith.index_cast %add3A_310 : i32 to index
          %get3A_346 = arith.constant 112 : index
          %get3A_347 = tpu.vector_load %arg5[%get3A_345, %get3A_346] {strides = array<i32>} : memref<128x128xf32, #tpu.memory_space<vmem>>, vector<1x16xf32>,
          %get3A_348 = vector.shape_cast %get3A_347 : vector<1x16xf32> to vector<16xf32>
          %add3A_349 = arith.addf %scan3A_304, %get3A_348 : vector<16xf32>
          %mul3A_350 = arith.constant 4 : i32
          %mul3A_351 = arith.muli %scan3A_296, %mul3A_350 : i32
          %add3A_352 = arith.constant 64 : i32
          %add3A_353 = arith.addi %add3A_352, %mul3A_351 : i32
          %add3A_354 = arith.constant 1 : i32
          %add3A_355 = arith.addi %add3A_353, %add3A_354 : i32
          %get3A_356 = arith.index_cast %add3A_355 : i32 to index
          %get3A_357 = arith.constant 0 : index
          %get3A_358 = tpu.vector_load %arg5[%get3A_356, %get3A_357] {strides = array<i32>} : memref<128x128xf32, #tpu.memory_space<vmem>>, vector<1x16xf32>,
          %get3A_359 = vector.shape_cast %get3A_358 : vector<1x16xf32> to vector<16xf32>
          %add3A_360 = arith.addf %add3A_314, %get3A_359 : vector<16xf32>
          %get3A_361 = arith.index_cast %add3A_355 : i32 to index
          %get3A_362 = arith.constant 16 : index
          %get3A_363 = tpu.vector_load %arg5[%get3A_361, %get3A_362] {strides = array<i32>} : memref<128x128xf32, #tpu.memory_space<vmem>>, vector<1x16xf32>,
          %get3A_364 = vector.shape_cast %get3A_363 : vector<1x16xf32> to vector<16xf32>
          %add3A_365 = arith.addf %add3A_319, %get3A_364 : vector<16xf32>
          %get3A_366 = arith.index_cast %add3A_355 : i32 to index
          %get3A_367 = arith.constant 32 : index
          %get3A_368 = tpu.vector_load %arg5[%get3A_366, %get3A_367] {strides = array<i32>} : memref<128x128xf32, #tpu.memory_space<vmem>>, vector<1x16xf32>,
          %get3A_369 = vector.shape_cast %get3A_368 : vector<1x16xf32> to vector<16xf32>
          %add3A_370 = arith.addf %add3A_324, %get3A_369 : vector<16xf32>
          %get3A_371 = arith.index_cast %add3A_355 : i32 to index
          %get3A_372 = arith.constant 48 : index
          %get3A_373 = tpu.vector_load %arg5[%get3A_371, %get3A_372] {strides = array<i32>} : memref<128x128xf32, #tpu.memory_space<vmem>>, vector<1x16xf32>,
          %get3A_374 = vector.shape_cast %get3A_373 : vector<1x16xf32> to vector<16xf32>
          %add3A_375 = arith.addf %add3A_329, %get3A_374 : vector<16xf32>
          %get3A_376 = arith.index_cast %add3A_355 : i32 to index
          %get3A_377 = arith.constant 64 : index
          %get3A_378 = tpu.vector_load %arg5[%get3A_376, %get3A_377] {strides = array<i32>} : memref<128x128xf32, #tpu.memory_space<vmem>>, vector<1x16xf32>,
          %get3A_379 = vector.shape_cast %get3A_378 : vector<1x16xf32> to vector<16xf32>
          %add3A_380 = arith.addf %add3A_334, %get3A_379 : vector<16xf32>
          %get3A_381 = arith.index_cast %add3A_355 : i32 to index
          %get3A_382 = arith.constant 80 : index
          %get3A_383 = tpu.vector_load %arg5[%get3A_381, %get3A_382] {strides = array<i32>} : memref<128x128xf32, #tpu.memory_space<vmem>>, vector<1x16xf32>,
          %get3A_384 = vector.shape_cast %get3A_383 : vector<1x16xf32> to vector<16xf32>
          %add3A_385 = arith.addf %add3A_339, %get3A_384 : vector<16xf32>
          %get3A_386 = arith.index_cast %add3A_355 : i32 to index
          %get3A_387 = arith.constant 96 : index
          %get3A_388 = tpu.vector_load %arg5[%get3A_386, %get3A_387] {strides = array<i32>} : memref<128x128xf32, #tpu.memory_space<vmem>>, vector<1x16xf32>,
          %get3A_389 = vector.shape_cast %get3A_388 : vector<1x16xf32> to vector<16xf32>
          %add3A_390 = arith.addf %add3A_344, %get3A_389 : vector<16xf32>
          %get3A_391 = arith.index_cast %add3A_355 : i32 to index
          %get3A_392 = arith.constant 112 : index
          %get3A_393 = tpu.vector_load %arg5[%get3A_391, %get3A_392] {strides = array<i32>} : memref<128x128xf32, #tpu.memory_space<vmem>>, vector<1x16xf32>,
          %get3A_394 = vector.shape_cast %get3A_393 : vector<1x16xf32> to vector<16xf32>
          %add3A_395 = arith.addf %add3A_349, %get3A_394 : vector<16xf32>
          %mul3A_396 = arith.constant 4 : i32
          %mul3A_397 = arith.muli %scan3A_296, %mul3A_396 : i32
          %add3A_398 = arith.constant 64 : i32
          %add3A_399 = arith.addi %add3A_398, %mul3A_397 : i32
          %add3A_400 = arith.constant 2 : i32
          %add3A_401 = arith.addi %add3A_399, %add3A_400 : i32
          %get3A_402 = arith.index_cast %add3A_401 : i32 to index
          %get3A_403 = arith.constant 0 : index
          %get3A_404 = tpu.vector_load %arg5[%get3A_402, %get3A_403] {strides = array<i32>} : memref<128x128xf32, #tpu.memory_space<vmem>>, vector<1x16xf32>,
          %get3A_405 = vector.shape_cast %get3A_404 : vector<1x16xf32> to vector<16xf32>
          %add3A_406 = arith.addf %add3A_360, %get3A_405 : vector<16xf32>
          %get3A_407 = arith.index_cast %add3A_401 : i32 to index
          %get3A_408 = arith.constant 16 : index
          %get3A_409 = tpu.vector_load %arg5[%get3A_407, %get3A_408] {strides = array<i32>} : memref<128x128xf32, #tpu.memory_space<vmem>>, vector<1x16xf32>,
          %get3A_410 = vector.shape_cast %get3A_409 : vector<1x16xf32> to vector<16xf32>
          %add3A_411 = arith.addf %add3A_365, %get3A_410 : vector<16xf32>
          %get3A_412 = arith.index_cast %add3A_401 : i32 to index
          %get3A_413 = arith.constant 32 : index
          %get3A_414 = tpu.vector_load %arg5[%get3A_412, %get3A_413] {strides = array<i32>} : memref<128x128xf32, #tpu.memory_space<vmem>>, vector<1x16xf32>,
          %get3A_415 = vector.shape_cast %get3A_414 : vector<1x16xf32> to vector<16xf32>
          %add3A_416 = arith.addf %add3A_370, %get3A_415 : vector<16xf32>
          %get3A_417 = arith.index_cast %add3A_401 : i32 to index
          %get3A_418 = arith.constant 48 : index
          %get3A_419 = tpu.vector_load %arg5[%get3A_417, %get3A_418] {strides = array<i32>} : memref<128x128xf32, #tpu.memory_space<vmem>>, vector<1x16xf32>,
          %get3A_420 = vector.shape_cast %get3A_419 : vector<1x16xf32> to vector<16xf32>
          %add3A_421 = arith.addf %add3A_375, %get3A_420 : vector<16xf32>
          %get3A_422 = arith.index_cast %add3A_401 : i32 to index
          %get3A_423 = arith.constant 64 : index
          %get3A_424 = tpu.vector_load %arg5[%get3A_422, %get3A_423] {strides = array<i32>} : memref<128x128xf32, #tpu.memory_space<vmem>>, vector<1x16xf32>,
          %get3A_425 = vector.shape_cast %get3A_424 : vector<1x16xf32> to vector<16xf32>
          %add3A_426 = arith.addf %add3A_380, %get3A_425 : vector<16xf32>
          %get3A_427 = arith.index_cast %add3A_401 : i32 to index
          %get3A_428 = arith.constant 80 : index
          %get3A_429 = tpu.vector_load %arg5[%get3A_427, %get3A_428] {strides = array<i32>} : memref<128x128xf32, #tpu.memory_space<vmem>>, vector<1x16xf32>,
          %get3A_430 = vector.shape_cast %get3A_429 : vector<1x16xf32> to vector<16xf32>
          %add3A_431 = arith.addf %add3A_385, %get3A_430 : vector<16xf32>
          %get3A_432 = arith.index_cast %add3A_401 : i32 to index
          %get3A_433 = arith.constant 96 : index
          %get3A_434 = tpu.vector_load %arg5[%get3A_432, %get3A_433] {strides = array<i32>} : memref<128x128xf32, #tpu.memory_space<vmem>>, vector<1x16xf32>,
          %get3A_435 = vector.shape_cast %get3A_434 : vector<1x16xf32> to vector<16xf32>
          %add3A_436 = arith.addf %add3A_390, %get3A_435 : vector<16xf32>
          %get3A_437 = arith.index_cast %add3A_401 : i32 to index
          %get3A_438 = arith.constant 112 : index
          %get3A_439 = tpu.vector_load %arg5[%get3A_437, %get3A_438] {strides = array<i32>} : memref<128x128xf32, #tpu.memory_space<vmem>>, vector<1x16xf32>,
          %get3A_440 = vector.shape_cast %get3A_439 : vector<1x16xf32> to vector<16xf32>
          %add3A_441 = arith.addf %add3A_395, %get3A_440 : vector<16xf32>
          %mul3A_442 = arith.constant 4 : i32
          %mul3A_443 = arith.muli %scan3A_296, %mul3A_442 : i32
          %add3A_444 = arith.constant 64 : i32
          %add3A_445 = arith.addi %add3A_444, %mul3A_443 : i32
          %add3A_446 = arith.constant 3 : i32
          %add3A_447 = arith.addi %add3A_445, %add3A_446 : i32
          %get3A_448 = arith.index_cast %add3A_447 : i32 to index
          %get3A_449 = arith.constant 0 : index
          %get3A_450 = tpu.vector_load %arg5[%get3A_448, %get3A_449] {strides = array<i32>} : memref<128x128xf32, #tpu.memory_space<vmem>>, vector<1x16xf32>,
          %get3A_451 = vector.shape_cast %get3A_450 : vector<1x16xf32> to vector<16xf32>
          %add3A_452 = arith.addf %add3A_406, %get3A_451 : vector<16xf32>
          %get3A_453 = arith.index_cast %add3A_447 : i32 to index
          %get3A_454 = arith.constant 16 : index
          %get3A_455 = tpu.vector_load %arg5[%get3A_453, %get3A_454] {strides = array<i32>} : memref<128x128xf32, #tpu.memory_space<vmem>>, vector<1x16xf32>,
          %get3A_456 = vector.shape_cast %get3A_455 : vector<1x16xf32> to vector<16xf32>
          %add3A_457 = arith.addf %add3A_411, %get3A_456 : vector<16xf32>
          %get3A_458 = arith.index_cast %add3A_447 : i32 to index
          %get3A_459 = arith.constant 32 : index
          %get3A_460 = tpu.vector_load %arg5[%get3A_458, %get3A_459] {strides = array<i32>} : memref<128x128xf32, #tpu.memory_space<vmem>>, vector<1x16xf32>,
          %get3A_461 = vector.shape_cast %get3A_460 : vector<1x16xf32> to vector<16xf32>
          %add3A_462 = arith.addf %add3A_416, %get3A_461 : vector<16xf32>
          %get3A_463 = arith.index_cast %add3A_447 : i32 to index
          %get3A_464 = arith.constant 48 : index
          %get3A_465 = tpu.vector_load %arg5[%get3A_463, %get3A_464] {strides = array<i32>} : memref<128x128xf32, #tpu.memory_space<vmem>>, vector<1x16xf32>,
          %get3A_466 = vector.shape_cast %get3A_465 : vector<1x16xf32> to vector<16xf32>
          %add3A_467 = arith.addf %add3A_421, %get3A_466 : vector<16xf32>
          %get3A_468 = arith.index_cast %add3A_447 : i32 to index
          %get3A_469 = arith.constant 64 : index
          %get3A_470 = tpu.vector_load %arg5[%get3A_468, %get3A_469] {strides = array<i32>} : memref<128x128xf32, #tpu.memory_space<vmem>>, vector<1x16xf32>,
          %get3A_471 = vector.shape_cast %get3A_470 : vector<1x16xf32> to vector<16xf32>
          %add3A_472 = arith.addf %add3A_426, %get3A_471 : vector<16xf32>
          %get3A_473 = arith.index_cast %add3A_447 : i32 to index
          %get3A_474 = arith.constant 80 : index
          %get3A_475 = tpu.vector_load %arg5[%get3A_473, %get3A_474] {strides = array<i32>} : memref<128x128xf32, #tpu.memory_space<vmem>>, vector<1x16xf32>,
          %get3A_476 = vector.shape_cast %get3A_475 : vector<1x16xf32> to vector<16xf32>
          %add3A_477 = arith.addf %add3A_431, %get3A_476 : vector<16xf32>
          %get3A_478 = arith.index_cast %add3A_447 : i32 to index
          %get3A_479 = arith.constant 96 : index
          %get3A_480 = tpu.vector_load %arg5[%get3A_478, %get3A_479] {strides = array<i32>} : memref<128x128xf32, #tpu.memory_space<vmem>>, vector<1x16xf32>,
          %get3A_481 = vector.shape_cast %get3A_480 : vector<1x16xf32> to vector<16xf32>
          %add3A_482 = arith.addf %add3A_436, %get3A_481 : vector<16xf32>
          %get3A_483 = arith.index_cast %add3A_447 : i32 to index
          %get3A_484 = arith.constant 112 : index
          %get3A_485 = tpu.vector_load %arg5[%get3A_483, %get3A_484] {strides = array<i32>} : memref<128x128xf32, #tpu.memory_space<vmem>>, vector<1x16xf32>,
          %get3A_486 = vector.shape_cast %get3A_485 : vector<1x16xf32> to vector<16xf32>
          %add3A_487 = arith.addf %add3A_441, %get3A_486 : vector<16xf32>
          scf.yield %add3A_452, %add3A_457, %add3A_462, %add3A_467, %add3A_472, %add3A_477, %add3A_482, %add3A_487 : vector<16xf32>, vector<16xf32>, vector<16xf32>, vector<16xf32>, vector<16xf32>, vector<16xf32>, vector<16xf32>, vector<16xf32>
        }
        %scan3A_187 = arith.constant 8 : i32
        %swap3A_188 = arith.constant 2 : i32
        %swap3A_189 = arith.index_cast %swap3A_188 : i32 to index
        %swap3A_190 = arith.constant 0 : index
        %swap3A_191 = tpu.vector_load %arg6[%swap3A_189, %swap3A_190] {strides = array<i32>} : memref<4x128xf32, #tpu.memory_space<vmem>>, vector<1x16xf32>,
        %swap3A_192 = vector.shape_cast %swap3A_191 : vector<1x16xf32> to vector<16xf32>
        %swap3A_193 = vector.shape_cast %scan3A_186#0 : vector<16xf32> to vector<1x16xf32>
        tpu.vector_store %arg6[%swap3A_189, %swap3A_190], %swap3A_193 {strides = array<i32>} : memref<4x128xf32, #tpu.memory_space<vmem>>, vector<1x16xf32>,
        %swap3A_194 = arith.constant 2 : i32
        %swap3A_195 = arith.index_cast %swap3A_194 : i32 to index
        %swap3A_196 = arith.constant 16 : index
        %swap3A_197 = tpu.vector_load %arg6[%swap3A_195, %swap3A_196] {strides = array<i32>} : memref<4x128xf32, #tpu.memory_space<vmem>>, vector<1x16xf32>,
        %swap3A_198 = vector.shape_cast %swap3A_197 : vector<1x16xf32> to vector<16xf32>
        %swap3A_199 = vector.shape_cast %scan3A_186#1 : vector<16xf32> to vector<1x16xf32>
        tpu.vector_store %arg6[%swap3A_195, %swap3A_196], %swap3A_199 {strides = array<i32>} : memref<4x128xf32, #tpu.memory_space<vmem>>, vector<1x16xf32>,
        %swap3A_200 = arith.constant 2 : i32
        %swap3A_201 = arith.index_cast %swap3A_200 : i32 to index
        %swap3A_202 = arith.constant 32 : index
        %swap3A_203 = tpu.vector_load %arg6[%swap3A_201, %swap3A_202] {strides = array<i32>} : memref<4x128xf32, #tpu.memory_space<vmem>>, vector<1x16xf32>,
        %swap3A_204 = vector.shape_cast %swap3A_203 : vector<1x16xf32> to vector<16xf32>
        %swap3A_205 = vector.shape_cast %scan3A_186#2 : vector<16xf32> to vector<1x16xf32>
        tpu.vector_store %arg6[%swap3A_201, %swap3A_202], %swap3A_205 {strides = array<i32>} : memref<4x128xf32, #tpu.memory_space<vmem>>, vector<1x16xf32>,
        %swap3A_206 = arith.constant 2 : i32
        %swap3A_207 = arith.index_cast %swap3A_206 : i32 to index
        %swap3A_208 = arith.constant 48 : index
        %swap3A_209 = tpu.vector_load %arg6[%swap3A_207, %swap3A_208] {strides = array<i32>} : memref<4x128xf32, #tpu.memory_space<vmem>>, vector<1x16xf32>,
        %swap3A_210 = vector.shape_cast %swap3A_209 : vector<1x16xf32> to vector<16xf32>
        %swap3A_211 = vector.shape_cast %scan3A_186#3 : vector<16xf32> to vector<1x16xf32>
        tpu.vector_store %arg6[%swap3A_207, %swap3A_208], %swap3A_211 {strides = array<i32>} : memref<4x128xf32, #tpu.memory_space<vmem>>, vector<1x16xf32>,
        %swap3A_212 = arith.constant 2 : i32
        %swap3A_213 = arith.index_cast %swap3A_212 : i32 to index
        %swap3A_214 = arith.constant 64 : index
        %swap3A_215 = tpu.vector_load %arg6[%swap3A_213, %swap3A_214] {strides = array<i32>} : memref<4x128xf32, #tpu.memory_space<vmem>>, vector<1x16xf32>,
        %swap3A_216 = vector.shape_cast %swap3A_215 : vector<1x16xf32> to vector<16xf32>
        %swap3A_217 = vector.shape_cast %scan3A_186#4 : vector<16xf32> to vector<1x16xf32>
        tpu.vector_store %arg6[%swap3A_213, %swap3A_214], %swap3A_217 {strides = array<i32>} : memref<4x128xf32, #tpu.memory_space<vmem>>, vector<1x16xf32>,
        %swap3A_218 = arith.constant 2 : i32
        %swap3A_219 = arith.index_cast %swap3A_218 : i32 to index
        %swap3A_220 = arith.constant 80 : index
        %swap3A_221 = tpu.vector_load %arg6[%swap3A_219, %swap3A_220] {strides = array<i32>} : memref<4x128xf32, #tpu.memory_space<vmem>>, vector<1x16xf32>,
        %swap3A_222 = vector.shape_cast %swap3A_221 : vector<1x16xf32> to vector<16xf32>
        %swap3A_223 = vector.shape_cast %scan3A_186#5 : vector<16xf32> to vector<1x16xf32>
        tpu.vector_store %arg6[%swap3A_219, %swap3A_220], %swap3A_223 {strides = array<i32>} : memref<4x128xf32, #tpu.memory_space<vmem>>, vector<1x16xf32>,
        %swap3A_224 = arith.constant 2 : i32
        %swap3A_225 = arith.index_cast %swap3A_224 : i32 to index
        %swap3A_226 = arith.constant 96 : index
        %swap3A_227 = tpu.vector_load %arg6[%swap3A_225, %swap3A_226] {strides = array<i32>} : memref<4x128xf32, #tpu.memory_space<vmem>>, vector<1x16xf32>,
        %swap3A_228 = vector.shape_cast %swap3A_227 : vector<1x16xf32> to vector<16xf32>
        %swap3A_229 = vector.shape_cast %scan3A_186#6 : vector<16xf32> to vector<1x16xf32>
        tpu.vector_store %arg6[%swap3A_225, %swap3A_226], %swap3A_229 {strides = array<i32>} : memref<4x128xf32, #tpu.memory_space<vmem>>, vector<1x16xf32>,
        %swap3A_230 = arith.constant 2 : i32
        %swap3A_231 = arith.index_cast %swap3A_230 : i32 to index
        %swap3A_232 = arith.constant 112 : index
        %swap3A_233 = tpu.vector_load %arg6[%swap3A_231, %swap3A_232] {strides = array<i32>} : memref<4x128xf32, #tpu.memory_space<vmem>>, vector<1x16xf32>,
        %swap3A_234 = vector.shape_cast %swap3A_233 : vector<1x16xf32> to vector<16xf32>
        %swap3A_235 = vector.shape_cast %scan3A_186#7 : vector<16xf32> to vector<1x16xf32>
        tpu.vector_store %arg6[%swap3A_231, %swap3A_232], %swap3A_235 {strides = array<i32>} : memref<4x128xf32, #tpu.memory_space<vmem>>, vector<1x16xf32>,
        %broadcast_in_dim3A_236 = arith.constant 0.000000e+00 : f32
        %broadcast_in_dim3A_237 = vector.broadcast %broadcast_in_dim3A_236 : f32 to vector<16xf32>
        %scan3A_238 = arith.constant 0 : i32
        %scan3A_239 = arith.constant 8 : i32
        %scan3A_240 = arith.addi %scan3A_238, %scan3A_239 : i32
        %scan3A_241 = arith.constant 1 : i32
        %scan3A_242:8 = scf.for %scan3A_296 = %scan3A_238 to %scan3A_240 step %scan3A_241 iter_args(%scan3A_297 = %broadcast_in_dim3A_237, %scan3A_298 = %broadcast_in_dim3A_237, %scan3A_299 = %broadcast_in_dim3A_237, %scan3A_300 = %broadcast_in_dim3A_237, %scan3A_301 = %broadcast_in_dim3A_237, %scan3A_302 = %broadcast_in_dim3A_237, %scan3A_303 = %broadcast_in_dim3A_237, %scan3A_304 = %broadcast_in_dim3A_237) -> (vector<16xf32>, vector<16xf32>, vector<16xf32>, vector<16xf32>, vector<16xf32>, vector<16xf32>, vector<16xf32>, vector<16xf32>)  : i32 {
          %mul3A_305 = arith.constant 4 : i32
          %mul3A_306 = arith.muli %scan3A_296, %mul3A_305 : i32
          %add3A_307 = arith.constant 96 : i32
          %add3A_308 = arith.addi %add3A_307, %mul3A_306 : i32
          %add3A_309 = arith.constant 0 : i32
          %add3A_310 = arith.addi %add3A_308, %add3A_309 : i32
          %get3A = arith.index_cast %add3A_310 : i32 to index
          %get3A_311 = arith.constant 0 : index
          %get3A_312 = tpu.vector_load %arg5[%get3A, %get3A_311] {strides = array<i32>} : memref<128x128xf32, #tpu.memory_space<vmem>>, vector<1x16xf32>,
          %get3A_313 = vector.shape_cast %get3A_312 : vector<1x16xf32> to vector<16xf32>
          %add3A_314 = arith.addf %scan3A_297, %get3A_313 : vector<16xf32>
          %get3A_315 = arith.index_cast %add3A_310 : i32 to index
          %get3A_316 = arith.constant 16 : index
          %get3A_317 = tpu.vector_load %arg5[%get3A_315, %get3A_316] {strides = array<i32>} : memref<128x128xf32, #tpu.memory_space<vmem>>, vector<1x16xf32>,
          %get3A_318 = vector.shape_cast %get3A_317 : vector<1x16xf32> to vector<16xf32>
          %add3A_319 = arith.addf %scan3A_298, %get3A_318 : vector<16xf32>
          %get3A_320 = arith.index_cast %add3A_310 : i32 to index
          %get3A_321 = arith.constant 32 : index
          %get3A_322 = tpu.vector_load %arg5[%get3A_320, %get3A_321] {strides = array<i32>} : memref<128x128xf32, #tpu.memory_space<vmem>>, vector<1x16xf32>,
          %get3A_323 = vector.shape_cast %get3A_322 : vector<1x16xf32> to vector<16xf32>
          %add3A_324 = arith.addf %scan3A_299, %get3A_323 : vector<16xf32>
          %get3A_325 = arith.index_cast %add3A_310 : i32 to index
          %get3A_326 = arith.constant 48 : index
          %get3A_327 = tpu.vector_load %arg5[%get3A_325, %get3A_326] {strides = array<i32>} : memref<128x128xf32, #tpu.memory_space<vmem>>, vector<1x16xf32>,
          %get3A_328 = vector.shape_cast %get3A_327 : vector<1x16xf32> to vector<16xf32>
          %add3A_329 = arith.addf %scan3A_300, %get3A_328 : vector<16xf32>
          %get3A_330 = arith.index_cast %add3A_310 : i32 to index
          %get3A_331 = arith.constant 64 : index
          %get3A_332 = tpu.vector_load %arg5[%get3A_330, %get3A_331] {strides = array<i32>} : memref<128x128xf32, #tpu.memory_space<vmem>>, vector<1x16xf32>,
          %get3A_333 = vector.shape_cast %get3A_332 : vector<1x16xf32> to vector<16xf32>
          %add3A_334 = arith.addf %scan3A_301, %get3A_333 : vector<16xf32>
          %get3A_335 = arith.index_cast %add3A_310 : i32 to index
          %get3A_336 = arith.constant 80 : index
          %get3A_337 = tpu.vector_load %arg5[%get3A_335, %get3A_336] {strides = array<i32>} : memref<128x128xf32, #tpu.memory_space<vmem>>, vector<1x16xf32>,
          %get3A_338 = vector.shape_cast %get3A_337 : vector<1x16xf32> to vector<16xf32>
          %add3A_339 = arith.addf %scan3A_302, %get3A_338 : vector<16xf32>
          %get3A_340 = arith.index_cast %add3A_310 : i32 to index
          %get3A_341 = arith.constant 96 : index
          %get3A_342 = tpu.vector_load %arg5[%get3A_340, %get3A_341] {strides = array<i32>} : memref<128x128xf32, #tpu.memory_space<vmem>>, vector<1x16xf32>,
          %get3A_343 = vector.shape_cast %get3A_342 : vector<1x16xf32> to vector<16xf32>
          %add3A_344 = arith.addf %scan3A_303, %get3A_343 : vector<16xf32>
          %get3A_345 = arith.index_cast %add3A_310 : i32 to index
          %get3A_346 = arith.constant 112 : index
          %get3A_347 = tpu.vector_load %arg5[%get3A_345, %get3A_346] {strides = array<i32>} : memref<128x128xf32, #tpu.memory_space<vmem>>, vector<1x16xf32>,
          %get3A_348 = vector.shape_cast %get3A_347 : vector<1x16xf32> to vector<16xf32>
          %add3A_349 = arith.addf %scan3A_304, %get3A_348 : vector<16xf32>
          %mul3A_350 = arith.constant 4 : i32
          %mul3A_351 = arith.muli %scan3A_296, %mul3A_350 : i32
          %add3A_352 = arith.constant 96 : i32
          %add3A_353 = arith.addi %add3A_352, %mul3A_351 : i32
          %add3A_354 = arith.constant 1 : i32
          %add3A_355 = arith.addi %add3A_353, %add3A_354 : i32
          %get3A_356 = arith.index_cast %add3A_355 : i32 to index
          %get3A_357 = arith.constant 0 : index
          %get3A_358 = tpu.vector_load %arg5[%get3A_356, %get3A_357] {strides = array<i32>} : memref<128x128xf32, #tpu.memory_space<vmem>>, vector<1x16xf32>,
          %get3A_359 = vector.shape_cast %get3A_358 : vector<1x16xf32> to vector<16xf32>
          %add3A_360 = arith.addf %add3A_314, %get3A_359 : vector<16xf32>
          %get3A_361 = arith.index_cast %add3A_355 : i32 to index
          %get3A_362 = arith.constant 16 : index
          %get3A_363 = tpu.vector_load %arg5[%get3A_361, %get3A_362] {strides = array<i32>} : memref<128x128xf32, #tpu.memory_space<vmem>>, vector<1x16xf32>,
          %get3A_364 = vector.shape_cast %get3A_363 : vector<1x16xf32> to vector<16xf32>
          %add3A_365 = arith.addf %add3A_319, %get3A_364 : vector<16xf32>
          %get3A_366 = arith.index_cast %add3A_355 : i32 to index
          %get3A_367 = arith.constant 32 : index
          %get3A_368 = tpu.vector_load %arg5[%get3A_366, %get3A_367] {strides = array<i32>} : memref<128x128xf32, #tpu.memory_space<vmem>>, vector<1x16xf32>,
          %get3A_369 = vector.shape_cast %get3A_368 : vector<1x16xf32> to vector<16xf32>
          %add3A_370 = arith.addf %add3A_324, %get3A_369 : vector<16xf32>
          %get3A_371 = arith.index_cast %add3A_355 : i32 to index
          %get3A_372 = arith.constant 48 : index
          %get3A_373 = tpu.vector_load %arg5[%get3A_371, %get3A_372] {strides = array<i32>} : memref<128x128xf32, #tpu.memory_space<vmem>>, vector<1x16xf32>,
          %get3A_374 = vector.shape_cast %get3A_373 : vector<1x16xf32> to vector<16xf32>
          %add3A_375 = arith.addf %add3A_329, %get3A_374 : vector<16xf32>
          %get3A_376 = arith.index_cast %add3A_355 : i32 to index
          %get3A_377 = arith.constant 64 : index
          %get3A_378 = tpu.vector_load %arg5[%get3A_376, %get3A_377] {strides = array<i32>} : memref<128x128xf32, #tpu.memory_space<vmem>>, vector<1x16xf32>,
          %get3A_379 = vector.shape_cast %get3A_378 : vector<1x16xf32> to vector<16xf32>
          %add3A_380 = arith.addf %add3A_334, %get3A_379 : vector<16xf32>
          %get3A_381 = arith.index_cast %add3A_355 : i32 to index
          %get3A_382 = arith.constant 80 : index
          %get3A_383 = tpu.vector_load %arg5[%get3A_381, %get3A_382] {strides = array<i32>} : memref<128x128xf32, #tpu.memory_space<vmem>>, vector<1x16xf32>,
          %get3A_384 = vector.shape_cast %get3A_383 : vector<1x16xf32> to vector<16xf32>
          %add3A_385 = arith.addf %add3A_339, %get3A_384 : vector<16xf32>
          %get3A_386 = arith.index_cast %add3A_355 : i32 to index
          %get3A_387 = arith.constant 96 : index
          %get3A_388 = tpu.vector_load %arg5[%get3A_386, %get3A_387] {strides = array<i32>} : memref<128x128xf32, #tpu.memory_space<vmem>>, vector<1x16xf32>,
          %get3A_389 = vector.shape_cast %get3A_388 : vector<1x16xf32> to vector<16xf32>
          %add3A_390 = arith.addf %add3A_344, %get3A_389 : vector<16xf32>
          %get3A_391 = arith.index_cast %add3A_355 : i32 to index
          %get3A_392 = arith.constant 112 : index
          %get3A_393 = tpu.vector_load %arg5[%get3A_391, %get3A_392] {strides = array<i32>} : memref<128x128xf32, #tpu.memory_space<vmem>>, vector<1x16xf32>,
          %get3A_394 = vector.shape_cast %get3A_393 : vector<1x16xf32> to vector<16xf32>
          %add3A_395 = arith.addf %add3A_349, %get3A_394 : vector<16xf32>
          %mul3A_396 = arith.constant 4 : i32
          %mul3A_397 = arith.muli %scan3A_296, %mul3A_396 : i32
          %add3A_398 = arith.constant 96 : i32
          %add3A_399 = arith.addi %add3A_398, %mul3A_397 : i32
          %add3A_400 = arith.constant 2 : i32
          %add3A_401 = arith.addi %add3A_399, %add3A_400 : i32
          %get3A_402 = arith.index_cast %add3A_401 : i32 to index
          %get3A_403 = arith.constant 0 : index
          %get3A_404 = tpu.vector_load %arg5[%get3A_402, %get3A_403] {strides = array<i32>} : memref<128x128xf32, #tpu.memory_space<vmem>>, vector<1x16xf32>,
          %get3A_405 = vector.shape_cast %get3A_404 : vector<1x16xf32> to vector<16xf32>
          %add3A_406 = arith.addf %add3A_360, %get3A_405 : vector<16xf32>
          %get3A_407 = arith.index_cast %add3A_401 : i32 to index
          %get3A_408 = arith.constant 16 : index
          %get3A_409 = tpu.vector_load %arg5[%get3A_407, %get3A_408] {strides = array<i32>} : memref<128x128xf32, #tpu.memory_space<vmem>>, vector<1x16xf32>,
          %get3A_410 = vector.shape_cast %get3A_409 : vector<1x16xf32> to vector<16xf32>
          %add3A_411 = arith.addf %add3A_365, %get3A_410 : vector<16xf32>
          %get3A_412 = arith.index_cast %add3A_401 : i32 to index
          %get3A_413 = arith.constant 32 : index
          %get3A_414 = tpu.vector_load %arg5[%get3A_412, %get3A_413] {strides = array<i32>} : memref<128x128xf32, #tpu.memory_space<vmem>>, vector<1x16xf32>,
          %get3A_415 = vector.shape_cast %get3A_414 : vector<1x16xf32> to vector<16xf32>
          %add3A_416 = arith.addf %add3A_370, %get3A_415 : vector<16xf32>
          %get3A_417 = arith.index_cast %add3A_401 : i32 to index
          %get3A_418 = arith.constant 48 : index
          %get3A_419 = tpu.vector_load %arg5[%get3A_417, %get3A_418] {strides = array<i32>} : memref<128x128xf32, #tpu.memory_space<vmem>>, vector<1x16xf32>,
          %get3A_420 = vector.shape_cast %get3A_419 : vector<1x16xf32> to vector<16xf32>
          %add3A_421 = arith.addf %add3A_375, %get3A_420 : vector<16xf32>
          %get3A_422 = arith.index_cast %add3A_401 : i32 to index
          %get3A_423 = arith.constant 64 : index
          %get3A_424 = tpu.vector_load %arg5[%get3A_422, %get3A_423] {strides = array<i32>} : memref<128x128xf32, #tpu.memory_space<vmem>>, vector<1x16xf32>,
          %get3A_425 = vector.shape_cast %get3A_424 : vector<1x16xf32> to vector<16xf32>
          %add3A_426 = arith.addf %add3A_380, %get3A_425 : vector<16xf32>
          %get3A_427 = arith.index_cast %add3A_401 : i32 to index
          %get3A_428 = arith.constant 80 : index
          %get3A_429 = tpu.vector_load %arg5[%get3A_427, %get3A_428] {strides = array<i32>} : memref<128x128xf32, #tpu.memory_space<vmem>>, vector<1x16xf32>,
          %get3A_430 = vector.shape_cast %get3A_429 : vector<1x16xf32> to vector<16xf32>
          %add3A_431 = arith.addf %add3A_385, %get3A_430 : vector<16xf32>
          %get3A_432 = arith.index_cast %add3A_401 : i32 to index
          %get3A_433 = arith.constant 96 : index
          %get3A_434 = tpu.vector_load %arg5[%get3A_432, %get3A_433] {strides = array<i32>} : memref<128x128xf32, #tpu.memory_space<vmem>>, vector<1x16xf32>,
          %get3A_435 = vector.shape_cast %get3A_434 : vector<1x16xf32> to vector<16xf32>
          %add3A_436 = arith.addf %add3A_390, %get3A_435 : vector<16xf32>
          %get3A_437 = arith.index_cast %add3A_401 : i32 to index
          %get3A_438 = arith.constant 112 : index
          %get3A_439 = tpu.vector_load %arg5[%get3A_437, %get3A_438] {strides = array<i32>} : memref<128x128xf32, #tpu.memory_space<vmem>>, vector<1x16xf32>,
          %get3A_440 = vector.shape_cast %get3A_439 : vector<1x16xf32> to vector<16xf32>
          %add3A_441 = arith.addf %add3A_395, %get3A_440 : vector<16xf32>
          %mul3A_442 = arith.constant 4 : i32
          %mul3A_443 = arith.muli %scan3A_296, %mul3A_442 : i32
          %add3A_444 = arith.constant 96 : i32
          %add3A_445 = arith.addi %add3A_444, %mul3A_443 : i32
          %add3A_446 = arith.constant 3 : i32
          %add3A_447 = arith.addi %add3A_445, %add3A_446 : i32
          %get3A_448 = arith.index_cast %add3A_447 : i32 to index
          %get3A_449 = arith.constant 0 : index
          %get3A_450 = tpu.vector_load %arg5[%get3A_448, %get3A_449] {strides = array<i32>} : memref<128x128xf32, #tpu.memory_space<vmem>>, vector<1x16xf32>,
          %get3A_451 = vector.shape_cast %get3A_450 : vector<1x16xf32> to vector<16xf32>
          %add3A_452 = arith.addf %add3A_406, %get3A_451 : vector<16xf32>
          %get3A_453 = arith.index_cast %add3A_447 : i32 to index
          %get3A_454 = arith.constant 16 : index
          %get3A_455 = tpu.vector_load %arg5[%get3A_453, %get3A_454] {strides = array<i32>} : memref<128x128xf32, #tpu.memory_space<vmem>>, vector<1x16xf32>,
          %get3A_456 = vector.shape_cast %get3A_455 : vector<1x16xf32> to vector<16xf32>
          %add3A_457 = arith.addf %add3A_411, %get3A_456 : vector<16xf32>
          %get3A_458 = arith.index_cast %add3A_447 : i32 to index
          %get3A_459 = arith.constant 32 : index
          %get3A_460 = tpu.vector_load %arg5[%get3A_458, %get3A_459] {strides = array<i32>} : memref<128x128xf32, #tpu.memory_space<vmem>>, vector<1x16xf32>,
          %get3A_461 = vector.shape_cast %get3A_460 : vector<1x16xf32> to vector<16xf32>
          %add3A_462 = arith.addf %add3A_416, %get3A_461 : vector<16xf32>
          %get3A_463 = arith.index_cast %add3A_447 : i32 to index
          %get3A_464 = arith.constant 48 : index
          %get3A_465 = tpu.vector_load %arg5[%get3A_463, %get3A_464] {strides = array<i32>} : memref<128x128xf32, #tpu.memory_space<vmem>>, vector<1x16xf32>,
          %get3A_466 = vector.shape_cast %get3A_465 : vector<1x16xf32> to vector<16xf32>
          %add3A_467 = arith.addf %add3A_421, %get3A_466 : vector<16xf32>
          %get3A_468 = arith.index_cast %add3A_447 : i32 to index
          %get3A_469 = arith.constant 64 : index
          %get3A_470 = tpu.vector_load %arg5[%get3A_468, %get3A_469] {strides = array<i32>} : memref<128x128xf32, #tpu.memory_space<vmem>>, vector<1x16xf32>,
          %get3A_471 = vector.shape_cast %get3A_470 : vector<1x16xf32> to vector<16xf32>
          %add3A_472 = arith.addf %add3A_426, %get3A_471 : vector<16xf32>
          %get3A_473 = arith.index_cast %add3A_447 : i32 to index
          %get3A_474 = arith.constant 80 : index
          %get3A_475 = tpu.vector_load %arg5[%get3A_473, %get3A_474] {strides = array<i32>} : memref<128x128xf32, #tpu.memory_space<vmem>>, vector<1x16xf32>,
          %get3A_476 = vector.shape_cast %get3A_475 : vector<1x16xf32> to vector<16xf32>
          %add3A_477 = arith.addf %add3A_431, %get3A_476 : vector<16xf32>
          %get3A_478 = arith.index_cast %add3A_447 : i32 to index
          %get3A_479 = arith.constant 96 : index
          %get3A_480 = tpu.vector_load %arg5[%get3A_478, %get3A_479] {strides = array<i32>} : memref<128x128xf32, #tpu.memory_space<vmem>>, vector<1x16xf32>,
          %get3A_481 = vector.shape_cast %get3A_480 : vector<1x16xf32> to vector<16xf32>
          %add3A_482 = arith.addf %add3A_436, %get3A_481 : vector<16xf32>
          %get3A_483 = arith.index_cast %add3A_447 : i32 to index
          %get3A_484 = arith.constant 112 : index
          %get3A_485 = tpu.vector_load %arg5[%get3A_483, %get3A_484] {strides = array<i32>} : memref<128x128xf32, #tpu.memory_space<vmem>>, vector<1x16xf32>,
          %get3A_486 = vector.shape_cast %get3A_485 : vector<1x16xf32> to vector<16xf32>
          %add3A_487 = arith.addf %add3A_441, %get3A_486 : vector<16xf32>
          scf.yield %add3A_452, %add3A_457, %add3A_462, %add3A_467, %add3A_472, %add3A_477, %add3A_482, %add3A_487 : vector<16xf32>, vector<16xf32>, vector<16xf32>, vector<16xf32>, vector<16xf32>, vector<16xf32>, vector<16xf32>, vector<16xf32>
        }
        %scan3A_243 = arith.constant 8 : i32
        %swap3A_244 = arith.constant 3 : i32
        %swap3A_245 = arith.index_cast %swap3A_244 : i32 to index
        %swap3A_246 = arith.constant 0 : index
        %swap3A_247 = tpu.vector_load %arg6[%swap3A_245, %swap3A_246] {strides = array<i32>} : memref<4x128xf32, #tpu.memory_space<vmem>>, vector<1x16xf32>,
        %swap3A_248 = vector.shape_cast %swap3A_247 : vector<1x16xf32> to vector<16xf32>
        %swap3A_249 = vector.shape_cast %scan3A_242#0 : vector<16xf32> to vector<1x16xf32>
        tpu.vector_store %arg6[%swap3A_245, %swap3A_246], %swap3A_249 {strides = array<i32>} : memref<4x128xf32, #tpu.memory_space<vmem>>, vector<1x16xf32>,
        %swap3A_250 = arith.constant 3 : i32
        %swap3A_251 = arith.index_cast %swap3A_250 : i32 to index
        %swap3A_252 = arith.constant 16 : index
        %swap3A_253 = tpu.vector_load %arg6[%swap3A_251, %swap3A_252] {strides = array<i32>} : memref<4x128xf32, #tpu.memory_space<vmem>>, vector<1x16xf32>,
        %swap3A_254 = vector.shape_cast %swap3A_253 : vector<1x16xf32> to vector<16xf32>
        %swap3A_255 = vector.shape_cast %scan3A_242#1 : vector<16xf32> to vector<1x16xf32>
        tpu.vector_store %arg6[%swap3A_251, %swap3A_252], %swap3A_255 {strides = array<i32>} : memref<4x128xf32, #tpu.memory_space<vmem>>, vector<1x16xf32>,
        %swap3A_256 = arith.constant 3 : i32
        %swap3A_257 = arith.index_cast %swap3A_256 : i32 to index
        %swap3A_258 = arith.constant 32 : index
        %swap3A_259 = tpu.vector_load %arg6[%swap3A_257, %swap3A_258] {strides = array<i32>} : memref<4x128xf32, #tpu.memory_space<vmem>>, vector<1x16xf32>,
        %swap3A_260 = vector.shape_cast %swap3A_259 : vector<1x16xf32> to vector<16xf32>
        %swap3A_261 = vector.shape_cast %scan3A_242#2 : vector<16xf32> to vector<1x16xf32>
        tpu.vector_store %arg6[%swap3A_257, %swap3A_258], %swap3A_261 {strides = array<i32>} : memref<4x128xf32, #tpu.memory_space<vmem>>, vector<1x16xf32>,
        %swap3A_262 = arith.constant 3 : i32
        %swap3A_263 = arith.index_cast %swap3A_262 : i32 to index
        %swap3A_264 = arith.constant 48 : index
        %swap3A_265 = tpu.vector_load %arg6[%swap3A_263, %swap3A_264] {strides = array<i32>} : memref<4x128xf32, #tpu.memory_space<vmem>>, vector<1x16xf32>,
        %swap3A_266 = vector.shape_cast %swap3A_265 : vector<1x16xf32> to vector<16xf32>
        %swap3A_267 = vector.shape_cast %scan3A_242#3 : vector<16xf32> to vector<1x16xf32>
        tpu.vector_store %arg6[%swap3A_263, %swap3A_264], %swap3A_267 {strides = array<i32>} : memref<4x128xf32, #tpu.memory_space<vmem>>, vector<1x16xf32>,
        %swap3A_268 = arith.constant 3 : i32
        %swap3A_269 = arith.index_cast %swap3A_268 : i32 to index
        %swap3A_270 = arith.constant 64 : index
        %swap3A_271 = tpu.vector_load %arg6[%swap3A_269, %swap3A_270] {strides = array<i32>} : memref<4x128xf32, #tpu.memory_space<vmem>>, vector<1x16xf32>,
        %swap3A_272 = vector.shape_cast %swap3A_271 : vector<1x16xf32> to vector<16xf32>
        %swap3A_273 = vector.shape_cast %scan3A_242#4 : vector<16xf32> to vector<1x16xf32>
        tpu.vector_store %arg6[%swap3A_269, %swap3A_270], %swap3A_273 {strides = array<i32>} : memref<4x128xf32, #tpu.memory_space<vmem>>, vector<1x16xf32>,
        %swap3A_274 = arith.constant 3 : i32
        %swap3A_275 = arith.index_cast %swap3A_274 : i32 to index
        %swap3A_276 = arith.constant 80 : index
        %swap3A_277 = tpu.vector_load %arg6[%swap3A_275, %swap3A_276] {strides = array<i32>} : memref<4x128xf32, #tpu.memory_space<vmem>>, vector<1x16xf32>,
        %swap3A_278 = vector.shape_cast %swap3A_277 : vector<1x16xf32> to vector<16xf32>
        %swap3A_279 = vector.shape_cast %scan3A_242#5 : vector<16xf32> to vector<1x16xf32>
        tpu.vector_store %arg6[%swap3A_275, %swap3A_276], %swap3A_279 {strides = array<i32>} : memref<4x128xf32, #tpu.memory_space<vmem>>, vector<1x16xf32>,
        %swap3A_280 = arith.constant 3 : i32
        %swap3A_281 = arith.index_cast %swap3A_280 : i32 to index
        %swap3A_282 = arith.constant 96 : index
        %swap3A_283 = tpu.vector_load %arg6[%swap3A_281, %swap3A_282] {strides = array<i32>} : memref<4x128xf32, #tpu.memory_space<vmem>>, vector<1x16xf32>,
        %swap3A_284 = vector.shape_cast %swap3A_283 : vector<1x16xf32> to vector<16xf32>
        %swap3A_285 = vector.shape_cast %scan3A_242#6 : vector<16xf32> to vector<1x16xf32>
        tpu.vector_store %arg6[%swap3A_281, %swap3A_282], %swap3A_285 {strides = array<i32>} : memref<4x128xf32, #tpu.memory_space<vmem>>, vector<1x16xf32>,
        %swap3A_286 = arith.constant 3 : i32
        %swap3A_287 = arith.index_cast %swap3A_286 : i32 to index
        %swap3A_288 = arith.constant 112 : index
        %swap3A_289 = tpu.vector_load %arg6[%swap3A_287, %swap3A_288] {strides = array<i32>} : memref<4x128xf32, #tpu.memory_space<vmem>>, vector<1x16xf32>,
        %swap3A_290 = vector.shape_cast %swap3A_289 : vector<1x16xf32> to vector<16xf32>
        %swap3A_291 = vector.shape_cast %scan3A_242#7 : vector<16xf32> to vector<1x16xf32>
        tpu.vector_store %arg6[%swap3A_287, %swap3A_288], %swap3A_291 {strides = array<i32>} : memref<4x128xf32, #tpu.memory_space<vmem>>, vector<1x16xf32>,
        %sub3A = arith.constant 0 : i32
        %sub3A_292 = arith.subi %add3A_4, %sub3A : i32
        %mul3A_293 = arith.constant 4 : i32
        %mul3A_294 = arith.muli %add3A_55, %mul3A_293 : i32
        %add3A_295 = arith.addi %sub3A_292, %mul3A_294 : i32
        "tpu.region"() ({
          %run_scoped3A = tpu.sem_alloc : memref<!tpu.dma_semaphore, #tpu.memory_space<semaphore_mem>>
          %dma_start3A = arith.constant 0 : i32
          %dma_start3A_296 = tpu.memref_slice %arg3[%add3A_295, %dma_start3A] : memref<5056x128xf32, #tpu.memory_space<hbm>> -> memref<4x128xf32, #tpu.memory_space<hbm>>
          %dma_start3A_297 = arith.constant 0 : i32
          %dma_start3A_298 = tpu.memref_slice %arg3[%add3A_295, %dma_start3A_297] : memref<5056x128xf32, #tpu.memory_space<hbm>> -> memref<4x128xf32, #tpu.memory_space<hbm>>
          tpu.enqueue_dma source(%arg6 : memref<4x128xf32, #tpu.memory_space<vmem>>) target(%dma_start3A_298 : memref<4x128xf32, #tpu.memory_space<hbm>>) target_semaphore(%run_scoped3A : memref<!tpu.dma_semaphore, #tpu.memory_space<semaphore_mem>>)
          %dma_wait3A_299 = arith.constant 0 : i32
          %dma_wait3A_300 = tpu.memref_slice %arg3[%add3A_295, %dma_wait3A_299] : memref<5056x128xf32, #tpu.memory_space<hbm>> -> memref<4x128xf32, #tpu.memory_space<hbm>>
          %dma_wait3A_301 = arith.constant 0 : i32
          %dma_wait3A_302 = tpu.memref_slice %arg3[%add3A_295, %dma_wait3A_301] : memref<5056x128xf32, #tpu.memory_space<hbm>> -> memref<4x128xf32, #tpu.memory_space<hbm>>
          tpu.wait_dma2 semaphore(%run_scoped3A : memref<!tpu.dma_semaphore, #tpu.memory_space<semaphore_mem>>) src(%arg6 : memref<4x128xf32, #tpu.memory_space<vmem>>) dst(%dma_wait3A_302 : memref<4x128xf32, #tpu.memory_space<hbm>>)
          tpu.yield
        }) : () -> ()
      } else {
      }
      %scan3A_64 = arith.constant 0 : i32
      scf.yield %scan3A_64 : i32
    }
    %scan3A_15 = arith.constant 40 : i32
    return
  }
}

#map = affine_map<(d0, d1) -> (0, 0)>
module attributes {stable_mosaic.version = 14 : i64} {
  func.func @body(%arg0: i32, %arg1: i32, %arg2: memref<320000x128xf32, #tpu.memory_space<hbm>>, %arg3: memref<5056x128xf32, #tpu.memory_space<hbm>>, %arg4: memref<128x128xf32, #tpu.memory_space<vmem>>, %arg5: memref<128x128xf32, #tpu.memory_space<vmem>>, %arg6: memref<4x128xf32, #tpu.memory_space<vmem>>, %arg7: memref<!tpu.dma_semaphore, #tpu.memory_space<semaphore_mem>>, %arg8: memref<!tpu.dma_semaphore, #tpu.memory_space<semaphore_mem>>) attributes {dimension_semantics = [#tpu.dimension_semantics<core_parallel>, #tpu.dimension_semantics<subcore_parallel>], iteration_bounds = array<i64: 1, 16>, scalar_prefetch = 0 : i64, scratch_operands = 5 : i64, tpu.core_type = #tpu.core_type<sc_vector_subcore>, window_params = [{transform_indices = #map}, {transform_indices = #map}]} {
    %mul3A = arith.constant 1 : i32
    %mul3A_0 = arith.muli %arg1, %mul3A : i32
    %add3A = arith.addi %mul3A_0, %arg0 : i32
    %mul3A_1 = arith.constant 316 : i32
    %mul3A_2 = arith.muli %add3A, %mul3A_1 : i32
    %add3A_3 = arith.constant 5056 : i32
    %add3A_4 = arith.addi %add3A_3, %mul3A_2 : i32
    %add3A_5 = arith.constant 0 : i32
    %add3A_6 = arith.addi %add3A_4, %add3A_5 : i32
    %lt3A = arith.constant 10000 : i32
    %lt3A_7 = arith.cmpi slt, %add3A_6, %lt3A : i32
    %and3A = arith.constant true
    %and3A_8 = arith.andi %and3A, %lt3A_7 : i1
    %convert_element_type3A = arith.extui %and3A_8 : i1 to i32
    %cond3A = arith.constant 0 : i32
    %cond3A_9 = arith.cmpi ne, %convert_element_type3A, %cond3A : i32
    scf.if %cond3A_9 {
      %add3A_16 = arith.constant 0 : i32
      %add3A_17 = arith.addi %add3A_4, %add3A_16 : i32
      %mul3A_18 = arith.constant 32 : i32
      %mul3A_19 = arith.muli %add3A_17, %mul3A_18 : i32
      %dma_start3A = arith.constant 0 : i32
      %dma_start3A_20 = tpu.memref_slice %arg2[%mul3A_19, %dma_start3A] : memref<320000x128xf32, #tpu.memory_space<hbm>> -> memref<128x128xf32, #tpu.memory_space<hbm>>
      %dma_start3A_21 = arith.constant 0 : i32
      %dma_start3A_22 = tpu.memref_slice %arg2[%mul3A_19, %dma_start3A_21] : memref<320000x128xf32, #tpu.memory_space<hbm>> -> memref<128x128xf32, #tpu.memory_space<hbm>>
      tpu.enqueue_dma source(%dma_start3A_22 : memref<128x128xf32, #tpu.memory_space<hbm>>) target(%arg4 : memref<128x128xf32, #tpu.memory_space<vmem>>) target_semaphore(%arg7 : memref<!tpu.dma_semaphore, #tpu.memory_space<semaphore_mem>>)
    } else {
    }
    %scan3A = arith.constant 0 : i32
    %scan3A_10 = arith.constant 0 : i32
    %scan3A_11 = arith.constant 40 : i32
    %scan3A_12 = arith.addi %scan3A_10, %scan3A_11 : i32
    %scan3A_13 = arith.constant 1 : i32
    %scan3A_14 = scf.for %scan3A_16 = %scan3A_10 to %scan3A_12 step %scan3A_13 iter_args(%scan3A_17 = %scan3A) -> (i32)  : i32 {
      %mul3A_18 = arith.constant 2 : i32
      %mul3A_19 = arith.muli %scan3A_16, %mul3A_18 : i32
      %add3A_20 = arith.constant 1 : i32
      %add3A_21 = arith.addi %mul3A_19, %add3A_20 : i32
      %lt3A_22 = arith.constant 80 : i32
      %lt3A_23 = arith.cmpi slt, %add3A_21, %lt3A_22 : i32
      %mul3A_24 = arith.constant 4 : i32
      %mul3A_25 = arith.muli %add3A_21, %mul3A_24 : i32
      %add3A_26 = arith.addi %add3A_4, %mul3A_25 : i32
      %lt3A_27 = arith.constant 10000 : i32
      %lt3A_28 = arith.cmpi slt, %add3A_26, %lt3A_27 : i32
      %and3A_29 = arith.andi %lt3A_23, %lt3A_28 : i1
      %convert_element_type3A_30 = arith.extui %and3A_29 : i1 to i32
      %cond3A_31 = arith.constant 0 : i32
      %cond3A_32 = arith.cmpi ne, %convert_element_type3A_30, %cond3A_31 : i32
      scf.if %cond3A_32 {
        %mul3A_65 = arith.constant 4 : i32
        %mul3A_66 = arith.muli %add3A_21, %mul3A_65 : i32
        %add3A_67 = arith.addi %add3A_4, %mul3A_66 : i32
        %mul3A_68 = arith.constant 32 : i32
        %mul3A_69 = arith.muli %add3A_67, %mul3A_68 : i32
        %dma_start3A = arith.constant 0 : i32
        %dma_start3A_70 = tpu.memref_slice %arg2[%mul3A_69, %dma_start3A] : memref<320000x128xf32, #tpu.memory_space<hbm>> -> memref<128x128xf32, #tpu.memory_space<hbm>>
        %dma_start3A_71 = arith.constant 0 : i32
        %dma_start3A_72 = tpu.memref_slice %arg2[%mul3A_69, %dma_start3A_71] : memref<320000x128xf32, #tpu.memory_space<hbm>> -> memref<128x128xf32, #tpu.memory_space<hbm>>
        tpu.enqueue_dma source(%dma_start3A_72 : memref<128x128xf32, #tpu.memory_space<hbm>>) target(%arg5 : memref<128x128xf32, #tpu.memory_space<vmem>>) target_semaphore(%arg8 : memref<!tpu.dma_semaphore, #tpu.memory_space<semaphore_mem>>)
      } else {
      }
      %mul3A_33 = arith.constant 4 : i32
      %mul3A_34 = arith.muli %mul3A_19, %mul3A_33 : i32
      %add3A_35 = arith.addi %add3A_4, %mul3A_34 : i32
      %lt3A_36 = arith.constant 10000 : i32
      %lt3A_37 = arith.cmpi slt, %add3A_35, %lt3A_36 : i32
      %convert_element_type3A_38 = arith.extui %lt3A_37 : i1 to i32
      %cond3A_39 = arith.constant 0 : i32
      %cond3A_40 = arith.cmpi ne, %convert_element_type3A_38, %cond3A_39 : i32
      scf.if %cond3A_40 {
        %dma_wait3A = arith.constant 0 : i32
        %dma_wait3A_65 = arith.constant 0 : i32
        %dma_wait3A_66 = tpu.memref_slice %arg2[%dma_wait3A, %dma_wait3A_65] : memref<320000x128xf32, #tpu.memory_space<hbm>> -> memref<128x128xf32, #tpu.memory_space<hbm>>
        %dma_wait3A_67 = arith.constant 0 : i32
        %dma_wait3A_68 = arith.constant 0 : i32
        %dma_wait3A_69 = tpu.memref_slice %arg2[%dma_wait3A_67, %dma_wait3A_68] : memref<320000x128xf32, #tpu.memory_space<hbm>> -> memref<128x128xf32, #tpu.memory_space<hbm>>
        tpu.wait_dma2 semaphore(%arg7 : memref<!tpu.dma_semaphore, #tpu.memory_space<semaphore_mem>>) src(%dma_wait3A_69 : memref<128x128xf32, #tpu.memory_space<hbm>>) dst(%arg4 : memref<128x128xf32, #tpu.memory_space<vmem>>)
        %broadcast_in_dim3A = arith.constant 0.000000e+00 : f32
        %broadcast_in_dim3A_70 = vector.broadcast %broadcast_in_dim3A : f32 to vector<16xf32>
        %scan3A_71 = arith.constant 0 : i32
        %scan3A_72 = arith.constant 8 : i32
        %scan3A_73 = arith.addi %scan3A_71, %scan3A_72 : i32
        %scan3A_74 = arith.constant 1 : i32
        %scan3A_75:8 = scf.for %scan3A_296 = %scan3A_71 to %scan3A_73 step %scan3A_74 iter_args(%scan3A_297 = %broadcast_in_dim3A_70, %scan3A_298 = %broadcast_in_dim3A_70, %scan3A_299 = %broadcast_in_dim3A_70, %scan3A_300 = %broadcast_in_dim3A_70, %scan3A_301 = %broadcast_in_dim3A_70, %scan3A_302 = %broadcast_in_dim3A_70, %scan3A_303 = %broadcast_in_dim3A_70, %scan3A_304 = %broadcast_in_dim3A_70) -> (vector<16xf32>, vector<16xf32>, vector<16xf32>, vector<16xf32>, vector<16xf32>, vector<16xf32>, vector<16xf32>, vector<16xf32>)  : i32 {
          %mul3A_305 = arith.constant 4 : i32
          %mul3A_306 = arith.muli %scan3A_296, %mul3A_305 : i32
          %add3A_307 = arith.constant 0 : i32
          %add3A_308 = arith.addi %add3A_307, %mul3A_306 : i32
          %add3A_309 = arith.constant 0 : i32
          %add3A_310 = arith.addi %add3A_308, %add3A_309 : i32
          %get3A = arith.index_cast %add3A_310 : i32 to index
          %get3A_311 = arith.constant 0 : index
          %get3A_312 = tpu.vector_load %arg4[%get3A, %get3A_311] {strides = array<i32>} : memref<128x128xf32, #tpu.memory_space<vmem>>, vector<1x16xf32>,
          %get3A_313 = vector.shape_cast %get3A_312 : vector<1x16xf32> to vector<16xf32>
          %add3A_314 = arith.addf %scan3A_297, %get3A_313 : vector<16xf32>
          %get3A_315 = arith.index_cast %add3A_310 : i32 to index
          %get3A_316 = arith.constant 16 : index
          %get3A_317 = tpu.vector_load %arg4[%get3A_315, %get3A_316] {strides = array<i32>} : memref<128x128xf32, #tpu.memory_space<vmem>>, vector<1x16xf32>,
          %get3A_318 = vector.shape_cast %get3A_317 : vector<1x16xf32> to vector<16xf32>
          %add3A_319 = arith.addf %scan3A_298, %get3A_318 : vector<16xf32>
          %get3A_320 = arith.index_cast %add3A_310 : i32 to index
          %get3A_321 = arith.constant 32 : index
          %get3A_322 = tpu.vector_load %arg4[%get3A_320, %get3A_321] {strides = array<i32>} : memref<128x128xf32, #tpu.memory_space<vmem>>, vector<1x16xf32>,
          %get3A_323 = vector.shape_cast %get3A_322 : vector<1x16xf32> to vector<16xf32>
          %add3A_324 = arith.addf %scan3A_299, %get3A_323 : vector<16xf32>
          %get3A_325 = arith.index_cast %add3A_310 : i32 to index
          %get3A_326 = arith.constant 48 : index
          %get3A_327 = tpu.vector_load %arg4[%get3A_325, %get3A_326] {strides = array<i32>} : memref<128x128xf32, #tpu.memory_space<vmem>>, vector<1x16xf32>,
          %get3A_328 = vector.shape_cast %get3A_327 : vector<1x16xf32> to vector<16xf32>
          %add3A_329 = arith.addf %scan3A_300, %get3A_328 : vector<16xf32>
          %get3A_330 = arith.index_cast %add3A_310 : i32 to index
          %get3A_331 = arith.constant 64 : index
          %get3A_332 = tpu.vector_load %arg4[%get3A_330, %get3A_331] {strides = array<i32>} : memref<128x128xf32, #tpu.memory_space<vmem>>, vector<1x16xf32>,
          %get3A_333 = vector.shape_cast %get3A_332 : vector<1x16xf32> to vector<16xf32>
          %add3A_334 = arith.addf %scan3A_301, %get3A_333 : vector<16xf32>
          %get3A_335 = arith.index_cast %add3A_310 : i32 to index
          %get3A_336 = arith.constant 80 : index
          %get3A_337 = tpu.vector_load %arg4[%get3A_335, %get3A_336] {strides = array<i32>} : memref<128x128xf32, #tpu.memory_space<vmem>>, vector<1x16xf32>,
          %get3A_338 = vector.shape_cast %get3A_337 : vector<1x16xf32> to vector<16xf32>
          %add3A_339 = arith.addf %scan3A_302, %get3A_338 : vector<16xf32>
          %get3A_340 = arith.index_cast %add3A_310 : i32 to index
          %get3A_341 = arith.constant 96 : index
          %get3A_342 = tpu.vector_load %arg4[%get3A_340, %get3A_341] {strides = array<i32>} : memref<128x128xf32, #tpu.memory_space<vmem>>, vector<1x16xf32>,
          %get3A_343 = vector.shape_cast %get3A_342 : vector<1x16xf32> to vector<16xf32>
          %add3A_344 = arith.addf %scan3A_303, %get3A_343 : vector<16xf32>
          %get3A_345 = arith.index_cast %add3A_310 : i32 to index
          %get3A_346 = arith.constant 112 : index
          %get3A_347 = tpu.vector_load %arg4[%get3A_345, %get3A_346] {strides = array<i32>} : memref<128x128xf32, #tpu.memory_space<vmem>>, vector<1x16xf32>,
          %get3A_348 = vector.shape_cast %get3A_347 : vector<1x16xf32> to vector<16xf32>
          %add3A_349 = arith.addf %scan3A_304, %get3A_348 : vector<16xf32>
          %mul3A_350 = arith.constant 4 : i32
          %mul3A_351 = arith.muli %scan3A_296, %mul3A_350 : i32
          %add3A_352 = arith.constant 0 : i32
          %add3A_353 = arith.addi %add3A_352, %mul3A_351 : i32
          %add3A_354 = arith.constant 1 : i32
          %add3A_355 = arith.addi %add3A_353, %add3A_354 : i32
          %get3A_356 = arith.index_cast %add3A_355 : i32 to index
          %get3A_357 = arith.constant 0 : index
          %get3A_358 = tpu.vector_load %arg4[%get3A_356, %get3A_357] {strides = array<i32>} : memref<128x128xf32, #tpu.memory_space<vmem>>, vector<1x16xf32>,
          %get3A_359 = vector.shape_cast %get3A_358 : vector<1x16xf32> to vector<16xf32>
          %add3A_360 = arith.addf %add3A_314, %get3A_359 : vector<16xf32>
          %get3A_361 = arith.index_cast %add3A_355 : i32 to index
          %get3A_362 = arith.constant 16 : index
          %get3A_363 = tpu.vector_load %arg4[%get3A_361, %get3A_362] {strides = array<i32>} : memref<128x128xf32, #tpu.memory_space<vmem>>, vector<1x16xf32>,
          %get3A_364 = vector.shape_cast %get3A_363 : vector<1x16xf32> to vector<16xf32>
          %add3A_365 = arith.addf %add3A_319, %get3A_364 : vector<16xf32>
          %get3A_366 = arith.index_cast %add3A_355 : i32 to index
          %get3A_367 = arith.constant 32 : index
          %get3A_368 = tpu.vector_load %arg4[%get3A_366, %get3A_367] {strides = array<i32>} : memref<128x128xf32, #tpu.memory_space<vmem>>, vector<1x16xf32>,
          %get3A_369 = vector.shape_cast %get3A_368 : vector<1x16xf32> to vector<16xf32>
          %add3A_370 = arith.addf %add3A_324, %get3A_369 : vector<16xf32>
          %get3A_371 = arith.index_cast %add3A_355 : i32 to index
          %get3A_372 = arith.constant 48 : index
          %get3A_373 = tpu.vector_load %arg4[%get3A_371, %get3A_372] {strides = array<i32>} : memref<128x128xf32, #tpu.memory_space<vmem>>, vector<1x16xf32>,
          %get3A_374 = vector.shape_cast %get3A_373 : vector<1x16xf32> to vector<16xf32>
          %add3A_375 = arith.addf %add3A_329, %get3A_374 : vector<16xf32>
          %get3A_376 = arith.index_cast %add3A_355 : i32 to index
          %get3A_377 = arith.constant 64 : index
          %get3A_378 = tpu.vector_load %arg4[%get3A_376, %get3A_377] {strides = array<i32>} : memref<128x128xf32, #tpu.memory_space<vmem>>, vector<1x16xf32>,
          %get3A_379 = vector.shape_cast %get3A_378 : vector<1x16xf32> to vector<16xf32>
          %add3A_380 = arith.addf %add3A_334, %get3A_379 : vector<16xf32>
          %get3A_381 = arith.index_cast %add3A_355 : i32 to index
          %get3A_382 = arith.constant 80 : index
          %get3A_383 = tpu.vector_load %arg4[%get3A_381, %get3A_382] {strides = array<i32>} : memref<128x128xf32, #tpu.memory_space<vmem>>, vector<1x16xf32>,
          %get3A_384 = vector.shape_cast %get3A_383 : vector<1x16xf32> to vector<16xf32>
          %add3A_385 = arith.addf %add3A_339, %get3A_384 : vector<16xf32>
          %get3A_386 = arith.index_cast %add3A_355 : i32 to index
          %get3A_387 = arith.constant 96 : index
          %get3A_388 = tpu.vector_load %arg4[%get3A_386, %get3A_387] {strides = array<i32>} : memref<128x128xf32, #tpu.memory_space<vmem>>, vector<1x16xf32>,
          %get3A_389 = vector.shape_cast %get3A_388 : vector<1x16xf32> to vector<16xf32>
          %add3A_390 = arith.addf %add3A_344, %get3A_389 : vector<16xf32>
          %get3A_391 = arith.index_cast %add3A_355 : i32 to index
          %get3A_392 = arith.constant 112 : index
          %get3A_393 = tpu.vector_load %arg4[%get3A_391, %get3A_392] {strides = array<i32>} : memref<128x128xf32, #tpu.memory_space<vmem>>, vector<1x16xf32>,
          %get3A_394 = vector.shape_cast %get3A_393 : vector<1x16xf32> to vector<16xf32>
          %add3A_395 = arith.addf %add3A_349, %get3A_394 : vector<16xf32>
          %mul3A_396 = arith.constant 4 : i32
          %mul3A_397 = arith.muli %scan3A_296, %mul3A_396 : i32
          %add3A_398 = arith.constant 0 : i32
          %add3A_399 = arith.addi %add3A_398, %mul3A_397 : i32
          %add3A_400 = arith.constant 2 : i32
          %add3A_401 = arith.addi %add3A_399, %add3A_400 : i32
          %get3A_402 = arith.index_cast %add3A_401 : i32 to index
          %get3A_403 = arith.constant 0 : index
          %get3A_404 = tpu.vector_load %arg4[%get3A_402, %get3A_403] {strides = array<i32>} : memref<128x128xf32, #tpu.memory_space<vmem>>, vector<1x16xf32>,
          %get3A_405 = vector.shape_cast %get3A_404 : vector<1x16xf32> to vector<16xf32>
          %add3A_406 = arith.addf %add3A_360, %get3A_405 : vector<16xf32>
          %get3A_407 = arith.index_cast %add3A_401 : i32 to index
          %get3A_408 = arith.constant 16 : index
          %get3A_409 = tpu.vector_load %arg4[%get3A_407, %get3A_408] {strides = array<i32>} : memref<128x128xf32, #tpu.memory_space<vmem>>, vector<1x16xf32>,
          %get3A_410 = vector.shape_cast %get3A_409 : vector<1x16xf32> to vector<16xf32>
          %add3A_411 = arith.addf %add3A_365, %get3A_410 : vector<16xf32>
          %get3A_412 = arith.index_cast %add3A_401 : i32 to index
          %get3A_413 = arith.constant 32 : index
          %get3A_414 = tpu.vector_load %arg4[%get3A_412, %get3A_413] {strides = array<i32>} : memref<128x128xf32, #tpu.memory_space<vmem>>, vector<1x16xf32>,
          %get3A_415 = vector.shape_cast %get3A_414 : vector<1x16xf32> to vector<16xf32>
          %add3A_416 = arith.addf %add3A_370, %get3A_415 : vector<16xf32>
          %get3A_417 = arith.index_cast %add3A_401 : i32 to index
          %get3A_418 = arith.constant 48 : index
          %get3A_419 = tpu.vector_load %arg4[%get3A_417, %get3A_418] {strides = array<i32>} : memref<128x128xf32, #tpu.memory_space<vmem>>, vector<1x16xf32>,
          %get3A_420 = vector.shape_cast %get3A_419 : vector<1x16xf32> to vector<16xf32>
          %add3A_421 = arith.addf %add3A_375, %get3A_420 : vector<16xf32>
          %get3A_422 = arith.index_cast %add3A_401 : i32 to index
          %get3A_423 = arith.constant 64 : index
          %get3A_424 = tpu.vector_load %arg4[%get3A_422, %get3A_423] {strides = array<i32>} : memref<128x128xf32, #tpu.memory_space<vmem>>, vector<1x16xf32>,
          %get3A_425 = vector.shape_cast %get3A_424 : vector<1x16xf32> to vector<16xf32>
          %add3A_426 = arith.addf %add3A_380, %get3A_425 : vector<16xf32>
          %get3A_427 = arith.index_cast %add3A_401 : i32 to index
          %get3A_428 = arith.constant 80 : index
          %get3A_429 = tpu.vector_load %arg4[%get3A_427, %get3A_428] {strides = array<i32>} : memref<128x128xf32, #tpu.memory_space<vmem>>, vector<1x16xf32>,
          %get3A_430 = vector.shape_cast %get3A_429 : vector<1x16xf32> to vector<16xf32>
          %add3A_431 = arith.addf %add3A_385, %get3A_430 : vector<16xf32>
          %get3A_432 = arith.index_cast %add3A_401 : i32 to index
          %get3A_433 = arith.constant 96 : index
          %get3A_434 = tpu.vector_load %arg4[%get3A_432, %get3A_433] {strides = array<i32>} : memref<128x128xf32, #tpu.memory_space<vmem>>, vector<1x16xf32>,
          %get3A_435 = vector.shape_cast %get3A_434 : vector<1x16xf32> to vector<16xf32>
          %add3A_436 = arith.addf %add3A_390, %get3A_435 : vector<16xf32>
          %get3A_437 = arith.index_cast %add3A_401 : i32 to index
          %get3A_438 = arith.constant 112 : index
          %get3A_439 = tpu.vector_load %arg4[%get3A_437, %get3A_438] {strides = array<i32>} : memref<128x128xf32, #tpu.memory_space<vmem>>, vector<1x16xf32>,
          %get3A_440 = vector.shape_cast %get3A_439 : vector<1x16xf32> to vector<16xf32>
          %add3A_441 = arith.addf %add3A_395, %get3A_440 : vector<16xf32>
          %mul3A_442 = arith.constant 4 : i32
          %mul3A_443 = arith.muli %scan3A_296, %mul3A_442 : i32
          %add3A_444 = arith.constant 0 : i32
          %add3A_445 = arith.addi %add3A_444, %mul3A_443 : i32
          %add3A_446 = arith.constant 3 : i32
          %add3A_447 = arith.addi %add3A_445, %add3A_446 : i32
          %get3A_448 = arith.index_cast %add3A_447 : i32 to index
          %get3A_449 = arith.constant 0 : index
          %get3A_450 = tpu.vector_load %arg4[%get3A_448, %get3A_449] {strides = array<i32>} : memref<128x128xf32, #tpu.memory_space<vmem>>, vector<1x16xf32>,
          %get3A_451 = vector.shape_cast %get3A_450 : vector<1x16xf32> to vector<16xf32>
          %add3A_452 = arith.addf %add3A_406, %get3A_451 : vector<16xf32>
          %get3A_453 = arith.index_cast %add3A_447 : i32 to index
          %get3A_454 = arith.constant 16 : index
          %get3A_455 = tpu.vector_load %arg4[%get3A_453, %get3A_454] {strides = array<i32>} : memref<128x128xf32, #tpu.memory_space<vmem>>, vector<1x16xf32>,
          %get3A_456 = vector.shape_cast %get3A_455 : vector<1x16xf32> to vector<16xf32>
          %add3A_457 = arith.addf %add3A_411, %get3A_456 : vector<16xf32>
          %get3A_458 = arith.index_cast %add3A_447 : i32 to index
          %get3A_459 = arith.constant 32 : index
          %get3A_460 = tpu.vector_load %arg4[%get3A_458, %get3A_459] {strides = array<i32>} : memref<128x128xf32, #tpu.memory_space<vmem>>, vector<1x16xf32>,
          %get3A_461 = vector.shape_cast %get3A_460 : vector<1x16xf32> to vector<16xf32>
          %add3A_462 = arith.addf %add3A_416, %get3A_461 : vector<16xf32>
          %get3A_463 = arith.index_cast %add3A_447 : i32 to index
          %get3A_464 = arith.constant 48 : index
          %get3A_465 = tpu.vector_load %arg4[%get3A_463, %get3A_464] {strides = array<i32>} : memref<128x128xf32, #tpu.memory_space<vmem>>, vector<1x16xf32>,
          %get3A_466 = vector.shape_cast %get3A_465 : vector<1x16xf32> to vector<16xf32>
          %add3A_467 = arith.addf %add3A_421, %get3A_466 : vector<16xf32>
          %get3A_468 = arith.index_cast %add3A_447 : i32 to index
          %get3A_469 = arith.constant 64 : index
          %get3A_470 = tpu.vector_load %arg4[%get3A_468, %get3A_469] {strides = array<i32>} : memref<128x128xf32, #tpu.memory_space<vmem>>, vector<1x16xf32>,
          %get3A_471 = vector.shape_cast %get3A_470 : vector<1x16xf32> to vector<16xf32>
          %add3A_472 = arith.addf %add3A_426, %get3A_471 : vector<16xf32>
          %get3A_473 = arith.index_cast %add3A_447 : i32 to index
          %get3A_474 = arith.constant 80 : index
          %get3A_475 = tpu.vector_load %arg4[%get3A_473, %get3A_474] {strides = array<i32>} : memref<128x128xf32, #tpu.memory_space<vmem>>, vector<1x16xf32>,
          %get3A_476 = vector.shape_cast %get3A_475 : vector<1x16xf32> to vector<16xf32>
          %add3A_477 = arith.addf %add3A_431, %get3A_476 : vector<16xf32>
          %get3A_478 = arith.index_cast %add3A_447 : i32 to index
          %get3A_479 = arith.constant 96 : index
          %get3A_480 = tpu.vector_load %arg4[%get3A_478, %get3A_479] {strides = array<i32>} : memref<128x128xf32, #tpu.memory_space<vmem>>, vector<1x16xf32>,
          %get3A_481 = vector.shape_cast %get3A_480 : vector<1x16xf32> to vector<16xf32>
          %add3A_482 = arith.addf %add3A_436, %get3A_481 : vector<16xf32>
          %get3A_483 = arith.index_cast %add3A_447 : i32 to index
          %get3A_484 = arith.constant 112 : index
          %get3A_485 = tpu.vector_load %arg4[%get3A_483, %get3A_484] {strides = array<i32>} : memref<128x128xf32, #tpu.memory_space<vmem>>, vector<1x16xf32>,
          %get3A_486 = vector.shape_cast %get3A_485 : vector<1x16xf32> to vector<16xf32>
          %add3A_487 = arith.addf %add3A_441, %get3A_486 : vector<16xf32>
          scf.yield %add3A_452, %add3A_457, %add3A_462, %add3A_467, %add3A_472, %add3A_477, %add3A_482, %add3A_487 : vector<16xf32>, vector<16xf32>, vector<16xf32>, vector<16xf32>, vector<16xf32>, vector<16xf32>, vector<16xf32>, vector<16xf32>
        }
        %scan3A_76 = arith.constant 8 : i32
        %swap3A = arith.constant 0 : i32
        %swap3A_77 = arith.index_cast %swap3A : i32 to index
        %swap3A_78 = arith.constant 0 : index
        %swap3A_79 = tpu.vector_load %arg6[%swap3A_77, %swap3A_78] {strides = array<i32>} : memref<4x128xf32, #tpu.memory_space<vmem>>, vector<1x16xf32>,
        %swap3A_80 = vector.shape_cast %swap3A_79 : vector<1x16xf32> to vector<16xf32>
        %swap3A_81 = vector.shape_cast %scan3A_75#0 : vector<16xf32> to vector<1x16xf32>
        tpu.vector_store %arg6[%swap3A_77, %swap3A_78], %swap3A_81 {strides = array<i32>} : memref<4x128xf32, #tpu.memory_space<vmem>>, vector<1x16xf32>,
        %swap3A_82 = arith.constant 0 : i32
        %swap3A_83 = arith.index_cast %swap3A_82 : i32 to index
        %swap3A_84 = arith.constant 16 : index
        %swap3A_85 = tpu.vector_load %arg6[%swap3A_83, %swap3A_84] {strides = array<i32>} : memref<4x128xf32, #tpu.memory_space<vmem>>, vector<1x16xf32>,
        %swap3A_86 = vector.shape_cast %swap3A_85 : vector<1x16xf32> to vector<16xf32>
        %swap3A_87 = vector.shape_cast %scan3A_75#1 : vector<16xf32> to vector<1x16xf32>
        tpu.vector_store %arg6[%swap3A_83, %swap3A_84], %swap3A_87 {strides = array<i32>} : memref<4x128xf32, #tpu.memory_space<vmem>>, vector<1x16xf32>,
        %swap3A_88 = arith.constant 0 : i32
        %swap3A_89 = arith.index_cast %swap3A_88 : i32 to index
        %swap3A_90 = arith.constant 32 : index
        %swap3A_91 = tpu.vector_load %arg6[%swap3A_89, %swap3A_90] {strides = array<i32>} : memref<4x128xf32, #tpu.memory_space<vmem>>, vector<1x16xf32>,
        %swap3A_92 = vector.shape_cast %swap3A_91 : vector<1x16xf32> to vector<16xf32>
        %swap3A_93 = vector.shape_cast %scan3A_75#2 : vector<16xf32> to vector<1x16xf32>
        tpu.vector_store %arg6[%swap3A_89, %swap3A_90], %swap3A_93 {strides = array<i32>} : memref<4x128xf32, #tpu.memory_space<vmem>>, vector<1x16xf32>,
        %swap3A_94 = arith.constant 0 : i32
        %swap3A_95 = arith.index_cast %swap3A_94 : i32 to index
        %swap3A_96 = arith.constant 48 : index
        %swap3A_97 = tpu.vector_load %arg6[%swap3A_95, %swap3A_96] {strides = array<i32>} : memref<4x128xf32, #tpu.memory_space<vmem>>, vector<1x16xf32>,
        %swap3A_98 = vector.shape_cast %swap3A_97 : vector<1x16xf32> to vector<16xf32>
        %swap3A_99 = vector.shape_cast %scan3A_75#3 : vector<16xf32> to vector<1x16xf32>
        tpu.vector_store %arg6[%swap3A_95, %swap3A_96], %swap3A_99 {strides = array<i32>} : memref<4x128xf32, #tpu.memory_space<vmem>>, vector<1x16xf32>,
        %swap3A_100 = arith.constant 0 : i32
        %swap3A_101 = arith.index_cast %swap3A_100 : i32 to index
        %swap3A_102 = arith.constant 64 : index
        %swap3A_103 = tpu.vector_load %arg6[%swap3A_101, %swap3A_102] {strides = array<i32>} : memref<4x128xf32, #tpu.memory_space<vmem>>, vector<1x16xf32>,
        %swap3A_104 = vector.shape_cast %swap3A_103 : vector<1x16xf32> to vector<16xf32>
        %swap3A_105 = vector.shape_cast %scan3A_75#4 : vector<16xf32> to vector<1x16xf32>
        tpu.vector_store %arg6[%swap3A_101, %swap3A_102], %swap3A_105 {strides = array<i32>} : memref<4x128xf32, #tpu.memory_space<vmem>>, vector<1x16xf32>,
        %swap3A_106 = arith.constant 0 : i32
        %swap3A_107 = arith.index_cast %swap3A_106 : i32 to index
        %swap3A_108 = arith.constant 80 : index
        %swap3A_109 = tpu.vector_load %arg6[%swap3A_107, %swap3A_108] {strides = array<i32>} : memref<4x128xf32, #tpu.memory_space<vmem>>, vector<1x16xf32>,
        %swap3A_110 = vector.shape_cast %swap3A_109 : vector<1x16xf32> to vector<16xf32>
        %swap3A_111 = vector.shape_cast %scan3A_75#5 : vector<16xf32> to vector<1x16xf32>
        tpu.vector_store %arg6[%swap3A_107, %swap3A_108], %swap3A_111 {strides = array<i32>} : memref<4x128xf32, #tpu.memory_space<vmem>>, vector<1x16xf32>,
        %swap3A_112 = arith.constant 0 : i32
        %swap3A_113 = arith.index_cast %swap3A_112 : i32 to index
        %swap3A_114 = arith.constant 96 : index
        %swap3A_115 = tpu.vector_load %arg6[%swap3A_113, %swap3A_114] {strides = array<i32>} : memref<4x128xf32, #tpu.memory_space<vmem>>, vector<1x16xf32>,
        %swap3A_116 = vector.shape_cast %swap3A_115 : vector<1x16xf32> to vector<16xf32>
        %swap3A_117 = vector.shape_cast %scan3A_75#6 : vector<16xf32> to vector<1x16xf32>
        tpu.vector_store %arg6[%swap3A_113, %swap3A_114], %swap3A_117 {strides = array<i32>} : memref<4x128xf32, #tpu.memory_space<vmem>>, vector<1x16xf32>,
        %swap3A_118 = arith.constant 0 : i32
        %swap3A_119 = arith.index_cast %swap3A_118 : i32 to index
        %swap3A_120 = arith.constant 112 : index
        %swap3A_121 = tpu.vector_load %arg6[%swap3A_119, %swap3A_120] {strides = array<i32>} : memref<4x128xf32, #tpu.memory_space<vmem>>, vector<1x16xf32>,
        %swap3A_122 = vector.shape_cast %swap3A_121 : vector<1x16xf32> to vector<16xf32>
        %swap3A_123 = vector.shape_cast %scan3A_75#7 : vector<16xf32> to vector<1x16xf32>
        tpu.vector_store %arg6[%swap3A_119, %swap3A_120], %swap3A_123 {strides = array<i32>} : memref<4x128xf32, #tpu.memory_space<vmem>>, vector<1x16xf32>,
        %broadcast_in_dim3A_124 = arith.constant 0.000000e+00 : f32
        %broadcast_in_dim3A_125 = vector.broadcast %broadcast_in_dim3A_124 : f32 to vector<16xf32>
        %scan3A_126 = arith.constant 0 : i32
        %scan3A_127 = arith.constant 8 : i32
        %scan3A_128 = arith.addi %scan3A_126, %scan3A_127 : i32
        %scan3A_129 = arith.constant 1 : i32
        %scan3A_130:8 = scf.for %scan3A_296 = %scan3A_126 to %scan3A_128 step %scan3A_129 iter_args(%scan3A_297 = %broadcast_in_dim3A_125, %scan3A_298 = %broadcast_in_dim3A_125, %scan3A_299 = %broadcast_in_dim3A_125, %scan3A_300 = %broadcast_in_dim3A_125, %scan3A_301 = %broadcast_in_dim3A_125, %scan3A_302 = %broadcast_in_dim3A_125, %scan3A_303 = %broadcast_in_dim3A_125, %scan3A_304 = %broadcast_in_dim3A_125) -> (vector<16xf32>, vector<16xf32>, vector<16xf32>, vector<16xf32>, vector<16xf32>, vector<16xf32>, vector<16xf32>, vector<16xf32>)  : i32 {
          %mul3A_305 = arith.constant 4 : i32
          %mul3A_306 = arith.muli %scan3A_296, %mul3A_305 : i32
          %add3A_307 = arith.constant 32 : i32
          %add3A_308 = arith.addi %add3A_307, %mul3A_306 : i32
          %add3A_309 = arith.constant 0 : i32
          %add3A_310 = arith.addi %add3A_308, %add3A_309 : i32
          %get3A = arith.index_cast %add3A_310 : i32 to index
          %get3A_311 = arith.constant 0 : index
          %get3A_312 = tpu.vector_load %arg4[%get3A, %get3A_311] {strides = array<i32>} : memref<128x128xf32, #tpu.memory_space<vmem>>, vector<1x16xf32>,
          %get3A_313 = vector.shape_cast %get3A_312 : vector<1x16xf32> to vector<16xf32>
          %add3A_314 = arith.addf %scan3A_297, %get3A_313 : vector<16xf32>
          %get3A_315 = arith.index_cast %add3A_310 : i32 to index
          %get3A_316 = arith.constant 16 : index
          %get3A_317 = tpu.vector_load %arg4[%get3A_315, %get3A_316] {strides = array<i32>} : memref<128x128xf32, #tpu.memory_space<vmem>>, vector<1x16xf32>,
          %get3A_318 = vector.shape_cast %get3A_317 : vector<1x16xf32> to vector<16xf32>
          %add3A_319 = arith.addf %scan3A_298, %get3A_318 : vector<16xf32>
          %get3A_320 = arith.index_cast %add3A_310 : i32 to index
          %get3A_321 = arith.constant 32 : index
          %get3A_322 = tpu.vector_load %arg4[%get3A_320, %get3A_321] {strides = array<i32>} : memref<128x128xf32, #tpu.memory_space<vmem>>, vector<1x16xf32>,
          %get3A_323 = vector.shape_cast %get3A_322 : vector<1x16xf32> to vector<16xf32>
          %add3A_324 = arith.addf %scan3A_299, %get3A_323 : vector<16xf32>
          %get3A_325 = arith.index_cast %add3A_310 : i32 to index
          %get3A_326 = arith.constant 48 : index
          %get3A_327 = tpu.vector_load %arg4[%get3A_325, %get3A_326] {strides = array<i32>} : memref<128x128xf32, #tpu.memory_space<vmem>>, vector<1x16xf32>,
          %get3A_328 = vector.shape_cast %get3A_327 : vector<1x16xf32> to vector<16xf32>
          %add3A_329 = arith.addf %scan3A_300, %get3A_328 : vector<16xf32>
          %get3A_330 = arith.index_cast %add3A_310 : i32 to index
          %get3A_331 = arith.constant 64 : index
          %get3A_332 = tpu.vector_load %arg4[%get3A_330, %get3A_331] {strides = array<i32>} : memref<128x128xf32, #tpu.memory_space<vmem>>, vector<1x16xf32>,
          %get3A_333 = vector.shape_cast %get3A_332 : vector<1x16xf32> to vector<16xf32>
          %add3A_334 = arith.addf %scan3A_301, %get3A_333 : vector<16xf32>
          %get3A_335 = arith.index_cast %add3A_310 : i32 to index
          %get3A_336 = arith.constant 80 : index
          %get3A_337 = tpu.vector_load %arg4[%get3A_335, %get3A_336] {strides = array<i32>} : memref<128x128xf32, #tpu.memory_space<vmem>>, vector<1x16xf32>,
          %get3A_338 = vector.shape_cast %get3A_337 : vector<1x16xf32> to vector<16xf32>
          %add3A_339 = arith.addf %scan3A_302, %get3A_338 : vector<16xf32>
          %get3A_340 = arith.index_cast %add3A_310 : i32 to index
          %get3A_341 = arith.constant 96 : index
          %get3A_342 = tpu.vector_load %arg4[%get3A_340, %get3A_341] {strides = array<i32>} : memref<128x128xf32, #tpu.memory_space<vmem>>, vector<1x16xf32>,
          %get3A_343 = vector.shape_cast %get3A_342 : vector<1x16xf32> to vector<16xf32>
          %add3A_344 = arith.addf %scan3A_303, %get3A_343 : vector<16xf32>
          %get3A_345 = arith.index_cast %add3A_310 : i32 to index
          %get3A_346 = arith.constant 112 : index
          %get3A_347 = tpu.vector_load %arg4[%get3A_345, %get3A_346] {strides = array<i32>} : memref<128x128xf32, #tpu.memory_space<vmem>>, vector<1x16xf32>,
          %get3A_348 = vector.shape_cast %get3A_347 : vector<1x16xf32> to vector<16xf32>
          %add3A_349 = arith.addf %scan3A_304, %get3A_348 : vector<16xf32>
          %mul3A_350 = arith.constant 4 : i32
          %mul3A_351 = arith.muli %scan3A_296, %mul3A_350 : i32
          %add3A_352 = arith.constant 32 : i32
          %add3A_353 = arith.addi %add3A_352, %mul3A_351 : i32
          %add3A_354 = arith.constant 1 : i32
          %add3A_355 = arith.addi %add3A_353, %add3A_354 : i32
          %get3A_356 = arith.index_cast %add3A_355 : i32 to index
          %get3A_357 = arith.constant 0 : index
          %get3A_358 = tpu.vector_load %arg4[%get3A_356, %get3A_357] {strides = array<i32>} : memref<128x128xf32, #tpu.memory_space<vmem>>, vector<1x16xf32>,
          %get3A_359 = vector.shape_cast %get3A_358 : vector<1x16xf32> to vector<16xf32>
          %add3A_360 = arith.addf %add3A_314, %get3A_359 : vector<16xf32>
          %get3A_361 = arith.index_cast %add3A_355 : i32 to index
          %get3A_362 = arith.constant 16 : index
          %get3A_363 = tpu.vector_load %arg4[%get3A_361, %get3A_362] {strides = array<i32>} : memref<128x128xf32, #tpu.memory_space<vmem>>, vector<1x16xf32>,
          %get3A_364 = vector.shape_cast %get3A_363 : vector<1x16xf32> to vector<16xf32>
          %add3A_365 = arith.addf %add3A_319, %get3A_364 : vector<16xf32>
          %get3A_366 = arith.index_cast %add3A_355 : i32 to index
          %get3A_367 = arith.constant 32 : index
          %get3A_368 = tpu.vector_load %arg4[%get3A_366, %get3A_367] {strides = array<i32>} : memref<128x128xf32, #tpu.memory_space<vmem>>, vector<1x16xf32>,
          %get3A_369 = vector.shape_cast %get3A_368 : vector<1x16xf32> to vector<16xf32>
          %add3A_370 = arith.addf %add3A_324, %get3A_369 : vector<16xf32>
          %get3A_371 = arith.index_cast %add3A_355 : i32 to index
          %get3A_372 = arith.constant 48 : index
          %get3A_373 = tpu.vector_load %arg4[%get3A_371, %get3A_372] {strides = array<i32>} : memref<128x128xf32, #tpu.memory_space<vmem>>, vector<1x16xf32>,
          %get3A_374 = vector.shape_cast %get3A_373 : vector<1x16xf32> to vector<16xf32>
          %add3A_375 = arith.addf %add3A_329, %get3A_374 : vector<16xf32>
          %get3A_376 = arith.index_cast %add3A_355 : i32 to index
          %get3A_377 = arith.constant 64 : index
          %get3A_378 = tpu.vector_load %arg4[%get3A_376, %get3A_377] {strides = array<i32>} : memref<128x128xf32, #tpu.memory_space<vmem>>, vector<1x16xf32>,
          %get3A_379 = vector.shape_cast %get3A_378 : vector<1x16xf32> to vector<16xf32>
          %add3A_380 = arith.addf %add3A_334, %get3A_379 : vector<16xf32>
          %get3A_381 = arith.index_cast %add3A_355 : i32 to index
          %get3A_382 = arith.constant 80 : index
          %get3A_383 = tpu.vector_load %arg4[%get3A_381, %get3A_382] {strides = array<i32>} : memref<128x128xf32, #tpu.memory_space<vmem>>, vector<1x16xf32>,
          %get3A_384 = vector.shape_cast %get3A_383 : vector<1x16xf32> to vector<16xf32>
          %add3A_385 = arith.addf %add3A_339, %get3A_384 : vector<16xf32>
          %get3A_386 = arith.index_cast %add3A_355 : i32 to index
          %get3A_387 = arith.constant 96 : index
          %get3A_388 = tpu.vector_load %arg4[%get3A_386, %get3A_387] {strides = array<i32>} : memref<128x128xf32, #tpu.memory_space<vmem>>, vector<1x16xf32>,
          %get3A_389 = vector.shape_cast %get3A_388 : vector<1x16xf32> to vector<16xf32>
          %add3A_390 = arith.addf %add3A_344, %get3A_389 : vector<16xf32>
          %get3A_391 = arith.index_cast %add3A_355 : i32 to index
          %get3A_392 = arith.constant 112 : index
          %get3A_393 = tpu.vector_load %arg4[%get3A_391, %get3A_392] {strides = array<i32>} : memref<128x128xf32, #tpu.memory_space<vmem>>, vector<1x16xf32>,
          %get3A_394 = vector.shape_cast %get3A_393 : vector<1x16xf32> to vector<16xf32>
          %add3A_395 = arith.addf %add3A_349, %get3A_394 : vector<16xf32>
          %mul3A_396 = arith.constant 4 : i32
          %mul3A_397 = arith.muli %scan3A_296, %mul3A_396 : i32
          %add3A_398 = arith.constant 32 : i32
          %add3A_399 = arith.addi %add3A_398, %mul3A_397 : i32
          %add3A_400 = arith.constant 2 : i32
          %add3A_401 = arith.addi %add3A_399, %add3A_400 : i32
          %get3A_402 = arith.index_cast %add3A_401 : i32 to index
          %get3A_403 = arith.constant 0 : index
          %get3A_404 = tpu.vector_load %arg4[%get3A_402, %get3A_403] {strides = array<i32>} : memref<128x128xf32, #tpu.memory_space<vmem>>, vector<1x16xf32>,
          %get3A_405 = vector.shape_cast %get3A_404 : vector<1x16xf32> to vector<16xf32>
          %add3A_406 = arith.addf %add3A_360, %get3A_405 : vector<16xf32>
          %get3A_407 = arith.index_cast %add3A_401 : i32 to index
          %get3A_408 = arith.constant 16 : index
          %get3A_409 = tpu.vector_load %arg4[%get3A_407, %get3A_408] {strides = array<i32>} : memref<128x128xf32, #tpu.memory_space<vmem>>, vector<1x16xf32>,
          %get3A_410 = vector.shape_cast %get3A_409 : vector<1x16xf32> to vector<16xf32>
          %add3A_411 = arith.addf %add3A_365, %get3A_410 : vector<16xf32>
          %get3A_412 = arith.index_cast %add3A_401 : i32 to index
          %get3A_413 = arith.constant 32 : index
          %get3A_414 = tpu.vector_load %arg4[%get3A_412, %get3A_413] {strides = array<i32>} : memref<128x128xf32, #tpu.memory_space<vmem>>, vector<1x16xf32>,
          %get3A_415 = vector.shape_cast %get3A_414 : vector<1x16xf32> to vector<16xf32>
          %add3A_416 = arith.addf %add3A_370, %get3A_415 : vector<16xf32>
          %get3A_417 = arith.index_cast %add3A_401 : i32 to index
          %get3A_418 = arith.constant 48 : index
          %get3A_419 = tpu.vector_load %arg4[%get3A_417, %get3A_418] {strides = array<i32>} : memref<128x128xf32, #tpu.memory_space<vmem>>, vector<1x16xf32>,
          %get3A_420 = vector.shape_cast %get3A_419 : vector<1x16xf32> to vector<16xf32>
          %add3A_421 = arith.addf %add3A_375, %get3A_420 : vector<16xf32>
          %get3A_422 = arith.index_cast %add3A_401 : i32 to index
          %get3A_423 = arith.constant 64 : index
          %get3A_424 = tpu.vector_load %arg4[%get3A_422, %get3A_423] {strides = array<i32>} : memref<128x128xf32, #tpu.memory_space<vmem>>, vector<1x16xf32>,
          %get3A_425 = vector.shape_cast %get3A_424 : vector<1x16xf32> to vector<16xf32>
          %add3A_426 = arith.addf %add3A_380, %get3A_425 : vector<16xf32>
          %get3A_427 = arith.index_cast %add3A_401 : i32 to index
          %get3A_428 = arith.constant 80 : index
          %get3A_429 = tpu.vector_load %arg4[%get3A_427, %get3A_428] {strides = array<i32>} : memref<128x128xf32, #tpu.memory_space<vmem>>, vector<1x16xf32>,
          %get3A_430 = vector.shape_cast %get3A_429 : vector<1x16xf32> to vector<16xf32>
          %add3A_431 = arith.addf %add3A_385, %get3A_430 : vector<16xf32>
          %get3A_432 = arith.index_cast %add3A_401 : i32 to index
          %get3A_433 = arith.constant 96 : index
          %get3A_434 = tpu.vector_load %arg4[%get3A_432, %get3A_433] {strides = array<i32>} : memref<128x128xf32, #tpu.memory_space<vmem>>, vector<1x16xf32>,
          %get3A_435 = vector.shape_cast %get3A_434 : vector<1x16xf32> to vector<16xf32>
          %add3A_436 = arith.addf %add3A_390, %get3A_435 : vector<16xf32>
          %get3A_437 = arith.index_cast %add3A_401 : i32 to index
          %get3A_438 = arith.constant 112 : index
          %get3A_439 = tpu.vector_load %arg4[%get3A_437, %get3A_438] {strides = array<i32>} : memref<128x128xf32, #tpu.memory_space<vmem>>, vector<1x16xf32>,
          %get3A_440 = vector.shape_cast %get3A_439 : vector<1x16xf32> to vector<16xf32>
          %add3A_441 = arith.addf %add3A_395, %get3A_440 : vector<16xf32>
          %mul3A_442 = arith.constant 4 : i32
          %mul3A_443 = arith.muli %scan3A_296, %mul3A_442 : i32
          %add3A_444 = arith.constant 32 : i32
          %add3A_445 = arith.addi %add3A_444, %mul3A_443 : i32
          %add3A_446 = arith.constant 3 : i32
          %add3A_447 = arith.addi %add3A_445, %add3A_446 : i32
          %get3A_448 = arith.index_cast %add3A_447 : i32 to index
          %get3A_449 = arith.constant 0 : index
          %get3A_450 = tpu.vector_load %arg4[%get3A_448, %get3A_449] {strides = array<i32>} : memref<128x128xf32, #tpu.memory_space<vmem>>, vector<1x16xf32>,
          %get3A_451 = vector.shape_cast %get3A_450 : vector<1x16xf32> to vector<16xf32>
          %add3A_452 = arith.addf %add3A_406, %get3A_451 : vector<16xf32>
          %get3A_453 = arith.index_cast %add3A_447 : i32 to index
          %get3A_454 = arith.constant 16 : index
          %get3A_455 = tpu.vector_load %arg4[%get3A_453, %get3A_454] {strides = array<i32>} : memref<128x128xf32, #tpu.memory_space<vmem>>, vector<1x16xf32>,
          %get3A_456 = vector.shape_cast %get3A_455 : vector<1x16xf32> to vector<16xf32>
          %add3A_457 = arith.addf %add3A_411, %get3A_456 : vector<16xf32>
          %get3A_458 = arith.index_cast %add3A_447 : i32 to index
          %get3A_459 = arith.constant 32 : index
          %get3A_460 = tpu.vector_load %arg4[%get3A_458, %get3A_459] {strides = array<i32>} : memref<128x128xf32, #tpu.memory_space<vmem>>, vector<1x16xf32>,
          %get3A_461 = vector.shape_cast %get3A_460 : vector<1x16xf32> to vector<16xf32>
          %add3A_462 = arith.addf %add3A_416, %get3A_461 : vector<16xf32>
          %get3A_463 = arith.index_cast %add3A_447 : i32 to index
          %get3A_464 = arith.constant 48 : index
          %get3A_465 = tpu.vector_load %arg4[%get3A_463, %get3A_464] {strides = array<i32>} : memref<128x128xf32, #tpu.memory_space<vmem>>, vector<1x16xf32>,
          %get3A_466 = vector.shape_cast %get3A_465 : vector<1x16xf32> to vector<16xf32>
          %add3A_467 = arith.addf %add3A_421, %get3A_466 : vector<16xf32>
          %get3A_468 = arith.index_cast %add3A_447 : i32 to index
          %get3A_469 = arith.constant 64 : index
          %get3A_470 = tpu.vector_load %arg4[%get3A_468, %get3A_469] {strides = array<i32>} : memref<128x128xf32, #tpu.memory_space<vmem>>, vector<1x16xf32>,
          %get3A_471 = vector.shape_cast %get3A_470 : vector<1x16xf32> to vector<16xf32>
          %add3A_472 = arith.addf %add3A_426, %get3A_471 : vector<16xf32>
          %get3A_473 = arith.index_cast %add3A_447 : i32 to index
          %get3A_474 = arith.constant 80 : index
          %get3A_475 = tpu.vector_load %arg4[%get3A_473, %get3A_474] {strides = array<i32>} : memref<128x128xf32, #tpu.memory_space<vmem>>, vector<1x16xf32>,
          %get3A_476 = vector.shape_cast %get3A_475 : vector<1x16xf32> to vector<16xf32>
          %add3A_477 = arith.addf %add3A_431, %get3A_476 : vector<16xf32>
          %get3A_478 = arith.index_cast %add3A_447 : i32 to index
          %get3A_479 = arith.constant 96 : index
          %get3A_480 = tpu.vector_load %arg4[%get3A_478, %get3A_479] {strides = array<i32>} : memref<128x128xf32, #tpu.memory_space<vmem>>, vector<1x16xf32>,
          %get3A_481 = vector.shape_cast %get3A_480 : vector<1x16xf32> to vector<16xf32>
          %add3A_482 = arith.addf %add3A_436, %get3A_481 : vector<16xf32>
          %get3A_483 = arith.index_cast %add3A_447 : i32 to index
          %get3A_484 = arith.constant 112 : index
          %get3A_485 = tpu.vector_load %arg4[%get3A_483, %get3A_484] {strides = array<i32>} : memref<128x128xf32, #tpu.memory_space<vmem>>, vector<1x16xf32>,
          %get3A_486 = vector.shape_cast %get3A_485 : vector<1x16xf32> to vector<16xf32>
          %add3A_487 = arith.addf %add3A_441, %get3A_486 : vector<16xf32>
          scf.yield %add3A_452, %add3A_457, %add3A_462, %add3A_467, %add3A_472, %add3A_477, %add3A_482, %add3A_487 : vector<16xf32>, vector<16xf32>, vector<16xf32>, vector<16xf32>, vector<16xf32>, vector<16xf32>, vector<16xf32>, vector<16xf32>
        }
        %scan3A_131 = arith.constant 8 : i32
        %swap3A_132 = arith.constant 1 : i32
        %swap3A_133 = arith.index_cast %swap3A_132 : i32 to index
        %swap3A_134 = arith.constant 0 : index
        %swap3A_135 = tpu.vector_load %arg6[%swap3A_133, %swap3A_134] {strides = array<i32>} : memref<4x128xf32, #tpu.memory_space<vmem>>, vector<1x16xf32>,
        %swap3A_136 = vector.shape_cast %swap3A_135 : vector<1x16xf32> to vector<16xf32>
        %swap3A_137 = vector.shape_cast %scan3A_130#0 : vector<16xf32> to vector<1x16xf32>
        tpu.vector_store %arg6[%swap3A_133, %swap3A_134], %swap3A_137 {strides = array<i32>} : memref<4x128xf32, #tpu.memory_space<vmem>>, vector<1x16xf32>,
        %swap3A_138 = arith.constant 1 : i32
        %swap3A_139 = arith.index_cast %swap3A_138 : i32 to index
        %swap3A_140 = arith.constant 16 : index
        %swap3A_141 = tpu.vector_load %arg6[%swap3A_139, %swap3A_140] {strides = array<i32>} : memref<4x128xf32, #tpu.memory_space<vmem>>, vector<1x16xf32>,
        %swap3A_142 = vector.shape_cast %swap3A_141 : vector<1x16xf32> to vector<16xf32>
        %swap3A_143 = vector.shape_cast %scan3A_130#1 : vector<16xf32> to vector<1x16xf32>
        tpu.vector_store %arg6[%swap3A_139, %swap3A_140], %swap3A_143 {strides = array<i32>} : memref<4x128xf32, #tpu.memory_space<vmem>>, vector<1x16xf32>,
        %swap3A_144 = arith.constant 1 : i32
        %swap3A_145 = arith.index_cast %swap3A_144 : i32 to index
        %swap3A_146 = arith.constant 32 : index
        %swap3A_147 = tpu.vector_load %arg6[%swap3A_145, %swap3A_146] {strides = array<i32>} : memref<4x128xf32, #tpu.memory_space<vmem>>, vector<1x16xf32>,
        %swap3A_148 = vector.shape_cast %swap3A_147 : vector<1x16xf32> to vector<16xf32>
        %swap3A_149 = vector.shape_cast %scan3A_130#2 : vector<16xf32> to vector<1x16xf32>
        tpu.vector_store %arg6[%swap3A_145, %swap3A_146], %swap3A_149 {strides = array<i32>} : memref<4x128xf32, #tpu.memory_space<vmem>>, vector<1x16xf32>,
        %swap3A_150 = arith.constant 1 : i32
        %swap3A_151 = arith.index_cast %swap3A_150 : i32 to index
        %swap3A_152 = arith.constant 48 : index
        %swap3A_153 = tpu.vector_load %arg6[%swap3A_151, %swap3A_152] {strides = array<i32>} : memref<4x128xf32, #tpu.memory_space<vmem>>, vector<1x16xf32>,
        %swap3A_154 = vector.shape_cast %swap3A_153 : vector<1x16xf32> to vector<16xf32>
        %swap3A_155 = vector.shape_cast %scan3A_130#3 : vector<16xf32> to vector<1x16xf32>
        tpu.vector_store %arg6[%swap3A_151, %swap3A_152], %swap3A_155 {strides = array<i32>} : memref<4x128xf32, #tpu.memory_space<vmem>>, vector<1x16xf32>,
        %swap3A_156 = arith.constant 1 : i32
        %swap3A_157 = arith.index_cast %swap3A_156 : i32 to index
        %swap3A_158 = arith.constant 64 : index
        %swap3A_159 = tpu.vector_load %arg6[%swap3A_157, %swap3A_158] {strides = array<i32>} : memref<4x128xf32, #tpu.memory_space<vmem>>, vector<1x16xf32>,
        %swap3A_160 = vector.shape_cast %swap3A_159 : vector<1x16xf32> to vector<16xf32>
        %swap3A_161 = vector.shape_cast %scan3A_130#4 : vector<16xf32> to vector<1x16xf32>
        tpu.vector_store %arg6[%swap3A_157, %swap3A_158], %swap3A_161 {strides = array<i32>} : memref<4x128xf32, #tpu.memory_space<vmem>>, vector<1x16xf32>,
        %swap3A_162 = arith.constant 1 : i32
        %swap3A_163 = arith.index_cast %swap3A_162 : i32 to index
        %swap3A_164 = arith.constant 80 : index
        %swap3A_165 = tpu.vector_load %arg6[%swap3A_163, %swap3A_164] {strides = array<i32>} : memref<4x128xf32, #tpu.memory_space<vmem>>, vector<1x16xf32>,
        %swap3A_166 = vector.shape_cast %swap3A_165 : vector<1x16xf32> to vector<16xf32>
        %swap3A_167 = vector.shape_cast %scan3A_130#5 : vector<16xf32> to vector<1x16xf32>
        tpu.vector_store %arg6[%swap3A_163, %swap3A_164], %swap3A_167 {strides = array<i32>} : memref<4x128xf32, #tpu.memory_space<vmem>>, vector<1x16xf32>,
        %swap3A_168 = arith.constant 1 : i32
        %swap3A_169 = arith.index_cast %swap3A_168 : i32 to index
        %swap3A_170 = arith.constant 96 : index
        %swap3A_171 = tpu.vector_load %arg6[%swap3A_169, %swap3A_170] {strides = array<i32>} : memref<4x128xf32, #tpu.memory_space<vmem>>, vector<1x16xf32>,
        %swap3A_172 = vector.shape_cast %swap3A_171 : vector<1x16xf32> to vector<16xf32>
        %swap3A_173 = vector.shape_cast %scan3A_130#6 : vector<16xf32> to vector<1x16xf32>
        tpu.vector_store %arg6[%swap3A_169, %swap3A_170], %swap3A_173 {strides = array<i32>} : memref<4x128xf32, #tpu.memory_space<vmem>>, vector<1x16xf32>,
        %swap3A_174 = arith.constant 1 : i32
        %swap3A_175 = arith.index_cast %swap3A_174 : i32 to index
        %swap3A_176 = arith.constant 112 : index
        %swap3A_177 = tpu.vector_load %arg6[%swap3A_175, %swap3A_176] {strides = array<i32>} : memref<4x128xf32, #tpu.memory_space<vmem>>, vector<1x16xf32>,
        %swap3A_178 = vector.shape_cast %swap3A_177 : vector<1x16xf32> to vector<16xf32>
        %swap3A_179 = vector.shape_cast %scan3A_130#7 : vector<16xf32> to vector<1x16xf32>
        tpu.vector_store %arg6[%swap3A_175, %swap3A_176], %swap3A_179 {strides = array<i32>} : memref<4x128xf32, #tpu.memory_space<vmem>>, vector<1x16xf32>,
        %broadcast_in_dim3A_180 = arith.constant 0.000000e+00 : f32
        %broadcast_in_dim3A_181 = vector.broadcast %broadcast_in_dim3A_180 : f32 to vector<16xf32>
        %scan3A_182 = arith.constant 0 : i32
        %scan3A_183 = arith.constant 8 : i32
        %scan3A_184 = arith.addi %scan3A_182, %scan3A_183 : i32
        %scan3A_185 = arith.constant 1 : i32
        %scan3A_186:8 = scf.for %scan3A_296 = %scan3A_182 to %scan3A_184 step %scan3A_185 iter_args(%scan3A_297 = %broadcast_in_dim3A_181, %scan3A_298 = %broadcast_in_dim3A_181, %scan3A_299 = %broadcast_in_dim3A_181, %scan3A_300 = %broadcast_in_dim3A_181, %scan3A_301 = %broadcast_in_dim3A_181, %scan3A_302 = %broadcast_in_dim3A_181, %scan3A_303 = %broadcast_in_dim3A_181, %scan3A_304 = %broadcast_in_dim3A_181) -> (vector<16xf32>, vector<16xf32>, vector<16xf32>, vector<16xf32>, vector<16xf32>, vector<16xf32>, vector<16xf32>, vector<16xf32>)  : i32 {
          %mul3A_305 = arith.constant 4 : i32
          %mul3A_306 = arith.muli %scan3A_296, %mul3A_305 : i32
          %add3A_307 = arith.constant 64 : i32
          %add3A_308 = arith.addi %add3A_307, %mul3A_306 : i32
          %add3A_309 = arith.constant 0 : i32
          %add3A_310 = arith.addi %add3A_308, %add3A_309 : i32
          %get3A = arith.index_cast %add3A_310 : i32 to index
          %get3A_311 = arith.constant 0 : index
          %get3A_312 = tpu.vector_load %arg4[%get3A, %get3A_311] {strides = array<i32>} : memref<128x128xf32, #tpu.memory_space<vmem>>, vector<1x16xf32>,
          %get3A_313 = vector.shape_cast %get3A_312 : vector<1x16xf32> to vector<16xf32>
          %add3A_314 = arith.addf %scan3A_297, %get3A_313 : vector<16xf32>
          %get3A_315 = arith.index_cast %add3A_310 : i32 to index
          %get3A_316 = arith.constant 16 : index
          %get3A_317 = tpu.vector_load %arg4[%get3A_315, %get3A_316] {strides = array<i32>} : memref<128x128xf32, #tpu.memory_space<vmem>>, vector<1x16xf32>,
          %get3A_318 = vector.shape_cast %get3A_317 : vector<1x16xf32> to vector<16xf32>
          %add3A_319 = arith.addf %scan3A_298, %get3A_318 : vector<16xf32>
          %get3A_320 = arith.index_cast %add3A_310 : i32 to index
          %get3A_321 = arith.constant 32 : index
          %get3A_322 = tpu.vector_load %arg4[%get3A_320, %get3A_321] {strides = array<i32>} : memref<128x128xf32, #tpu.memory_space<vmem>>, vector<1x16xf32>,
          %get3A_323 = vector.shape_cast %get3A_322 : vector<1x16xf32> to vector<16xf32>
          %add3A_324 = arith.addf %scan3A_299, %get3A_323 : vector<16xf32>
          %get3A_325 = arith.index_cast %add3A_310 : i32 to index
          %get3A_326 = arith.constant 48 : index
          %get3A_327 = tpu.vector_load %arg4[%get3A_325, %get3A_326] {strides = array<i32>} : memref<128x128xf32, #tpu.memory_space<vmem>>, vector<1x16xf32>,
          %get3A_328 = vector.shape_cast %get3A_327 : vector<1x16xf32> to vector<16xf32>
          %add3A_329 = arith.addf %scan3A_300, %get3A_328 : vector<16xf32>
          %get3A_330 = arith.index_cast %add3A_310 : i32 to index
          %get3A_331 = arith.constant 64 : index
          %get3A_332 = tpu.vector_load %arg4[%get3A_330, %get3A_331] {strides = array<i32>} : memref<128x128xf32, #tpu.memory_space<vmem>>, vector<1x16xf32>,
          %get3A_333 = vector.shape_cast %get3A_332 : vector<1x16xf32> to vector<16xf32>
          %add3A_334 = arith.addf %scan3A_301, %get3A_333 : vector<16xf32>
          %get3A_335 = arith.index_cast %add3A_310 : i32 to index
          %get3A_336 = arith.constant 80 : index
          %get3A_337 = tpu.vector_load %arg4[%get3A_335, %get3A_336] {strides = array<i32>} : memref<128x128xf32, #tpu.memory_space<vmem>>, vector<1x16xf32>,
          %get3A_338 = vector.shape_cast %get3A_337 : vector<1x16xf32> to vector<16xf32>
          %add3A_339 = arith.addf %scan3A_302, %get3A_338 : vector<16xf32>
          %get3A_340 = arith.index_cast %add3A_310 : i32 to index
          %get3A_341 = arith.constant 96 : index
          %get3A_342 = tpu.vector_load %arg4[%get3A_340, %get3A_341] {strides = array<i32>} : memref<128x128xf32, #tpu.memory_space<vmem>>, vector<1x16xf32>,
          %get3A_343 = vector.shape_cast %get3A_342 : vector<1x16xf32> to vector<16xf32>
          %add3A_344 = arith.addf %scan3A_303, %get3A_343 : vector<16xf32>
          %get3A_345 = arith.index_cast %add3A_310 : i32 to index
          %get3A_346 = arith.constant 112 : index
          %get3A_347 = tpu.vector_load %arg4[%get3A_345, %get3A_346] {strides = array<i32>} : memref<128x128xf32, #tpu.memory_space<vmem>>, vector<1x16xf32>,
          %get3A_348 = vector.shape_cast %get3A_347 : vector<1x16xf32> to vector<16xf32>
          %add3A_349 = arith.addf %scan3A_304, %get3A_348 : vector<16xf32>
          %mul3A_350 = arith.constant 4 : i32
          %mul3A_351 = arith.muli %scan3A_296, %mul3A_350 : i32
          %add3A_352 = arith.constant 64 : i32
          %add3A_353 = arith.addi %add3A_352, %mul3A_351 : i32
          %add3A_354 = arith.constant 1 : i32
          %add3A_355 = arith.addi %add3A_353, %add3A_354 : i32
          %get3A_356 = arith.index_cast %add3A_355 : i32 to index
          %get3A_357 = arith.constant 0 : index
          %get3A_358 = tpu.vector_load %arg4[%get3A_356, %get3A_357] {strides = array<i32>} : memref<128x128xf32, #tpu.memory_space<vmem>>, vector<1x16xf32>,
          %get3A_359 = vector.shape_cast %get3A_358 : vector<1x16xf32> to vector<16xf32>
          %add3A_360 = arith.addf %add3A_314, %get3A_359 : vector<16xf32>
          %get3A_361 = arith.index_cast %add3A_355 : i32 to index
          %get3A_362 = arith.constant 16 : index
          %get3A_363 = tpu.vector_load %arg4[%get3A_361, %get3A_362] {strides = array<i32>} : memref<128x128xf32, #tpu.memory_space<vmem>>, vector<1x16xf32>,
          %get3A_364 = vector.shape_cast %get3A_363 : vector<1x16xf32> to vector<16xf32>
          %add3A_365 = arith.addf %add3A_319, %get3A_364 : vector<16xf32>
          %get3A_366 = arith.index_cast %add3A_355 : i32 to index
          %get3A_367 = arith.constant 32 : index
          %get3A_368 = tpu.vector_load %arg4[%get3A_366, %get3A_367] {strides = array<i32>} : memref<128x128xf32, #tpu.memory_space<vmem>>, vector<1x16xf32>,
          %get3A_369 = vector.shape_cast %get3A_368 : vector<1x16xf32> to vector<16xf32>
          %add3A_370 = arith.addf %add3A_324, %get3A_369 : vector<16xf32>
          %get3A_371 = arith.index_cast %add3A_355 : i32 to index
          %get3A_372 = arith.constant 48 : index
          %get3A_373 = tpu.vector_load %arg4[%get3A_371, %get3A_372] {strides = array<i32>} : memref<128x128xf32, #tpu.memory_space<vmem>>, vector<1x16xf32>,
          %get3A_374 = vector.shape_cast %get3A_373 : vector<1x16xf32> to vector<16xf32>
          %add3A_375 = arith.addf %add3A_329, %get3A_374 : vector<16xf32>
          %get3A_376 = arith.index_cast %add3A_355 : i32 to index
          %get3A_377 = arith.constant 64 : index
          %get3A_378 = tpu.vector_load %arg4[%get3A_376, %get3A_377] {strides = array<i32>} : memref<128x128xf32, #tpu.memory_space<vmem>>, vector<1x16xf32>,
          %get3A_379 = vector.shape_cast %get3A_378 : vector<1x16xf32> to vector<16xf32>
          %add3A_380 = arith.addf %add3A_334, %get3A_379 : vector<16xf32>
          %get3A_381 = arith.index_cast %add3A_355 : i32 to index
          %get3A_382 = arith.constant 80 : index
          %get3A_383 = tpu.vector_load %arg4[%get3A_381, %get3A_382] {strides = array<i32>} : memref<128x128xf32, #tpu.memory_space<vmem>>, vector<1x16xf32>,
          %get3A_384 = vector.shape_cast %get3A_383 : vector<1x16xf32> to vector<16xf32>
          %add3A_385 = arith.addf %add3A_339, %get3A_384 : vector<16xf32>
          %get3A_386 = arith.index_cast %add3A_355 : i32 to index
          %get3A_387 = arith.constant 96 : index
          %get3A_388 = tpu.vector_load %arg4[%get3A_386, %get3A_387] {strides = array<i32>} : memref<128x128xf32, #tpu.memory_space<vmem>>, vector<1x16xf32>,
          %get3A_389 = vector.shape_cast %get3A_388 : vector<1x16xf32> to vector<16xf32>
          %add3A_390 = arith.addf %add3A_344, %get3A_389 : vector<16xf32>
          %get3A_391 = arith.index_cast %add3A_355 : i32 to index
          %get3A_392 = arith.constant 112 : index
          %get3A_393 = tpu.vector_load %arg4[%get3A_391, %get3A_392] {strides = array<i32>} : memref<128x128xf32, #tpu.memory_space<vmem>>, vector<1x16xf32>,
          %get3A_394 = vector.shape_cast %get3A_393 : vector<1x16xf32> to vector<16xf32>
          %add3A_395 = arith.addf %add3A_349, %get3A_394 : vector<16xf32>
          %mul3A_396 = arith.constant 4 : i32
          %mul3A_397 = arith.muli %scan3A_296, %mul3A_396 : i32
          %add3A_398 = arith.constant 64 : i32
          %add3A_399 = arith.addi %add3A_398, %mul3A_397 : i32
          %add3A_400 = arith.constant 2 : i32
          %add3A_401 = arith.addi %add3A_399, %add3A_400 : i32
          %get3A_402 = arith.index_cast %add3A_401 : i32 to index
          %get3A_403 = arith.constant 0 : index
          %get3A_404 = tpu.vector_load %arg4[%get3A_402, %get3A_403] {strides = array<i32>} : memref<128x128xf32, #tpu.memory_space<vmem>>, vector<1x16xf32>,
          %get3A_405 = vector.shape_cast %get3A_404 : vector<1x16xf32> to vector<16xf32>
          %add3A_406 = arith.addf %add3A_360, %get3A_405 : vector<16xf32>
          %get3A_407 = arith.index_cast %add3A_401 : i32 to index
          %get3A_408 = arith.constant 16 : index
          %get3A_409 = tpu.vector_load %arg4[%get3A_407, %get3A_408] {strides = array<i32>} : memref<128x128xf32, #tpu.memory_space<vmem>>, vector<1x16xf32>,
          %get3A_410 = vector.shape_cast %get3A_409 : vector<1x16xf32> to vector<16xf32>
          %add3A_411 = arith.addf %add3A_365, %get3A_410 : vector<16xf32>
          %get3A_412 = arith.index_cast %add3A_401 : i32 to index
          %get3A_413 = arith.constant 32 : index
          %get3A_414 = tpu.vector_load %arg4[%get3A_412, %get3A_413] {strides = array<i32>} : memref<128x128xf32, #tpu.memory_space<vmem>>, vector<1x16xf32>,
          %get3A_415 = vector.shape_cast %get3A_414 : vector<1x16xf32> to vector<16xf32>
          %add3A_416 = arith.addf %add3A_370, %get3A_415 : vector<16xf32>
          %get3A_417 = arith.index_cast %add3A_401 : i32 to index
          %get3A_418 = arith.constant 48 : index
          %get3A_419 = tpu.vector_load %arg4[%get3A_417, %get3A_418] {strides = array<i32>} : memref<128x128xf32, #tpu.memory_space<vmem>>, vector<1x16xf32>,
          %get3A_420 = vector.shape_cast %get3A_419 : vector<1x16xf32> to vector<16xf32>
          %add3A_421 = arith.addf %add3A_375, %get3A_420 : vector<16xf32>
          %get3A_422 = arith.index_cast %add3A_401 : i32 to index
          %get3A_423 = arith.constant 64 : index
          %get3A_424 = tpu.vector_load %arg4[%get3A_422, %get3A_423] {strides = array<i32>} : memref<128x128xf32, #tpu.memory_space<vmem>>, vector<1x16xf32>,
          %get3A_425 = vector.shape_cast %get3A_424 : vector<1x16xf32> to vector<16xf32>
          %add3A_426 = arith.addf %add3A_380, %get3A_425 : vector<16xf32>
          %get3A_427 = arith.index_cast %add3A_401 : i32 to index
          %get3A_428 = arith.constant 80 : index
          %get3A_429 = tpu.vector_load %arg4[%get3A_427, %get3A_428] {strides = array<i32>} : memref<128x128xf32, #tpu.memory_space<vmem>>, vector<1x16xf32>,
          %get3A_430 = vector.shape_cast %get3A_429 : vector<1x16xf32> to vector<16xf32>
          %add3A_431 = arith.addf %add3A_385, %get3A_430 : vector<16xf32>
          %get3A_432 = arith.index_cast %add3A_401 : i32 to index
          %get3A_433 = arith.constant 96 : index
          %get3A_434 = tpu.vector_load %arg4[%get3A_432, %get3A_433] {strides = array<i32>} : memref<128x128xf32, #tpu.memory_space<vmem>>, vector<1x16xf32>,
          %get3A_435 = vector.shape_cast %get3A_434 : vector<1x16xf32> to vector<16xf32>
          %add3A_436 = arith.addf %add3A_390, %get3A_435 : vector<16xf32>
          %get3A_437 = arith.index_cast %add3A_401 : i32 to index
          %get3A_438 = arith.constant 112 : index
          %get3A_439 = tpu.vector_load %arg4[%get3A_437, %get3A_438] {strides = array<i32>} : memref<128x128xf32, #tpu.memory_space<vmem>>, vector<1x16xf32>,
          %get3A_440 = vector.shape_cast %get3A_439 : vector<1x16xf32> to vector<16xf32>
          %add3A_441 = arith.addf %add3A_395, %get3A_440 : vector<16xf32>
          %mul3A_442 = arith.constant 4 : i32
          %mul3A_443 = arith.muli %scan3A_296, %mul3A_442 : i32
          %add3A_444 = arith.constant 64 : i32
          %add3A_445 = arith.addi %add3A_444, %mul3A_443 : i32
          %add3A_446 = arith.constant 3 : i32
          %add3A_447 = arith.addi %add3A_445, %add3A_446 : i32
          %get3A_448 = arith.index_cast %add3A_447 : i32 to index
          %get3A_449 = arith.constant 0 : index
          %get3A_450 = tpu.vector_load %arg4[%get3A_448, %get3A_449] {strides = array<i32>} : memref<128x128xf32, #tpu.memory_space<vmem>>, vector<1x16xf32>,
          %get3A_451 = vector.shape_cast %get3A_450 : vector<1x16xf32> to vector<16xf32>
          %add3A_452 = arith.addf %add3A_406, %get3A_451 : vector<16xf32>
          %get3A_453 = arith.index_cast %add3A_447 : i32 to index
          %get3A_454 = arith.constant 16 : index
          %get3A_455 = tpu.vector_load %arg4[%get3A_453, %get3A_454] {strides = array<i32>} : memref<128x128xf32, #tpu.memory_space<vmem>>, vector<1x16xf32>,
          %get3A_456 = vector.shape_cast %get3A_455 : vector<1x16xf32> to vector<16xf32>
          %add3A_457 = arith.addf %add3A_411, %get3A_456 : vector<16xf32>
          %get3A_458 = arith.index_cast %add3A_447 : i32 to index
          %get3A_459 = arith.constant 32 : index
          %get3A_460 = tpu.vector_load %arg4[%get3A_458, %get3A_459] {strides = array<i32>} : memref<128x128xf32, #tpu.memory_space<vmem>>, vector<1x16xf32>,
          %get3A_461 = vector.shape_cast %get3A_460 : vector<1x16xf32> to vector<16xf32>
          %add3A_462 = arith.addf %add3A_416, %get3A_461 : vector<16xf32>
          %get3A_463 = arith.index_cast %add3A_447 : i32 to index
          %get3A_464 = arith.constant 48 : index
          %get3A_465 = tpu.vector_load %arg4[%get3A_463, %get3A_464] {strides = array<i32>} : memref<128x128xf32, #tpu.memory_space<vmem>>, vector<1x16xf32>,
          %get3A_466 = vector.shape_cast %get3A_465 : vector<1x16xf32> to vector<16xf32>
          %add3A_467 = arith.addf %add3A_421, %get3A_466 : vector<16xf32>
          %get3A_468 = arith.index_cast %add3A_447 : i32 to index
          %get3A_469 = arith.constant 64 : index
          %get3A_470 = tpu.vector_load %arg4[%get3A_468, %get3A_469] {strides = array<i32>} : memref<128x128xf32, #tpu.memory_space<vmem>>, vector<1x16xf32>,
          %get3A_471 = vector.shape_cast %get3A_470 : vector<1x16xf32> to vector<16xf32>
          %add3A_472 = arith.addf %add3A_426, %get3A_471 : vector<16xf32>
          %get3A_473 = arith.index_cast %add3A_447 : i32 to index
          %get3A_474 = arith.constant 80 : index
          %get3A_475 = tpu.vector_load %arg4[%get3A_473, %get3A_474] {strides = array<i32>} : memref<128x128xf32, #tpu.memory_space<vmem>>, vector<1x16xf32>,
          %get3A_476 = vector.shape_cast %get3A_475 : vector<1x16xf32> to vector<16xf32>
          %add3A_477 = arith.addf %add3A_431, %get3A_476 : vector<16xf32>
          %get3A_478 = arith.index_cast %add3A_447 : i32 to index
          %get3A_479 = arith.constant 96 : index
          %get3A_480 = tpu.vector_load %arg4[%get3A_478, %get3A_479] {strides = array<i32>} : memref<128x128xf32, #tpu.memory_space<vmem>>, vector<1x16xf32>,
          %get3A_481 = vector.shape_cast %get3A_480 : vector<1x16xf32> to vector<16xf32>
          %add3A_482 = arith.addf %add3A_436, %get3A_481 : vector<16xf32>
          %get3A_483 = arith.index_cast %add3A_447 : i32 to index
          %get3A_484 = arith.constant 112 : index
          %get3A_485 = tpu.vector_load %arg4[%get3A_483, %get3A_484] {strides = array<i32>} : memref<128x128xf32, #tpu.memory_space<vmem>>, vector<1x16xf32>,
          %get3A_486 = vector.shape_cast %get3A_485 : vector<1x16xf32> to vector<16xf32>
          %add3A_487 = arith.addf %add3A_441, %get3A_486 : vector<16xf32>
          scf.yield %add3A_452, %add3A_457, %add3A_462, %add3A_467, %add3A_472, %add3A_477, %add3A_482, %add3A_487 : vector<16xf32>, vector<16xf32>, vector<16xf32>, vector<16xf32>, vector<16xf32>, vector<16xf32>, vector<16xf32>, vector<16xf32>
        }
        %scan3A_187 = arith.constant 8 : i32
        %swap3A_188 = arith.constant 2 : i32
        %swap3A_189 = arith.index_cast %swap3A_188 : i32 to index
        %swap3A_190 = arith.constant 0 : index
        %swap3A_191 = tpu.vector_load %arg6[%swap3A_189, %swap3A_190] {strides = array<i32>} : memref<4x128xf32, #tpu.memory_space<vmem>>, vector<1x16xf32>,
        %swap3A_192 = vector.shape_cast %swap3A_191 : vector<1x16xf32> to vector<16xf32>
        %swap3A_193 = vector.shape_cast %scan3A_186#0 : vector<16xf32> to vector<1x16xf32>
        tpu.vector_store %arg6[%swap3A_189, %swap3A_190], %swap3A_193 {strides = array<i32>} : memref<4x128xf32, #tpu.memory_space<vmem>>, vector<1x16xf32>,
        %swap3A_194 = arith.constant 2 : i32
        %swap3A_195 = arith.index_cast %swap3A_194 : i32 to index
        %swap3A_196 = arith.constant 16 : index
        %swap3A_197 = tpu.vector_load %arg6[%swap3A_195, %swap3A_196] {strides = array<i32>} : memref<4x128xf32, #tpu.memory_space<vmem>>, vector<1x16xf32>,
        %swap3A_198 = vector.shape_cast %swap3A_197 : vector<1x16xf32> to vector<16xf32>
        %swap3A_199 = vector.shape_cast %scan3A_186#1 : vector<16xf32> to vector<1x16xf32>
        tpu.vector_store %arg6[%swap3A_195, %swap3A_196], %swap3A_199 {strides = array<i32>} : memref<4x128xf32, #tpu.memory_space<vmem>>, vector<1x16xf32>,
        %swap3A_200 = arith.constant 2 : i32
        %swap3A_201 = arith.index_cast %swap3A_200 : i32 to index
        %swap3A_202 = arith.constant 32 : index
        %swap3A_203 = tpu.vector_load %arg6[%swap3A_201, %swap3A_202] {strides = array<i32>} : memref<4x128xf32, #tpu.memory_space<vmem>>, vector<1x16xf32>,
        %swap3A_204 = vector.shape_cast %swap3A_203 : vector<1x16xf32> to vector<16xf32>
        %swap3A_205 = vector.shape_cast %scan3A_186#2 : vector<16xf32> to vector<1x16xf32>
        tpu.vector_store %arg6[%swap3A_201, %swap3A_202], %swap3A_205 {strides = array<i32>} : memref<4x128xf32, #tpu.memory_space<vmem>>, vector<1x16xf32>,
        %swap3A_206 = arith.constant 2 : i32
        %swap3A_207 = arith.index_cast %swap3A_206 : i32 to index
        %swap3A_208 = arith.constant 48 : index
        %swap3A_209 = tpu.vector_load %arg6[%swap3A_207, %swap3A_208] {strides = array<i32>} : memref<4x128xf32, #tpu.memory_space<vmem>>, vector<1x16xf32>,
        %swap3A_210 = vector.shape_cast %swap3A_209 : vector<1x16xf32> to vector<16xf32>
        %swap3A_211 = vector.shape_cast %scan3A_186#3 : vector<16xf32> to vector<1x16xf32>
        tpu.vector_store %arg6[%swap3A_207, %swap3A_208], %swap3A_211 {strides = array<i32>} : memref<4x128xf32, #tpu.memory_space<vmem>>, vector<1x16xf32>,
        %swap3A_212 = arith.constant 2 : i32
        %swap3A_213 = arith.index_cast %swap3A_212 : i32 to index
        %swap3A_214 = arith.constant 64 : index
        %swap3A_215 = tpu.vector_load %arg6[%swap3A_213, %swap3A_214] {strides = array<i32>} : memref<4x128xf32, #tpu.memory_space<vmem>>, vector<1x16xf32>,
        %swap3A_216 = vector.shape_cast %swap3A_215 : vector<1x16xf32> to vector<16xf32>
        %swap3A_217 = vector.shape_cast %scan3A_186#4 : vector<16xf32> to vector<1x16xf32>
        tpu.vector_store %arg6[%swap3A_213, %swap3A_214], %swap3A_217 {strides = array<i32>} : memref<4x128xf32, #tpu.memory_space<vmem>>, vector<1x16xf32>,
        %swap3A_218 = arith.constant 2 : i32
        %swap3A_219 = arith.index_cast %swap3A_218 : i32 to index
        %swap3A_220 = arith.constant 80 : index
        %swap3A_221 = tpu.vector_load %arg6[%swap3A_219, %swap3A_220] {strides = array<i32>} : memref<4x128xf32, #tpu.memory_space<vmem>>, vector<1x16xf32>,
        %swap3A_222 = vector.shape_cast %swap3A_221 : vector<1x16xf32> to vector<16xf32>
        %swap3A_223 = vector.shape_cast %scan3A_186#5 : vector<16xf32> to vector<1x16xf32>
        tpu.vector_store %arg6[%swap3A_219, %swap3A_220], %swap3A_223 {strides = array<i32>} : memref<4x128xf32, #tpu.memory_space<vmem>>, vector<1x16xf32>,
        %swap3A_224 = arith.constant 2 : i32
        %swap3A_225 = arith.index_cast %swap3A_224 : i32 to index
        %swap3A_226 = arith.constant 96 : index
        %swap3A_227 = tpu.vector_load %arg6[%swap3A_225, %swap3A_226] {strides = array<i32>} : memref<4x128xf32, #tpu.memory_space<vmem>>, vector<1x16xf32>,
        %swap3A_228 = vector.shape_cast %swap3A_227 : vector<1x16xf32> to vector<16xf32>
        %swap3A_229 = vector.shape_cast %scan3A_186#6 : vector<16xf32> to vector<1x16xf32>
        tpu.vector_store %arg6[%swap3A_225, %swap3A_226], %swap3A_229 {strides = array<i32>} : memref<4x128xf32, #tpu.memory_space<vmem>>, vector<1x16xf32>,
        %swap3A_230 = arith.constant 2 : i32
        %swap3A_231 = arith.index_cast %swap3A_230 : i32 to index
        %swap3A_232 = arith.constant 112 : index
        %swap3A_233 = tpu.vector_load %arg6[%swap3A_231, %swap3A_232] {strides = array<i32>} : memref<4x128xf32, #tpu.memory_space<vmem>>, vector<1x16xf32>,
        %swap3A_234 = vector.shape_cast %swap3A_233 : vector<1x16xf32> to vector<16xf32>
        %swap3A_235 = vector.shape_cast %scan3A_186#7 : vector<16xf32> to vector<1x16xf32>
        tpu.vector_store %arg6[%swap3A_231, %swap3A_232], %swap3A_235 {strides = array<i32>} : memref<4x128xf32, #tpu.memory_space<vmem>>, vector<1x16xf32>,
        %broadcast_in_dim3A_236 = arith.constant 0.000000e+00 : f32
        %broadcast_in_dim3A_237 = vector.broadcast %broadcast_in_dim3A_236 : f32 to vector<16xf32>
        %scan3A_238 = arith.constant 0 : i32
        %scan3A_239 = arith.constant 8 : i32
        %scan3A_240 = arith.addi %scan3A_238, %scan3A_239 : i32
        %scan3A_241 = arith.constant 1 : i32
        %scan3A_242:8 = scf.for %scan3A_296 = %scan3A_238 to %scan3A_240 step %scan3A_241 iter_args(%scan3A_297 = %broadcast_in_dim3A_237, %scan3A_298 = %broadcast_in_dim3A_237, %scan3A_299 = %broadcast_in_dim3A_237, %scan3A_300 = %broadcast_in_dim3A_237, %scan3A_301 = %broadcast_in_dim3A_237, %scan3A_302 = %broadcast_in_dim3A_237, %scan3A_303 = %broadcast_in_dim3A_237, %scan3A_304 = %broadcast_in_dim3A_237) -> (vector<16xf32>, vector<16xf32>, vector<16xf32>, vector<16xf32>, vector<16xf32>, vector<16xf32>, vector<16xf32>, vector<16xf32>)  : i32 {
          %mul3A_305 = arith.constant 4 : i32
          %mul3A_306 = arith.muli %scan3A_296, %mul3A_305 : i32
          %add3A_307 = arith.constant 96 : i32
          %add3A_308 = arith.addi %add3A_307, %mul3A_306 : i32
          %add3A_309 = arith.constant 0 : i32
          %add3A_310 = arith.addi %add3A_308, %add3A_309 : i32
          %get3A = arith.index_cast %add3A_310 : i32 to index
          %get3A_311 = arith.constant 0 : index
          %get3A_312 = tpu.vector_load %arg4[%get3A, %get3A_311] {strides = array<i32>} : memref<128x128xf32, #tpu.memory_space<vmem>>, vector<1x16xf32>,
          %get3A_313 = vector.shape_cast %get3A_312 : vector<1x16xf32> to vector<16xf32>
          %add3A_314 = arith.addf %scan3A_297, %get3A_313 : vector<16xf32>
          %get3A_315 = arith.index_cast %add3A_310 : i32 to index
          %get3A_316 = arith.constant 16 : index
          %get3A_317 = tpu.vector_load %arg4[%get3A_315, %get3A_316] {strides = array<i32>} : memref<128x128xf32, #tpu.memory_space<vmem>>, vector<1x16xf32>,
          %get3A_318 = vector.shape_cast %get3A_317 : vector<1x16xf32> to vector<16xf32>
          %add3A_319 = arith.addf %scan3A_298, %get3A_318 : vector<16xf32>
          %get3A_320 = arith.index_cast %add3A_310 : i32 to index
          %get3A_321 = arith.constant 32 : index
          %get3A_322 = tpu.vector_load %arg4[%get3A_320, %get3A_321] {strides = array<i32>} : memref<128x128xf32, #tpu.memory_space<vmem>>, vector<1x16xf32>,
          %get3A_323 = vector.shape_cast %get3A_322 : vector<1x16xf32> to vector<16xf32>
          %add3A_324 = arith.addf %scan3A_299, %get3A_323 : vector<16xf32>
          %get3A_325 = arith.index_cast %add3A_310 : i32 to index
          %get3A_326 = arith.constant 48 : index
          %get3A_327 = tpu.vector_load %arg4[%get3A_325, %get3A_326] {strides = array<i32>} : memref<128x128xf32, #tpu.memory_space<vmem>>, vector<1x16xf32>,
          %get3A_328 = vector.shape_cast %get3A_327 : vector<1x16xf32> to vector<16xf32>
          %add3A_329 = arith.addf %scan3A_300, %get3A_328 : vector<16xf32>
          %get3A_330 = arith.index_cast %add3A_310 : i32 to index
          %get3A_331 = arith.constant 64 : index
          %get3A_332 = tpu.vector_load %arg4[%get3A_330, %get3A_331] {strides = array<i32>} : memref<128x128xf32, #tpu.memory_space<vmem>>, vector<1x16xf32>,
          %get3A_333 = vector.shape_cast %get3A_332 : vector<1x16xf32> to vector<16xf32>
          %add3A_334 = arith.addf %scan3A_301, %get3A_333 : vector<16xf32>
          %get3A_335 = arith.index_cast %add3A_310 : i32 to index
          %get3A_336 = arith.constant 80 : index
          %get3A_337 = tpu.vector_load %arg4[%get3A_335, %get3A_336] {strides = array<i32>} : memref<128x128xf32, #tpu.memory_space<vmem>>, vector<1x16xf32>,
          %get3A_338 = vector.shape_cast %get3A_337 : vector<1x16xf32> to vector<16xf32>
          %add3A_339 = arith.addf %scan3A_302, %get3A_338 : vector<16xf32>
          %get3A_340 = arith.index_cast %add3A_310 : i32 to index
          %get3A_341 = arith.constant 96 : index
          %get3A_342 = tpu.vector_load %arg4[%get3A_340, %get3A_341] {strides = array<i32>} : memref<128x128xf32, #tpu.memory_space<vmem>>, vector<1x16xf32>,
          %get3A_343 = vector.shape_cast %get3A_342 : vector<1x16xf32> to vector<16xf32>
          %add3A_344 = arith.addf %scan3A_303, %get3A_343 : vector<16xf32>
          %get3A_345 = arith.index_cast %add3A_310 : i32 to index
          %get3A_346 = arith.constant 112 : index
          %get3A_347 = tpu.vector_load %arg4[%get3A_345, %get3A_346] {strides = array<i32>} : memref<128x128xf32, #tpu.memory_space<vmem>>, vector<1x16xf32>,
          %get3A_348 = vector.shape_cast %get3A_347 : vector<1x16xf32> to vector<16xf32>
          %add3A_349 = arith.addf %scan3A_304, %get3A_348 : vector<16xf32>
          %mul3A_350 = arith.constant 4 : i32
          %mul3A_351 = arith.muli %scan3A_296, %mul3A_350 : i32
          %add3A_352 = arith.constant 96 : i32
          %add3A_353 = arith.addi %add3A_352, %mul3A_351 : i32
          %add3A_354 = arith.constant 1 : i32
          %add3A_355 = arith.addi %add3A_353, %add3A_354 : i32
          %get3A_356 = arith.index_cast %add3A_355 : i32 to index
          %get3A_357 = arith.constant 0 : index
          %get3A_358 = tpu.vector_load %arg4[%get3A_356, %get3A_357] {strides = array<i32>} : memref<128x128xf32, #tpu.memory_space<vmem>>, vector<1x16xf32>,
          %get3A_359 = vector.shape_cast %get3A_358 : vector<1x16xf32> to vector<16xf32>
          %add3A_360 = arith.addf %add3A_314, %get3A_359 : vector<16xf32>
          %get3A_361 = arith.index_cast %add3A_355 : i32 to index
          %get3A_362 = arith.constant 16 : index
          %get3A_363 = tpu.vector_load %arg4[%get3A_361, %get3A_362] {strides = array<i32>} : memref<128x128xf32, #tpu.memory_space<vmem>>, vector<1x16xf32>,
          %get3A_364 = vector.shape_cast %get3A_363 : vector<1x16xf32> to vector<16xf32>
          %add3A_365 = arith.addf %add3A_319, %get3A_364 : vector<16xf32>
          %get3A_366 = arith.index_cast %add3A_355 : i32 to index
          %get3A_367 = arith.constant 32 : index
          %get3A_368 = tpu.vector_load %arg4[%get3A_366, %get3A_367] {strides = array<i32>} : memref<128x128xf32, #tpu.memory_space<vmem>>, vector<1x16xf32>,
          %get3A_369 = vector.shape_cast %get3A_368 : vector<1x16xf32> to vector<16xf32>
          %add3A_370 = arith.addf %add3A_324, %get3A_369 : vector<16xf32>
          %get3A_371 = arith.index_cast %add3A_355 : i32 to index
          %get3A_372 = arith.constant 48 : index
          %get3A_373 = tpu.vector_load %arg4[%get3A_371, %get3A_372] {strides = array<i32>} : memref<128x128xf32, #tpu.memory_space<vmem>>, vector<1x16xf32>,
          %get3A_374 = vector.shape_cast %get3A_373 : vector<1x16xf32> to vector<16xf32>
          %add3A_375 = arith.addf %add3A_329, %get3A_374 : vector<16xf32>
          %get3A_376 = arith.index_cast %add3A_355 : i32 to index
          %get3A_377 = arith.constant 64 : index
          %get3A_378 = tpu.vector_load %arg4[%get3A_376, %get3A_377] {strides = array<i32>} : memref<128x128xf32, #tpu.memory_space<vmem>>, vector<1x16xf32>,
          %get3A_379 = vector.shape_cast %get3A_378 : vector<1x16xf32> to vector<16xf32>
          %add3A_380 = arith.addf %add3A_334, %get3A_379 : vector<16xf32>
          %get3A_381 = arith.index_cast %add3A_355 : i32 to index
          %get3A_382 = arith.constant 80 : index
          %get3A_383 = tpu.vector_load %arg4[%get3A_381, %get3A_382] {strides = array<i32>} : memref<128x128xf32, #tpu.memory_space<vmem>>, vector<1x16xf32>,
          %get3A_384 = vector.shape_cast %get3A_383 : vector<1x16xf32> to vector<16xf32>
          %add3A_385 = arith.addf %add3A_339, %get3A_384 : vector<16xf32>
          %get3A_386 = arith.index_cast %add3A_355 : i32 to index
          %get3A_387 = arith.constant 96 : index
          %get3A_388 = tpu.vector_load %arg4[%get3A_386, %get3A_387] {strides = array<i32>} : memref<128x128xf32, #tpu.memory_space<vmem>>, vector<1x16xf32>,
          %get3A_389 = vector.shape_cast %get3A_388 : vector<1x16xf32> to vector<16xf32>
          %add3A_390 = arith.addf %add3A_344, %get3A_389 : vector<16xf32>
          %get3A_391 = arith.index_cast %add3A_355 : i32 to index
          %get3A_392 = arith.constant 112 : index
          %get3A_393 = tpu.vector_load %arg4[%get3A_391, %get3A_392] {strides = array<i32>} : memref<128x128xf32, #tpu.memory_space<vmem>>, vector<1x16xf32>,
          %get3A_394 = vector.shape_cast %get3A_393 : vector<1x16xf32> to vector<16xf32>
          %add3A_395 = arith.addf %add3A_349, %get3A_394 : vector<16xf32>
          %mul3A_396 = arith.constant 4 : i32
          %mul3A_397 = arith.muli %scan3A_296, %mul3A_396 : i32
          %add3A_398 = arith.constant 96 : i32
          %add3A_399 = arith.addi %add3A_398, %mul3A_397 : i32
          %add3A_400 = arith.constant 2 : i32
          %add3A_401 = arith.addi %add3A_399, %add3A_400 : i32
          %get3A_402 = arith.index_cast %add3A_401 : i32 to index
          %get3A_403 = arith.constant 0 : index
          %get3A_404 = tpu.vector_load %arg4[%get3A_402, %get3A_403] {strides = array<i32>} : memref<128x128xf32, #tpu.memory_space<vmem>>, vector<1x16xf32>,
          %get3A_405 = vector.shape_cast %get3A_404 : vector<1x16xf32> to vector<16xf32>
          %add3A_406 = arith.addf %add3A_360, %get3A_405 : vector<16xf32>
          %get3A_407 = arith.index_cast %add3A_401 : i32 to index
          %get3A_408 = arith.constant 16 : index
          %get3A_409 = tpu.vector_load %arg4[%get3A_407, %get3A_408] {strides = array<i32>} : memref<128x128xf32, #tpu.memory_space<vmem>>, vector<1x16xf32>,
          %get3A_410 = vector.shape_cast %get3A_409 : vector<1x16xf32> to vector<16xf32>
          %add3A_411 = arith.addf %add3A_365, %get3A_410 : vector<16xf32>
          %get3A_412 = arith.index_cast %add3A_401 : i32 to index
          %get3A_413 = arith.constant 32 : index
          %get3A_414 = tpu.vector_load %arg4[%get3A_412, %get3A_413] {strides = array<i32>} : memref<128x128xf32, #tpu.memory_space<vmem>>, vector<1x16xf32>,
          %get3A_415 = vector.shape_cast %get3A_414 : vector<1x16xf32> to vector<16xf32>
          %add3A_416 = arith.addf %add3A_370, %get3A_415 : vector<16xf32>
          %get3A_417 = arith.index_cast %add3A_401 : i32 to index
          %get3A_418 = arith.constant 48 : index
          %get3A_419 = tpu.vector_load %arg4[%get3A_417, %get3A_418] {strides = array<i32>} : memref<128x128xf32, #tpu.memory_space<vmem>>, vector<1x16xf32>,
          %get3A_420 = vector.shape_cast %get3A_419 : vector<1x16xf32> to vector<16xf32>
          %add3A_421 = arith.addf %add3A_375, %get3A_420 : vector<16xf32>
          %get3A_422 = arith.index_cast %add3A_401 : i32 to index
          %get3A_423 = arith.constant 64 : index
          %get3A_424 = tpu.vector_load %arg4[%get3A_422, %get3A_423] {strides = array<i32>} : memref<128x128xf32, #tpu.memory_space<vmem>>, vector<1x16xf32>,
          %get3A_425 = vector.shape_cast %get3A_424 : vector<1x16xf32> to vector<16xf32>
          %add3A_426 = arith.addf %add3A_380, %get3A_425 : vector<16xf32>
          %get3A_427 = arith.index_cast %add3A_401 : i32 to index
          %get3A_428 = arith.constant 80 : index
          %get3A_429 = tpu.vector_load %arg4[%get3A_427, %get3A_428] {strides = array<i32>} : memref<128x128xf32, #tpu.memory_space<vmem>>, vector<1x16xf32>,
          %get3A_430 = vector.shape_cast %get3A_429 : vector<1x16xf32> to vector<16xf32>
          %add3A_431 = arith.addf %add3A_385, %get3A_430 : vector<16xf32>
          %get3A_432 = arith.index_cast %add3A_401 : i32 to index
          %get3A_433 = arith.constant 96 : index
          %get3A_434 = tpu.vector_load %arg4[%get3A_432, %get3A_433] {strides = array<i32>} : memref<128x128xf32, #tpu.memory_space<vmem>>, vector<1x16xf32>,
          %get3A_435 = vector.shape_cast %get3A_434 : vector<1x16xf32> to vector<16xf32>
          %add3A_436 = arith.addf %add3A_390, %get3A_435 : vector<16xf32>
          %get3A_437 = arith.index_cast %add3A_401 : i32 to index
          %get3A_438 = arith.constant 112 : index
          %get3A_439 = tpu.vector_load %arg4[%get3A_437, %get3A_438] {strides = array<i32>} : memref<128x128xf32, #tpu.memory_space<vmem>>, vector<1x16xf32>,
          %get3A_440 = vector.shape_cast %get3A_439 : vector<1x16xf32> to vector<16xf32>
          %add3A_441 = arith.addf %add3A_395, %get3A_440 : vector<16xf32>
          %mul3A_442 = arith.constant 4 : i32
          %mul3A_443 = arith.muli %scan3A_296, %mul3A_442 : i32
          %add3A_444 = arith.constant 96 : i32
          %add3A_445 = arith.addi %add3A_444, %mul3A_443 : i32
          %add3A_446 = arith.constant 3 : i32
          %add3A_447 = arith.addi %add3A_445, %add3A_446 : i32
          %get3A_448 = arith.index_cast %add3A_447 : i32 to index
          %get3A_449 = arith.constant 0 : index
          %get3A_450 = tpu.vector_load %arg4[%get3A_448, %get3A_449] {strides = array<i32>} : memref<128x128xf32, #tpu.memory_space<vmem>>, vector<1x16xf32>,
          %get3A_451 = vector.shape_cast %get3A_450 : vector<1x16xf32> to vector<16xf32>
          %add3A_452 = arith.addf %add3A_406, %get3A_451 : vector<16xf32>
          %get3A_453 = arith.index_cast %add3A_447 : i32 to index
          %get3A_454 = arith.constant 16 : index
          %get3A_455 = tpu.vector_load %arg4[%get3A_453, %get3A_454] {strides = array<i32>} : memref<128x128xf32, #tpu.memory_space<vmem>>, vector<1x16xf32>,
          %get3A_456 = vector.shape_cast %get3A_455 : vector<1x16xf32> to vector<16xf32>
          %add3A_457 = arith.addf %add3A_411, %get3A_456 : vector<16xf32>
          %get3A_458 = arith.index_cast %add3A_447 : i32 to index
          %get3A_459 = arith.constant 32 : index
          %get3A_460 = tpu.vector_load %arg4[%get3A_458, %get3A_459] {strides = array<i32>} : memref<128x128xf32, #tpu.memory_space<vmem>>, vector<1x16xf32>,
          %get3A_461 = vector.shape_cast %get3A_460 : vector<1x16xf32> to vector<16xf32>
          %add3A_462 = arith.addf %add3A_416, %get3A_461 : vector<16xf32>
          %get3A_463 = arith.index_cast %add3A_447 : i32 to index
          %get3A_464 = arith.constant 48 : index
          %get3A_465 = tpu.vector_load %arg4[%get3A_463, %get3A_464] {strides = array<i32>} : memref<128x128xf32, #tpu.memory_space<vmem>>, vector<1x16xf32>,
          %get3A_466 = vector.shape_cast %get3A_465 : vector<1x16xf32> to vector<16xf32>
          %add3A_467 = arith.addf %add3A_421, %get3A_466 : vector<16xf32>
          %get3A_468 = arith.index_cast %add3A_447 : i32 to index
          %get3A_469 = arith.constant 64 : index
          %get3A_470 = tpu.vector_load %arg4[%get3A_468, %get3A_469] {strides = array<i32>} : memref<128x128xf32, #tpu.memory_space<vmem>>, vector<1x16xf32>,
          %get3A_471 = vector.shape_cast %get3A_470 : vector<1x16xf32> to vector<16xf32>
          %add3A_472 = arith.addf %add3A_426, %get3A_471 : vector<16xf32>
          %get3A_473 = arith.index_cast %add3A_447 : i32 to index
          %get3A_474 = arith.constant 80 : index
          %get3A_475 = tpu.vector_load %arg4[%get3A_473, %get3A_474] {strides = array<i32>} : memref<128x128xf32, #tpu.memory_space<vmem>>, vector<1x16xf32>,
          %get3A_476 = vector.shape_cast %get3A_475 : vector<1x16xf32> to vector<16xf32>
          %add3A_477 = arith.addf %add3A_431, %get3A_476 : vector<16xf32>
          %get3A_478 = arith.index_cast %add3A_447 : i32 to index
          %get3A_479 = arith.constant 96 : index
          %get3A_480 = tpu.vector_load %arg4[%get3A_478, %get3A_479] {strides = array<i32>} : memref<128x128xf32, #tpu.memory_space<vmem>>, vector<1x16xf32>,
          %get3A_481 = vector.shape_cast %get3A_480 : vector<1x16xf32> to vector<16xf32>
          %add3A_482 = arith.addf %add3A_436, %get3A_481 : vector<16xf32>
          %get3A_483 = arith.index_cast %add3A_447 : i32 to index
          %get3A_484 = arith.constant 112 : index
          %get3A_485 = tpu.vector_load %arg4[%get3A_483, %get3A_484] {strides = array<i32>} : memref<128x128xf32, #tpu.memory_space<vmem>>, vector<1x16xf32>,
          %get3A_486 = vector.shape_cast %get3A_485 : vector<1x16xf32> to vector<16xf32>
          %add3A_487 = arith.addf %add3A_441, %get3A_486 : vector<16xf32>
          scf.yield %add3A_452, %add3A_457, %add3A_462, %add3A_467, %add3A_472, %add3A_477, %add3A_482, %add3A_487 : vector<16xf32>, vector<16xf32>, vector<16xf32>, vector<16xf32>, vector<16xf32>, vector<16xf32>, vector<16xf32>, vector<16xf32>
        }
        %scan3A_243 = arith.constant 8 : i32
        %swap3A_244 = arith.constant 3 : i32
        %swap3A_245 = arith.index_cast %swap3A_244 : i32 to index
        %swap3A_246 = arith.constant 0 : index
        %swap3A_247 = tpu.vector_load %arg6[%swap3A_245, %swap3A_246] {strides = array<i32>} : memref<4x128xf32, #tpu.memory_space<vmem>>, vector<1x16xf32>,
        %swap3A_248 = vector.shape_cast %swap3A_247 : vector<1x16xf32> to vector<16xf32>
        %swap3A_249 = vector.shape_cast %scan3A_242#0 : vector<16xf32> to vector<1x16xf32>
        tpu.vector_store %arg6[%swap3A_245, %swap3A_246], %swap3A_249 {strides = array<i32>} : memref<4x128xf32, #tpu.memory_space<vmem>>, vector<1x16xf32>,
        %swap3A_250 = arith.constant 3 : i32
        %swap3A_251 = arith.index_cast %swap3A_250 : i32 to index
        %swap3A_252 = arith.constant 16 : index
        %swap3A_253 = tpu.vector_load %arg6[%swap3A_251, %swap3A_252] {strides = array<i32>} : memref<4x128xf32, #tpu.memory_space<vmem>>, vector<1x16xf32>,
        %swap3A_254 = vector.shape_cast %swap3A_253 : vector<1x16xf32> to vector<16xf32>
        %swap3A_255 = vector.shape_cast %scan3A_242#1 : vector<16xf32> to vector<1x16xf32>
        tpu.vector_store %arg6[%swap3A_251, %swap3A_252], %swap3A_255 {strides = array<i32>} : memref<4x128xf32, #tpu.memory_space<vmem>>, vector<1x16xf32>,
        %swap3A_256 = arith.constant 3 : i32
        %swap3A_257 = arith.index_cast %swap3A_256 : i32 to index
        %swap3A_258 = arith.constant 32 : index
        %swap3A_259 = tpu.vector_load %arg6[%swap3A_257, %swap3A_258] {strides = array<i32>} : memref<4x128xf32, #tpu.memory_space<vmem>>, vector<1x16xf32>,
        %swap3A_260 = vector.shape_cast %swap3A_259 : vector<1x16xf32> to vector<16xf32>
        %swap3A_261 = vector.shape_cast %scan3A_242#2 : vector<16xf32> to vector<1x16xf32>
        tpu.vector_store %arg6[%swap3A_257, %swap3A_258], %swap3A_261 {strides = array<i32>} : memref<4x128xf32, #tpu.memory_space<vmem>>, vector<1x16xf32>,
        %swap3A_262 = arith.constant 3 : i32
        %swap3A_263 = arith.index_cast %swap3A_262 : i32 to index
        %swap3A_264 = arith.constant 48 : index
        %swap3A_265 = tpu.vector_load %arg6[%swap3A_263, %swap3A_264] {strides = array<i32>} : memref<4x128xf32, #tpu.memory_space<vmem>>, vector<1x16xf32>,
        %swap3A_266 = vector.shape_cast %swap3A_265 : vector<1x16xf32> to vector<16xf32>
        %swap3A_267 = vector.shape_cast %scan3A_242#3 : vector<16xf32> to vector<1x16xf32>
        tpu.vector_store %arg6[%swap3A_263, %swap3A_264], %swap3A_267 {strides = array<i32>} : memref<4x128xf32, #tpu.memory_space<vmem>>, vector<1x16xf32>,
        %swap3A_268 = arith.constant 3 : i32
        %swap3A_269 = arith.index_cast %swap3A_268 : i32 to index
        %swap3A_270 = arith.constant 64 : index
        %swap3A_271 = tpu.vector_load %arg6[%swap3A_269, %swap3A_270] {strides = array<i32>} : memref<4x128xf32, #tpu.memory_space<vmem>>, vector<1x16xf32>,
        %swap3A_272 = vector.shape_cast %swap3A_271 : vector<1x16xf32> to vector<16xf32>
        %swap3A_273 = vector.shape_cast %scan3A_242#4 : vector<16xf32> to vector<1x16xf32>
        tpu.vector_store %arg6[%swap3A_269, %swap3A_270], %swap3A_273 {strides = array<i32>} : memref<4x128xf32, #tpu.memory_space<vmem>>, vector<1x16xf32>,
        %swap3A_274 = arith.constant 3 : i32
        %swap3A_275 = arith.index_cast %swap3A_274 : i32 to index
        %swap3A_276 = arith.constant 80 : index
        %swap3A_277 = tpu.vector_load %arg6[%swap3A_275, %swap3A_276] {strides = array<i32>} : memref<4x128xf32, #tpu.memory_space<vmem>>, vector<1x16xf32>,
        %swap3A_278 = vector.shape_cast %swap3A_277 : vector<1x16xf32> to vector<16xf32>
        %swap3A_279 = vector.shape_cast %scan3A_242#5 : vector<16xf32> to vector<1x16xf32>
        tpu.vector_store %arg6[%swap3A_275, %swap3A_276], %swap3A_279 {strides = array<i32>} : memref<4x128xf32, #tpu.memory_space<vmem>>, vector<1x16xf32>,
        %swap3A_280 = arith.constant 3 : i32
        %swap3A_281 = arith.index_cast %swap3A_280 : i32 to index
        %swap3A_282 = arith.constant 96 : index
        %swap3A_283 = tpu.vector_load %arg6[%swap3A_281, %swap3A_282] {strides = array<i32>} : memref<4x128xf32, #tpu.memory_space<vmem>>, vector<1x16xf32>,
        %swap3A_284 = vector.shape_cast %swap3A_283 : vector<1x16xf32> to vector<16xf32>
        %swap3A_285 = vector.shape_cast %scan3A_242#6 : vector<16xf32> to vector<1x16xf32>
        tpu.vector_store %arg6[%swap3A_281, %swap3A_282], %swap3A_285 {strides = array<i32>} : memref<4x128xf32, #tpu.memory_space<vmem>>, vector<1x16xf32>,
        %swap3A_286 = arith.constant 3 : i32
        %swap3A_287 = arith.index_cast %swap3A_286 : i32 to index
        %swap3A_288 = arith.constant 112 : index
        %swap3A_289 = tpu.vector_load %arg6[%swap3A_287, %swap3A_288] {strides = array<i32>} : memref<4x128xf32, #tpu.memory_space<vmem>>, vector<1x16xf32>,
        %swap3A_290 = vector.shape_cast %swap3A_289 : vector<1x16xf32> to vector<16xf32>
        %swap3A_291 = vector.shape_cast %scan3A_242#7 : vector<16xf32> to vector<1x16xf32>
        tpu.vector_store %arg6[%swap3A_287, %swap3A_288], %swap3A_291 {strides = array<i32>} : memref<4x128xf32, #tpu.memory_space<vmem>>, vector<1x16xf32>,
        %sub3A = arith.constant 5056 : i32
        %sub3A_292 = arith.subi %add3A_4, %sub3A : i32
        %mul3A_293 = arith.constant 4 : i32
        %mul3A_294 = arith.muli %mul3A_19, %mul3A_293 : i32
        %add3A_295 = arith.addi %sub3A_292, %mul3A_294 : i32
        "tpu.region"() ({
          %run_scoped3A = tpu.sem_alloc : memref<!tpu.dma_semaphore, #tpu.memory_space<semaphore_mem>>
          %dma_start3A = arith.constant 0 : i32
          %dma_start3A_296 = tpu.memref_slice %arg3[%add3A_295, %dma_start3A] : memref<5056x128xf32, #tpu.memory_space<hbm>> -> memref<4x128xf32, #tpu.memory_space<hbm>>
          %dma_start3A_297 = arith.constant 0 : i32
          %dma_start3A_298 = tpu.memref_slice %arg3[%add3A_295, %dma_start3A_297] : memref<5056x128xf32, #tpu.memory_space<hbm>> -> memref<4x128xf32, #tpu.memory_space<hbm>>
          tpu.enqueue_dma source(%arg6 : memref<4x128xf32, #tpu.memory_space<vmem>>) target(%dma_start3A_298 : memref<4x128xf32, #tpu.memory_space<hbm>>) target_semaphore(%run_scoped3A : memref<!tpu.dma_semaphore, #tpu.memory_space<semaphore_mem>>)
          %dma_wait3A_299 = arith.constant 0 : i32
          %dma_wait3A_300 = tpu.memref_slice %arg3[%add3A_295, %dma_wait3A_299] : memref<5056x128xf32, #tpu.memory_space<hbm>> -> memref<4x128xf32, #tpu.memory_space<hbm>>
          %dma_wait3A_301 = arith.constant 0 : i32
          %dma_wait3A_302 = tpu.memref_slice %arg3[%add3A_295, %dma_wait3A_301] : memref<5056x128xf32, #tpu.memory_space<hbm>> -> memref<4x128xf32, #tpu.memory_space<hbm>>
          tpu.wait_dma2 semaphore(%run_scoped3A : memref<!tpu.dma_semaphore, #tpu.memory_space<semaphore_mem>>) src(%arg6 : memref<4x128xf32, #tpu.memory_space<vmem>>) dst(%dma_wait3A_302 : memref<4x128xf32, #tpu.memory_space<hbm>>)
          tpu.yield
        }) : () -> ()
      } else {
      }
      %add3A_41 = arith.constant 2 : i32
      %add3A_42 = arith.addi %mul3A_19, %add3A_41 : i32
      %lt3A_43 = arith.constant 80 : i32
      %lt3A_44 = arith.cmpi slt, %add3A_42, %lt3A_43 : i32
      %mul3A_45 = arith.constant 4 : i32
      %mul3A_46 = arith.muli %add3A_42, %mul3A_45 : i32
      %add3A_47 = arith.addi %add3A_4, %mul3A_46 : i32
      %lt3A_48 = arith.constant 10000 : i32
      %lt3A_49 = arith.cmpi slt, %add3A_47, %lt3A_48 : i32
      %and3A_50 = arith.andi %lt3A_44, %lt3A_49 : i1
      %convert_element_type3A_51 = arith.extui %and3A_50 : i1 to i32
      %cond3A_52 = arith.constant 0 : i32
      %cond3A_53 = arith.cmpi ne, %convert_element_type3A_51, %cond3A_52 : i32
      scf.if %cond3A_53 {
        %mul3A_65 = arith.constant 4 : i32
        %mul3A_66 = arith.muli %add3A_42, %mul3A_65 : i32
        %add3A_67 = arith.addi %add3A_4, %mul3A_66 : i32
        %mul3A_68 = arith.constant 32 : i32
        %mul3A_69 = arith.muli %add3A_67, %mul3A_68 : i32
        %dma_start3A = arith.constant 0 : i32
        %dma_start3A_70 = tpu.memref_slice %arg2[%mul3A_69, %dma_start3A] : memref<320000x128xf32, #tpu.memory_space<hbm>> -> memref<128x128xf32, #tpu.memory_space<hbm>>
        %dma_start3A_71 = arith.constant 0 : i32
        %dma_start3A_72 = tpu.memref_slice %arg2[%mul3A_69, %dma_start3A_71] : memref<320000x128xf32, #tpu.memory_space<hbm>> -> memref<128x128xf32, #tpu.memory_space<hbm>>
        tpu.enqueue_dma source(%dma_start3A_72 : memref<128x128xf32, #tpu.memory_space<hbm>>) target(%arg4 : memref<128x128xf32, #tpu.memory_space<vmem>>) target_semaphore(%arg7 : memref<!tpu.dma_semaphore, #tpu.memory_space<semaphore_mem>>)
      } else {
      }
      %add3A_54 = arith.constant 1 : i32
      %add3A_55 = arith.addi %mul3A_19, %add3A_54 : i32
      %mul3A_56 = arith.constant 4 : i32
      %mul3A_57 = arith.muli %add3A_55, %mul3A_56 : i32
      %add3A_58 = arith.addi %add3A_4, %mul3A_57 : i32
      %lt3A_59 = arith.constant 10000 : i32
      %lt3A_60 = arith.cmpi slt, %add3A_58, %lt3A_59 : i32
      %convert_element_type3A_61 = arith.extui %lt3A_60 : i1 to i32
      %cond3A_62 = arith.constant 0 : i32
      %cond3A_63 = arith.cmpi ne, %convert_element_type3A_61, %cond3A_62 : i32
      scf.if %cond3A_63 {
        %dma_wait3A = arith.constant 0 : i32
        %dma_wait3A_65 = arith.constant 0 : i32
        %dma_wait3A_66 = tpu.memref_slice %arg2[%dma_wait3A, %dma_wait3A_65] : memref<320000x128xf32, #tpu.memory_space<hbm>> -> memref<128x128xf32, #tpu.memory_space<hbm>>
        %dma_wait3A_67 = arith.constant 0 : i32
        %dma_wait3A_68 = arith.constant 0 : i32
        %dma_wait3A_69 = tpu.memref_slice %arg2[%dma_wait3A_67, %dma_wait3A_68] : memref<320000x128xf32, #tpu.memory_space<hbm>> -> memref<128x128xf32, #tpu.memory_space<hbm>>
        tpu.wait_dma2 semaphore(%arg8 : memref<!tpu.dma_semaphore, #tpu.memory_space<semaphore_mem>>) src(%dma_wait3A_69 : memref<128x128xf32, #tpu.memory_space<hbm>>) dst(%arg5 : memref<128x128xf32, #tpu.memory_space<vmem>>)
        %broadcast_in_dim3A = arith.constant 0.000000e+00 : f32
        %broadcast_in_dim3A_70 = vector.broadcast %broadcast_in_dim3A : f32 to vector<16xf32>
        %scan3A_71 = arith.constant 0 : i32
        %scan3A_72 = arith.constant 8 : i32
        %scan3A_73 = arith.addi %scan3A_71, %scan3A_72 : i32
        %scan3A_74 = arith.constant 1 : i32
        %scan3A_75:8 = scf.for %scan3A_296 = %scan3A_71 to %scan3A_73 step %scan3A_74 iter_args(%scan3A_297 = %broadcast_in_dim3A_70, %scan3A_298 = %broadcast_in_dim3A_70, %scan3A_299 = %broadcast_in_dim3A_70, %scan3A_300 = %broadcast_in_dim3A_70, %scan3A_301 = %broadcast_in_dim3A_70, %scan3A_302 = %broadcast_in_dim3A_70, %scan3A_303 = %broadcast_in_dim3A_70, %scan3A_304 = %broadcast_in_dim3A_70) -> (vector<16xf32>, vector<16xf32>, vector<16xf32>, vector<16xf32>, vector<16xf32>, vector<16xf32>, vector<16xf32>, vector<16xf32>)  : i32 {
          %mul3A_305 = arith.constant 4 : i32
          %mul3A_306 = arith.muli %scan3A_296, %mul3A_305 : i32
          %add3A_307 = arith.constant 0 : i32
          %add3A_308 = arith.addi %add3A_307, %mul3A_306 : i32
          %add3A_309 = arith.constant 0 : i32
          %add3A_310 = arith.addi %add3A_308, %add3A_309 : i32
          %get3A = arith.index_cast %add3A_310 : i32 to index
          %get3A_311 = arith.constant 0 : index
          %get3A_312 = tpu.vector_load %arg5[%get3A, %get3A_311] {strides = array<i32>} : memref<128x128xf32, #tpu.memory_space<vmem>>, vector<1x16xf32>,
          %get3A_313 = vector.shape_cast %get3A_312 : vector<1x16xf32> to vector<16xf32>
          %add3A_314 = arith.addf %scan3A_297, %get3A_313 : vector<16xf32>
          %get3A_315 = arith.index_cast %add3A_310 : i32 to index
          %get3A_316 = arith.constant 16 : index
          %get3A_317 = tpu.vector_load %arg5[%get3A_315, %get3A_316] {strides = array<i32>} : memref<128x128xf32, #tpu.memory_space<vmem>>, vector<1x16xf32>,
          %get3A_318 = vector.shape_cast %get3A_317 : vector<1x16xf32> to vector<16xf32>
          %add3A_319 = arith.addf %scan3A_298, %get3A_318 : vector<16xf32>
          %get3A_320 = arith.index_cast %add3A_310 : i32 to index
          %get3A_321 = arith.constant 32 : index
          %get3A_322 = tpu.vector_load %arg5[%get3A_320, %get3A_321] {strides = array<i32>} : memref<128x128xf32, #tpu.memory_space<vmem>>, vector<1x16xf32>,
          %get3A_323 = vector.shape_cast %get3A_322 : vector<1x16xf32> to vector<16xf32>
          %add3A_324 = arith.addf %scan3A_299, %get3A_323 : vector<16xf32>
          %get3A_325 = arith.index_cast %add3A_310 : i32 to index
          %get3A_326 = arith.constant 48 : index
          %get3A_327 = tpu.vector_load %arg5[%get3A_325, %get3A_326] {strides = array<i32>} : memref<128x128xf32, #tpu.memory_space<vmem>>, vector<1x16xf32>,
          %get3A_328 = vector.shape_cast %get3A_327 : vector<1x16xf32> to vector<16xf32>
          %add3A_329 = arith.addf %scan3A_300, %get3A_328 : vector<16xf32>
          %get3A_330 = arith.index_cast %add3A_310 : i32 to index
          %get3A_331 = arith.constant 64 : index
          %get3A_332 = tpu.vector_load %arg5[%get3A_330, %get3A_331] {strides = array<i32>} : memref<128x128xf32, #tpu.memory_space<vmem>>, vector<1x16xf32>,
          %get3A_333 = vector.shape_cast %get3A_332 : vector<1x16xf32> to vector<16xf32>
          %add3A_334 = arith.addf %scan3A_301, %get3A_333 : vector<16xf32>
          %get3A_335 = arith.index_cast %add3A_310 : i32 to index
          %get3A_336 = arith.constant 80 : index
          %get3A_337 = tpu.vector_load %arg5[%get3A_335, %get3A_336] {strides = array<i32>} : memref<128x128xf32, #tpu.memory_space<vmem>>, vector<1x16xf32>,
          %get3A_338 = vector.shape_cast %get3A_337 : vector<1x16xf32> to vector<16xf32>
          %add3A_339 = arith.addf %scan3A_302, %get3A_338 : vector<16xf32>
          %get3A_340 = arith.index_cast %add3A_310 : i32 to index
          %get3A_341 = arith.constant 96 : index
          %get3A_342 = tpu.vector_load %arg5[%get3A_340, %get3A_341] {strides = array<i32>} : memref<128x128xf32, #tpu.memory_space<vmem>>, vector<1x16xf32>,
          %get3A_343 = vector.shape_cast %get3A_342 : vector<1x16xf32> to vector<16xf32>
          %add3A_344 = arith.addf %scan3A_303, %get3A_343 : vector<16xf32>
          %get3A_345 = arith.index_cast %add3A_310 : i32 to index
          %get3A_346 = arith.constant 112 : index
          %get3A_347 = tpu.vector_load %arg5[%get3A_345, %get3A_346] {strides = array<i32>} : memref<128x128xf32, #tpu.memory_space<vmem>>, vector<1x16xf32>,
          %get3A_348 = vector.shape_cast %get3A_347 : vector<1x16xf32> to vector<16xf32>
          %add3A_349 = arith.addf %scan3A_304, %get3A_348 : vector<16xf32>
          %mul3A_350 = arith.constant 4 : i32
          %mul3A_351 = arith.muli %scan3A_296, %mul3A_350 : i32
          %add3A_352 = arith.constant 0 : i32
          %add3A_353 = arith.addi %add3A_352, %mul3A_351 : i32
          %add3A_354 = arith.constant 1 : i32
          %add3A_355 = arith.addi %add3A_353, %add3A_354 : i32
          %get3A_356 = arith.index_cast %add3A_355 : i32 to index
          %get3A_357 = arith.constant 0 : index
          %get3A_358 = tpu.vector_load %arg5[%get3A_356, %get3A_357] {strides = array<i32>} : memref<128x128xf32, #tpu.memory_space<vmem>>, vector<1x16xf32>,
          %get3A_359 = vector.shape_cast %get3A_358 : vector<1x16xf32> to vector<16xf32>
          %add3A_360 = arith.addf %add3A_314, %get3A_359 : vector<16xf32>
          %get3A_361 = arith.index_cast %add3A_355 : i32 to index
          %get3A_362 = arith.constant 16 : index
          %get3A_363 = tpu.vector_load %arg5[%get3A_361, %get3A_362] {strides = array<i32>} : memref<128x128xf32, #tpu.memory_space<vmem>>, vector<1x16xf32>,
          %get3A_364 = vector.shape_cast %get3A_363 : vector<1x16xf32> to vector<16xf32>
          %add3A_365 = arith.addf %add3A_319, %get3A_364 : vector<16xf32>
          %get3A_366 = arith.index_cast %add3A_355 : i32 to index
          %get3A_367 = arith.constant 32 : index
          %get3A_368 = tpu.vector_load %arg5[%get3A_366, %get3A_367] {strides = array<i32>} : memref<128x128xf32, #tpu.memory_space<vmem>>, vector<1x16xf32>,
          %get3A_369 = vector.shape_cast %get3A_368 : vector<1x16xf32> to vector<16xf32>
          %add3A_370 = arith.addf %add3A_324, %get3A_369 : vector<16xf32>
          %get3A_371 = arith.index_cast %add3A_355 : i32 to index
          %get3A_372 = arith.constant 48 : index
          %get3A_373 = tpu.vector_load %arg5[%get3A_371, %get3A_372] {strides = array<i32>} : memref<128x128xf32, #tpu.memory_space<vmem>>, vector<1x16xf32>,
          %get3A_374 = vector.shape_cast %get3A_373 : vector<1x16xf32> to vector<16xf32>
          %add3A_375 = arith.addf %add3A_329, %get3A_374 : vector<16xf32>
          %get3A_376 = arith.index_cast %add3A_355 : i32 to index
          %get3A_377 = arith.constant 64 : index
          %get3A_378 = tpu.vector_load %arg5[%get3A_376, %get3A_377] {strides = array<i32>} : memref<128x128xf32, #tpu.memory_space<vmem>>, vector<1x16xf32>,
          %get3A_379 = vector.shape_cast %get3A_378 : vector<1x16xf32> to vector<16xf32>
          %add3A_380 = arith.addf %add3A_334, %get3A_379 : vector<16xf32>
          %get3A_381 = arith.index_cast %add3A_355 : i32 to index
          %get3A_382 = arith.constant 80 : index
          %get3A_383 = tpu.vector_load %arg5[%get3A_381, %get3A_382] {strides = array<i32>} : memref<128x128xf32, #tpu.memory_space<vmem>>, vector<1x16xf32>,
          %get3A_384 = vector.shape_cast %get3A_383 : vector<1x16xf32> to vector<16xf32>
          %add3A_385 = arith.addf %add3A_339, %get3A_384 : vector<16xf32>
          %get3A_386 = arith.index_cast %add3A_355 : i32 to index
          %get3A_387 = arith.constant 96 : index
          %get3A_388 = tpu.vector_load %arg5[%get3A_386, %get3A_387] {strides = array<i32>} : memref<128x128xf32, #tpu.memory_space<vmem>>, vector<1x16xf32>,
          %get3A_389 = vector.shape_cast %get3A_388 : vector<1x16xf32> to vector<16xf32>
          %add3A_390 = arith.addf %add3A_344, %get3A_389 : vector<16xf32>
          %get3A_391 = arith.index_cast %add3A_355 : i32 to index
          %get3A_392 = arith.constant 112 : index
          %get3A_393 = tpu.vector_load %arg5[%get3A_391, %get3A_392] {strides = array<i32>} : memref<128x128xf32, #tpu.memory_space<vmem>>, vector<1x16xf32>,
          %get3A_394 = vector.shape_cast %get3A_393 : vector<1x16xf32> to vector<16xf32>
          %add3A_395 = arith.addf %add3A_349, %get3A_394 : vector<16xf32>
          %mul3A_396 = arith.constant 4 : i32
          %mul3A_397 = arith.muli %scan3A_296, %mul3A_396 : i32
          %add3A_398 = arith.constant 0 : i32
          %add3A_399 = arith.addi %add3A_398, %mul3A_397 : i32
          %add3A_400 = arith.constant 2 : i32
          %add3A_401 = arith.addi %add3A_399, %add3A_400 : i32
          %get3A_402 = arith.index_cast %add3A_401 : i32 to index
          %get3A_403 = arith.constant 0 : index
          %get3A_404 = tpu.vector_load %arg5[%get3A_402, %get3A_403] {strides = array<i32>} : memref<128x128xf32, #tpu.memory_space<vmem>>, vector<1x16xf32>,
          %get3A_405 = vector.shape_cast %get3A_404 : vector<1x16xf32> to vector<16xf32>
          %add3A_406 = arith.addf %add3A_360, %get3A_405 : vector<16xf32>
          %get3A_407 = arith.index_cast %add3A_401 : i32 to index
          %get3A_408 = arith.constant 16 : index
          %get3A_409 = tpu.vector_load %arg5[%get3A_407, %get3A_408] {strides = array<i32>} : memref<128x128xf32, #tpu.memory_space<vmem>>, vector<1x16xf32>,
          %get3A_410 = vector.shape_cast %get3A_409 : vector<1x16xf32> to vector<16xf32>
          %add3A_411 = arith.addf %add3A_365, %get3A_410 : vector<16xf32>
          %get3A_412 = arith.index_cast %add3A_401 : i32 to index
          %get3A_413 = arith.constant 32 : index
          %get3A_414 = tpu.vector_load %arg5[%get3A_412, %get3A_413] {strides = array<i32>} : memref<128x128xf32, #tpu.memory_space<vmem>>, vector<1x16xf32>,
          %get3A_415 = vector.shape_cast %get3A_414 : vector<1x16xf32> to vector<16xf32>
          %add3A_416 = arith.addf %add3A_370, %get3A_415 : vector<16xf32>
          %get3A_417 = arith.index_cast %add3A_401 : i32 to index
          %get3A_418 = arith.constant 48 : index
          %get3A_419 = tpu.vector_load %arg5[%get3A_417, %get3A_418] {strides = array<i32>} : memref<128x128xf32, #tpu.memory_space<vmem>>, vector<1x16xf32>,
          %get3A_420 = vector.shape_cast %get3A_419 : vector<1x16xf32> to vector<16xf32>
          %add3A_421 = arith.addf %add3A_375, %get3A_420 : vector<16xf32>
          %get3A_422 = arith.index_cast %add3A_401 : i32 to index
          %get3A_423 = arith.constant 64 : index
          %get3A_424 = tpu.vector_load %arg5[%get3A_422, %get3A_423] {strides = array<i32>} : memref<128x128xf32, #tpu.memory_space<vmem>>, vector<1x16xf32>,
          %get3A_425 = vector.shape_cast %get3A_424 : vector<1x16xf32> to vector<16xf32>
          %add3A_426 = arith.addf %add3A_380, %get3A_425 : vector<16xf32>
          %get3A_427 = arith.index_cast %add3A_401 : i32 to index
          %get3A_428 = arith.constant 80 : index
          %get3A_429 = tpu.vector_load %arg5[%get3A_427, %get3A_428] {strides = array<i32>} : memref<128x128xf32, #tpu.memory_space<vmem>>, vector<1x16xf32>,
          %get3A_430 = vector.shape_cast %get3A_429 : vector<1x16xf32> to vector<16xf32>
          %add3A_431 = arith.addf %add3A_385, %get3A_430 : vector<16xf32>
          %get3A_432 = arith.index_cast %add3A_401 : i32 to index
          %get3A_433 = arith.constant 96 : index
          %get3A_434 = tpu.vector_load %arg5[%get3A_432, %get3A_433] {strides = array<i32>} : memref<128x128xf32, #tpu.memory_space<vmem>>, vector<1x16xf32>,
          %get3A_435 = vector.shape_cast %get3A_434 : vector<1x16xf32> to vector<16xf32>
          %add3A_436 = arith.addf %add3A_390, %get3A_435 : vector<16xf32>
          %get3A_437 = arith.index_cast %add3A_401 : i32 to index
          %get3A_438 = arith.constant 112 : index
          %get3A_439 = tpu.vector_load %arg5[%get3A_437, %get3A_438] {strides = array<i32>} : memref<128x128xf32, #tpu.memory_space<vmem>>, vector<1x16xf32>,
          %get3A_440 = vector.shape_cast %get3A_439 : vector<1x16xf32> to vector<16xf32>
          %add3A_441 = arith.addf %add3A_395, %get3A_440 : vector<16xf32>
          %mul3A_442 = arith.constant 4 : i32
          %mul3A_443 = arith.muli %scan3A_296, %mul3A_442 : i32
          %add3A_444 = arith.constant 0 : i32
          %add3A_445 = arith.addi %add3A_444, %mul3A_443 : i32
          %add3A_446 = arith.constant 3 : i32
          %add3A_447 = arith.addi %add3A_445, %add3A_446 : i32
          %get3A_448 = arith.index_cast %add3A_447 : i32 to index
          %get3A_449 = arith.constant 0 : index
          %get3A_450 = tpu.vector_load %arg5[%get3A_448, %get3A_449] {strides = array<i32>} : memref<128x128xf32, #tpu.memory_space<vmem>>, vector<1x16xf32>,
          %get3A_451 = vector.shape_cast %get3A_450 : vector<1x16xf32> to vector<16xf32>
          %add3A_452 = arith.addf %add3A_406, %get3A_451 : vector<16xf32>
          %get3A_453 = arith.index_cast %add3A_447 : i32 to index
          %get3A_454 = arith.constant 16 : index
          %get3A_455 = tpu.vector_load %arg5[%get3A_453, %get3A_454] {strides = array<i32>} : memref<128x128xf32, #tpu.memory_space<vmem>>, vector<1x16xf32>,
          %get3A_456 = vector.shape_cast %get3A_455 : vector<1x16xf32> to vector<16xf32>
          %add3A_457 = arith.addf %add3A_411, %get3A_456 : vector<16xf32>
          %get3A_458 = arith.index_cast %add3A_447 : i32 to index
          %get3A_459 = arith.constant 32 : index
          %get3A_460 = tpu.vector_load %arg5[%get3A_458, %get3A_459] {strides = array<i32>} : memref<128x128xf32, #tpu.memory_space<vmem>>, vector<1x16xf32>,
          %get3A_461 = vector.shape_cast %get3A_460 : vector<1x16xf32> to vector<16xf32>
          %add3A_462 = arith.addf %add3A_416, %get3A_461 : vector<16xf32>
          %get3A_463 = arith.index_cast %add3A_447 : i32 to index
          %get3A_464 = arith.constant 48 : index
          %get3A_465 = tpu.vector_load %arg5[%get3A_463, %get3A_464] {strides = array<i32>} : memref<128x128xf32, #tpu.memory_space<vmem>>, vector<1x16xf32>,
          %get3A_466 = vector.shape_cast %get3A_465 : vector<1x16xf32> to vector<16xf32>
          %add3A_467 = arith.addf %add3A_421, %get3A_466 : vector<16xf32>
          %get3A_468 = arith.index_cast %add3A_447 : i32 to index
          %get3A_469 = arith.constant 64 : index
          %get3A_470 = tpu.vector_load %arg5[%get3A_468, %get3A_469] {strides = array<i32>} : memref<128x128xf32, #tpu.memory_space<vmem>>, vector<1x16xf32>,
          %get3A_471 = vector.shape_cast %get3A_470 : vector<1x16xf32> to vector<16xf32>
          %add3A_472 = arith.addf %add3A_426, %get3A_471 : vector<16xf32>
          %get3A_473 = arith.index_cast %add3A_447 : i32 to index
          %get3A_474 = arith.constant 80 : index
          %get3A_475 = tpu.vector_load %arg5[%get3A_473, %get3A_474] {strides = array<i32>} : memref<128x128xf32, #tpu.memory_space<vmem>>, vector<1x16xf32>,
          %get3A_476 = vector.shape_cast %get3A_475 : vector<1x16xf32> to vector<16xf32>
          %add3A_477 = arith.addf %add3A_431, %get3A_476 : vector<16xf32>
          %get3A_478 = arith.index_cast %add3A_447 : i32 to index
          %get3A_479 = arith.constant 96 : index
          %get3A_480 = tpu.vector_load %arg5[%get3A_478, %get3A_479] {strides = array<i32>} : memref<128x128xf32, #tpu.memory_space<vmem>>, vector<1x16xf32>,
          %get3A_481 = vector.shape_cast %get3A_480 : vector<1x16xf32> to vector<16xf32>
          %add3A_482 = arith.addf %add3A_436, %get3A_481 : vector<16xf32>
          %get3A_483 = arith.index_cast %add3A_447 : i32 to index
          %get3A_484 = arith.constant 112 : index
          %get3A_485 = tpu.vector_load %arg5[%get3A_483, %get3A_484] {strides = array<i32>} : memref<128x128xf32, #tpu.memory_space<vmem>>, vector<1x16xf32>,
          %get3A_486 = vector.shape_cast %get3A_485 : vector<1x16xf32> to vector<16xf32>
          %add3A_487 = arith.addf %add3A_441, %get3A_486 : vector<16xf32>
          scf.yield %add3A_452, %add3A_457, %add3A_462, %add3A_467, %add3A_472, %add3A_477, %add3A_482, %add3A_487 : vector<16xf32>, vector<16xf32>, vector<16xf32>, vector<16xf32>, vector<16xf32>, vector<16xf32>, vector<16xf32>, vector<16xf32>
        }
        %scan3A_76 = arith.constant 8 : i32
        %swap3A = arith.constant 0 : i32
        %swap3A_77 = arith.index_cast %swap3A : i32 to index
        %swap3A_78 = arith.constant 0 : index
        %swap3A_79 = tpu.vector_load %arg6[%swap3A_77, %swap3A_78] {strides = array<i32>} : memref<4x128xf32, #tpu.memory_space<vmem>>, vector<1x16xf32>,
        %swap3A_80 = vector.shape_cast %swap3A_79 : vector<1x16xf32> to vector<16xf32>
        %swap3A_81 = vector.shape_cast %scan3A_75#0 : vector<16xf32> to vector<1x16xf32>
        tpu.vector_store %arg6[%swap3A_77, %swap3A_78], %swap3A_81 {strides = array<i32>} : memref<4x128xf32, #tpu.memory_space<vmem>>, vector<1x16xf32>,
        %swap3A_82 = arith.constant 0 : i32
        %swap3A_83 = arith.index_cast %swap3A_82 : i32 to index
        %swap3A_84 = arith.constant 16 : index
        %swap3A_85 = tpu.vector_load %arg6[%swap3A_83, %swap3A_84] {strides = array<i32>} : memref<4x128xf32, #tpu.memory_space<vmem>>, vector<1x16xf32>,
        %swap3A_86 = vector.shape_cast %swap3A_85 : vector<1x16xf32> to vector<16xf32>
        %swap3A_87 = vector.shape_cast %scan3A_75#1 : vector<16xf32> to vector<1x16xf32>
        tpu.vector_store %arg6[%swap3A_83, %swap3A_84], %swap3A_87 {strides = array<i32>} : memref<4x128xf32, #tpu.memory_space<vmem>>, vector<1x16xf32>,
        %swap3A_88 = arith.constant 0 : i32
        %swap3A_89 = arith.index_cast %swap3A_88 : i32 to index
        %swap3A_90 = arith.constant 32 : index
        %swap3A_91 = tpu.vector_load %arg6[%swap3A_89, %swap3A_90] {strides = array<i32>} : memref<4x128xf32, #tpu.memory_space<vmem>>, vector<1x16xf32>,
        %swap3A_92 = vector.shape_cast %swap3A_91 : vector<1x16xf32> to vector<16xf32>
        %swap3A_93 = vector.shape_cast %scan3A_75#2 : vector<16xf32> to vector<1x16xf32>
        tpu.vector_store %arg6[%swap3A_89, %swap3A_90], %swap3A_93 {strides = array<i32>} : memref<4x128xf32, #tpu.memory_space<vmem>>, vector<1x16xf32>,
        %swap3A_94 = arith.constant 0 : i32
        %swap3A_95 = arith.index_cast %swap3A_94 : i32 to index
        %swap3A_96 = arith.constant 48 : index
        %swap3A_97 = tpu.vector_load %arg6[%swap3A_95, %swap3A_96] {strides = array<i32>} : memref<4x128xf32, #tpu.memory_space<vmem>>, vector<1x16xf32>,
        %swap3A_98 = vector.shape_cast %swap3A_97 : vector<1x16xf32> to vector<16xf32>
        %swap3A_99 = vector.shape_cast %scan3A_75#3 : vector<16xf32> to vector<1x16xf32>
        tpu.vector_store %arg6[%swap3A_95, %swap3A_96], %swap3A_99 {strides = array<i32>} : memref<4x128xf32, #tpu.memory_space<vmem>>, vector<1x16xf32>,
        %swap3A_100 = arith.constant 0 : i32
        %swap3A_101 = arith.index_cast %swap3A_100 : i32 to index
        %swap3A_102 = arith.constant 64 : index
        %swap3A_103 = tpu.vector_load %arg6[%swap3A_101, %swap3A_102] {strides = array<i32>} : memref<4x128xf32, #tpu.memory_space<vmem>>, vector<1x16xf32>,
        %swap3A_104 = vector.shape_cast %swap3A_103 : vector<1x16xf32> to vector<16xf32>
        %swap3A_105 = vector.shape_cast %scan3A_75#4 : vector<16xf32> to vector<1x16xf32>
        tpu.vector_store %arg6[%swap3A_101, %swap3A_102], %swap3A_105 {strides = array<i32>} : memref<4x128xf32, #tpu.memory_space<vmem>>, vector<1x16xf32>,
        %swap3A_106 = arith.constant 0 : i32
        %swap3A_107 = arith.index_cast %swap3A_106 : i32 to index
        %swap3A_108 = arith.constant 80 : index
        %swap3A_109 = tpu.vector_load %arg6[%swap3A_107, %swap3A_108] {strides = array<i32>} : memref<4x128xf32, #tpu.memory_space<vmem>>, vector<1x16xf32>,
        %swap3A_110 = vector.shape_cast %swap3A_109 : vector<1x16xf32> to vector<16xf32>
        %swap3A_111 = vector.shape_cast %scan3A_75#5 : vector<16xf32> to vector<1x16xf32>
        tpu.vector_store %arg6[%swap3A_107, %swap3A_108], %swap3A_111 {strides = array<i32>} : memref<4x128xf32, #tpu.memory_space<vmem>>, vector<1x16xf32>,
        %swap3A_112 = arith.constant 0 : i32
        %swap3A_113 = arith.index_cast %swap3A_112 : i32 to index
        %swap3A_114 = arith.constant 96 : index
        %swap3A_115 = tpu.vector_load %arg6[%swap3A_113, %swap3A_114] {strides = array<i32>} : memref<4x128xf32, #tpu.memory_space<vmem>>, vector<1x16xf32>,
        %swap3A_116 = vector.shape_cast %swap3A_115 : vector<1x16xf32> to vector<16xf32>
        %swap3A_117 = vector.shape_cast %scan3A_75#6 : vector<16xf32> to vector<1x16xf32>
        tpu.vector_store %arg6[%swap3A_113, %swap3A_114], %swap3A_117 {strides = array<i32>} : memref<4x128xf32, #tpu.memory_space<vmem>>, vector<1x16xf32>,
        %swap3A_118 = arith.constant 0 : i32
        %swap3A_119 = arith.index_cast %swap3A_118 : i32 to index
        %swap3A_120 = arith.constant 112 : index
        %swap3A_121 = tpu.vector_load %arg6[%swap3A_119, %swap3A_120] {strides = array<i32>} : memref<4x128xf32, #tpu.memory_space<vmem>>, vector<1x16xf32>,
        %swap3A_122 = vector.shape_cast %swap3A_121 : vector<1x16xf32> to vector<16xf32>
        %swap3A_123 = vector.shape_cast %scan3A_75#7 : vector<16xf32> to vector<1x16xf32>
        tpu.vector_store %arg6[%swap3A_119, %swap3A_120], %swap3A_123 {strides = array<i32>} : memref<4x128xf32, #tpu.memory_space<vmem>>, vector<1x16xf32>,
        %broadcast_in_dim3A_124 = arith.constant 0.000000e+00 : f32
        %broadcast_in_dim3A_125 = vector.broadcast %broadcast_in_dim3A_124 : f32 to vector<16xf32>
        %scan3A_126 = arith.constant 0 : i32
        %scan3A_127 = arith.constant 8 : i32
        %scan3A_128 = arith.addi %scan3A_126, %scan3A_127 : i32
        %scan3A_129 = arith.constant 1 : i32
        %scan3A_130:8 = scf.for %scan3A_296 = %scan3A_126 to %scan3A_128 step %scan3A_129 iter_args(%scan3A_297 = %broadcast_in_dim3A_125, %scan3A_298 = %broadcast_in_dim3A_125, %scan3A_299 = %broadcast_in_dim3A_125, %scan3A_300 = %broadcast_in_dim3A_125, %scan3A_301 = %broadcast_in_dim3A_125, %scan3A_302 = %broadcast_in_dim3A_125, %scan3A_303 = %broadcast_in_dim3A_125, %scan3A_304 = %broadcast_in_dim3A_125) -> (vector<16xf32>, vector<16xf32>, vector<16xf32>, vector<16xf32>, vector<16xf32>, vector<16xf32>, vector<16xf32>, vector<16xf32>)  : i32 {
          %mul3A_305 = arith.constant 4 : i32
          %mul3A_306 = arith.muli %scan3A_296, %mul3A_305 : i32
          %add3A_307 = arith.constant 32 : i32
          %add3A_308 = arith.addi %add3A_307, %mul3A_306 : i32
          %add3A_309 = arith.constant 0 : i32
          %add3A_310 = arith.addi %add3A_308, %add3A_309 : i32
          %get3A = arith.index_cast %add3A_310 : i32 to index
          %get3A_311 = arith.constant 0 : index
          %get3A_312 = tpu.vector_load %arg5[%get3A, %get3A_311] {strides = array<i32>} : memref<128x128xf32, #tpu.memory_space<vmem>>, vector<1x16xf32>,
          %get3A_313 = vector.shape_cast %get3A_312 : vector<1x16xf32> to vector<16xf32>
          %add3A_314 = arith.addf %scan3A_297, %get3A_313 : vector<16xf32>
          %get3A_315 = arith.index_cast %add3A_310 : i32 to index
          %get3A_316 = arith.constant 16 : index
          %get3A_317 = tpu.vector_load %arg5[%get3A_315, %get3A_316] {strides = array<i32>} : memref<128x128xf32, #tpu.memory_space<vmem>>, vector<1x16xf32>,
          %get3A_318 = vector.shape_cast %get3A_317 : vector<1x16xf32> to vector<16xf32>
          %add3A_319 = arith.addf %scan3A_298, %get3A_318 : vector<16xf32>
          %get3A_320 = arith.index_cast %add3A_310 : i32 to index
          %get3A_321 = arith.constant 32 : index
          %get3A_322 = tpu.vector_load %arg5[%get3A_320, %get3A_321] {strides = array<i32>} : memref<128x128xf32, #tpu.memory_space<vmem>>, vector<1x16xf32>,
          %get3A_323 = vector.shape_cast %get3A_322 : vector<1x16xf32> to vector<16xf32>
          %add3A_324 = arith.addf %scan3A_299, %get3A_323 : vector<16xf32>
          %get3A_325 = arith.index_cast %add3A_310 : i32 to index
          %get3A_326 = arith.constant 48 : index
          %get3A_327 = tpu.vector_load %arg5[%get3A_325, %get3A_326] {strides = array<i32>} : memref<128x128xf32, #tpu.memory_space<vmem>>, vector<1x16xf32>,
          %get3A_328 = vector.shape_cast %get3A_327 : vector<1x16xf32> to vector<16xf32>
          %add3A_329 = arith.addf %scan3A_300, %get3A_328 : vector<16xf32>
          %get3A_330 = arith.index_cast %add3A_310 : i32 to index
          %get3A_331 = arith.constant 64 : index
          %get3A_332 = tpu.vector_load %arg5[%get3A_330, %get3A_331] {strides = array<i32>} : memref<128x128xf32, #tpu.memory_space<vmem>>, vector<1x16xf32>,
          %get3A_333 = vector.shape_cast %get3A_332 : vector<1x16xf32> to vector<16xf32>
          %add3A_334 = arith.addf %scan3A_301, %get3A_333 : vector<16xf32>
          %get3A_335 = arith.index_cast %add3A_310 : i32 to index
          %get3A_336 = arith.constant 80 : index
          %get3A_337 = tpu.vector_load %arg5[%get3A_335, %get3A_336] {strides = array<i32>} : memref<128x128xf32, #tpu.memory_space<vmem>>, vector<1x16xf32>,
          %get3A_338 = vector.shape_cast %get3A_337 : vector<1x16xf32> to vector<16xf32>
          %add3A_339 = arith.addf %scan3A_302, %get3A_338 : vector<16xf32>
          %get3A_340 = arith.index_cast %add3A_310 : i32 to index
          %get3A_341 = arith.constant 96 : index
          %get3A_342 = tpu.vector_load %arg5[%get3A_340, %get3A_341] {strides = array<i32>} : memref<128x128xf32, #tpu.memory_space<vmem>>, vector<1x16xf32>,
          %get3A_343 = vector.shape_cast %get3A_342 : vector<1x16xf32> to vector<16xf32>
          %add3A_344 = arith.addf %scan3A_303, %get3A_343 : vector<16xf32>
          %get3A_345 = arith.index_cast %add3A_310 : i32 to index
          %get3A_346 = arith.constant 112 : index
          %get3A_347 = tpu.vector_load %arg5[%get3A_345, %get3A_346] {strides = array<i32>} : memref<128x128xf32, #tpu.memory_space<vmem>>, vector<1x16xf32>,
          %get3A_348 = vector.shape_cast %get3A_347 : vector<1x16xf32> to vector<16xf32>
          %add3A_349 = arith.addf %scan3A_304, %get3A_348 : vector<16xf32>
          %mul3A_350 = arith.constant 4 : i32
          %mul3A_351 = arith.muli %scan3A_296, %mul3A_350 : i32
          %add3A_352 = arith.constant 32 : i32
          %add3A_353 = arith.addi %add3A_352, %mul3A_351 : i32
          %add3A_354 = arith.constant 1 : i32
          %add3A_355 = arith.addi %add3A_353, %add3A_354 : i32
          %get3A_356 = arith.index_cast %add3A_355 : i32 to index
          %get3A_357 = arith.constant 0 : index
          %get3A_358 = tpu.vector_load %arg5[%get3A_356, %get3A_357] {strides = array<i32>} : memref<128x128xf32, #tpu.memory_space<vmem>>, vector<1x16xf32>,
          %get3A_359 = vector.shape_cast %get3A_358 : vector<1x16xf32> to vector<16xf32>
          %add3A_360 = arith.addf %add3A_314, %get3A_359 : vector<16xf32>
          %get3A_361 = arith.index_cast %add3A_355 : i32 to index
          %get3A_362 = arith.constant 16 : index
          %get3A_363 = tpu.vector_load %arg5[%get3A_361, %get3A_362] {strides = array<i32>} : memref<128x128xf32, #tpu.memory_space<vmem>>, vector<1x16xf32>,
          %get3A_364 = vector.shape_cast %get3A_363 : vector<1x16xf32> to vector<16xf32>
          %add3A_365 = arith.addf %add3A_319, %get3A_364 : vector<16xf32>
          %get3A_366 = arith.index_cast %add3A_355 : i32 to index
          %get3A_367 = arith.constant 32 : index
          %get3A_368 = tpu.vector_load %arg5[%get3A_366, %get3A_367] {strides = array<i32>} : memref<128x128xf32, #tpu.memory_space<vmem>>, vector<1x16xf32>,
          %get3A_369 = vector.shape_cast %get3A_368 : vector<1x16xf32> to vector<16xf32>
          %add3A_370 = arith.addf %add3A_324, %get3A_369 : vector<16xf32>
          %get3A_371 = arith.index_cast %add3A_355 : i32 to index
          %get3A_372 = arith.constant 48 : index
          %get3A_373 = tpu.vector_load %arg5[%get3A_371, %get3A_372] {strides = array<i32>} : memref<128x128xf32, #tpu.memory_space<vmem>>, vector<1x16xf32>,
          %get3A_374 = vector.shape_cast %get3A_373 : vector<1x16xf32> to vector<16xf32>
          %add3A_375 = arith.addf %add3A_329, %get3A_374 : vector<16xf32>
          %get3A_376 = arith.index_cast %add3A_355 : i32 to index
          %get3A_377 = arith.constant 64 : index
          %get3A_378 = tpu.vector_load %arg5[%get3A_376, %get3A_377] {strides = array<i32>} : memref<128x128xf32, #tpu.memory_space<vmem>>, vector<1x16xf32>,
          %get3A_379 = vector.shape_cast %get3A_378 : vector<1x16xf32> to vector<16xf32>
          %add3A_380 = arith.addf %add3A_334, %get3A_379 : vector<16xf32>
          %get3A_381 = arith.index_cast %add3A_355 : i32 to index
          %get3A_382 = arith.constant 80 : index
          %get3A_383 = tpu.vector_load %arg5[%get3A_381, %get3A_382] {strides = array<i32>} : memref<128x128xf32, #tpu.memory_space<vmem>>, vector<1x16xf32>,
          %get3A_384 = vector.shape_cast %get3A_383 : vector<1x16xf32> to vector<16xf32>
          %add3A_385 = arith.addf %add3A_339, %get3A_384 : vector<16xf32>
          %get3A_386 = arith.index_cast %add3A_355 : i32 to index
          %get3A_387 = arith.constant 96 : index
          %get3A_388 = tpu.vector_load %arg5[%get3A_386, %get3A_387] {strides = array<i32>} : memref<128x128xf32, #tpu.memory_space<vmem>>, vector<1x16xf32>,
          %get3A_389 = vector.shape_cast %get3A_388 : vector<1x16xf32> to vector<16xf32>
          %add3A_390 = arith.addf %add3A_344, %get3A_389 : vector<16xf32>
          %get3A_391 = arith.index_cast %add3A_355 : i32 to index
          %get3A_392 = arith.constant 112 : index
          %get3A_393 = tpu.vector_load %arg5[%get3A_391, %get3A_392] {strides = array<i32>} : memref<128x128xf32, #tpu.memory_space<vmem>>, vector<1x16xf32>,
          %get3A_394 = vector.shape_cast %get3A_393 : vector<1x16xf32> to vector<16xf32>
          %add3A_395 = arith.addf %add3A_349, %get3A_394 : vector<16xf32>
          %mul3A_396 = arith.constant 4 : i32
          %mul3A_397 = arith.muli %scan3A_296, %mul3A_396 : i32
          %add3A_398 = arith.constant 32 : i32
          %add3A_399 = arith.addi %add3A_398, %mul3A_397 : i32
          %add3A_400 = arith.constant 2 : i32
          %add3A_401 = arith.addi %add3A_399, %add3A_400 : i32
          %get3A_402 = arith.index_cast %add3A_401 : i32 to index
          %get3A_403 = arith.constant 0 : index
          %get3A_404 = tpu.vector_load %arg5[%get3A_402, %get3A_403] {strides = array<i32>} : memref<128x128xf32, #tpu.memory_space<vmem>>, vector<1x16xf32>,
          %get3A_405 = vector.shape_cast %get3A_404 : vector<1x16xf32> to vector<16xf32>
          %add3A_406 = arith.addf %add3A_360, %get3A_405 : vector<16xf32>
          %get3A_407 = arith.index_cast %add3A_401 : i32 to index
          %get3A_408 = arith.constant 16 : index
          %get3A_409 = tpu.vector_load %arg5[%get3A_407, %get3A_408] {strides = array<i32>} : memref<128x128xf32, #tpu.memory_space<vmem>>, vector<1x16xf32>,
          %get3A_410 = vector.shape_cast %get3A_409 : vector<1x16xf32> to vector<16xf32>
          %add3A_411 = arith.addf %add3A_365, %get3A_410 : vector<16xf32>
          %get3A_412 = arith.index_cast %add3A_401 : i32 to index
          %get3A_413 = arith.constant 32 : index
          %get3A_414 = tpu.vector_load %arg5[%get3A_412, %get3A_413] {strides = array<i32>} : memref<128x128xf32, #tpu.memory_space<vmem>>, vector<1x16xf32>,
          %get3A_415 = vector.shape_cast %get3A_414 : vector<1x16xf32> to vector<16xf32>
          %add3A_416 = arith.addf %add3A_370, %get3A_415 : vector<16xf32>
          %get3A_417 = arith.index_cast %add3A_401 : i32 to index
          %get3A_418 = arith.constant 48 : index
          %get3A_419 = tpu.vector_load %arg5[%get3A_417, %get3A_418] {strides = array<i32>} : memref<128x128xf32, #tpu.memory_space<vmem>>, vector<1x16xf32>,
          %get3A_420 = vector.shape_cast %get3A_419 : vector<1x16xf32> to vector<16xf32>
          %add3A_421 = arith.addf %add3A_375, %get3A_420 : vector<16xf32>
          %get3A_422 = arith.index_cast %add3A_401 : i32 to index
          %get3A_423 = arith.constant 64 : index
          %get3A_424 = tpu.vector_load %arg5[%get3A_422, %get3A_423] {strides = array<i32>} : memref<128x128xf32, #tpu.memory_space<vmem>>, vector<1x16xf32>,
          %get3A_425 = vector.shape_cast %get3A_424 : vector<1x16xf32> to vector<16xf32>
          %add3A_426 = arith.addf %add3A_380, %get3A_425 : vector<16xf32>
          %get3A_427 = arith.index_cast %add3A_401 : i32 to index
          %get3A_428 = arith.constant 80 : index
          %get3A_429 = tpu.vector_load %arg5[%get3A_427, %get3A_428] {strides = array<i32>} : memref<128x128xf32, #tpu.memory_space<vmem>>, vector<1x16xf32>,
          %get3A_430 = vector.shape_cast %get3A_429 : vector<1x16xf32> to vector<16xf32>
          %add3A_431 = arith.addf %add3A_385, %get3A_430 : vector<16xf32>
          %get3A_432 = arith.index_cast %add3A_401 : i32 to index
          %get3A_433 = arith.constant 96 : index
          %get3A_434 = tpu.vector_load %arg5[%get3A_432, %get3A_433] {strides = array<i32>} : memref<128x128xf32, #tpu.memory_space<vmem>>, vector<1x16xf32>,
          %get3A_435 = vector.shape_cast %get3A_434 : vector<1x16xf32> to vector<16xf32>
          %add3A_436 = arith.addf %add3A_390, %get3A_435 : vector<16xf32>
          %get3A_437 = arith.index_cast %add3A_401 : i32 to index
          %get3A_438 = arith.constant 112 : index
          %get3A_439 = tpu.vector_load %arg5[%get3A_437, %get3A_438] {strides = array<i32>} : memref<128x128xf32, #tpu.memory_space<vmem>>, vector<1x16xf32>,
          %get3A_440 = vector.shape_cast %get3A_439 : vector<1x16xf32> to vector<16xf32>
          %add3A_441 = arith.addf %add3A_395, %get3A_440 : vector<16xf32>
          %mul3A_442 = arith.constant 4 : i32
          %mul3A_443 = arith.muli %scan3A_296, %mul3A_442 : i32
          %add3A_444 = arith.constant 32 : i32
          %add3A_445 = arith.addi %add3A_444, %mul3A_443 : i32
          %add3A_446 = arith.constant 3 : i32
          %add3A_447 = arith.addi %add3A_445, %add3A_446 : i32
          %get3A_448 = arith.index_cast %add3A_447 : i32 to index
          %get3A_449 = arith.constant 0 : index
          %get3A_450 = tpu.vector_load %arg5[%get3A_448, %get3A_449] {strides = array<i32>} : memref<128x128xf32, #tpu.memory_space<vmem>>, vector<1x16xf32>,
          %get3A_451 = vector.shape_cast %get3A_450 : vector<1x16xf32> to vector<16xf32>
          %add3A_452 = arith.addf %add3A_406, %get3A_451 : vector<16xf32>
          %get3A_453 = arith.index_cast %add3A_447 : i32 to index
          %get3A_454 = arith.constant 16 : index
          %get3A_455 = tpu.vector_load %arg5[%get3A_453, %get3A_454] {strides = array<i32>} : memref<128x128xf32, #tpu.memory_space<vmem>>, vector<1x16xf32>,
          %get3A_456 = vector.shape_cast %get3A_455 : vector<1x16xf32> to vector<16xf32>
          %add3A_457 = arith.addf %add3A_411, %get3A_456 : vector<16xf32>
          %get3A_458 = arith.index_cast %add3A_447 : i32 to index
          %get3A_459 = arith.constant 32 : index
          %get3A_460 = tpu.vector_load %arg5[%get3A_458, %get3A_459] {strides = array<i32>} : memref<128x128xf32, #tpu.memory_space<vmem>>, vector<1x16xf32>,
          %get3A_461 = vector.shape_cast %get3A_460 : vector<1x16xf32> to vector<16xf32>
          %add3A_462 = arith.addf %add3A_416, %get3A_461 : vector<16xf32>
          %get3A_463 = arith.index_cast %add3A_447 : i32 to index
          %get3A_464 = arith.constant 48 : index
          %get3A_465 = tpu.vector_load %arg5[%get3A_463, %get3A_464] {strides = array<i32>} : memref<128x128xf32, #tpu.memory_space<vmem>>, vector<1x16xf32>,
          %get3A_466 = vector.shape_cast %get3A_465 : vector<1x16xf32> to vector<16xf32>
          %add3A_467 = arith.addf %add3A_421, %get3A_466 : vector<16xf32>
          %get3A_468 = arith.index_cast %add3A_447 : i32 to index
          %get3A_469 = arith.constant 64 : index
          %get3A_470 = tpu.vector_load %arg5[%get3A_468, %get3A_469] {strides = array<i32>} : memref<128x128xf32, #tpu.memory_space<vmem>>, vector<1x16xf32>,
          %get3A_471 = vector.shape_cast %get3A_470 : vector<1x16xf32> to vector<16xf32>
          %add3A_472 = arith.addf %add3A_426, %get3A_471 : vector<16xf32>
          %get3A_473 = arith.index_cast %add3A_447 : i32 to index
          %get3A_474 = arith.constant 80 : index
          %get3A_475 = tpu.vector_load %arg5[%get3A_473, %get3A_474] {strides = array<i32>} : memref<128x128xf32, #tpu.memory_space<vmem>>, vector<1x16xf32>,
          %get3A_476 = vector.shape_cast %get3A_475 : vector<1x16xf32> to vector<16xf32>
          %add3A_477 = arith.addf %add3A_431, %get3A_476 : vector<16xf32>
          %get3A_478 = arith.index_cast %add3A_447 : i32 to index
          %get3A_479 = arith.constant 96 : index
          %get3A_480 = tpu.vector_load %arg5[%get3A_478, %get3A_479] {strides = array<i32>} : memref<128x128xf32, #tpu.memory_space<vmem>>, vector<1x16xf32>,
          %get3A_481 = vector.shape_cast %get3A_480 : vector<1x16xf32> to vector<16xf32>
          %add3A_482 = arith.addf %add3A_436, %get3A_481 : vector<16xf32>
          %get3A_483 = arith.index_cast %add3A_447 : i32 to index
          %get3A_484 = arith.constant 112 : index
          %get3A_485 = tpu.vector_load %arg5[%get3A_483, %get3A_484] {strides = array<i32>} : memref<128x128xf32, #tpu.memory_space<vmem>>, vector<1x16xf32>,
          %get3A_486 = vector.shape_cast %get3A_485 : vector<1x16xf32> to vector<16xf32>
          %add3A_487 = arith.addf %add3A_441, %get3A_486 : vector<16xf32>
          scf.yield %add3A_452, %add3A_457, %add3A_462, %add3A_467, %add3A_472, %add3A_477, %add3A_482, %add3A_487 : vector<16xf32>, vector<16xf32>, vector<16xf32>, vector<16xf32>, vector<16xf32>, vector<16xf32>, vector<16xf32>, vector<16xf32>
        }
        %scan3A_131 = arith.constant 8 : i32
        %swap3A_132 = arith.constant 1 : i32
        %swap3A_133 = arith.index_cast %swap3A_132 : i32 to index
        %swap3A_134 = arith.constant 0 : index
        %swap3A_135 = tpu.vector_load %arg6[%swap3A_133, %swap3A_134] {strides = array<i32>} : memref<4x128xf32, #tpu.memory_space<vmem>>, vector<1x16xf32>,
        %swap3A_136 = vector.shape_cast %swap3A_135 : vector<1x16xf32> to vector<16xf32>
        %swap3A_137 = vector.shape_cast %scan3A_130#0 : vector<16xf32> to vector<1x16xf32>
        tpu.vector_store %arg6[%swap3A_133, %swap3A_134], %swap3A_137 {strides = array<i32>} : memref<4x128xf32, #tpu.memory_space<vmem>>, vector<1x16xf32>,
        %swap3A_138 = arith.constant 1 : i32
        %swap3A_139 = arith.index_cast %swap3A_138 : i32 to index
        %swap3A_140 = arith.constant 16 : index
        %swap3A_141 = tpu.vector_load %arg6[%swap3A_139, %swap3A_140] {strides = array<i32>} : memref<4x128xf32, #tpu.memory_space<vmem>>, vector<1x16xf32>,
        %swap3A_142 = vector.shape_cast %swap3A_141 : vector<1x16xf32> to vector<16xf32>
        %swap3A_143 = vector.shape_cast %scan3A_130#1 : vector<16xf32> to vector<1x16xf32>
        tpu.vector_store %arg6[%swap3A_139, %swap3A_140], %swap3A_143 {strides = array<i32>} : memref<4x128xf32, #tpu.memory_space<vmem>>, vector<1x16xf32>,
        %swap3A_144 = arith.constant 1 : i32
        %swap3A_145 = arith.index_cast %swap3A_144 : i32 to index
        %swap3A_146 = arith.constant 32 : index
        %swap3A_147 = tpu.vector_load %arg6[%swap3A_145, %swap3A_146] {strides = array<i32>} : memref<4x128xf32, #tpu.memory_space<vmem>>, vector<1x16xf32>,
        %swap3A_148 = vector.shape_cast %swap3A_147 : vector<1x16xf32> to vector<16xf32>
        %swap3A_149 = vector.shape_cast %scan3A_130#2 : vector<16xf32> to vector<1x16xf32>
        tpu.vector_store %arg6[%swap3A_145, %swap3A_146], %swap3A_149 {strides = array<i32>} : memref<4x128xf32, #tpu.memory_space<vmem>>, vector<1x16xf32>,
        %swap3A_150 = arith.constant 1 : i32
        %swap3A_151 = arith.index_cast %swap3A_150 : i32 to index
        %swap3A_152 = arith.constant 48 : index
        %swap3A_153 = tpu.vector_load %arg6[%swap3A_151, %swap3A_152] {strides = array<i32>} : memref<4x128xf32, #tpu.memory_space<vmem>>, vector<1x16xf32>,
        %swap3A_154 = vector.shape_cast %swap3A_153 : vector<1x16xf32> to vector<16xf32>
        %swap3A_155 = vector.shape_cast %scan3A_130#3 : vector<16xf32> to vector<1x16xf32>
        tpu.vector_store %arg6[%swap3A_151, %swap3A_152], %swap3A_155 {strides = array<i32>} : memref<4x128xf32, #tpu.memory_space<vmem>>, vector<1x16xf32>,
        %swap3A_156 = arith.constant 1 : i32
        %swap3A_157 = arith.index_cast %swap3A_156 : i32 to index
        %swap3A_158 = arith.constant 64 : index
        %swap3A_159 = tpu.vector_load %arg6[%swap3A_157, %swap3A_158] {strides = array<i32>} : memref<4x128xf32, #tpu.memory_space<vmem>>, vector<1x16xf32>,
        %swap3A_160 = vector.shape_cast %swap3A_159 : vector<1x16xf32> to vector<16xf32>
        %swap3A_161 = vector.shape_cast %scan3A_130#4 : vector<16xf32> to vector<1x16xf32>
        tpu.vector_store %arg6[%swap3A_157, %swap3A_158], %swap3A_161 {strides = array<i32>} : memref<4x128xf32, #tpu.memory_space<vmem>>, vector<1x16xf32>,
        %swap3A_162 = arith.constant 1 : i32
        %swap3A_163 = arith.index_cast %swap3A_162 : i32 to index
        %swap3A_164 = arith.constant 80 : index
        %swap3A_165 = tpu.vector_load %arg6[%swap3A_163, %swap3A_164] {strides = array<i32>} : memref<4x128xf32, #tpu.memory_space<vmem>>, vector<1x16xf32>,
        %swap3A_166 = vector.shape_cast %swap3A_165 : vector<1x16xf32> to vector<16xf32>
        %swap3A_167 = vector.shape_cast %scan3A_130#5 : vector<16xf32> to vector<1x16xf32>
        tpu.vector_store %arg6[%swap3A_163, %swap3A_164], %swap3A_167 {strides = array<i32>} : memref<4x128xf32, #tpu.memory_space<vmem>>, vector<1x16xf32>,
        %swap3A_168 = arith.constant 1 : i32
        %swap3A_169 = arith.index_cast %swap3A_168 : i32 to index
        %swap3A_170 = arith.constant 96 : index
        %swap3A_171 = tpu.vector_load %arg6[%swap3A_169, %swap3A_170] {strides = array<i32>} : memref<4x128xf32, #tpu.memory_space<vmem>>, vector<1x16xf32>,
        %swap3A_172 = vector.shape_cast %swap3A_171 : vector<1x16xf32> to vector<16xf32>
        %swap3A_173 = vector.shape_cast %scan3A_130#6 : vector<16xf32> to vector<1x16xf32>
        tpu.vector_store %arg6[%swap3A_169, %swap3A_170], %swap3A_173 {strides = array<i32>} : memref<4x128xf32, #tpu.memory_space<vmem>>, vector<1x16xf32>,
        %swap3A_174 = arith.constant 1 : i32
        %swap3A_175 = arith.index_cast %swap3A_174 : i32 to index
        %swap3A_176 = arith.constant 112 : index
        %swap3A_177 = tpu.vector_load %arg6[%swap3A_175, %swap3A_176] {strides = array<i32>} : memref<4x128xf32, #tpu.memory_space<vmem>>, vector<1x16xf32>,
        %swap3A_178 = vector.shape_cast %swap3A_177 : vector<1x16xf32> to vector<16xf32>
        %swap3A_179 = vector.shape_cast %scan3A_130#7 : vector<16xf32> to vector<1x16xf32>
        tpu.vector_store %arg6[%swap3A_175, %swap3A_176], %swap3A_179 {strides = array<i32>} : memref<4x128xf32, #tpu.memory_space<vmem>>, vector<1x16xf32>,
        %broadcast_in_dim3A_180 = arith.constant 0.000000e+00 : f32
        %broadcast_in_dim3A_181 = vector.broadcast %broadcast_in_dim3A_180 : f32 to vector<16xf32>
        %scan3A_182 = arith.constant 0 : i32
        %scan3A_183 = arith.constant 8 : i32
        %scan3A_184 = arith.addi %scan3A_182, %scan3A_183 : i32
        %scan3A_185 = arith.constant 1 : i32
        %scan3A_186:8 = scf.for %scan3A_296 = %scan3A_182 to %scan3A_184 step %scan3A_185 iter_args(%scan3A_297 = %broadcast_in_dim3A_181, %scan3A_298 = %broadcast_in_dim3A_181, %scan3A_299 = %broadcast_in_dim3A_181, %scan3A_300 = %broadcast_in_dim3A_181, %scan3A_301 = %broadcast_in_dim3A_181, %scan3A_302 = %broadcast_in_dim3A_181, %scan3A_303 = %broadcast_in_dim3A_181, %scan3A_304 = %broadcast_in_dim3A_181) -> (vector<16xf32>, vector<16xf32>, vector<16xf32>, vector<16xf32>, vector<16xf32>, vector<16xf32>, vector<16xf32>, vector<16xf32>)  : i32 {
          %mul3A_305 = arith.constant 4 : i32
          %mul3A_306 = arith.muli %scan3A_296, %mul3A_305 : i32
          %add3A_307 = arith.constant 64 : i32
          %add3A_308 = arith.addi %add3A_307, %mul3A_306 : i32
          %add3A_309 = arith.constant 0 : i32
          %add3A_310 = arith.addi %add3A_308, %add3A_309 : i32
          %get3A = arith.index_cast %add3A_310 : i32 to index
          %get3A_311 = arith.constant 0 : index
          %get3A_312 = tpu.vector_load %arg5[%get3A, %get3A_311] {strides = array<i32>} : memref<128x128xf32, #tpu.memory_space<vmem>>, vector<1x16xf32>,
          %get3A_313 = vector.shape_cast %get3A_312 : vector<1x16xf32> to vector<16xf32>
          %add3A_314 = arith.addf %scan3A_297, %get3A_313 : vector<16xf32>
          %get3A_315 = arith.index_cast %add3A_310 : i32 to index
          %get3A_316 = arith.constant 16 : index
          %get3A_317 = tpu.vector_load %arg5[%get3A_315, %get3A_316] {strides = array<i32>} : memref<128x128xf32, #tpu.memory_space<vmem>>, vector<1x16xf32>,
          %get3A_318 = vector.shape_cast %get3A_317 : vector<1x16xf32> to vector<16xf32>
          %add3A_319 = arith.addf %scan3A_298, %get3A_318 : vector<16xf32>
          %get3A_320 = arith.index_cast %add3A_310 : i32 to index
          %get3A_321 = arith.constant 32 : index
          %get3A_322 = tpu.vector_load %arg5[%get3A_320, %get3A_321] {strides = array<i32>} : memref<128x128xf32, #tpu.memory_space<vmem>>, vector<1x16xf32>,
          %get3A_323 = vector.shape_cast %get3A_322 : vector<1x16xf32> to vector<16xf32>
          %add3A_324 = arith.addf %scan3A_299, %get3A_323 : vector<16xf32>
          %get3A_325 = arith.index_cast %add3A_310 : i32 to index
          %get3A_326 = arith.constant 48 : index
          %get3A_327 = tpu.vector_load %arg5[%get3A_325, %get3A_326] {strides = array<i32>} : memref<128x128xf32, #tpu.memory_space<vmem>>, vector<1x16xf32>,
          %get3A_328 = vector.shape_cast %get3A_327 : vector<1x16xf32> to vector<16xf32>
          %add3A_329 = arith.addf %scan3A_300, %get3A_328 : vector<16xf32>
          %get3A_330 = arith.index_cast %add3A_310 : i32 to index
          %get3A_331 = arith.constant 64 : index
          %get3A_332 = tpu.vector_load %arg5[%get3A_330, %get3A_331] {strides = array<i32>} : memref<128x128xf32, #tpu.memory_space<vmem>>, vector<1x16xf32>,
          %get3A_333 = vector.shape_cast %get3A_332 : vector<1x16xf32> to vector<16xf32>
          %add3A_334 = arith.addf %scan3A_301, %get3A_333 : vector<16xf32>
          %get3A_335 = arith.index_cast %add3A_310 : i32 to index
          %get3A_336 = arith.constant 80 : index
          %get3A_337 = tpu.vector_load %arg5[%get3A_335, %get3A_336] {strides = array<i32>} : memref<128x128xf32, #tpu.memory_space<vmem>>, vector<1x16xf32>,
          %get3A_338 = vector.shape_cast %get3A_337 : vector<1x16xf32> to vector<16xf32>
          %add3A_339 = arith.addf %scan3A_302, %get3A_338 : vector<16xf32>
          %get3A_340 = arith.index_cast %add3A_310 : i32 to index
          %get3A_341 = arith.constant 96 : index
          %get3A_342 = tpu.vector_load %arg5[%get3A_340, %get3A_341] {strides = array<i32>} : memref<128x128xf32, #tpu.memory_space<vmem>>, vector<1x16xf32>,
          %get3A_343 = vector.shape_cast %get3A_342 : vector<1x16xf32> to vector<16xf32>
          %add3A_344 = arith.addf %scan3A_303, %get3A_343 : vector<16xf32>
          %get3A_345 = arith.index_cast %add3A_310 : i32 to index
          %get3A_346 = arith.constant 112 : index
          %get3A_347 = tpu.vector_load %arg5[%get3A_345, %get3A_346] {strides = array<i32>} : memref<128x128xf32, #tpu.memory_space<vmem>>, vector<1x16xf32>,
          %get3A_348 = vector.shape_cast %get3A_347 : vector<1x16xf32> to vector<16xf32>
          %add3A_349 = arith.addf %scan3A_304, %get3A_348 : vector<16xf32>
          %mul3A_350 = arith.constant 4 : i32
          %mul3A_351 = arith.muli %scan3A_296, %mul3A_350 : i32
          %add3A_352 = arith.constant 64 : i32
          %add3A_353 = arith.addi %add3A_352, %mul3A_351 : i32
          %add3A_354 = arith.constant 1 : i32
          %add3A_355 = arith.addi %add3A_353, %add3A_354 : i32
          %get3A_356 = arith.index_cast %add3A_355 : i32 to index
          %get3A_357 = arith.constant 0 : index
          %get3A_358 = tpu.vector_load %arg5[%get3A_356, %get3A_357] {strides = array<i32>} : memref<128x128xf32, #tpu.memory_space<vmem>>, vector<1x16xf32>,
          %get3A_359 = vector.shape_cast %get3A_358 : vector<1x16xf32> to vector<16xf32>
          %add3A_360 = arith.addf %add3A_314, %get3A_359 : vector<16xf32>
          %get3A_361 = arith.index_cast %add3A_355 : i32 to index
          %get3A_362 = arith.constant 16 : index
          %get3A_363 = tpu.vector_load %arg5[%get3A_361, %get3A_362] {strides = array<i32>} : memref<128x128xf32, #tpu.memory_space<vmem>>, vector<1x16xf32>,
          %get3A_364 = vector.shape_cast %get3A_363 : vector<1x16xf32> to vector<16xf32>
          %add3A_365 = arith.addf %add3A_319, %get3A_364 : vector<16xf32>
          %get3A_366 = arith.index_cast %add3A_355 : i32 to index
          %get3A_367 = arith.constant 32 : index
          %get3A_368 = tpu.vector_load %arg5[%get3A_366, %get3A_367] {strides = array<i32>} : memref<128x128xf32, #tpu.memory_space<vmem>>, vector<1x16xf32>,
          %get3A_369 = vector.shape_cast %get3A_368 : vector<1x16xf32> to vector<16xf32>
          %add3A_370 = arith.addf %add3A_324, %get3A_369 : vector<16xf32>
          %get3A_371 = arith.index_cast %add3A_355 : i32 to index
          %get3A_372 = arith.constant 48 : index
          %get3A_373 = tpu.vector_load %arg5[%get3A_371, %get3A_372] {strides = array<i32>} : memref<128x128xf32, #tpu.memory_space<vmem>>, vector<1x16xf32>,
          %get3A_374 = vector.shape_cast %get3A_373 : vector<1x16xf32> to vector<16xf32>
          %add3A_375 = arith.addf %add3A_329, %get3A_374 : vector<16xf32>
          %get3A_376 = arith.index_cast %add3A_355 : i32 to index
          %get3A_377 = arith.constant 64 : index
          %get3A_378 = tpu.vector_load %arg5[%get3A_376, %get3A_377] {strides = array<i32>} : memref<128x128xf32, #tpu.memory_space<vmem>>, vector<1x16xf32>,
          %get3A_379 = vector.shape_cast %get3A_378 : vector<1x16xf32> to vector<16xf32>
          %add3A_380 = arith.addf %add3A_334, %get3A_379 : vector<16xf32>
          %get3A_381 = arith.index_cast %add3A_355 : i32 to index
          %get3A_382 = arith.constant 80 : index
          %get3A_383 = tpu.vector_load %arg5[%get3A_381, %get3A_382] {strides = array<i32>} : memref<128x128xf32, #tpu.memory_space<vmem>>, vector<1x16xf32>,
          %get3A_384 = vector.shape_cast %get3A_383 : vector<1x16xf32> to vector<16xf32>
          %add3A_385 = arith.addf %add3A_339, %get3A_384 : vector<16xf32>
          %get3A_386 = arith.index_cast %add3A_355 : i32 to index
          %get3A_387 = arith.constant 96 : index
          %get3A_388 = tpu.vector_load %arg5[%get3A_386, %get3A_387] {strides = array<i32>} : memref<128x128xf32, #tpu.memory_space<vmem>>, vector<1x16xf32>,
          %get3A_389 = vector.shape_cast %get3A_388 : vector<1x16xf32> to vector<16xf32>
          %add3A_390 = arith.addf %add3A_344, %get3A_389 : vector<16xf32>
          %get3A_391 = arith.index_cast %add3A_355 : i32 to index
          %get3A_392 = arith.constant 112 : index
          %get3A_393 = tpu.vector_load %arg5[%get3A_391, %get3A_392] {strides = array<i32>} : memref<128x128xf32, #tpu.memory_space<vmem>>, vector<1x16xf32>,
          %get3A_394 = vector.shape_cast %get3A_393 : vector<1x16xf32> to vector<16xf32>
          %add3A_395 = arith.addf %add3A_349, %get3A_394 : vector<16xf32>
          %mul3A_396 = arith.constant 4 : i32
          %mul3A_397 = arith.muli %scan3A_296, %mul3A_396 : i32
          %add3A_398 = arith.constant 64 : i32
          %add3A_399 = arith.addi %add3A_398, %mul3A_397 : i32
          %add3A_400 = arith.constant 2 : i32
          %add3A_401 = arith.addi %add3A_399, %add3A_400 : i32
          %get3A_402 = arith.index_cast %add3A_401 : i32 to index
          %get3A_403 = arith.constant 0 : index
          %get3A_404 = tpu.vector_load %arg5[%get3A_402, %get3A_403] {strides = array<i32>} : memref<128x128xf32, #tpu.memory_space<vmem>>, vector<1x16xf32>,
          %get3A_405 = vector.shape_cast %get3A_404 : vector<1x16xf32> to vector<16xf32>
          %add3A_406 = arith.addf %add3A_360, %get3A_405 : vector<16xf32>
          %get3A_407 = arith.index_cast %add3A_401 : i32 to index
          %get3A_408 = arith.constant 16 : index
          %get3A_409 = tpu.vector_load %arg5[%get3A_407, %get3A_408] {strides = array<i32>} : memref<128x128xf32, #tpu.memory_space<vmem>>, vector<1x16xf32>,
          %get3A_410 = vector.shape_cast %get3A_409 : vector<1x16xf32> to vector<16xf32>
          %add3A_411 = arith.addf %add3A_365, %get3A_410 : vector<16xf32>
          %get3A_412 = arith.index_cast %add3A_401 : i32 to index
          %get3A_413 = arith.constant 32 : index
          %get3A_414 = tpu.vector_load %arg5[%get3A_412, %get3A_413] {strides = array<i32>} : memref<128x128xf32, #tpu.memory_space<vmem>>, vector<1x16xf32>,
          %get3A_415 = vector.shape_cast %get3A_414 : vector<1x16xf32> to vector<16xf32>
          %add3A_416 = arith.addf %add3A_370, %get3A_415 : vector<16xf32>
          %get3A_417 = arith.index_cast %add3A_401 : i32 to index
          %get3A_418 = arith.constant 48 : index
          %get3A_419 = tpu.vector_load %arg5[%get3A_417, %get3A_418] {strides = array<i32>} : memref<128x128xf32, #tpu.memory_space<vmem>>, vector<1x16xf32>,
          %get3A_420 = vector.shape_cast %get3A_419 : vector<1x16xf32> to vector<16xf32>
          %add3A_421 = arith.addf %add3A_375, %get3A_420 : vector<16xf32>
          %get3A_422 = arith.index_cast %add3A_401 : i32 to index
          %get3A_423 = arith.constant 64 : index
          %get3A_424 = tpu.vector_load %arg5[%get3A_422, %get3A_423] {strides = array<i32>} : memref<128x128xf32, #tpu.memory_space<vmem>>, vector<1x16xf32>,
          %get3A_425 = vector.shape_cast %get3A_424 : vector<1x16xf32> to vector<16xf32>
          %add3A_426 = arith.addf %add3A_380, %get3A_425 : vector<16xf32>
          %get3A_427 = arith.index_cast %add3A_401 : i32 to index
          %get3A_428 = arith.constant 80 : index
          %get3A_429 = tpu.vector_load %arg5[%get3A_427, %get3A_428] {strides = array<i32>} : memref<128x128xf32, #tpu.memory_space<vmem>>, vector<1x16xf32>,
          %get3A_430 = vector.shape_cast %get3A_429 : vector<1x16xf32> to vector<16xf32>
          %add3A_431 = arith.addf %add3A_385, %get3A_430 : vector<16xf32>
          %get3A_432 = arith.index_cast %add3A_401 : i32 to index
          %get3A_433 = arith.constant 96 : index
          %get3A_434 = tpu.vector_load %arg5[%get3A_432, %get3A_433] {strides = array<i32>} : memref<128x128xf32, #tpu.memory_space<vmem>>, vector<1x16xf32>,
          %get3A_435 = vector.shape_cast %get3A_434 : vector<1x16xf32> to vector<16xf32>
          %add3A_436 = arith.addf %add3A_390, %get3A_435 : vector<16xf32>
          %get3A_437 = arith.index_cast %add3A_401 : i32 to index
          %get3A_438 = arith.constant 112 : index
          %get3A_439 = tpu.vector_load %arg5[%get3A_437, %get3A_438] {strides = array<i32>} : memref<128x128xf32, #tpu.memory_space<vmem>>, vector<1x16xf32>,
          %get3A_440 = vector.shape_cast %get3A_439 : vector<1x16xf32> to vector<16xf32>
          %add3A_441 = arith.addf %add3A_395, %get3A_440 : vector<16xf32>
          %mul3A_442 = arith.constant 4 : i32
          %mul3A_443 = arith.muli %scan3A_296, %mul3A_442 : i32
          %add3A_444 = arith.constant 64 : i32
          %add3A_445 = arith.addi %add3A_444, %mul3A_443 : i32
          %add3A_446 = arith.constant 3 : i32
          %add3A_447 = arith.addi %add3A_445, %add3A_446 : i32
          %get3A_448 = arith.index_cast %add3A_447 : i32 to index
          %get3A_449 = arith.constant 0 : index
          %get3A_450 = tpu.vector_load %arg5[%get3A_448, %get3A_449] {strides = array<i32>} : memref<128x128xf32, #tpu.memory_space<vmem>>, vector<1x16xf32>,
          %get3A_451 = vector.shape_cast %get3A_450 : vector<1x16xf32> to vector<16xf32>
          %add3A_452 = arith.addf %add3A_406, %get3A_451 : vector<16xf32>
          %get3A_453 = arith.index_cast %add3A_447 : i32 to index
          %get3A_454 = arith.constant 16 : index
          %get3A_455 = tpu.vector_load %arg5[%get3A_453, %get3A_454] {strides = array<i32>} : memref<128x128xf32, #tpu.memory_space<vmem>>, vector<1x16xf32>,
          %get3A_456 = vector.shape_cast %get3A_455 : vector<1x16xf32> to vector<16xf32>
          %add3A_457 = arith.addf %add3A_411, %get3A_456 : vector<16xf32>
          %get3A_458 = arith.index_cast %add3A_447 : i32 to index
          %get3A_459 = arith.constant 32 : index
          %get3A_460 = tpu.vector_load %arg5[%get3A_458, %get3A_459] {strides = array<i32>} : memref<128x128xf32, #tpu.memory_space<vmem>>, vector<1x16xf32>,
          %get3A_461 = vector.shape_cast %get3A_460 : vector<1x16xf32> to vector<16xf32>
          %add3A_462 = arith.addf %add3A_416, %get3A_461 : vector<16xf32>
          %get3A_463 = arith.index_cast %add3A_447 : i32 to index
          %get3A_464 = arith.constant 48 : index
          %get3A_465 = tpu.vector_load %arg5[%get3A_463, %get3A_464] {strides = array<i32>} : memref<128x128xf32, #tpu.memory_space<vmem>>, vector<1x16xf32>,
          %get3A_466 = vector.shape_cast %get3A_465 : vector<1x16xf32> to vector<16xf32>
          %add3A_467 = arith.addf %add3A_421, %get3A_466 : vector<16xf32>
          %get3A_468 = arith.index_cast %add3A_447 : i32 to index
          %get3A_469 = arith.constant 64 : index
          %get3A_470 = tpu.vector_load %arg5[%get3A_468, %get3A_469] {strides = array<i32>} : memref<128x128xf32, #tpu.memory_space<vmem>>, vector<1x16xf32>,
          %get3A_471 = vector.shape_cast %get3A_470 : vector<1x16xf32> to vector<16xf32>
          %add3A_472 = arith.addf %add3A_426, %get3A_471 : vector<16xf32>
          %get3A_473 = arith.index_cast %add3A_447 : i32 to index
          %get3A_474 = arith.constant 80 : index
          %get3A_475 = tpu.vector_load %arg5[%get3A_473, %get3A_474] {strides = array<i32>} : memref<128x128xf32, #tpu.memory_space<vmem>>, vector<1x16xf32>,
          %get3A_476 = vector.shape_cast %get3A_475 : vector<1x16xf32> to vector<16xf32>
          %add3A_477 = arith.addf %add3A_431, %get3A_476 : vector<16xf32>
          %get3A_478 = arith.index_cast %add3A_447 : i32 to index
          %get3A_479 = arith.constant 96 : index
          %get3A_480 = tpu.vector_load %arg5[%get3A_478, %get3A_479] {strides = array<i32>} : memref<128x128xf32, #tpu.memory_space<vmem>>, vector<1x16xf32>,
          %get3A_481 = vector.shape_cast %get3A_480 : vector<1x16xf32> to vector<16xf32>
          %add3A_482 = arith.addf %add3A_436, %get3A_481 : vector<16xf32>
          %get3A_483 = arith.index_cast %add3A_447 : i32 to index
          %get3A_484 = arith.constant 112 : index
          %get3A_485 = tpu.vector_load %arg5[%get3A_483, %get3A_484] {strides = array<i32>} : memref<128x128xf32, #tpu.memory_space<vmem>>, vector<1x16xf32>,
          %get3A_486 = vector.shape_cast %get3A_485 : vector<1x16xf32> to vector<16xf32>
          %add3A_487 = arith.addf %add3A_441, %get3A_486 : vector<16xf32>
          scf.yield %add3A_452, %add3A_457, %add3A_462, %add3A_467, %add3A_472, %add3A_477, %add3A_482, %add3A_487 : vector<16xf32>, vector<16xf32>, vector<16xf32>, vector<16xf32>, vector<16xf32>, vector<16xf32>, vector<16xf32>, vector<16xf32>
        }
        %scan3A_187 = arith.constant 8 : i32
        %swap3A_188 = arith.constant 2 : i32
        %swap3A_189 = arith.index_cast %swap3A_188 : i32 to index
        %swap3A_190 = arith.constant 0 : index
        %swap3A_191 = tpu.vector_load %arg6[%swap3A_189, %swap3A_190] {strides = array<i32>} : memref<4x128xf32, #tpu.memory_space<vmem>>, vector<1x16xf32>,
        %swap3A_192 = vector.shape_cast %swap3A_191 : vector<1x16xf32> to vector<16xf32>
        %swap3A_193 = vector.shape_cast %scan3A_186#0 : vector<16xf32> to vector<1x16xf32>
        tpu.vector_store %arg6[%swap3A_189, %swap3A_190], %swap3A_193 {strides = array<i32>} : memref<4x128xf32, #tpu.memory_space<vmem>>, vector<1x16xf32>,
        %swap3A_194 = arith.constant 2 : i32
        %swap3A_195 = arith.index_cast %swap3A_194 : i32 to index
        %swap3A_196 = arith.constant 16 : index
        %swap3A_197 = tpu.vector_load %arg6[%swap3A_195, %swap3A_196] {strides = array<i32>} : memref<4x128xf32, #tpu.memory_space<vmem>>, vector<1x16xf32>,
        %swap3A_198 = vector.shape_cast %swap3A_197 : vector<1x16xf32> to vector<16xf32>
        %swap3A_199 = vector.shape_cast %scan3A_186#1 : vector<16xf32> to vector<1x16xf32>
        tpu.vector_store %arg6[%swap3A_195, %swap3A_196], %swap3A_199 {strides = array<i32>} : memref<4x128xf32, #tpu.memory_space<vmem>>, vector<1x16xf32>,
        %swap3A_200 = arith.constant 2 : i32
        %swap3A_201 = arith.index_cast %swap3A_200 : i32 to index
        %swap3A_202 = arith.constant 32 : index
        %swap3A_203 = tpu.vector_load %arg6[%swap3A_201, %swap3A_202] {strides = array<i32>} : memref<4x128xf32, #tpu.memory_space<vmem>>, vector<1x16xf32>,
        %swap3A_204 = vector.shape_cast %swap3A_203 : vector<1x16xf32> to vector<16xf32>
        %swap3A_205 = vector.shape_cast %scan3A_186#2 : vector<16xf32> to vector<1x16xf32>
        tpu.vector_store %arg6[%swap3A_201, %swap3A_202], %swap3A_205 {strides = array<i32>} : memref<4x128xf32, #tpu.memory_space<vmem>>, vector<1x16xf32>,
        %swap3A_206 = arith.constant 2 : i32
        %swap3A_207 = arith.index_cast %swap3A_206 : i32 to index
        %swap3A_208 = arith.constant 48 : index
        %swap3A_209 = tpu.vector_load %arg6[%swap3A_207, %swap3A_208] {strides = array<i32>} : memref<4x128xf32, #tpu.memory_space<vmem>>, vector<1x16xf32>,
        %swap3A_210 = vector.shape_cast %swap3A_209 : vector<1x16xf32> to vector<16xf32>
        %swap3A_211 = vector.shape_cast %scan3A_186#3 : vector<16xf32> to vector<1x16xf32>
        tpu.vector_store %arg6[%swap3A_207, %swap3A_208], %swap3A_211 {strides = array<i32>} : memref<4x128xf32, #tpu.memory_space<vmem>>, vector<1x16xf32>,
        %swap3A_212 = arith.constant 2 : i32
        %swap3A_213 = arith.index_cast %swap3A_212 : i32 to index
        %swap3A_214 = arith.constant 64 : index
        %swap3A_215 = tpu.vector_load %arg6[%swap3A_213, %swap3A_214] {strides = array<i32>} : memref<4x128xf32, #tpu.memory_space<vmem>>, vector<1x16xf32>,
        %swap3A_216 = vector.shape_cast %swap3A_215 : vector<1x16xf32> to vector<16xf32>
        %swap3A_217 = vector.shape_cast %scan3A_186#4 : vector<16xf32> to vector<1x16xf32>
        tpu.vector_store %arg6[%swap3A_213, %swap3A_214], %swap3A_217 {strides = array<i32>} : memref<4x128xf32, #tpu.memory_space<vmem>>, vector<1x16xf32>,
        %swap3A_218 = arith.constant 2 : i32
        %swap3A_219 = arith.index_cast %swap3A_218 : i32 to index
        %swap3A_220 = arith.constant 80 : index
        %swap3A_221 = tpu.vector_load %arg6[%swap3A_219, %swap3A_220] {strides = array<i32>} : memref<4x128xf32, #tpu.memory_space<vmem>>, vector<1x16xf32>,
        %swap3A_222 = vector.shape_cast %swap3A_221 : vector<1x16xf32> to vector<16xf32>
        %swap3A_223 = vector.shape_cast %scan3A_186#5 : vector<16xf32> to vector<1x16xf32>
        tpu.vector_store %arg6[%swap3A_219, %swap3A_220], %swap3A_223 {strides = array<i32>} : memref<4x128xf32, #tpu.memory_space<vmem>>, vector<1x16xf32>,
        %swap3A_224 = arith.constant 2 : i32
        %swap3A_225 = arith.index_cast %swap3A_224 : i32 to index
        %swap3A_226 = arith.constant 96 : index
        %swap3A_227 = tpu.vector_load %arg6[%swap3A_225, %swap3A_226] {strides = array<i32>} : memref<4x128xf32, #tpu.memory_space<vmem>>, vector<1x16xf32>,
        %swap3A_228 = vector.shape_cast %swap3A_227 : vector<1x16xf32> to vector<16xf32>
        %swap3A_229 = vector.shape_cast %scan3A_186#6 : vector<16xf32> to vector<1x16xf32>
        tpu.vector_store %arg6[%swap3A_225, %swap3A_226], %swap3A_229 {strides = array<i32>} : memref<4x128xf32, #tpu.memory_space<vmem>>, vector<1x16xf32>,
        %swap3A_230 = arith.constant 2 : i32
        %swap3A_231 = arith.index_cast %swap3A_230 : i32 to index
        %swap3A_232 = arith.constant 112 : index
        %swap3A_233 = tpu.vector_load %arg6[%swap3A_231, %swap3A_232] {strides = array<i32>} : memref<4x128xf32, #tpu.memory_space<vmem>>, vector<1x16xf32>,
        %swap3A_234 = vector.shape_cast %swap3A_233 : vector<1x16xf32> to vector<16xf32>
        %swap3A_235 = vector.shape_cast %scan3A_186#7 : vector<16xf32> to vector<1x16xf32>
        tpu.vector_store %arg6[%swap3A_231, %swap3A_232], %swap3A_235 {strides = array<i32>} : memref<4x128xf32, #tpu.memory_space<vmem>>, vector<1x16xf32>,
        %broadcast_in_dim3A_236 = arith.constant 0.000000e+00 : f32
        %broadcast_in_dim3A_237 = vector.broadcast %broadcast_in_dim3A_236 : f32 to vector<16xf32>
        %scan3A_238 = arith.constant 0 : i32
        %scan3A_239 = arith.constant 8 : i32
        %scan3A_240 = arith.addi %scan3A_238, %scan3A_239 : i32
        %scan3A_241 = arith.constant 1 : i32
        %scan3A_242:8 = scf.for %scan3A_296 = %scan3A_238 to %scan3A_240 step %scan3A_241 iter_args(%scan3A_297 = %broadcast_in_dim3A_237, %scan3A_298 = %broadcast_in_dim3A_237, %scan3A_299 = %broadcast_in_dim3A_237, %scan3A_300 = %broadcast_in_dim3A_237, %scan3A_301 = %broadcast_in_dim3A_237, %scan3A_302 = %broadcast_in_dim3A_237, %scan3A_303 = %broadcast_in_dim3A_237, %scan3A_304 = %broadcast_in_dim3A_237) -> (vector<16xf32>, vector<16xf32>, vector<16xf32>, vector<16xf32>, vector<16xf32>, vector<16xf32>, vector<16xf32>, vector<16xf32>)  : i32 {
          %mul3A_305 = arith.constant 4 : i32
          %mul3A_306 = arith.muli %scan3A_296, %mul3A_305 : i32
          %add3A_307 = arith.constant 96 : i32
          %add3A_308 = arith.addi %add3A_307, %mul3A_306 : i32
          %add3A_309 = arith.constant 0 : i32
          %add3A_310 = arith.addi %add3A_308, %add3A_309 : i32
          %get3A = arith.index_cast %add3A_310 : i32 to index
          %get3A_311 = arith.constant 0 : index
          %get3A_312 = tpu.vector_load %arg5[%get3A, %get3A_311] {strides = array<i32>} : memref<128x128xf32, #tpu.memory_space<vmem>>, vector<1x16xf32>,
          %get3A_313 = vector.shape_cast %get3A_312 : vector<1x16xf32> to vector<16xf32>
          %add3A_314 = arith.addf %scan3A_297, %get3A_313 : vector<16xf32>
          %get3A_315 = arith.index_cast %add3A_310 : i32 to index
          %get3A_316 = arith.constant 16 : index
          %get3A_317 = tpu.vector_load %arg5[%get3A_315, %get3A_316] {strides = array<i32>} : memref<128x128xf32, #tpu.memory_space<vmem>>, vector<1x16xf32>,
          %get3A_318 = vector.shape_cast %get3A_317 : vector<1x16xf32> to vector<16xf32>
          %add3A_319 = arith.addf %scan3A_298, %get3A_318 : vector<16xf32>
          %get3A_320 = arith.index_cast %add3A_310 : i32 to index
          %get3A_321 = arith.constant 32 : index
          %get3A_322 = tpu.vector_load %arg5[%get3A_320, %get3A_321] {strides = array<i32>} : memref<128x128xf32, #tpu.memory_space<vmem>>, vector<1x16xf32>,
          %get3A_323 = vector.shape_cast %get3A_322 : vector<1x16xf32> to vector<16xf32>
          %add3A_324 = arith.addf %scan3A_299, %get3A_323 : vector<16xf32>
          %get3A_325 = arith.index_cast %add3A_310 : i32 to index
          %get3A_326 = arith.constant 48 : index
          %get3A_327 = tpu.vector_load %arg5[%get3A_325, %get3A_326] {strides = array<i32>} : memref<128x128xf32, #tpu.memory_space<vmem>>, vector<1x16xf32>,
          %get3A_328 = vector.shape_cast %get3A_327 : vector<1x16xf32> to vector<16xf32>
          %add3A_329 = arith.addf %scan3A_300, %get3A_328 : vector<16xf32>
          %get3A_330 = arith.index_cast %add3A_310 : i32 to index
          %get3A_331 = arith.constant 64 : index
          %get3A_332 = tpu.vector_load %arg5[%get3A_330, %get3A_331] {strides = array<i32>} : memref<128x128xf32, #tpu.memory_space<vmem>>, vector<1x16xf32>,
          %get3A_333 = vector.shape_cast %get3A_332 : vector<1x16xf32> to vector<16xf32>
          %add3A_334 = arith.addf %scan3A_301, %get3A_333 : vector<16xf32>
          %get3A_335 = arith.index_cast %add3A_310 : i32 to index
          %get3A_336 = arith.constant 80 : index
          %get3A_337 = tpu.vector_load %arg5[%get3A_335, %get3A_336] {strides = array<i32>} : memref<128x128xf32, #tpu.memory_space<vmem>>, vector<1x16xf32>,
          %get3A_338 = vector.shape_cast %get3A_337 : vector<1x16xf32> to vector<16xf32>
          %add3A_339 = arith.addf %scan3A_302, %get3A_338 : vector<16xf32>
          %get3A_340 = arith.index_cast %add3A_310 : i32 to index
          %get3A_341 = arith.constant 96 : index
          %get3A_342 = tpu.vector_load %arg5[%get3A_340, %get3A_341] {strides = array<i32>} : memref<128x128xf32, #tpu.memory_space<vmem>>, vector<1x16xf32>,
          %get3A_343 = vector.shape_cast %get3A_342 : vector<1x16xf32> to vector<16xf32>
          %add3A_344 = arith.addf %scan3A_303, %get3A_343 : vector<16xf32>
          %get3A_345 = arith.index_cast %add3A_310 : i32 to index
          %get3A_346 = arith.constant 112 : index
          %get3A_347 = tpu.vector_load %arg5[%get3A_345, %get3A_346] {strides = array<i32>} : memref<128x128xf32, #tpu.memory_space<vmem>>, vector<1x16xf32>,
          %get3A_348 = vector.shape_cast %get3A_347 : vector<1x16xf32> to vector<16xf32>
          %add3A_349 = arith.addf %scan3A_304, %get3A_348 : vector<16xf32>
          %mul3A_350 = arith.constant 4 : i32
          %mul3A_351 = arith.muli %scan3A_296, %mul3A_350 : i32
          %add3A_352 = arith.constant 96 : i32
          %add3A_353 = arith.addi %add3A_352, %mul3A_351 : i32
          %add3A_354 = arith.constant 1 : i32
          %add3A_355 = arith.addi %add3A_353, %add3A_354 : i32
          %get3A_356 = arith.index_cast %add3A_355 : i32 to index
          %get3A_357 = arith.constant 0 : index
          %get3A_358 = tpu.vector_load %arg5[%get3A_356, %get3A_357] {strides = array<i32>} : memref<128x128xf32, #tpu.memory_space<vmem>>, vector<1x16xf32>,
          %get3A_359 = vector.shape_cast %get3A_358 : vector<1x16xf32> to vector<16xf32>
          %add3A_360 = arith.addf %add3A_314, %get3A_359 : vector<16xf32>
          %get3A_361 = arith.index_cast %add3A_355 : i32 to index
          %get3A_362 = arith.constant 16 : index
          %get3A_363 = tpu.vector_load %arg5[%get3A_361, %get3A_362] {strides = array<i32>} : memref<128x128xf32, #tpu.memory_space<vmem>>, vector<1x16xf32>,
          %get3A_364 = vector.shape_cast %get3A_363 : vector<1x16xf32> to vector<16xf32>
          %add3A_365 = arith.addf %add3A_319, %get3A_364 : vector<16xf32>
          %get3A_366 = arith.index_cast %add3A_355 : i32 to index
          %get3A_367 = arith.constant 32 : index
          %get3A_368 = tpu.vector_load %arg5[%get3A_366, %get3A_367] {strides = array<i32>} : memref<128x128xf32, #tpu.memory_space<vmem>>, vector<1x16xf32>,
          %get3A_369 = vector.shape_cast %get3A_368 : vector<1x16xf32> to vector<16xf32>
          %add3A_370 = arith.addf %add3A_324, %get3A_369 : vector<16xf32>
          %get3A_371 = arith.index_cast %add3A_355 : i32 to index
          %get3A_372 = arith.constant 48 : index
          %get3A_373 = tpu.vector_load %arg5[%get3A_371, %get3A_372] {strides = array<i32>} : memref<128x128xf32, #tpu.memory_space<vmem>>, vector<1x16xf32>,
          %get3A_374 = vector.shape_cast %get3A_373 : vector<1x16xf32> to vector<16xf32>
          %add3A_375 = arith.addf %add3A_329, %get3A_374 : vector<16xf32>
          %get3A_376 = arith.index_cast %add3A_355 : i32 to index
          %get3A_377 = arith.constant 64 : index
          %get3A_378 = tpu.vector_load %arg5[%get3A_376, %get3A_377] {strides = array<i32>} : memref<128x128xf32, #tpu.memory_space<vmem>>, vector<1x16xf32>,
          %get3A_379 = vector.shape_cast %get3A_378 : vector<1x16xf32> to vector<16xf32>
          %add3A_380 = arith.addf %add3A_334, %get3A_379 : vector<16xf32>
          %get3A_381 = arith.index_cast %add3A_355 : i32 to index
          %get3A_382 = arith.constant 80 : index
          %get3A_383 = tpu.vector_load %arg5[%get3A_381, %get3A_382] {strides = array<i32>} : memref<128x128xf32, #tpu.memory_space<vmem>>, vector<1x16xf32>,
          %get3A_384 = vector.shape_cast %get3A_383 : vector<1x16xf32> to vector<16xf32>
          %add3A_385 = arith.addf %add3A_339, %get3A_384 : vector<16xf32>
          %get3A_386 = arith.index_cast %add3A_355 : i32 to index
          %get3A_387 = arith.constant 96 : index
          %get3A_388 = tpu.vector_load %arg5[%get3A_386, %get3A_387] {strides = array<i32>} : memref<128x128xf32, #tpu.memory_space<vmem>>, vector<1x16xf32>,
          %get3A_389 = vector.shape_cast %get3A_388 : vector<1x16xf32> to vector<16xf32>
          %add3A_390 = arith.addf %add3A_344, %get3A_389 : vector<16xf32>
          %get3A_391 = arith.index_cast %add3A_355 : i32 to index
          %get3A_392 = arith.constant 112 : index
          %get3A_393 = tpu.vector_load %arg5[%get3A_391, %get3A_392] {strides = array<i32>} : memref<128x128xf32, #tpu.memory_space<vmem>>, vector<1x16xf32>,
          %get3A_394 = vector.shape_cast %get3A_393 : vector<1x16xf32> to vector<16xf32>
          %add3A_395 = arith.addf %add3A_349, %get3A_394 : vector<16xf32>
          %mul3A_396 = arith.constant 4 : i32
          %mul3A_397 = arith.muli %scan3A_296, %mul3A_396 : i32
          %add3A_398 = arith.constant 96 : i32
          %add3A_399 = arith.addi %add3A_398, %mul3A_397 : i32
          %add3A_400 = arith.constant 2 : i32
          %add3A_401 = arith.addi %add3A_399, %add3A_400 : i32
          %get3A_402 = arith.index_cast %add3A_401 : i32 to index
          %get3A_403 = arith.constant 0 : index
          %get3A_404 = tpu.vector_load %arg5[%get3A_402, %get3A_403] {strides = array<i32>} : memref<128x128xf32, #tpu.memory_space<vmem>>, vector<1x16xf32>,
          %get3A_405 = vector.shape_cast %get3A_404 : vector<1x16xf32> to vector<16xf32>
          %add3A_406 = arith.addf %add3A_360, %get3A_405 : vector<16xf32>
          %get3A_407 = arith.index_cast %add3A_401 : i32 to index
          %get3A_408 = arith.constant 16 : index
          %get3A_409 = tpu.vector_load %arg5[%get3A_407, %get3A_408] {strides = array<i32>} : memref<128x128xf32, #tpu.memory_space<vmem>>, vector<1x16xf32>,
          %get3A_410 = vector.shape_cast %get3A_409 : vector<1x16xf32> to vector<16xf32>
          %add3A_411 = arith.addf %add3A_365, %get3A_410 : vector<16xf32>
          %get3A_412 = arith.index_cast %add3A_401 : i32 to index
          %get3A_413 = arith.constant 32 : index
          %get3A_414 = tpu.vector_load %arg5[%get3A_412, %get3A_413] {strides = array<i32>} : memref<128x128xf32, #tpu.memory_space<vmem>>, vector<1x16xf32>,
          %get3A_415 = vector.shape_cast %get3A_414 : vector<1x16xf32> to vector<16xf32>
          %add3A_416 = arith.addf %add3A_370, %get3A_415 : vector<16xf32>
          %get3A_417 = arith.index_cast %add3A_401 : i32 to index
          %get3A_418 = arith.constant 48 : index
          %get3A_419 = tpu.vector_load %arg5[%get3A_417, %get3A_418] {strides = array<i32>} : memref<128x128xf32, #tpu.memory_space<vmem>>, vector<1x16xf32>,
          %get3A_420 = vector.shape_cast %get3A_419 : vector<1x16xf32> to vector<16xf32>
          %add3A_421 = arith.addf %add3A_375, %get3A_420 : vector<16xf32>
          %get3A_422 = arith.index_cast %add3A_401 : i32 to index
          %get3A_423 = arith.constant 64 : index
          %get3A_424 = tpu.vector_load %arg5[%get3A_422, %get3A_423] {strides = array<i32>} : memref<128x128xf32, #tpu.memory_space<vmem>>, vector<1x16xf32>,
          %get3A_425 = vector.shape_cast %get3A_424 : vector<1x16xf32> to vector<16xf32>
          %add3A_426 = arith.addf %add3A_380, %get3A_425 : vector<16xf32>
          %get3A_427 = arith.index_cast %add3A_401 : i32 to index
          %get3A_428 = arith.constant 80 : index
          %get3A_429 = tpu.vector_load %arg5[%get3A_427, %get3A_428] {strides = array<i32>} : memref<128x128xf32, #tpu.memory_space<vmem>>, vector<1x16xf32>,
          %get3A_430 = vector.shape_cast %get3A_429 : vector<1x16xf32> to vector<16xf32>
          %add3A_431 = arith.addf %add3A_385, %get3A_430 : vector<16xf32>
          %get3A_432 = arith.index_cast %add3A_401 : i32 to index
          %get3A_433 = arith.constant 96 : index
          %get3A_434 = tpu.vector_load %arg5[%get3A_432, %get3A_433] {strides = array<i32>} : memref<128x128xf32, #tpu.memory_space<vmem>>, vector<1x16xf32>,
          %get3A_435 = vector.shape_cast %get3A_434 : vector<1x16xf32> to vector<16xf32>
          %add3A_436 = arith.addf %add3A_390, %get3A_435 : vector<16xf32>
          %get3A_437 = arith.index_cast %add3A_401 : i32 to index
          %get3A_438 = arith.constant 112 : index
          %get3A_439 = tpu.vector_load %arg5[%get3A_437, %get3A_438] {strides = array<i32>} : memref<128x128xf32, #tpu.memory_space<vmem>>, vector<1x16xf32>,
          %get3A_440 = vector.shape_cast %get3A_439 : vector<1x16xf32> to vector<16xf32>
          %add3A_441 = arith.addf %add3A_395, %get3A_440 : vector<16xf32>
          %mul3A_442 = arith.constant 4 : i32
          %mul3A_443 = arith.muli %scan3A_296, %mul3A_442 : i32
          %add3A_444 = arith.constant 96 : i32
          %add3A_445 = arith.addi %add3A_444, %mul3A_443 : i32
          %add3A_446 = arith.constant 3 : i32
          %add3A_447 = arith.addi %add3A_445, %add3A_446 : i32
          %get3A_448 = arith.index_cast %add3A_447 : i32 to index
          %get3A_449 = arith.constant 0 : index
          %get3A_450 = tpu.vector_load %arg5[%get3A_448, %get3A_449] {strides = array<i32>} : memref<128x128xf32, #tpu.memory_space<vmem>>, vector<1x16xf32>,
          %get3A_451 = vector.shape_cast %get3A_450 : vector<1x16xf32> to vector<16xf32>
          %add3A_452 = arith.addf %add3A_406, %get3A_451 : vector<16xf32>
          %get3A_453 = arith.index_cast %add3A_447 : i32 to index
          %get3A_454 = arith.constant 16 : index
          %get3A_455 = tpu.vector_load %arg5[%get3A_453, %get3A_454] {strides = array<i32>} : memref<128x128xf32, #tpu.memory_space<vmem>>, vector<1x16xf32>,
          %get3A_456 = vector.shape_cast %get3A_455 : vector<1x16xf32> to vector<16xf32>
          %add3A_457 = arith.addf %add3A_411, %get3A_456 : vector<16xf32>
          %get3A_458 = arith.index_cast %add3A_447 : i32 to index
          %get3A_459 = arith.constant 32 : index
          %get3A_460 = tpu.vector_load %arg5[%get3A_458, %get3A_459] {strides = array<i32>} : memref<128x128xf32, #tpu.memory_space<vmem>>, vector<1x16xf32>,
          %get3A_461 = vector.shape_cast %get3A_460 : vector<1x16xf32> to vector<16xf32>
          %add3A_462 = arith.addf %add3A_416, %get3A_461 : vector<16xf32>
          %get3A_463 = arith.index_cast %add3A_447 : i32 to index
          %get3A_464 = arith.constant 48 : index
          %get3A_465 = tpu.vector_load %arg5[%get3A_463, %get3A_464] {strides = array<i32>} : memref<128x128xf32, #tpu.memory_space<vmem>>, vector<1x16xf32>,
          %get3A_466 = vector.shape_cast %get3A_465 : vector<1x16xf32> to vector<16xf32>
          %add3A_467 = arith.addf %add3A_421, %get3A_466 : vector<16xf32>
          %get3A_468 = arith.index_cast %add3A_447 : i32 to index
          %get3A_469 = arith.constant 64 : index
          %get3A_470 = tpu.vector_load %arg5[%get3A_468, %get3A_469] {strides = array<i32>} : memref<128x128xf32, #tpu.memory_space<vmem>>, vector<1x16xf32>,
          %get3A_471 = vector.shape_cast %get3A_470 : vector<1x16xf32> to vector<16xf32>
          %add3A_472 = arith.addf %add3A_426, %get3A_471 : vector<16xf32>
          %get3A_473 = arith.index_cast %add3A_447 : i32 to index
          %get3A_474 = arith.constant 80 : index
          %get3A_475 = tpu.vector_load %arg5[%get3A_473, %get3A_474] {strides = array<i32>} : memref<128x128xf32, #tpu.memory_space<vmem>>, vector<1x16xf32>,
          %get3A_476 = vector.shape_cast %get3A_475 : vector<1x16xf32> to vector<16xf32>
          %add3A_477 = arith.addf %add3A_431, %get3A_476 : vector<16xf32>
          %get3A_478 = arith.index_cast %add3A_447 : i32 to index
          %get3A_479 = arith.constant 96 : index
          %get3A_480 = tpu.vector_load %arg5[%get3A_478, %get3A_479] {strides = array<i32>} : memref<128x128xf32, #tpu.memory_space<vmem>>, vector<1x16xf32>,
          %get3A_481 = vector.shape_cast %get3A_480 : vector<1x16xf32> to vector<16xf32>
          %add3A_482 = arith.addf %add3A_436, %get3A_481 : vector<16xf32>
          %get3A_483 = arith.index_cast %add3A_447 : i32 to index
          %get3A_484 = arith.constant 112 : index
          %get3A_485 = tpu.vector_load %arg5[%get3A_483, %get3A_484] {strides = array<i32>} : memref<128x128xf32, #tpu.memory_space<vmem>>, vector<1x16xf32>,
          %get3A_486 = vector.shape_cast %get3A_485 : vector<1x16xf32> to vector<16xf32>
          %add3A_487 = arith.addf %add3A_441, %get3A_486 : vector<16xf32>
          scf.yield %add3A_452, %add3A_457, %add3A_462, %add3A_467, %add3A_472, %add3A_477, %add3A_482, %add3A_487 : vector<16xf32>, vector<16xf32>, vector<16xf32>, vector<16xf32>, vector<16xf32>, vector<16xf32>, vector<16xf32>, vector<16xf32>
        }
        %scan3A_243 = arith.constant 8 : i32
        %swap3A_244 = arith.constant 3 : i32
        %swap3A_245 = arith.index_cast %swap3A_244 : i32 to index
        %swap3A_246 = arith.constant 0 : index
        %swap3A_247 = tpu.vector_load %arg6[%swap3A_245, %swap3A_246] {strides = array<i32>} : memref<4x128xf32, #tpu.memory_space<vmem>>, vector<1x16xf32>,
        %swap3A_248 = vector.shape_cast %swap3A_247 : vector<1x16xf32> to vector<16xf32>
        %swap3A_249 = vector.shape_cast %scan3A_242#0 : vector<16xf32> to vector<1x16xf32>
        tpu.vector_store %arg6[%swap3A_245, %swap3A_246], %swap3A_249 {strides = array<i32>} : memref<4x128xf32, #tpu.memory_space<vmem>>, vector<1x16xf32>,
        %swap3A_250 = arith.constant 3 : i32
        %swap3A_251 = arith.index_cast %swap3A_250 : i32 to index
        %swap3A_252 = arith.constant 16 : index
        %swap3A_253 = tpu.vector_load %arg6[%swap3A_251, %swap3A_252] {strides = array<i32>} : memref<4x128xf32, #tpu.memory_space<vmem>>, vector<1x16xf32>,
        %swap3A_254 = vector.shape_cast %swap3A_253 : vector<1x16xf32> to vector<16xf32>
        %swap3A_255 = vector.shape_cast %scan3A_242#1 : vector<16xf32> to vector<1x16xf32>
        tpu.vector_store %arg6[%swap3A_251, %swap3A_252], %swap3A_255 {strides = array<i32>} : memref<4x128xf32, #tpu.memory_space<vmem>>, vector<1x16xf32>,
        %swap3A_256 = arith.constant 3 : i32
        %swap3A_257 = arith.index_cast %swap3A_256 : i32 to index
        %swap3A_258 = arith.constant 32 : index
        %swap3A_259 = tpu.vector_load %arg6[%swap3A_257, %swap3A_258] {strides = array<i32>} : memref<4x128xf32, #tpu.memory_space<vmem>>, vector<1x16xf32>,
        %swap3A_260 = vector.shape_cast %swap3A_259 : vector<1x16xf32> to vector<16xf32>
        %swap3A_261 = vector.shape_cast %scan3A_242#2 : vector<16xf32> to vector<1x16xf32>
        tpu.vector_store %arg6[%swap3A_257, %swap3A_258], %swap3A_261 {strides = array<i32>} : memref<4x128xf32, #tpu.memory_space<vmem>>, vector<1x16xf32>,
        %swap3A_262 = arith.constant 3 : i32
        %swap3A_263 = arith.index_cast %swap3A_262 : i32 to index
        %swap3A_264 = arith.constant 48 : index
        %swap3A_265 = tpu.vector_load %arg6[%swap3A_263, %swap3A_264] {strides = array<i32>} : memref<4x128xf32, #tpu.memory_space<vmem>>, vector<1x16xf32>,
        %swap3A_266 = vector.shape_cast %swap3A_265 : vector<1x16xf32> to vector<16xf32>
        %swap3A_267 = vector.shape_cast %scan3A_242#3 : vector<16xf32> to vector<1x16xf32>
        tpu.vector_store %arg6[%swap3A_263, %swap3A_264], %swap3A_267 {strides = array<i32>} : memref<4x128xf32, #tpu.memory_space<vmem>>, vector<1x16xf32>,
        %swap3A_268 = arith.constant 3 : i32
        %swap3A_269 = arith.index_cast %swap3A_268 : i32 to index
        %swap3A_270 = arith.constant 64 : index
        %swap3A_271 = tpu.vector_load %arg6[%swap3A_269, %swap3A_270] {strides = array<i32>} : memref<4x128xf32, #tpu.memory_space<vmem>>, vector<1x16xf32>,
        %swap3A_272 = vector.shape_cast %swap3A_271 : vector<1x16xf32> to vector<16xf32>
        %swap3A_273 = vector.shape_cast %scan3A_242#4 : vector<16xf32> to vector<1x16xf32>
        tpu.vector_store %arg6[%swap3A_269, %swap3A_270], %swap3A_273 {strides = array<i32>} : memref<4x128xf32, #tpu.memory_space<vmem>>, vector<1x16xf32>,
        %swap3A_274 = arith.constant 3 : i32
        %swap3A_275 = arith.index_cast %swap3A_274 : i32 to index
        %swap3A_276 = arith.constant 80 : index
        %swap3A_277 = tpu.vector_load %arg6[%swap3A_275, %swap3A_276] {strides = array<i32>} : memref<4x128xf32, #tpu.memory_space<vmem>>, vector<1x16xf32>,
        %swap3A_278 = vector.shape_cast %swap3A_277 : vector<1x16xf32> to vector<16xf32>
        %swap3A_279 = vector.shape_cast %scan3A_242#5 : vector<16xf32> to vector<1x16xf32>
        tpu.vector_store %arg6[%swap3A_275, %swap3A_276], %swap3A_279 {strides = array<i32>} : memref<4x128xf32, #tpu.memory_space<vmem>>, vector<1x16xf32>,
        %swap3A_280 = arith.constant 3 : i32
        %swap3A_281 = arith.index_cast %swap3A_280 : i32 to index
        %swap3A_282 = arith.constant 96 : index
        %swap3A_283 = tpu.vector_load %arg6[%swap3A_281, %swap3A_282] {strides = array<i32>} : memref<4x128xf32, #tpu.memory_space<vmem>>, vector<1x16xf32>,
        %swap3A_284 = vector.shape_cast %swap3A_283 : vector<1x16xf32> to vector<16xf32>
        %swap3A_285 = vector.shape_cast %scan3A_242#6 : vector<16xf32> to vector<1x16xf32>
        tpu.vector_store %arg6[%swap3A_281, %swap3A_282], %swap3A_285 {strides = array<i32>} : memref<4x128xf32, #tpu.memory_space<vmem>>, vector<1x16xf32>,
        %swap3A_286 = arith.constant 3 : i32
        %swap3A_287 = arith.index_cast %swap3A_286 : i32 to index
        %swap3A_288 = arith.constant 112 : index
        %swap3A_289 = tpu.vector_load %arg6[%swap3A_287, %swap3A_288] {strides = array<i32>} : memref<4x128xf32, #tpu.memory_space<vmem>>, vector<1x16xf32>,
        %swap3A_290 = vector.shape_cast %swap3A_289 : vector<1x16xf32> to vector<16xf32>
        %swap3A_291 = vector.shape_cast %scan3A_242#7 : vector<16xf32> to vector<1x16xf32>
        tpu.vector_store %arg6[%swap3A_287, %swap3A_288], %swap3A_291 {strides = array<i32>} : memref<4x128xf32, #tpu.memory_space<vmem>>, vector<1x16xf32>,
        %sub3A = arith.constant 5056 : i32
        %sub3A_292 = arith.subi %add3A_4, %sub3A : i32
        %mul3A_293 = arith.constant 4 : i32
        %mul3A_294 = arith.muli %add3A_55, %mul3A_293 : i32
        %add3A_295 = arith.addi %sub3A_292, %mul3A_294 : i32
        "tpu.region"() ({
          %run_scoped3A = tpu.sem_alloc : memref<!tpu.dma_semaphore, #tpu.memory_space<semaphore_mem>>
          %dma_start3A = arith.constant 0 : i32
          %dma_start3A_296 = tpu.memref_slice %arg3[%add3A_295, %dma_start3A] : memref<5056x128xf32, #tpu.memory_space<hbm>> -> memref<4x128xf32, #tpu.memory_space<hbm>>
          %dma_start3A_297 = arith.constant 0 : i32
          %dma_start3A_298 = tpu.memref_slice %arg3[%add3A_295, %dma_start3A_297] : memref<5056x128xf32, #tpu.memory_space<hbm>> -> memref<4x128xf32, #tpu.memory_space<hbm>>
          tpu.enqueue_dma source(%arg6 : memref<4x128xf32, #tpu.memory_space<vmem>>) target(%dma_start3A_298 : memref<4x128xf32, #tpu.memory_space<hbm>>) target_semaphore(%run_scoped3A : memref<!tpu.dma_semaphore, #tpu.memory_space<semaphore_mem>>)
          %dma_wait3A_299 = arith.constant 0 : i32
          %dma_wait3A_300 = tpu.memref_slice %arg3[%add3A_295, %dma_wait3A_299] : memref<5056x128xf32, #tpu.memory_space<hbm>> -> memref<4x128xf32, #tpu.memory_space<hbm>>
          %dma_wait3A_301 = arith.constant 0 : i32
          %dma_wait3A_302 = tpu.memref_slice %arg3[%add3A_295, %dma_wait3A_301] : memref<5056x128xf32, #tpu.memory_space<hbm>> -> memref<4x128xf32, #tpu.memory_space<hbm>>
          tpu.wait_dma2 semaphore(%run_scoped3A : memref<!tpu.dma_semaphore, #tpu.memory_space<semaphore_mem>>) src(%arg6 : memref<4x128xf32, #tpu.memory_space<vmem>>) dst(%dma_wait3A_302 : memref<4x128xf32, #tpu.memory_space<hbm>>)
          tpu.yield
        }) : () -> ()
      } else {
      }
      %scan3A_64 = arith.constant 0 : i32
      scf.yield %scan3A_64 : i32
    }
    %scan3A_15 = arith.constant 40 : i32
    return
  }
}

module attributes {stable_mosaic.version = 14 : i64} {
  func.func @_edge_kernel(%arg0: i32, %arg1: memref<80x32x128xf32, #tpu.memory_space<vmem>>, %arg2: memref<80x32x128xf32, #tpu.memory_space<vmem>>, %arg3: memref<80x32x128xf32, #tpu.memory_space<vmem>>, %arg4: memref<80x32x128xf32, #tpu.memory_space<vmem>>, %arg5: memref<80x32x3xf32, #tpu.memory_space<vmem>>, %arg6: memref<384x384xbf16, #tpu.memory_space<vmem>>, %arg7: memref<1x384xf32, #tpu.memory_space<vmem>>, %arg8: memref<384x128xbf16, #tpu.memory_space<vmem>>, %arg9: memref<1x128xf32, #tpu.memory_space<vmem>>, %arg10: memref<80x128xf32, #tpu.memory_space<vmem>>, %arg11: memref<80x128xf32, #tpu.memory_space<vmem>>) attributes {dimension_semantics = [#tpu.dimension_semantics<arbitrary>], iteration_bounds = array<i64: 125>, scalar_prefetch = 0 : i64, scratch_operands = 0 : i64, tpu.core_type = #tpu.core_type<tc>, window_params = [{transform_indices = @transform_0, window_bounds = array<i64: 80, 32, 128>}, {transform_indices = @transform_1, window_bounds = array<i64: 80, 32, 128>}, {transform_indices = @transform_2, window_bounds = array<i64: 80, 32, 128>}, {transform_indices = @transform_3, window_bounds = array<i64: 80, 32, 128>}, {transform_indices = @transform_4, window_bounds = array<i64: 80, 32, 3>}, {pipeline_mode = #tpu.pipeline_mode<synchronous>, transform_indices = @transform_5, window_bounds = array<i64: 384, 384>}, {pipeline_mode = #tpu.pipeline_mode<synchronous>, transform_indices = @transform_6, window_bounds = array<i64: 1, 384>}, {pipeline_mode = #tpu.pipeline_mode<synchronous>, transform_indices = @transform_7, window_bounds = array<i64: 384, 128>}, {pipeline_mode = #tpu.pipeline_mode<synchronous>, transform_indices = @transform_8, window_bounds = array<i64: 1, 128>}, {transform_indices = @transform_9, window_bounds = array<i64: 80, 128>}, {transform_indices = @transform_10, window_bounds = array<i64: 80, 128>}]} {
    %get3A = arith.constant 0 : index
    %get3A_0 = arith.constant 0 : index
    %get3A_1 = arith.constant 0 : index
    %get3A_2 = vector.load %arg3[%get3A, %get3A_0, %get3A_1] : memref<80x32x128xf32, #tpu.memory_space<vmem>>, vector<80x32x128xf32>
    %reshape3A = vector.shape_cast %get3A_2 : vector<80x32x128xf32> to vector<2560x128xf32>
    %get3A_3 = arith.constant 0 : index
    %get3A_4 = arith.constant 0 : index
    %get3A_5 = arith.constant 0 : index
    %get3A_6 = vector.load %arg4[%get3A_3, %get3A_4, %get3A_5] : memref<80x32x128xf32, #tpu.memory_space<vmem>>, vector<80x32x128xf32>
    %reshape3A_7 = vector.shape_cast %get3A_6 : vector<80x32x128xf32> to vector<2560x128xf32>
    %get3A_8 = arith.constant 0 : index
    %get3A_9 = arith.constant 0 : index
    %get3A_10 = arith.constant 0 : index
    %get3A_11 = vector.load %arg5[%get3A_8, %get3A_9, %get3A_10] : memref<80x32x3xf32, #tpu.memory_space<vmem>>, vector<80x32x3xf32>
    %reshape3A_12 = vector.shape_cast %get3A_11 : vector<80x32x3xf32> to vector<2560x3xf32>
    %broadcast_in_dim3A = arith.constant 0.000000e+00 : f32
    %broadcast_in_dim3A_13 = vector.broadcast %broadcast_in_dim3A : f32 to vector<2560x125xf32>
    %concatenate3A = tpu.concatenate %reshape3A, %reshape3A_7, %reshape3A_12, %broadcast_in_dim3A_13 in 1 : vector<2560x128xf32>, vector<2560x128xf32>, vector<2560x3xf32>, vector<2560x125xf32> -> vector<2560x384xf32>
    %convert_element_type3A = arith.truncf %concatenate3A : vector<2560x384xf32> to vector<2560x384xbf16>
    %get3A_14 = arith.constant 0 : index
    %get3A_15 = arith.constant 0 : index
    %get3A_16 = vector.load %arg6[%get3A_14, %get3A_15] : memref<384x384xbf16, #tpu.memory_space<vmem>>, vector<384x384xbf16>
    %dot_general3A = arith.constant dense<0.000000e+00> : vector<2560x384xf32>
    %dot_general3A_17 = tpu.matmul %convert_element_type3A, %get3A_16, %dot_general3A {dimension_numbers = #tpu.dot_dimension_numbers<[1], [0], [0], [1], [0, 0, 1, 1], [], []>, transpose_lhs_hint = false} : vector<2560x384xbf16>, vector<384x384xbf16>, vector<2560x384xf32> -> vector<2560x384xf32>
    %get3A_18 = arith.constant 0 : index
    %get3A_19 = arith.constant 0 : index
    %get3A_20 = vector.load %arg7[%get3A_18, %get3A_19] : memref<1x384xf32, #tpu.memory_space<vmem>>, vector<1x384xf32>
    %add3A = vector.broadcast %get3A_20 : vector<1x384xf32> to vector<2560x384xf32>
    %add3A_21 = arith.addf %dot_general3A_17, %add3A : vector<2560x384xf32>
    %max3A = arith.constant 0.000000e+00 : f32
    %max3A_22 = vector.broadcast %max3A : f32 to vector<2560x384xf32>
    %max3A_23 = arith.maximumf %add3A_21, %max3A_22 : vector<2560x384xf32>
    %convert_element_type3A_24 = arith.truncf %max3A_23 : vector<2560x384xf32> to vector<2560x384xbf16>
    %get3A_25 = arith.constant 0 : index
    %get3A_26 = arith.constant 0 : index
    %get3A_27 = vector.load %arg8[%get3A_25, %get3A_26] : memref<384x128xbf16, #tpu.memory_space<vmem>>, vector<384x128xbf16>
    %dot_general3A_28 = arith.constant dense<0.000000e+00> : vector<2560x128xf32>
    %dot_general3A_29 = tpu.matmul %convert_element_type3A_24, %get3A_27, %dot_general3A_28 {dimension_numbers = #tpu.dot_dimension_numbers<[1], [0], [0], [1], [0, 0, 1, 1], [], []>, transpose_lhs_hint = false} : vector<2560x384xbf16>, vector<384x128xbf16>, vector<2560x128xf32> -> vector<2560x128xf32>
    %get3A_30 = arith.constant 0 : index
    %get3A_31 = arith.constant 0 : index
    %get3A_32 = vector.load %arg9[%get3A_30, %get3A_31] : memref<1x128xf32, #tpu.memory_space<vmem>>, vector<1x128xf32>
    %add3A_33 = vector.broadcast %get3A_32 : vector<1x128xf32> to vector<2560x128xf32>
    %add3A_34 = arith.addf %dot_general3A_29, %add3A_33 : vector<2560x128xf32>
    %get3A_35 = arith.constant 0 : index
    %get3A_36 = arith.constant 0 : index
    %get3A_37 = arith.constant 0 : index
    %get3A_38 = vector.load %arg1[%get3A_35, %get3A_36, %get3A_37] : memref<80x32x128xf32, #tpu.memory_space<vmem>>, vector<80x32x128xf32>
    %reshape3A_39 = vector.shape_cast %get3A_38 : vector<80x32x128xf32> to vector<2560x128xf32>
    %mul3A = arith.mulf %reshape3A_39, %add3A_34 : vector<2560x128xf32>
    %reshape3A_40 = vector.shape_cast %mul3A : vector<2560x128xf32> to vector<80x32x128xf32>
    %reduce_sum3A = arith.constant dense<0.000000e+00> : vector<80x128xf32>
    %reduce_sum3A_41 = vector.multi_reduction <add>, %reshape3A_40, %reduce_sum3A [1] : vector<80x32x128xf32> to vector<80x128xf32>
    %swap3A = arith.constant 0 : index
    %swap3A_42 = arith.constant 0 : index
    %swap3A_43 = vector.load %arg10[%swap3A, %swap3A_42] : memref<80x128xf32, #tpu.memory_space<vmem>>, vector<80x128xf32>
    tpu.vector_store %arg10[%swap3A, %swap3A_42], %reduce_sum3A_41 {strides = array<i32>} : memref<80x128xf32, #tpu.memory_space<vmem>>, vector<80x128xf32>,
    %get3A_44 = arith.constant 0 : index
    %get3A_45 = arith.constant 0 : index
    %get3A_46 = arith.constant 0 : index
    %get3A_47 = vector.load %arg2[%get3A_44, %get3A_45, %get3A_46] : memref<80x32x128xf32, #tpu.memory_space<vmem>>, vector<80x32x128xf32>
    %reduce_sum3A_48 = arith.constant dense<0.000000e+00> : vector<80x128xf32>
    %reduce_sum3A_49 = vector.multi_reduction <add>, %get3A_47, %reduce_sum3A_48 [1] : vector<80x32x128xf32> to vector<80x128xf32>
    %swap3A_50 = arith.constant 0 : index
    %swap3A_51 = arith.constant 0 : index
    %swap3A_52 = vector.load %arg11[%swap3A_50, %swap3A_51] : memref<80x128xf32, #tpu.memory_space<vmem>>, vector<80x128xf32>
    tpu.vector_store %arg11[%swap3A_50, %swap3A_51], %reduce_sum3A_49 {strides = array<i32>} : memref<80x128xf32, #tpu.memory_space<vmem>>, vector<80x128xf32>,
    return
  }
  func.func @transform_0(%arg0: i32) -> (i32, i32, i32) {
    %c0_i32 = arith.constant 0 : i32
    %c0_i32_0 = arith.constant 0 : i32
    %c0_i32_1 = arith.constant 0 : i32
    return %arg0, %c0_i32, %c0_i32_0 : i32, i32, i32
  }
  func.func @transform_1(%arg0: i32) -> (i32, i32, i32) {
    %c0_i32 = arith.constant 0 : i32
    %c0_i32_0 = arith.constant 0 : i32
    %c0_i32_1 = arith.constant 0 : i32
    return %arg0, %c0_i32, %c0_i32_0 : i32, i32, i32
  }
  func.func @transform_2(%arg0: i32) -> (i32, i32, i32) {
    %c0_i32 = arith.constant 0 : i32
    %c0_i32_0 = arith.constant 0 : i32
    %c0_i32_1 = arith.constant 0 : i32
    return %arg0, %c0_i32, %c0_i32_0 : i32, i32, i32
  }
  func.func @transform_3(%arg0: i32) -> (i32, i32, i32) {
    %c0_i32 = arith.constant 0 : i32
    %c0_i32_0 = arith.constant 0 : i32
    %c0_i32_1 = arith.constant 0 : i32
    return %arg0, %c0_i32, %c0_i32_0 : i32, i32, i32
  }
  func.func @transform_4(%arg0: i32) -> (i32, i32, i32) {
    %c0_i32 = arith.constant 0 : i32
    %c0_i32_0 = arith.constant 0 : i32
    %c0_i32_1 = arith.constant 0 : i32
    return %arg0, %c0_i32, %c0_i32_0 : i32, i32, i32
  }
  func.func @transform_5(%arg0: i32) -> (i32, i32) {
    %c0_i32 = arith.constant 0 : i32
    %c0_i32_0 = arith.constant 0 : i32
    %c0_i32_1 = arith.constant 0 : i32
    return %c0_i32, %c0_i32_0 : i32, i32
  }
  func.func @transform_6(%arg0: i32) -> (i32, i32) {
    %c0_i32 = arith.constant 0 : i32
    %c0_i32_0 = arith.constant 0 : i32
    %c0_i32_1 = arith.constant 0 : i32
    return %c0_i32, %c0_i32_0 : i32, i32
  }
  func.func @transform_7(%arg0: i32) -> (i32, i32) {
    %c0_i32 = arith.constant 0 : i32
    %c0_i32_0 = arith.constant 0 : i32
    %c0_i32_1 = arith.constant 0 : i32
    return %c0_i32, %c0_i32_0 : i32, i32
  }
  func.func @transform_8(%arg0: i32) -> (i32, i32) {
    %c0_i32 = arith.constant 0 : i32
    %c0_i32_0 = arith.constant 0 : i32
    %c0_i32_1 = arith.constant 0 : i32
    return %c0_i32, %c0_i32_0 : i32, i32
  }
  func.func @transform_9(%arg0: i32) -> (i32, i32) {
    %c0_i32 = arith.constant 0 : i32
    %c0_i32_0 = arith.constant 0 : i32
    return %arg0, %c0_i32 : i32, i32
  }
  func.func @transform_10(%arg0: i32) -> (i32, i32) {
    %c0_i32 = arith.constant 0 : i32
    %c0_i32_0 = arith.constant 0 : i32
    return %arg0, %c0_i32 : i32, i32
  }
}

module attributes {stable_mosaic.version = 14 : i64} {
  func.func @_tail_kernel(%arg0: i32, %arg1: memref<80x128xf32, #tpu.memory_space<vmem>>, %arg2: memref<80x128xf32, #tpu.memory_space<vmem>>, %arg3: memref<80x128xf32, #tpu.memory_space<vmem>>, %arg4: memref<128x512xf32, #tpu.memory_space<vmem>>, %arg5: memref<128x512xf32, #tpu.memory_space<vmem>>, %arg6: memref<1x512xf32, #tpu.memory_space<vmem>>, %arg7: memref<80x128xf32, #tpu.memory_space<vmem>>, %arg8: memref<80x128xf32, #tpu.memory_space<vmem>>) attributes {dimension_semantics = [#tpu.dimension_semantics<arbitrary>], iteration_bounds = array<i64: 125>, scalar_prefetch = 0 : i64, scratch_operands = 0 : i64, tpu.core_type = #tpu.core_type<tc>, window_params = [{transform_indices = @transform_0, window_bounds = array<i64: 80, 128>}, {transform_indices = @transform_1, window_bounds = array<i64: 80, 128>}, {transform_indices = @transform_2, window_bounds = array<i64: 80, 128>}, {pipeline_mode = #tpu.pipeline_mode<synchronous>, transform_indices = @transform_3, window_bounds = array<i64: 128, 512>}, {pipeline_mode = #tpu.pipeline_mode<synchronous>, transform_indices = @transform_4, window_bounds = array<i64: 128, 512>}, {pipeline_mode = #tpu.pipeline_mode<synchronous>, transform_indices = @transform_5, window_bounds = array<i64: 1, 512>}, {transform_indices = @transform_6, window_bounds = array<i64: 80, 128>}, {transform_indices = @transform_7, window_bounds = array<i64: 80, 128>}]} {
    %get3A = arith.constant 0 : index
    %get3A_0 = arith.constant 0 : index
    %get3A_1 = vector.load %arg1[%get3A, %get3A_0] : memref<80x128xf32, #tpu.memory_space<vmem>>, vector<80x128xf32>
    %get3A_2 = arith.constant 0 : index
    %get3A_3 = arith.constant 0 : index
    %get3A_4 = vector.load %arg4[%get3A_2, %get3A_3] : memref<128x512xf32, #tpu.memory_space<vmem>>, vector<128x512xf32>
    %dot_general3A = arith.constant dense<0.000000e+00> : vector<80x512xf32>
    %dot_general3A_5 = tpu.matmul %get3A_1, %get3A_4, %dot_general3A {dimension_numbers = #tpu.dot_dimension_numbers<[1], [0], [0], [1], [0, 0, 1, 1], [], []>, transpose_lhs_hint = false} : vector<80x128xf32>, vector<128x512xf32>, vector<80x512xf32> -> vector<80x512xf32>
    %get3A_6 = arith.constant 0 : index
    %get3A_7 = arith.constant 0 : index
    %get3A_8 = vector.load %arg3[%get3A_6, %get3A_7] : memref<80x128xf32, #tpu.memory_space<vmem>>, vector<80x128xf32>
    %get3A_9 = arith.constant 0 : index
    %get3A_10 = arith.constant 0 : index
    %get3A_11 = vector.load %arg5[%get3A_9, %get3A_10] : memref<128x512xf32, #tpu.memory_space<vmem>>, vector<128x512xf32>
    %dot_general3A_12 = arith.constant dense<0.000000e+00> : vector<80x512xf32>
    %dot_general3A_13 = tpu.matmul %get3A_8, %get3A_11, %dot_general3A_12 {dimension_numbers = #tpu.dot_dimension_numbers<[1], [0], [0], [1], [0, 0, 1, 1], [], []>, transpose_lhs_hint = false} : vector<80x128xf32>, vector<128x512xf32>, vector<80x512xf32> -> vector<80x512xf32>
    %add3A = arith.addf %dot_general3A_5, %dot_general3A_13 : vector<80x512xf32>
    %get3A_14 = arith.constant 0 : index
    %get3A_15 = arith.constant 0 : index
    %get3A_16 = vector.load %arg6[%get3A_14, %get3A_15] : memref<1x512xf32, #tpu.memory_space<vmem>>, vector<1x512xf32>
    %add3A_17 = vector.broadcast %get3A_16 : vector<1x512xf32> to vector<80x512xf32>
    %add3A_18 = arith.addf %add3A, %add3A_17 : vector<80x512xf32>
    %slice3A = vector.extract_strided_slice %add3A_18 {offsets = [0, 0], sizes = [80, 128], strides = [1, 1]} : vector<80x512xf32> to vector<80x128xf32>
    %logistic3A = arith.negf %slice3A : vector<80x128xf32>
    %logistic3A_19 = math.exp %logistic3A : vector<80x128xf32>
    %logistic3A_20 = arith.constant 1.000000e+00 : f32
    %logistic3A_21 = vector.broadcast %logistic3A_20 : f32 to vector<80x128xf32>
    %logistic3A_22 = arith.addf %logistic3A_21, %logistic3A_19 : vector<80x128xf32>
    %logistic3A_23 = arith.divf %logistic3A_21, %logistic3A_22 : vector<80x128xf32>
    %slice3A_24 = vector.extract_strided_slice %add3A_18 {offsets = [0, 128], sizes = [80, 128], strides = [1, 1]} : vector<80x512xf32> to vector<80x128xf32>
    %logistic3A_25 = arith.negf %slice3A_24 : vector<80x128xf32>
    %logistic3A_26 = math.exp %logistic3A_25 : vector<80x128xf32>
    %logistic3A_27 = arith.constant 1.000000e+00 : f32
    %logistic3A_28 = vector.broadcast %logistic3A_27 : f32 to vector<80x128xf32>
    %logistic3A_29 = arith.addf %logistic3A_28, %logistic3A_26 : vector<80x128xf32>
    %logistic3A_30 = arith.divf %logistic3A_28, %logistic3A_29 : vector<80x128xf32>
    %slice3A_31 = vector.extract_strided_slice %add3A_18 {offsets = [0, 256], sizes = [80, 128], strides = [1, 1]} : vector<80x512xf32> to vector<80x128xf32>
    %tanh3A = math.tanh %slice3A_31 : vector<80x128xf32>
    %slice3A_32 = vector.extract_strided_slice %add3A_18 {offsets = [0, 384], sizes = [80, 128], strides = [1, 1]} : vector<80x512xf32> to vector<80x128xf32>
    %logistic3A_33 = arith.negf %slice3A_32 : vector<80x128xf32>
    %logistic3A_34 = math.exp %logistic3A_33 : vector<80x128xf32>
    %logistic3A_35 = arith.constant 1.000000e+00 : f32
    %logistic3A_36 = vector.broadcast %logistic3A_35 : f32 to vector<80x128xf32>
    %logistic3A_37 = arith.addf %logistic3A_36, %logistic3A_34 : vector<80x128xf32>
    %logistic3A_38 = arith.divf %logistic3A_36, %logistic3A_37 : vector<80x128xf32>
    %mul3A = arith.mulf %logistic3A_30, %tanh3A : vector<80x128xf32>
    %get3A_39 = arith.constant 0 : index
    %get3A_40 = arith.constant 0 : index
    %get3A_41 = vector.load %arg2[%get3A_39, %get3A_40] : memref<80x128xf32, #tpu.memory_space<vmem>>, vector<80x128xf32>
    %mul3A_42 = arith.mulf %logistic3A_23, %get3A_41 : vector<80x128xf32>
    %add3A_43 = arith.addf %mul3A, %mul3A_42 : vector<80x128xf32>
    %tanh3A_44 = math.tanh %add3A_43 : vector<80x128xf32>
    %mul3A_45 = arith.mulf %logistic3A_38, %tanh3A_44 : vector<80x128xf32>
    %swap3A = arith.constant 0 : index
    %swap3A_46 = arith.constant 0 : index
    %swap3A_47 = vector.load %arg7[%swap3A, %swap3A_46] : memref<80x128xf32, #tpu.memory_space<vmem>>, vector<80x128xf32>
    tpu.vector_store %arg7[%swap3A, %swap3A_46], %mul3A_45 {strides = array<i32>} : memref<80x128xf32, #tpu.memory_space<vmem>>, vector<80x128xf32>,
    %swap3A_48 = arith.constant 0 : index
    %swap3A_49 = arith.constant 0 : index
    %swap3A_50 = vector.load %arg8[%swap3A_48, %swap3A_49] : memref<80x128xf32, #tpu.memory_space<vmem>>, vector<80x128xf32>
    tpu.vector_store %arg8[%swap3A_48, %swap3A_49], %add3A_43 {strides = array<i32>} : memref<80x128xf32, #tpu.memory_space<vmem>>, vector<80x128xf32>,
    return
  }
  func.func @transform_0(%arg0: i32) -> (i32, i32) {
    %c0_i32 = arith.constant 0 : i32
    %c0_i32_0 = arith.constant 0 : i32
    return %arg0, %c0_i32 : i32, i32
  }
  func.func @transform_1(%arg0: i32) -> (i32, i32) {
    %c0_i32 = arith.constant 0 : i32
    %c0_i32_0 = arith.constant 0 : i32
    return %arg0, %c0_i32 : i32, i32
  }
  func.func @transform_2(%arg0: i32) -> (i32, i32) {
    %c0_i32 = arith.constant 0 : i32
    %c0_i32_0 = arith.constant 0 : i32
    return %arg0, %c0_i32 : i32, i32
  }
  func.func @transform_3(%arg0: i32) -> (i32, i32) {
    %c0_i32 = arith.constant 0 : i32
    %c0_i32_0 = arith.constant 0 : i32
    %c0_i32_1 = arith.constant 0 : i32
    return %c0_i32, %c0_i32_0 : i32, i32
  }
  func.func @transform_4(%arg0: i32) -> (i32, i32) {
    %c0_i32 = arith.constant 0 : i32
    %c0_i32_0 = arith.constant 0 : i32
    %c0_i32_1 = arith.constant 0 : i32
    return %c0_i32, %c0_i32_0 : i32, i32
  }
  func.func @transform_5(%arg0: i32) -> (i32, i32) {
    %c0_i32 = arith.constant 0 : i32
    %c0_i32_0 = arith.constant 0 : i32
    %c0_i32_1 = arith.constant 0 : i32
    return %c0_i32, %c0_i32_0 : i32, i32
  }
  func.func @transform_6(%arg0: i32) -> (i32, i32) {
    %c0_i32 = arith.constant 0 : i32
    %c0_i32_0 = arith.constant 0 : i32
    return %arg0, %c0_i32 : i32, i32
  }
  func.func @transform_7(%arg0: i32) -> (i32, i32) {
    %c0_i32 = arith.constant 0 : i32
    %c0_i32_0 = arith.constant 0 : i32
    return %arg0, %c0_i32 : i32, i32
  }
}

</mosaic_0001>

<sc_bundles>
// kernel: kernel.6.cloned.1.call-start
scs
__scs_entry_jumppad:
0x0: {  	(pc) =	sbr.rel $0x88, $3  }
0x1: {  	(tag) =	ssettag $0x0;
	lr =	simm.s32 $0x1  }
0x2: {  	[smem:$0x3F89] =	sst lr;
	_ =	strace $0xD0000000  }
0x3: {  	_ = 	snop  }
0x4: {  	_ = 	snop  }
0x5: {  	_ = 	snop  }
0x6: {  	_ = 	snop  }
0x7: {  	_ = 	snop  }
__scs_overlays_trampoline_lowered:
0x8: {  	[smem:$0x3F98] =	sst s0  }
0x9: {  	[smem:$0x3F99] =	sst s1  }
0xa: {  	[smem:$0x3F9A] =	sst s2  }
0xb: {  	[smem:$0x3F9B] =	sst s3  }
0xc: {  	[smem:$0x3F9C] =	sst s4  }
0xd: {  	[smem:$0x3F9D] =	sst s5  }
0xe: {  	[smem:$0x3F9E] =	sst s6  }
0xf: {  	[smem:$0x3F9F] =	sst s7  }
0x10: {  	[smem:$0x3FA0] =	sst s8  }
0x11: {  	[smem:$0x3FA1] =	sst s9;
	s0 =	simm.s32 @!p0 $0x0  }
0x12: {  	s1 =	sld [smem:$0x3F87];
	s0 =	simm.s32 @p0 $0x1  }
0x13: {  	[smem:$0x3FA2] =	sst s0;
	s0 =	simm.s32 @!p1 $0x0  }
0x14: {  	s2 =	sld [smem:$0x3F86];
	s0 =	simm.s32 @p1 $0x1  }
0x15: {  	[smem:$0x3FA3] =	sst s0;
	s0 =	simm.s32 @!p2 $0x0  }
0x16: {  	s3 =	sld [smem:$0x3FDB];
	s0 =	simm.s32 @p2 $0x1  }
0x17: {  	s4 =	simm.s32 $0x1BF5;
	[smem:$0x3FA5] =	sst s0  }
0x18: {  	s0 =	sld [smem:$0x3F88];
	_ =	swait.ge [sflag:s4], $0x0  }
0x19: {  	s7 =	sld [smem:$0x3F89]  }
0x1a: {  	s8 =	sadd.s32 $0xFFFFE003, lr  }
0x1b: {  	s9 =	sadd.s32 $0xFFFFFEF7, lr;
	s5 =	simm.s32 $0xFFFFFFFF;
	p2 =	slt.u32 s8, $0xFFFFF086  }
0x1c: {  	p1 =	slt.u32 s9, $0xF7A;
	s5 =	simm.s32 @!p2 $0x0  }
0x1d: {  	s5 =	simm.s32 @p1 $0x1;
	p0 =	seq.s32 s7, s2  }
0x1e: {  	s7 =	smul.u32 @!p0 $0xF7A, s2;
	p2 =	seq.s32 @!p0 s5, $0x0  }
0x1f: {  	s9 =	smul.u32 $0xF7A, s1;
	s8 =	simm.s32 @!p0 $0x1BF5;
	p2 =	por !p2, p0  }
0x20: {  	[sflag:s8] =	ssyncset.s32 @!p0 $0xFFFFF086;
	s6 =	sadd.s32 @!p0 s3, s7;
	s7 =	simm.s32 @!p0 $0x108  }
0x21: {  	s3 =	sadd.s32 s3, s9;
	s6 =	sadd.s32 @!p0 $0x88, s6;
	s7 =	simm.s32 @p2 $0x1082  }
0x22: {  	[simem:s7], [sflag:s8] =	dma.local @!p0 [hbm:s6], $0xF7A  }
0x23: {  	s9 =	sor.u32 $0xD0000000, s2;
	s6 =	simm.s32 $0x108;
	_ =	swait.ge @!p0 [sflag:s8], $0x0  }
0x24: {  	s3 =	sadd.s32 $0x88, s3;
	s6 =	simm.s32 @!p1 $0x1082;
	[sflag:s4] =	ssyncset.s32 $0xFFFFF086  }
0x25: {  	[simem:s6], [sflag:s4] =	dma.local [hbm:s3], $0xF7A  }
0x26: {  	[smem:$0x3F89] =	sst s1;
	(tag) =	ssettag s2;
	_ =	strace s9  }
0x27: {  	s1 =	sld [smem:$0x3F99]  }
0x28: {  	s2 =	sld [smem:$0x3F9A]  }
0x29: {  	s4 =	sld [smem:$0x3F9C]  }
0x2a: {  	p0 =	seq.s32 s5, $0x0;
	s5 =	sld [smem:$0x3F9D]  }
0x2b: {  	s6 =	sld [smem:$0x3F9E]  }
0x2c: {  	s7 =	sld [smem:$0x3F9F]  }
0x2d: {  	s3 =	simm.s32 $0x108;
	s8 =	sld [smem:$0x3FA0]  }
0x2e: {  	s3 =	simm.s32 @!p0 $0x1082;
	s9 =	sld [smem:$0x3FA1]  }
0x2f: {  	lr =	sadd.s32 s0, s3;
	s0 =	sld [smem:$0x3F98]  }
0x30: {  	s3 =	sld [smem:$0x3F9B]  }
0x31: {  	[smem:$0x3FA4] =	sst s10  }
0x32: {  	s10 =	sld [smem:$0x3FA2];
	_ =	sdelay $0x3  }
0x33: {  	p0 =	seq.s32 s10, $0x1;
	s10 =	sld [smem:$0x3FA4];
	_ =	sdelay $0x3  }
0x34: {  	[smem:$0x3FA4] =	sst s10  }
0x35: {  	s10 =	sld [smem:$0x3FA3];
	_ =	sdelay $0x3  }
0x36: {  	p1 =	seq.s32 s10, $0x1;
	s10 =	sld [smem:$0x3FA4];
	_ =	sdelay $0x3  }
0x37: {  	[smem:$0x3FA4] =	sst s10  }
0x38: {  	s10 =	sld [smem:$0x3FA5]  }
0x39: {  	_ = 	snop;
	(pc) =	sbr.ind lr, $3  }
0x3a: {  	_ = 	snop  }
0x3b: {  	_ = 	snop  }
0x3c: {  	p2 =	seq.s32 s10, $0x1;
	s10 =	sld [smem:$0x3FA4]  }
0x3d: {  	_ =	shalt  }
0x3e: {  	_ =	shalt  }
0x3f: {  	_ =	shalt  }
0x40: {  	_ =	shalt  }
0x41: {  	_ =	shalt  }
0x42: {  	_ =	shalt  }
0x43: {  	_ =	shalt  }
0x44: {  	_ =	shalt  }
0x45: {  	_ =	shalt  }
0x46: {  	_ =	shalt  }
0x47: {  	_ =	shalt  }
0x48: {  	_ =	shalt  }
0x49: {  	_ =	shalt  }
0x4a: {  	_ =	shalt  }
0x4b: {  	_ =	shalt  }
0x4c: {  	_ =	shalt  }
0x4d: {  	_ =	shalt  }
0x4e: {  	_ =	shalt  }
0x4f: {  	_ =	shalt  }
0x50: {  	_ =	shalt  }
0x51: {  	_ =	shalt  }
0x52: {  	_ =	shalt  }
0x53: {  	_ =	shalt  }
0x54: {  	_ =	shalt  }
0x55: {  	_ =	shalt  }
0x56: {  	_ =	shalt  }
0x57: {  	_ =	shalt  }
0x58: {  	_ =	shalt  }
0x59: {  	_ =	shalt  }
0x5a: {  	_ =	shalt  }
0x5b: {  	_ =	shalt  }
0x5c: {  	_ =	shalt  }
0x5d: {  	_ =	shalt  }
0x5e: {  	_ =	shalt  }
0x5f: {  	_ =	shalt  }
0x60: {  	_ =	shalt  }
0x61: {  	_ =	shalt  }
0x62: {  	_ =	shalt  }
0x63: {  	_ =	shalt  }
0x64: {  	_ =	shalt  }
0x65: {  	_ =	shalt  }
0x66: {  	_ =	shalt  }
0x67: {  	_ =	shalt  }
0x68: {  	_ =	shalt  }
0x69: {  	_ =	shalt  }
0x6a: {  	_ =	shalt  }
0x6b: {  	_ =	shalt  }
0x6c: {  	_ =	shalt  }
0x6d: {  	_ =	shalt  }
0x6e: {  	_ =	shalt  }
0x6f: {  	_ =	shalt  }
0x70: {  	_ =	shalt  }
0x71: {  	_ =	shalt  }
0x72: {  	_ =	shalt  }
0x73: {  	_ =	shalt  }
0x74: {  	_ =	shalt  }
0x75: {  	_ =	shalt  }
0x76: {  	_ =	shalt  }
0x77: {  	_ =	shalt  }
0x78: {  	_ =	shalt  }
0x79: {  	_ =	shalt  }
0x7a: {  	_ =	shalt  }
0x7b: {  	_ =	shalt  }
0x7c: {  	_ =	shalt  }
0x7d: {  	_ =	shalt  }
0x7e: {  	_ =	shalt  }
0x7f: {  	_ =	shalt  }
0x80: {  	_ =	shalt  }
0x81: {  	_ =	shalt  }
0x82: {  	_ =	shalt  }
0x83: {  	_ =	shalt  }
0x84: {  	_ =	shalt  }
0x85: {  	_ =	shalt  }
0x86: {  	_ =	shalt  }
0x87: {  	_ =	shalt  }
.Lfunc_end0:
.L_simem_size_0:
called_computation_lowered:
.L_overlay_start_0:
0x88: {  	s0 =	sld [smem:$0x3FD9]  }
0x89: {  	s1 =	sld [smem:$0x3FFE];
	_ =	sdelay $0x3  }
0x8a: {  	s0 =	sadd.s32 s1, s0  }
0x8b: {  	[smem:$0x3FB0] =	sst s0  }
0x8c: {  	_ = 	snop  }
0x8d: {  	s0 =	sld [smem:$0x3FD0];
	_ =	sdelay $0x2  }
0x8e: {  	s2 =	simm.s32 $0xB;
	s3 =	simm.s32 $0x10;
	s14 =	sld [smem:$0x3FC8]  }
0x8f: {  	[smem:s3], [sflag:s2] =	dma.local [hbm:s0], $0x1  }
0x90: {  	_ =	swait.eq [sflag:s2], $0x1  }
0x91: {  	[sflag:s2] =	ssyncset.done $0x0  }
0x92: {  	[sflag:s2] =	ssyncadd.s32 $0xFFFFFFFF  }
0x93: {  	s15 =	sld [smem:$0x11];
	(tm) =	ssettm $0x1  }
0x94: {  	s16 =	sld [smem:$0x3FFB];
	_ =	sdelay $0x3  }
0x95: {  	_ =	strace s16  }
0x96: {  	s2 =	sld [smem:$0x3FFC];
	_ =	sdelay $0x3  }
0x97: {  	_ =	strace s2  }
0x98: {  	s2 =	sld [smem:$0x3FFD];
	_ =	sdelay $0x3  }
0x99: {  	_ =	strace s2  }
0x9a: {  	_ =	strace $0x8FFFFFFF  }
0x9b: {  	s17 =	sld [smem:$0x3FDB];
	_ =	sdelay $0x1  }
0x9c: {  	s18 =	simm.s32 $_scs_section_size  }
0x9d: {  	s4 =	simm.s32 $_size__tile_overlayer_lowered;
	s5 =	simm.s32 $_tile_overlayer_lowered  }
0x9e: {  	s21 =	simm.s32 $0x1BFF;
	s20 =	sshll.u32 s5, $0x1;
	s2 =	sadd.s32 s18, s17  }
0x9f: {  	s6 =	simm.s32 $0x0;
	s19 =	sshll.u32 s4, $0x1;
	s4 =	sadd.s32 s20, s2  }
0xa0: {  	[timem:s6], [sflag:s21] =	dma.local [hbm:s4], s19  }
0xa1: {  	_ =	swait.ge [sflag:s21], s19  }
0xa2: {  	s3 =	ssub.s32 $0x0, s19;
	[sflag:s21] =	ssyncset.done $0x0  }
0xa3: {  	[sflag:s21] =	ssyncadd.s32 s3;
	_ =	sdelay $0x1  }
0xa4: {  	s22 =	simm.s32 $0x1B8B  }
0xa5: {  	_ =	swait.ge [sflag:s22], $0x1  }
0xa6: {  	[sflag:s22] =	ssyncset.done $0x0  }
0xa7: {  	s23 =	simm.s32 $0x1B8E;
	[sflag:s22] =	ssyncadd.s32 $0xFFFFFFFF  }
0xa8: {  	s24 =	simm.s32 $execute0_lowered;
	[smem:$0x3FD2] =	sst s23  }
0xa9: {  	s3 =	sshll.u32 s24, $0x1;
	_ =	strace $0x80000049;
	[dreg:$0x1] =	wrdreg $0xFFFFFFFF  }
0xaa: {  	s25 =	simm.s32 $_size_execute0_lowered;
	s2 =	sadd.s32 s2, s3;
	[dreg:$0x0] =	wrdreg $0x0  }
0xab: {  	s3 =	sshll.u32 s25, $0x1;
	[dreg:$0x2] =	wrdreg s2  }
0xac: {  	[dreg:$0x3] =	wrdreg s3  }
0xad: {  	[dreg:$0x4] =	wrdreg $0xC0  }
0xae: {  	_ =	task [dreg:s6], $0x5FFFF  }
0xaf: {  	[dreg:$0x1] =	wrdreg $0xFFFFFFFF  }
0xb0: {  	[dreg:$0x0] =	wrdreg $0x60  }
0xb1: {  	[dreg:$0x2] =	wrdreg s14  }
0xb2: {  	[dreg:$0x3] =	wrdreg s15  }
0xb3: {  	[dreg:$0x4] =	wrdreg $0x9  }
0xb4: {  	_ =	task.clear_ibuf [dreg:s6], $0x5FFFF;
	_ =	strace $0x90000049  }
0xb5: {  	s26 =	simm.s32 $0x9;
	_ =	strace $0x8000004B  }
0xb6: {  	_ =	swait.ge [sflag:s26], $0x1  }
0xb7: {  	[sflag:s26] =	ssyncadd.s32 $0xFFFFFFFF  }
0xb8: {  	_ =	strace $0x9000004B  }
0xb9: {  	_ =	sfence  }
0xba: {  	s28 =	sld [smem:$0x0];
	_ =	sdelay $0x1  }
0xbb: {  	s29 =	srdreg.scid  }
0xbc: {  	s30 =	sshll.u32 s29, $0xD;
	s31 =	sshrl.u32 s29, $0x2  }
0xbd: {  	s1 =	sand.u32 $0x1, s29;
	s2 =	sand.u32 $0x4000, s30;
	s0 =	sadd.s32 s31, s28  }
0xbe: {  	s1 =	sor.u32 s2, s1;
	s0 =	sshll.u32 s0, $0x11  }
0xbf: {  	s0 =	sor.u32 s0, s1  }
0xc0: {  	s0 =	sadd.s32 $0x8F2B, s0  }
0xc1: {  	[sflag:s0] =	ssyncadd.remote.s32 $0x1  }
0xc2: {  	_ =	sfence.sel $0xFFFF  }
0xc3: {  	[dreg:$0x0] =	wrdreg $0xFFFFFFFF;
	(pc) =	sbr.abs _section_cstart, $3  }
0xc4: {  	[dreg:$0x1] =	wrdreg $0xFFFFFFFF  }
0xc5: {  	_ =	task.clear_ibuf [dreg:s6], $0x2FFFF;
	_ =	strace $0x9FFFFFFF  }
0xc6: {  	(tm) =	ssettm $0x7FFFFFFF  }
0xc7: {  	_ =	shalt  }
tec
execute0_lowered:
.L_overlay_start_1:
0x0: {  	(tag) =	ssettag $0x1  }
0x1: {  	s2 =	rddreg [dreg:$0x0]  }
0x2: {  	s3 =	rddreg [dreg:$0x1]  }
0x3: {  	s0 =	rddreg [dreg:$0x2]  }
0x4: {  	s4 =	simm.s32 $0x0;
	s1 =	stileid.u32;
	s8 =	simm.s32 $0x4000  }
0x5: {  	s9 =	simm.s32 $0x1;
	s10 =	simm.s32 $0x8000;
	s11 =	simm.s32 $0x4  }
0x6: {  	s12 =	simm.s32 $0x2;
	s13 =	simm.s32 $0x3;
	s6 =	smul.u32 $0x27800, s1  }
0x7: {  	[smem:$0x7FF] =	sst s4;
	s7 =	sshll.u32 s1, $0x6;
	s5 =	smul.u32 $0x13C, s1  }
0x8: {  	_ =	strace $0x8000004A;
	s7 =	sand.u32 $0x40, s7;
	s6 =	sadd.s32 s2, s6  }
0x9: {  	[tilespmem:s4], [sflag:$0x1] =	stream.linear.gather [hbm4b:s6+s4], $0x4000, $0x38;
	[tilespmem:$0x8200] =	vst v63  }
0xa: {  	s14 =	simm.s32 $0x0;
	s6 =	sadd.s32 s3, s7;
	s7 =	sadd.s32 $0x8, s5  }
.LBB2_1:
0xb: {  	s16 =	sshll.u32 s14, $0x3  }
0xc: {  	s17 =	sadd.s32 s5, s16  }
0xd: {  	s15 =	sadd.s32 $0x4, s17  }
0xe: {  	s18 =	sshll.u32 s15, $0x9  }
0xf: {  	s18 =	sadd.s32 s2, s18  }
0x10: {  	[tilespmem:s8], [sflag:$0x2] =	stream.linear.gather [hbm4b:s18+s4], $0x4000, $0x38;
	[tilespmem:$0x8200] =	vst v63  }
0x11: {  	_ =	swait.ge [sflag:s9], $0x4000  }
0x12: {  	[sflag:s9] =	ssyncset.done $0x0  }
0x13: {  	s18 =	simm.s32 $0x0;
	[sflag:s9] =	ssyncadd.s32 $0xFFFFC000  }
0x14: {  	v2 =	vld [tilespmem:s18+$0x180]  }
0x15: {  	v4 =	vld [tilespmem:s18+$0x190]  }
0x16: {  	v5 =	vld [tilespmem:s18+$0x1A0]  }
0x17: {  	v6 =	vld [tilespmem:s18+$0x1B0]  }
0x18: {  	v0 =	vld [tilespmem:s18+$0x1C0]  }
0x19: {  	v1 =	vld [tilespmem:s18+$0x1D0]  }
0x1a: {  	v13 =	vld [tilespmem:s18+$0x100]  }
0x1b: {  	v15 =	vld [tilespmem:s18+$0x110]  }
0x1c: {  	v12 =	vld [tilespmem:s18+$0x120]  }
0x1d: {  	v14 =	vld [tilespmem:s18+$0x130]  }
0x1e: {  	v3 =	vld [tilespmem:s18+$0x140]  }
0x1f: {  	v9 =	vld [tilespmem:s18+$0x80]  }
0x20: {  	v10 =	vld [tilespmem:s18+$0x90]  }
0x21: {  	v11 =	vld [tilespmem:s18+$0x0]  }
0x22: {  	v17 =	vld [tilespmem:s18+$0x10]  }
0x23: {  	v18 =	vld [tilespmem:s18+$0x20]  }
0x24: {  	v19 =	vld [tilespmem:s18+$0x30]  }
0x25: {  	v20 =	vld [tilespmem:s18+$0xA0]  }
0x26: {  	v24 =	vld [tilespmem:s18+$0xB0]  }
0x27: {  	v8 =	vimm.f32 $0.0e+00;
	v7 =	vld [tilespmem:s18+$0x150]  }
0x28: {  	v16 =	vld [tilespmem:s18+$0xC0];
	v11 =	vadd.f32 v11, v8;
	v22 =	vadd.f32 v17, v8  }
0x29: {  	v17 =	vld [tilespmem:s18+$0xD0];
	v23 =	vadd.f32 v18, v8;
	v25 =	vadd.f32 v19, v8  }
0x2a: {  	v18 =	vld [tilespmem:s18+$0x40];
	v21 =	vadd.f32 v9, v11;
	v22 =	vadd.f32 v10, v22  }
0x2b: {  	v19 =	vld [tilespmem:s18+$0x50];
	v23 =	vadd.f32 v20, v23;
	v24 =	vadd.f32 v24, v25  }
0x2c: {  	s19 =	simm.s32 $0x800;
	v20 =	vld [tilespmem:s18+$0x60];
	v11 =	vimm.f32 $0.0e+00;
	v10 =	vimm.f32 $0.0e+00;
	v9 =	vimm.f32 $0.0e+00  }
.LBB2_2:
0x2d: {  	p0 =	sne.s32 s19, $0x3800;
	v25 =	vld [tilespmem:s18+$0x70];
	v13 =	vadd.f32 v13, v21;
	v15 =	vadd.f32 v15, v22  }
0x2e: {  	v21 =	vld [tilespmem:s18+$0xE0];
	v12 =	vadd.f32 v12, v23;
	v14 =	vadd.f32 v14, v24  }
0x2f: {  	v22 =	vld [tilespmem:s18+$0xF0];
	v23 =	vadd.f32 v2, v13;
	v24 =	vadd.f32 v4, v15  }
0x30: {  	v13 =	vld [tilespmem:s18+$0x160];
	v26 =	vadd.f32 v5, v12;
	v27 =	vadd.f32 v6, v14  }
0x31: {  	v2 =	vadd.f32 v18, v8;
	v4 =	vadd.f32 v19, v11;
	v6 =	vld [tilespmem:s18+$0x170]  }
0x32: {  	v5 =	vadd.f32 v20, v10;
	v8 =	vadd.f32 v25, v9;
	v9 =	vld [tilespmem:s18+$0x1E0]  }
0x33: {  	v10 =	vadd.f32 v16, v2;
	v11 =	vadd.f32 v17, v4;
	v12 =	vld [tilespmem:s18+$0x1F0];
	s18 =	sshra.s32 s19, $0x2  }
0x34: {  	v14 =	vadd.f32 v21, v5;
	v2 =	vld [tilespmem:s18+$0x180];
	v8 =	vadd.f32 v22, v8  }
0x35: {  	v3 =	vadd.f32 v3, v10;
	v7 =	vadd.f32 v7, v11;
	v4 =	vld [tilespmem:s18+$0x190]  }
0x36: {  	v10 =	vadd.f32 v13, v14;
	v5 =	vld [tilespmem:s18+$0x1A0];
	v13 =	vadd.f32 v6, v8  }
0x37: {  	v8 =	vadd.f32 v0, v3;
	v11 =	vadd.f32 v1, v7;
	v6 =	vld [tilespmem:s18+$0x1B0]  }
0x38: {  	v10 =	vadd.f32 v9, v10;
	v0 =	vld [tilespmem:s18+$0x1C0];
	v9 =	vadd.f32 v12, v13  }
0x39: {  	v1 =	vld [tilespmem:s18+$0x1D0]  }
0x3a: {  	v13 =	vld [tilespmem:s18+$0x100]  }
0x3b: {  	v15 =	vld [tilespmem:s18+$0x110]  }
0x3c: {  	v12 =	vld [tilespmem:s18+$0x120]  }
0x3d: {  	v14 =	vld [tilespmem:s18+$0x130]  }
0x3e: {  	v3 =	vld [tilespmem:s18+$0x140]  }
0x3f: {  	v7 =	vld [tilespmem:s18+$0x150]  }
0x40: {  	v20 =	vld [tilespmem:s18+$0x80]  }
0x41: {  	v22 =	vld [tilespmem:s18+$0x90]  }
0x42: {  	v17 =	vld [tilespmem:s18+$0x0]  }
0x43: {  	v18 =	vld [tilespmem:s18+$0x10]  }
0x44: {  	v19 =	vld [tilespmem:s18+$0x20]  }
0x45: {  	v21 =	vld [tilespmem:s18+$0x30]  }
0x46: {  	v25 =	vld [tilespmem:s18+$0xA0]  }
0x47: {  	v28 =	vld [tilespmem:s18+$0xB0]  }
.Ltmp0:
0x48: {  	v16 =	vld [tilespmem:s18+$0xC0];
	(pc) =	sbr.rel @p0 .LBB2_2-.Ltmp0, $4  }
0x49: {  	v23 =	vadd.f32 v17, v23;
	v24 =	vadd.f32 v18, v24;
	v17 =	vld [tilespmem:s18+$0xD0]  }
0x4a: {  	v26 =	vadd.f32 v19, v26;
	v27 =	vadd.f32 v21, v27;
	v18 =	vld [tilespmem:s18+$0x40]  }
0x4b: {  	v21 =	vadd.f32 v20, v23;
	v22 =	vadd.f32 v22, v24;
	v19 =	vld [tilespmem:s18+$0x50]  }
0x4c: {  	s19 =	sadd.s32 $0x800, s19;
	v23 =	vadd.f32 v25, v26;
	v20 =	vld [tilespmem:s18+$0x60];
	v24 =	vadd.f32 v28, v27  }
0x4d: {  	v13 =	vadd.f32 v13, v21;
	v15 =	vadd.f32 v15, v22  }
0x4e: {  	v25 =	vld [tilespmem:s18+$0x70];
	v12 =	vadd.f32 v12, v23;
	v14 =	vadd.f32 v14, v24  }
0x4f: {  	v21 =	vld [tilespmem:s18+$0xE0];
	v2 =	vadd.f32 v2, v13;
	v4 =	vadd.f32 v4, v15  }
0x50: {  	v22 =	vld [tilespmem:s18+$0xF0];
	v8 =	vadd.f32 v18, v8;
	v5 =	vadd.f32 v5, v12  }
0x51: {  	v13 =	vld [tilespmem:s18+$0x160];
	v6 =	vadd.f32 v6, v14;
	v11 =	vadd.f32 v19, v11  }
0x52: {  	v12 =	vld [tilespmem:s18+$0x170];
	v10 =	vadd.f32 v20, v10;
	v8 =	vadd.f32 v16, v8  }
0x53: {  	v14 =	vld [tilespmem:s18+$0x1E0];
	v9 =	vadd.f32 v25, v9;
	v11 =	vadd.f32 v17, v11  }
0x54: {  	v15 =	vld [tilespmem:s18+$0x1F0];
	[tilespmem:$0x8000] =	vst v2;
	v10 =	vadd.f32 v21, v10;
	v3 =	vadd.f32 v3, v8  }
0x55: {  	[tilespmem:$0x8010] =	vst v4;
	v2 =	vadd.f32 v22, v9;
	v7 =	vadd.f32 v7, v11  }
0x56: {  	[tilespmem:$0x8020] =	vst v5;
	v4 =	vadd.f32 v13, v10;
	v0 =	vadd.f32 v0, v3  }
0x57: {  	[tilespmem:$0x8030] =	vst v6;
	v2 =	vadd.f32 v12, v2;
	v1 =	vadd.f32 v1, v7  }
0x58: {  	v3 =	vadd.f32 v14, v4;
	[tilespmem:$0x8040] =	vst v0  }
0x59: {  	v0 =	vadd.f32 v15, v2;
	[tilespmem:$0x8050] =	vst v1  }
0x5a: {  	[tilespmem:$0x8060] =	vst v3  }
0x5b: {  	s18 =	simm.s32 $0x0;
	[tilespmem:$0x8070] =	vst v0  }
0x5c: {  	v2 =	vld [tilespmem:s18+$0x1180]  }
0x5d: {  	v4 =	vld [tilespmem:s18+$0x1190]  }
0x5e: {  	v5 =	vld [tilespmem:s18+$0x11A0]  }
0x5f: {  	v6 =	vld [tilespmem:s18+$0x11B0]  }
0x60: {  	v0 =	vld [tilespmem:s18+$0x11C0]  }
0x61: {  	v1 =	vld [tilespmem:s18+$0x11D0]  }
0x62: {  	v13 =	vld [tilespmem:s18+$0x1100]  }
0x63: {  	v15 =	vld [tilespmem:s18+$0x1110]  }
0x64: {  	v12 =	vld [tilespmem:s18+$0x1120]  }
0x65: {  	v14 =	vld [tilespmem:s18+$0x1130]  }
0x66: {  	v3 =	vld [tilespmem:s18+$0x1140]  }
0x67: {  	v9 =	vld [tilespmem:s18+$0x1080]  }
0x68: {  	v10 =	vld [tilespmem:s18+$0x1090]  }
0x69: {  	v11 =	vld [tilespmem:s18+$0x1000]  }
0x6a: {  	v17 =	vld [tilespmem:s18+$0x1010]  }
0x6b: {  	v18 =	vld [tilespmem:s18+$0x1020]  }
0x6c: {  	v19 =	vld [tilespmem:s18+$0x1030]  }
0x6d: {  	v20 =	vld [tilespmem:s18+$0x10A0]  }
0x6e: {  	v24 =	vld [tilespmem:s18+$0x10B0]  }
0x6f: {  	v8 =	vimm.f32 $0.0e+00;
	v7 =	vld [tilespmem:s18+$0x1150]  }
0x70: {  	v16 =	vld [tilespmem:s18+$0x10C0];
	v11 =	vadd.f32 v11, v8;
	v22 =	vadd.f32 v17, v8  }
0x71: {  	v17 =	vld [tilespmem:s18+$0x10D0];
	v23 =	vadd.f32 v18, v8;
	v25 =	vadd.f32 v19, v8  }
0x72: {  	v18 =	vld [tilespmem:s18+$0x1040];
	v21 =	vadd.f32 v9, v11;
	v22 =	vadd.f32 v10, v22  }
0x73: {  	v19 =	vld [tilespmem:s18+$0x1050];
	v23 =	vadd.f32 v20, v23;
	v24 =	vadd.f32 v24, v25  }
0x74: {  	s19 =	simm.s32 $0x800;
	v20 =	vld [tilespmem:s18+$0x1060];
	v11 =	vimm.f32 $0.0e+00;
	v10 =	vimm.f32 $0.0e+00;
	v9 =	vimm.f32 $0.0e+00  }
.LBB2_4:
0x75: {  	p0 =	sne.s32 s19, $0x3800;
	v25 =	vld [tilespmem:s18+$0x1070];
	v13 =	vadd.f32 v13, v21;
	v15 =	vadd.f32 v15, v22  }
0x76: {  	v21 =	vld [tilespmem:s18+$0x10E0];
	v12 =	vadd.f32 v12, v23;
	v14 =	vadd.f32 v14, v24  }
0x77: {  	v22 =	vld [tilespmem:s18+$0x10F0];
	v23 =	vadd.f32 v2, v13;
	v24 =	vadd.f32 v4, v15  }
0x78: {  	v13 =	vld [tilespmem:s18+$0x1160];
	v26 =	vadd.f32 v5, v12;
	v27 =	vadd.f32 v6, v14  }
0x79: {  	v2 =	vadd.f32 v18, v8;
	v4 =	vadd.f32 v19, v11;
	v6 =	vld [tilespmem:s18+$0x1170]  }
0x7a: {  	v5 =	vadd.f32 v20, v10;
	v8 =	vadd.f32 v25, v9;
	v9 =	vld [tilespmem:s18+$0x11E0]  }
0x7b: {  	v10 =	vadd.f32 v16, v2;
	v11 =	vadd.f32 v17, v4;
	v12 =	vld [tilespmem:s18+$0x11F0];
	s18 =	sshra.s32 s19, $0x2  }
0x7c: {  	v14 =	vadd.f32 v21, v5;
	v2 =	vld [tilespmem:s18+$0x1180];
	v8 =	vadd.f32 v22, v8  }
0x7d: {  	v3 =	vadd.f32 v3, v10;
	v7 =	vadd.f32 v7, v11;
	v4 =	vld [tilespmem:s18+$0x1190]  }
0x7e: {  	v10 =	vadd.f32 v13, v14;
	v5 =	vld [tilespmem:s18+$0x11A0];
	v13 =	vadd.f32 v6, v8  }
0x7f: {  	v8 =	vadd.f32 v0, v3;
	v11 =	vadd.f32 v1, v7;
	v6 =	vld [tilespmem:s18+$0x11B0]  }
0x80: {  	v10 =	vadd.f32 v9, v10;
	v0 =	vld [tilespmem:s18+$0x11C0];
	v9 =	vadd.f32 v12, v13  }
0x81: {  	v1 =	vld [tilespmem:s18+$0x11D0]  }
0x82: {  	v13 =	vld [tilespmem:s18+$0x1100]  }
0x83: {  	v15 =	vld [tilespmem:s18+$0x1110]  }
0x84: {  	v12 =	vld [tilespmem:s18+$0x1120]  }
0x85: {  	v14 =	vld [tilespmem:s18+$0x1130]  }
0x86: {  	v3 =	vld [tilespmem:s18+$0x1140]  }
0x87: {  	v7 =	vld [tilespmem:s18+$0x1150]  }
0x88: {  	v20 =	vld [tilespmem:s18+$0x1080]  }
0x89: {  	v22 =	vld [tilespmem:s18+$0x1090]  }
0x8a: {  	v17 =	vld [tilespmem:s18+$0x1000]  }
0x8b: {  	v18 =	vld [tilespmem:s18+$0x1010]  }
0x8c: {  	v19 =	vld [tilespmem:s18+$0x1020]  }
0x8d: {  	v21 =	vld [tilespmem:s18+$0x1030]  }
0x8e: {  	v25 =	vld [tilespmem:s18+$0x10A0]  }
0x8f: {  	v28 =	vld [tilespmem:s18+$0x10B0]  }
.Ltmp1:
0x90: {  	v16 =	vld [tilespmem:s18+$0x10C0];
	(pc) =	sbr.rel @p0 .LBB2_4-.Ltmp1, $4  }
0x91: {  	v23 =	vadd.f32 v17, v23;
	v24 =	vadd.f32 v18, v24;
	v17 =	vld [tilespmem:s18+$0x10D0]  }
0x92: {  	v26 =	vadd.f32 v19, v26;
	v27 =	vadd.f32 v21, v27;
	v18 =	vld [tilespmem:s18+$0x1040]  }
0x93: {  	v21 =	vadd.f32 v20, v23;
	v22 =	vadd.f32 v22, v24;
	v19 =	vld [tilespmem:s18+$0x1050]  }
0x94: {  	s19 =	sadd.s32 $0x800, s19;
	v23 =	vadd.f32 v25, v26;
	v20 =	vld [tilespmem:s18+$0x1060];
	v24 =	vadd.f32 v28, v27  }
0x95: {  	v13 =	vadd.f32 v13, v21;
	v15 =	vadd.f32 v15, v22  }
0x96: {  	v25 =	vld [tilespmem:s18+$0x1070];
	v12 =	vadd.f32 v12, v23;
	v14 =	vadd.f32 v14, v24  }
0x97: {  	v21 =	vld [tilespmem:s18+$0x10E0];
	v2 =	vadd.f32 v2, v13;
	v4 =	vadd.f32 v4, v15  }
0x98: {  	v22 =	vld [tilespmem:s18+$0x10F0];
	v8 =	vadd.f32 v18, v8;
	v5 =	vadd.f32 v5, v12  }
0x99: {  	v13 =	vld [tilespmem:s18+$0x1160];
	v6 =	vadd.f32 v6, v14;
	v11 =	vadd.f32 v19, v11  }
0x9a: {  	v12 =	vld [tilespmem:s18+$0x1170];
	v10 =	vadd.f32 v20, v10;
	v8 =	vadd.f32 v16, v8  }
0x9b: {  	v14 =	vld [tilespmem:s18+$0x11E0];
	v9 =	vadd.f32 v25, v9;
	v11 =	vadd.f32 v17, v11  }
0x9c: {  	v15 =	vld [tilespmem:s18+$0x11F0];
	[tilespmem:$0x8080] =	vst v2;
	v10 =	vadd.f32 v21, v10;
	v3 =	vadd.f32 v3, v8  }
0x9d: {  	[tilespmem:$0x8090] =	vst v4;
	v2 =	vadd.f32 v22, v9;
	v7 =	vadd.f32 v7, v11  }
0x9e: {  	[tilespmem:$0x80A0] =	vst v5;
	v4 =	vadd.f32 v13, v10;
	v0 =	vadd.f32 v0, v3  }
0x9f: {  	[tilespmem:$0x80B0] =	vst v6;
	v2 =	vadd.f32 v12, v2;
	v1 =	vadd.f32 v1, v7  }
0xa0: {  	v3 =	vadd.f32 v14, v4;
	[tilespmem:$0x80C0] =	vst v0  }
0xa1: {  	v0 =	vadd.f32 v15, v2;
	[tilespmem:$0x80D0] =	vst v1  }
0xa2: {  	[tilespmem:$0x80E0] =	vst v3  }
0xa3: {  	s18 =	simm.s32 $0x0;
	[tilespmem:$0x80F0] =	vst v0  }
0xa4: {  	v2 =	vld [tilespmem:s18+$0x2180]  }
0xa5: {  	v4 =	vld [tilespmem:s18+$0x2190]  }
0xa6: {  	v5 =	vld [tilespmem:s18+$0x21A0]  }
0xa7: {  	v6 =	vld [tilespmem:s18+$0x21B0]  }
0xa8: {  	v0 =	vld [tilespmem:s18+$0x21C0]  }
0xa9: {  	v1 =	vld [tilespmem:s18+$0x21D0]  }
0xaa: {  	v13 =	vld [tilespmem:s18+$0x2100]  }
0xab: {  	v15 =	vld [tilespmem:s18+$0x2110]  }
0xac: {  	v12 =	vld [tilespmem:s18+$0x2120]  }
0xad: {  	v14 =	vld [tilespmem:s18+$0x2130]  }
0xae: {  	v3 =	vld [tilespmem:s18+$0x2140]  }
0xaf: {  	v9 =	vld [tilespmem:s18+$0x2080]  }
0xb0: {  	v10 =	vld [tilespmem:s18+$0x2090]  }
0xb1: {  	v11 =	vld [tilespmem:s18+$0x2000]  }
0xb2: {  	v17 =	vld [tilespmem:s18+$0x2010]  }
0xb3: {  	v18 =	vld [tilespmem:s18+$0x2020]  }
0xb4: {  	v19 =	vld [tilespmem:s18+$0x2030]  }
0xb5: {  	v20 =	vld [tilespmem:s18+$0x20A0]  }
0xb6: {  	v24 =	vld [tilespmem:s18+$0x20B0]  }
0xb7: {  	v8 =	vimm.f32 $0.0e+00;
	v7 =	vld [tilespmem:s18+$0x2150]  }
0xb8: {  	v16 =	vld [tilespmem:s18+$0x20C0];
	v11 =	vadd.f32 v11, v8;
	v22 =	vadd.f32 v17, v8  }
0xb9: {  	v17 =	vld [tilespmem:s18+$0x20D0];
	v23 =	vadd.f32 v18, v8;
	v25 =	vadd.f32 v19, v8  }
0xba: {  	v18 =	vld [tilespmem:s18+$0x2040];
	v21 =	vadd.f32 v9, v11;
	v22 =	vadd.f32 v10, v22  }
0xbb: {  	v19 =	vld [tilespmem:s18+$0x2050];
	v23 =	vadd.f32 v20, v23;
	v24 =	vadd.f32 v24, v25  }
0xbc: {  	s19 =	simm.s32 $0x800;
	v20 =	vld [tilespmem:s18+$0x2060];
	v11 =	vimm.f32 $0.0e+00;
	v10 =	vimm.f32 $0.0e+00;
	v9 =	vimm.f32 $0.0e+00  }
.LBB2_6:
0xbd: {  	p0 =	sne.s32 s19, $0x3800;
	v25 =	vld [tilespmem:s18+$0x2070];
	v13 =	vadd.f32 v13, v21;
	v15 =	vadd.f32 v15, v22  }
0xbe: {  	v21 =	vld [tilespmem:s18+$0x20E0];
	v12 =	vadd.f32 v12, v23;
	v14 =	vadd.f32 v14, v24  }
0xbf: {  	v22 =	vld [tilespmem:s18+$0x20F0];
	v23 =	vadd.f32 v2, v13;
	v24 =	vadd.f32 v4, v15  }
0xc0: {  	v13 =	vld [tilespmem:s18+$0x2160];
	v26 =	vadd.f32 v5, v12;
	v27 =	vadd.f32 v6, v14  }
0xc1: {  	v2 =	vadd.f32 v18, v8;
	v4 =	vadd.f32 v19, v11;
	v6 =	vld [tilespmem:s18+$0x2170]  }
0xc2: {  	v5 =	vadd.f32 v20, v10;
	v8 =	vadd.f32 v25, v9;
	v9 =	vld [tilespmem:s18+$0x21E0]  }
0xc3: {  	v10 =	vadd.f32 v16, v2;
	v11 =	vadd.f32 v17, v4;
	v12 =	vld [tilespmem:s18+$0x21F0];
	s18 =	sshra.s32 s19, $0x2  }
0xc4: {  	v14 =	vadd.f32 v21, v5;
	v2 =	vld [tilespmem:s18+$0x2180];
	v8 =	vadd.f32 v22, v8  }
0xc5: {  	v3 =	vadd.f32 v3, v10;
	v7 =	vadd.f32 v7, v11;
	v4 =	vld [tilespmem:s18+$0x2190]  }
0xc6: {  	v10 =	vadd.f32 v13, v14;
	v5 =	vld [tilespmem:s18+$0x21A0];
	v13 =	vadd.f32 v6, v8  }
0xc7: {  	v8 =	vadd.f32 v0, v3;
	v11 =	vadd.f32 v1, v7;
	v6 =	vld [tilespmem:s18+$0x21B0]  }
0xc8: {  	v10 =	vadd.f32 v9, v10;
	v0 =	vld [tilespmem:s18+$0x21C0];
	v9 =	vadd.f32 v12, v13  }
0xc9: {  	v1 =	vld [tilespmem:s18+$0x21D0]  }
0xca: {  	v13 =	vld [tilespmem:s18+$0x2100]  }
0xcb: {  	v15 =	vld [tilespmem:s18+$0x2110]  }
0xcc: {  	v12 =	vld [tilespmem:s18+$0x2120]  }
0xcd: {  	v14 =	vld [tilespmem:s18+$0x2130]  }
0xce: {  	v3 =	vld [tilespmem:s18+$0x2140]  }
0xcf: {  	v7 =	vld [tilespmem:s18+$0x2150]  }
0xd0: {  	v20 =	vld [tilespmem:s18+$0x2080]  }
0xd1: {  	v22 =	vld [tilespmem:s18+$0x2090]  }
0xd2: {  	v17 =	vld [tilespmem:s18+$0x2000]  }
0xd3: {  	v18 =	vld [tilespmem:s18+$0x2010]  }
0xd4: {  	v19 =	vld [tilespmem:s18+$0x2020]  }
0xd5: {  	v21 =	vld [tilespmem:s18+$0x2030]  }
0xd6: {  	v25 =	vld [tilespmem:s18+$0x20A0]  }
0xd7: {  	v28 =	vld [tilespmem:s18+$0x20B0]  }
.Ltmp2:
0xd8: {  	v16 =	vld [tilespmem:s18+$0x20C0];
	(pc) =	sbr.rel @p0 .LBB2_6-.Ltmp2, $4  }
0xd9: {  	v23 =	vadd.f32 v17, v23;
	v24 =	vadd.f32 v18, v24;
	v17 =	vld [tilespmem:s18+$0x20D0]  }
0xda: {  	v26 =	vadd.f32 v19, v26;
	v27 =	vadd.f32 v21, v27;
	v18 =	vld [tilespmem:s18+$0x2040]  }
0xdb: {  	v21 =	vadd.f32 v20, v23;
	v22 =	vadd.f32 v22, v24;
	v19 =	vld [tilespmem:s18+$0x2050]  }
0xdc: {  	s19 =	sadd.s32 $0x800, s19;
	v23 =	vadd.f32 v25, v26;
	v20 =	vld [tilespmem:s18+$0x2060];
	v24 =	vadd.f32 v28, v27  }
0xdd: {  	v13 =	vadd.f32 v13, v21;
	v15 =	vadd.f32 v15, v22  }
0xde: {  	v25 =	vld [tilespmem:s18+$0x2070];
	v12 =	vadd.f32 v12, v23;
	v14 =	vadd.f32 v14, v24  }
0xdf: {  	v21 =	vld [tilespmem:s18+$0x20E0];
	v2 =	vadd.f32 v2, v13;
	v4 =	vadd.f32 v4, v15  }
0xe0: {  	v22 =	vld [tilespmem:s18+$0x20F0];
	v8 =	vadd.f32 v18, v8;
	v5 =	vadd.f32 v5, v12  }
0xe1: {  	v13 =	vld [tilespmem:s18+$0x2160];
	v6 =	vadd.f32 v6, v14;
	v11 =	vadd.f32 v19, v11  }
0xe2: {  	v12 =	vld [tilespmem:s18+$0x2170];
	v10 =	vadd.f32 v20, v10;
	v8 =	vadd.f32 v16, v8  }
0xe3: {  	v14 =	vld [tilespmem:s18+$0x21E0];
	v9 =	vadd.f32 v25, v9;
	v11 =	vadd.f32 v17, v11  }
0xe4: {  	v15 =	vld [tilespmem:s18+$0x21F0];
	[tilespmem:$0x8100] =	vst v2;
	v10 =	vadd.f32 v21, v10;
	v3 =	vadd.f32 v3, v8  }
0xe5: {  	[tilespmem:$0x8110] =	vst v4;
	v2 =	vadd.f32 v22, v9;
	v7 =	vadd.f32 v7, v11  }
0xe6: {  	[tilespmem:$0x8120] =	vst v5;
	v4 =	vadd.f32 v13, v10;
	v0 =	vadd.f32 v0, v3  }
0xe7: {  	[tilespmem:$0x8130] =	vst v6;
	v2 =	vadd.f32 v12, v2;
	v1 =	vadd.f32 v1, v7  }
0xe8: {  	v3 =	vadd.f32 v14, v4;
	[tilespmem:$0x8140] =	vst v0  }
0xe9: {  	v0 =	vadd.f32 v15, v2;
	[tilespmem:$0x8150] =	vst v1  }
0xea: {  	[tilespmem:$0x8160] =	vst v3  }
0xeb: {  	s18 =	simm.s32 $0x0;
	[tilespmem:$0x8170] =	vst v0  }
0xec: {  	v2 =	vld [tilespmem:s18+$0x3180]  }
0xed: {  	v4 =	vld [tilespmem:s18+$0x3190]  }
0xee: {  	v5 =	vld [tilespmem:s18+$0x31A0]  }
0xef: {  	v6 =	vld [tilespmem:s18+$0x31B0]  }
0xf0: {  	v0 =	vld [tilespmem:s18+$0x31C0]  }
0xf1: {  	v1 =	vld [tilespmem:s18+$0x31D0]  }
0xf2: {  	v13 =	vld [tilespmem:s18+$0x3100]  }
0xf3: {  	v15 =	vld [tilespmem:s18+$0x3110]  }
0xf4: {  	v12 =	vld [tilespmem:s18+$0x3120]  }
0xf5: {  	v14 =	vld [tilespmem:s18+$0x3130]  }
0xf6: {  	v3 =	vld [tilespmem:s18+$0x3140]  }
0xf7: {  	v9 =	vld [tilespmem:s18+$0x3080]  }
0xf8: {  	v10 =	vld [tilespmem:s18+$0x3090]  }
0xf9: {  	v11 =	vld [tilespmem:s18+$0x3000]  }
0xfa: {  	v17 =	vld [tilespmem:s18+$0x3010]  }
0xfb: {  	v18 =	vld [tilespmem:s18+$0x3020]  }
0xfc: {  	v19 =	vld [tilespmem:s18+$0x3030]  }
0xfd: {  	v20 =	vld [tilespmem:s18+$0x30A0]  }
0xfe: {  	v24 =	vld [tilespmem:s18+$0x30B0]  }
0xff: {  	v8 =	vimm.f32 $0.0e+00;
	v7 =	vld [tilespmem:s18+$0x3150]  }
0x100: {  	v16 =	vld [tilespmem:s18+$0x30C0];
	v11 =	vadd.f32 v11, v8;
	v22 =	vadd.f32 v17, v8  }
0x101: {  	v17 =	vld [tilespmem:s18+$0x30D0];
	v23 =	vadd.f32 v18, v8;
	v25 =	vadd.f32 v19, v8  }
0x102: {  	v18 =	vld [tilespmem:s18+$0x3040];
	v21 =	vadd.f32 v9, v11;
	v22 =	vadd.f32 v10, v22  }
0x103: {  	v19 =	vld [tilespmem:s18+$0x3050];
	v23 =	vadd.f32 v20, v23;
	v24 =	vadd.f32 v24, v25  }
0x104: {  	s19 =	simm.s32 $0x800;
	v20 =	vld [tilespmem:s18+$0x3060];
	v11 =	vimm.f32 $0.0e+00;
	v10 =	vimm.f32 $0.0e+00;
	v9 =	vimm.f32 $0.0e+00  }
.LBB2_8:
0x105: {  	p0 =	sne.s32 s19, $0x3800;
	v25 =	vld [tilespmem:s18+$0x3070];
	v13 =	vadd.f32 v13, v21;
	v15 =	vadd.f32 v15, v22  }
0x106: {  	v21 =	vld [tilespmem:s18+$0x30E0];
	v12 =	vadd.f32 v12, v23;
	v14 =	vadd.f32 v14, v24  }
0x107: {  	v22 =	vld [tilespmem:s18+$0x30F0];
	v23 =	vadd.f32 v2, v13;
	v24 =	vadd.f32 v4, v15  }
0x108: {  	v13 =	vld [tilespmem:s18+$0x3160];
	v26 =	vadd.f32 v5, v12;
	v27 =	vadd.f32 v6, v14  }
0x109: {  	v2 =	vadd.f32 v18, v8;
	v4 =	vadd.f32 v19, v11;
	v6 =	vld [tilespmem:s18+$0x3170]  }
0x10a: {  	v5 =	vadd.f32 v20, v10;
	v8 =	vadd.f32 v25, v9;
	v9 =	vld [tilespmem:s18+$0x31E0]  }
0x10b: {  	v10 =	vadd.f32 v16, v2;
	v11 =	vadd.f32 v17, v4;
	v12 =	vld [tilespmem:s18+$0x31F0];
	s18 =	sshra.s32 s19, $0x2  }
0x10c: {  	v14 =	vadd.f32 v21, v5;
	v2 =	vld [tilespmem:s18+$0x3180];
	v8 =	vadd.f32 v22, v8  }
0x10d: {  	v3 =	vadd.f32 v3, v10;
	v7 =	vadd.f32 v7, v11;
	v4 =	vld [tilespmem:s18+$0x3190]  }
0x10e: {  	v10 =	vadd.f32 v13, v14;
	v5 =	vld [tilespmem:s18+$0x31A0];
	v13 =	vadd.f32 v6, v8  }
0x10f: {  	v8 =	vadd.f32 v0, v3;
	v11 =	vadd.f32 v1, v7;
	v6 =	vld [tilespmem:s18+$0x31B0]  }
0x110: {  	v10 =	vadd.f32 v9, v10;
	v0 =	vld [tilespmem:s18+$0x31C0];
	v9 =	vadd.f32 v12, v13  }
0x111: {  	v1 =	vld [tilespmem:s18+$0x31D0]  }
0x112: {  	v13 =	vld [tilespmem:s18+$0x3100]  }
0x113: {  	v15 =	vld [tilespmem:s18+$0x3110]  }
0x114: {  	v12 =	vld [tilespmem:s18+$0x3120]  }
0x115: {  	v14 =	vld [tilespmem:s18+$0x3130]  }
0x116: {  	v3 =	vld [tilespmem:s18+$0x3140]  }
0x117: {  	v7 =	vld [tilespmem:s18+$0x3150]  }
0x118: {  	v20 =	vld [tilespmem:s18+$0x3080]  }
0x119: {  	v22 =	vld [tilespmem:s18+$0x3090]  }
0x11a: {  	v17 =	vld [tilespmem:s18+$0x3000]  }
0x11b: {  	v18 =	vld [tilespmem:s18+$0x3010]  }
0x11c: {  	v19 =	vld [tilespmem:s18+$0x3020]  }
0x11d: {  	v21 =	vld [tilespmem:s18+$0x3030]  }
0x11e: {  	v25 =	vld [tilespmem:s18+$0x30A0]  }
0x11f: {  	v28 =	vld [tilespmem:s18+$0x30B0]  }
.Ltmp3:
0x120: {  	v16 =	vld [tilespmem:s18+$0x30C0];
	(pc) =	sbr.rel @p0 .LBB2_8-.Ltmp3, $4  }
0x121: {  	v23 =	vadd.f32 v17, v23;
	v24 =	vadd.f32 v18, v24;
	v17 =	vld [tilespmem:s18+$0x30D0]  }
0x122: {  	v26 =	vadd.f32 v19, v26;
	v27 =	vadd.f32 v21, v27;
	v18 =	vld [tilespmem:s18+$0x3040]  }
0x123: {  	v21 =	vadd.f32 v20, v23;
	v22 =	vadd.f32 v22, v24;
	v19 =	vld [tilespmem:s18+$0x3050]  }
0x124: {  	s19 =	sadd.s32 $0x800, s19;
	v23 =	vadd.f32 v25, v26;
	v20 =	vld [tilespmem:s18+$0x3060];
	v24 =	vadd.f32 v28, v27  }
0x125: {  	v13 =	vadd.f32 v13, v21;
	v15 =	vadd.f32 v15, v22  }
0x126: {  	v25 =	vld [tilespmem:s18+$0x3070];
	v12 =	vadd.f32 v12, v23;
	v14 =	vadd.f32 v14, v24  }
0x127: {  	v21 =	vld [tilespmem:s18+$0x30E0];
	v2 =	vadd.f32 v2, v13;
	v4 =	vadd.f32 v4, v15  }
0x128: {  	v22 =	vld [tilespmem:s18+$0x30F0];
	v8 =	vadd.f32 v18, v8;
	v5 =	vadd.f32 v5, v12  }
0x129: {  	v13 =	vld [tilespmem:s18+$0x3160];
	v6 =	vadd.f32 v6, v14;
	v11 =	vadd.f32 v19, v11  }
0x12a: {  	v12 =	vld [tilespmem:s18+$0x3170];
	v10 =	vadd.f32 v20, v10;
	v8 =	vadd.f32 v16, v8  }
0x12b: {  	v14 =	vld [tilespmem:s18+$0x31E0];
	v9 =	vadd.f32 v25, v9;
	v11 =	vadd.f32 v17, v11  }
0x12c: {  	v15 =	vld [tilespmem:s18+$0x31F0];
	[tilespmem:$0x8180] =	vst v2;
	v10 =	vadd.f32 v21, v10;
	v3 =	vadd.f32 v3, v8  }
0x12d: {  	[tilespmem:$0x8190] =	vst v4;
	v2 =	vadd.f32 v22, v9;
	v7 =	vadd.f32 v7, v11  }
0x12e: {  	[tilespmem:$0x81A0] =	vst v5;
	v4 =	vadd.f32 v13, v10;
	v0 =	vadd.f32 v0, v3  }
0x12f: {  	[tilespmem:$0x81B0] =	vst v6;
	v2 =	vadd.f32 v12, v2;
	v1 =	vadd.f32 v1, v7  }
0x130: {  	v3 =	vadd.f32 v14, v4;
	[tilespmem:$0x81C0] =	vst v0  }
0x131: {  	s17 =	sshll.u32 s17, $0x4;
	v0 =	vadd.f32 v15, v2;
	[tilespmem:$0x81D0] =	vst v1  }
0x132: {  	s17 =	sand.u32 $0x3FF80, s17;
	[tilespmem:$0x81E0] =	vst v3  }
0x133: {  	p0 =	seq.s32 s14, $0x27;
	s17 =	sadd.s32 s17, s6;
	[tilespmem:$0x81F0] =	vst v0  }
0x134: {  	[hbm4b:s17+s4] =	stream.linear.scatter [tilespmem:s10], [sflag:$0x4], $0x200, $0x38;
	[tilespmem:$0x8200] =	vst v63  }
0x135: {  	s16 =	sadd.s32 @!p0 s16, s7;
	_ =	swait.ge [sflag:s11], $0x200  }
0x136: {  	s16 =	sshll.u32 @!p0 s16, $0x9;
	[sflag:s11] =	ssyncset.done $0x0  }
0x137: {  	s16 =	sadd.s32 @!p0 s2, s16;
	s17 =	simm.s32 @!p0 $0x0;
	[sflag:s11] =	ssyncadd.s32 $0xFFFFFE00  }
0x138: {  	[tilespmem:s17], [sflag:$0x1] =	stream.linear.gather @!p0 [hbm4b:s16+s17], $0x4000, $0x38;
	[tilespmem:$0x8200] =	vst v63  }
0x139: {  	_ =	swait.ge [sflag:s12], $0x4000  }
0x13a: {  	[sflag:s12] =	ssyncset.done $0x0  }
0x13b: {  	s16 =	simm.s32 $0x0;
	[sflag:s12] =	ssyncadd.s32 $0xFFFFC000  }
0x13c: {  	v2 =	vld [tilespmem:s16+$0x4180]  }
0x13d: {  	v4 =	vld [tilespmem:s16+$0x4190]  }
0x13e: {  	v5 =	vld [tilespmem:s16+$0x41A0]  }
0x13f: {  	v6 =	vld [tilespmem:s16+$0x41B0]  }
0x140: {  	v0 =	vld [tilespmem:s16+$0x41C0]  }
0x141: {  	v1 =	vld [tilespmem:s16+$0x41D0]  }
0x142: {  	v13 =	vld [tilespmem:s16+$0x4100]  }
0x143: {  	v15 =	vld [tilespmem:s16+$0x4110]  }
0x144: {  	v12 =	vld [tilespmem:s16+$0x4120]  }
0x145: {  	v14 =	vld [tilespmem:s16+$0x4130]  }
0x146: {  	v3 =	vld [tilespmem:s16+$0x4140]  }
0x147: {  	v9 =	vld [tilespmem:s16+$0x4080]  }
0x148: {  	v10 =	vld [tilespmem:s16+$0x4090]  }
0x149: {  	v11 =	vld [tilespmem:s16+$0x4000]  }
0x14a: {  	v17 =	vld [tilespmem:s16+$0x4010]  }
0x14b: {  	v18 =	vld [tilespmem:s16+$0x4020]  }
0x14c: {  	v19 =	vld [tilespmem:s16+$0x4030]  }
0x14d: {  	v20 =	vld [tilespmem:s16+$0x40A0]  }
0x14e: {  	v24 =	vld [tilespmem:s16+$0x40B0]  }
0x14f: {  	v8 =	vimm.f32 $0.0e+00;
	v7 =	vld [tilespmem:s16+$0x4150]  }
0x150: {  	v16 =	vld [tilespmem:s16+$0x40C0];
	v11 =	vadd.f32 v11, v8;
	v22 =	vadd.f32 v17, v8  }
0x151: {  	v17 =	vld [tilespmem:s16+$0x40D0];
	v23 =	vadd.f32 v18, v8;
	v25 =	vadd.f32 v19, v8  }
0x152: {  	v18 =	vld [tilespmem:s16+$0x4040];
	v21 =	vadd.f32 v9, v11;
	v22 =	vadd.f32 v10, v22  }
0x153: {  	v19 =	vld [tilespmem:s16+$0x4050];
	v23 =	vadd.f32 v20, v23;
	v24 =	vadd.f32 v24, v25  }
0x154: {  	s17 =	simm.s32 $0x800;
	v20 =	vld [tilespmem:s16+$0x4060];
	v11 =	vimm.f32 $0.0e+00;
	v10 =	vimm.f32 $0.0e+00;
	v9 =	vimm.f32 $0.0e+00  }
.LBB2_10:
0x155: {  	p0 =	sne.s32 s17, $0x3800;
	v25 =	vld [tilespmem:s16+$0x4070];
	v13 =	vadd.f32 v13, v21;
	v15 =	vadd.f32 v15, v22  }
0x156: {  	v21 =	vld [tilespmem:s16+$0x40E0];
	v12 =	vadd.f32 v12, v23;
	v14 =	vadd.f32 v14, v24  }
0x157: {  	v22 =	vld [tilespmem:s16+$0x40F0];
	v23 =	vadd.f32 v2, v13;
	v24 =	vadd.f32 v4, v15  }
0x158: {  	v13 =	vld [tilespmem:s16+$0x4160];
	v26 =	vadd.f32 v5, v12;
	v27 =	vadd.f32 v6, v14  }
0x159: {  	v2 =	vadd.f32 v18, v8;
	v4 =	vadd.f32 v19, v11;
	v6 =	vld [tilespmem:s16+$0x4170]  }
0x15a: {  	v5 =	vadd.f32 v20, v10;
	v8 =	vadd.f32 v25, v9;
	v9 =	vld [tilespmem:s16+$0x41E0]  }
0x15b: {  	v10 =	vadd.f32 v16, v2;
	v11 =	vadd.f32 v17, v4;
	v12 =	vld [tilespmem:s16+$0x41F0];
	s16 =	sshra.s32 s17, $0x2  }
0x15c: {  	v14 =	vadd.f32 v21, v5;
	v2 =	vld [tilespmem:s16+$0x4180];
	v8 =	vadd.f32 v22, v8  }
0x15d: {  	v3 =	vadd.f32 v3, v10;
	v7 =	vadd.f32 v7, v11;
	v4 =	vld [tilespmem:s16+$0x4190]  }
0x15e: {  	v10 =	vadd.f32 v13, v14;
	v5 =	vld [tilespmem:s16+$0x41A0];
	v13 =	vadd.f32 v6, v8  }
0x15f: {  	v8 =	vadd.f32 v0, v3;
	v11 =	vadd.f32 v1, v7;
	v6 =	vld [tilespmem:s16+$0x41B0]  }
0x160: {  	v10 =	vadd.f32 v9, v10;
	v0 =	vld [tilespmem:s16+$0x41C0];
	v9 =	vadd.f32 v12, v13  }
0x161: {  	v1 =	vld [tilespmem:s16+$0x41D0]  }
0x162: {  	v13 =	vld [tilespmem:s16+$0x4100]  }
0x163: {  	v15 =	vld [tilespmem:s16+$0x4110]  }
0x164: {  	v12 =	vld [tilespmem:s16+$0x4120]  }
0x165: {  	v14 =	vld [tilespmem:s16+$0x4130]  }
0x166: {  	v3 =	vld [tilespmem:s16+$0x4140]  }
0x167: {  	v7 =	vld [tilespmem:s16+$0x4150]  }
0x168: {  	v20 =	vld [tilespmem:s16+$0x4080]  }
0x169: {  	v22 =	vld [tilespmem:s16+$0x4090]  }
0x16a: {  	v17 =	vld [tilespmem:s16+$0x4000]  }
0x16b: {  	v18 =	vld [tilespmem:s16+$0x4010]  }
0x16c: {  	v19 =	vld [tilespmem:s16+$0x4020]  }
0x16d: {  	v21 =	vld [tilespmem:s16+$0x4030]  }
0x16e: {  	v25 =	vld [tilespmem:s16+$0x40A0]  }
0x16f: {  	v28 =	vld [tilespmem:s16+$0x40B0]  }
.Ltmp4:
0x170: {  	v16 =	vld [tilespmem:s16+$0x40C0];
	(pc) =	sbr.rel @p0 .LBB2_10-.Ltmp4, $4  }
0x171: {  	v23 =	vadd.f32 v17, v23;
	v24 =	vadd.f32 v18, v24;
	v17 =	vld [tilespmem:s16+$0x40D0]  }
0x172: {  	v26 =	vadd.f32 v19, v26;
	v27 =	vadd.f32 v21, v27;
	v18 =	vld [tilespmem:s16+$0x4040]  }
0x173: {  	v21 =	vadd.f32 v20, v23;
	v22 =	vadd.f32 v22, v24;
	v19 =	vld [tilespmem:s16+$0x4050]  }
0x174: {  	s17 =	sadd.s32 $0x800, s17;
	v23 =	vadd.f32 v25, v26;
	v20 =	vld [tilespmem:s16+$0x4060];
	v24 =	vadd.f32 v28, v27  }
0x175: {  	v13 =	vadd.f32 v13, v21;
	v15 =	vadd.f32 v15, v22  }
0x176: {  	v25 =	vld [tilespmem:s16+$0x4070];
	v12 =	vadd.f32 v12, v23;
	v14 =	vadd.f32 v14, v24  }
0x177: {  	v21 =	vld [tilespmem:s16+$0x40E0];
	v2 =	vadd.f32 v2, v13;
	v4 =	vadd.f32 v4, v15  }
0x178: {  	v22 =	vld [tilespmem:s16+$0x40F0];
	v8 =	vadd.f32 v18, v8;
	v5 =	vadd.f32 v5, v12  }
0x179: {  	v13 =	vld [tilespmem:s16+$0x4160];
	v6 =	vadd.f32 v6, v14;
	v11 =	vadd.f32 v19, v11  }
0x17a: {  	v12 =	vld [tilespmem:s16+$0x4170];
	v10 =	vadd.f32 v20, v10;
	v8 =	vadd.f32 v16, v8  }
0x17b: {  	v14 =	vld [tilespmem:s16+$0x41E0];
	v9 =	vadd.f32 v25, v9;
	v11 =	vadd.f32 v17, v11  }
0x17c: {  	v15 =	vld [tilespmem:s16+$0x41F0];
	[tilespmem:$0x8000] =	vst v2;
	v10 =	vadd.f32 v21, v10;
	v3 =	vadd.f32 v3, v8  }
0x17d: {  	[tilespmem:$0x8010] =	vst v4;
	v2 =	vadd.f32 v22, v9;
	v7 =	vadd.f32 v7, v11  }
0x17e: {  	[tilespmem:$0x8020] =	vst v5;
	v4 =	vadd.f32 v13, v10;
	v0 =	vadd.f32 v0, v3  }
0x17f: {  	[tilespmem:$0x8030] =	vst v6;
	v2 =	vadd.f32 v12, v2;
	v1 =	vadd.f32 v1, v7  }
0x180: {  	v3 =	vadd.f32 v14, v4;
	[tilespmem:$0x8040] =	vst v0  }
0x181: {  	v0 =	vadd.f32 v15, v2;
	[tilespmem:$0x8050] =	vst v1  }
0x182: {  	[tilespmem:$0x8060] =	vst v3  }
0x183: {  	s16 =	simm.s32 $0x0;
	[tilespmem:$0x8070] =	vst v0  }
0x184: {  	v2 =	vld [tilespmem:s16+$0x5180]  }
0x185: {  	v4 =	vld [tilespmem:s16+$0x5190]  }
0x186: {  	v5 =	vld [tilespmem:s16+$0x51A0]  }
0x187: {  	v6 =	vld [tilespmem:s16+$0x51B0]  }
0x188: {  	v0 =	vld [tilespmem:s16+$0x51C0]  }
0x189: {  	v1 =	vld [tilespmem:s16+$0x51D0]  }
0x18a: {  	v13 =	vld [tilespmem:s16+$0x5100]  }
0x18b: {  	v15 =	vld [tilespmem:s16+$0x5110]  }
0x18c: {  	v12 =	vld [tilespmem:s16+$0x5120]  }
0x18d: {  	v14 =	vld [tilespmem:s16+$0x5130]  }
0x18e: {  	v3 =	vld [tilespmem:s16+$0x5140]  }
0x18f: {  	v9 =	vld [tilespmem:s16+$0x5080]  }
0x190: {  	v10 =	vld [tilespmem:s16+$0x5090]  }
0x191: {  	v11 =	vld [tilespmem:s16+$0x5000]  }
0x192: {  	v17 =	vld [tilespmem:s16+$0x5010]  }
0x193: {  	v18 =	vld [tilespmem:s16+$0x5020]  }
0x194: {  	v19 =	vld [tilespmem:s16+$0x5030]  }
0x195: {  	v20 =	vld [tilespmem:s16+$0x50A0]  }
0x196: {  	v24 =	vld [tilespmem:s16+$0x50B0]  }
0x197: {  	v8 =	vimm.f32 $0.0e+00;
	v7 =	vld [tilespmem:s16+$0x5150]  }
0x198: {  	v16 =	vld [tilespmem:s16+$0x50C0];
	v11 =	vadd.f32 v11, v8;
	v22 =	vadd.f32 v17, v8  }
0x199: {  	v17 =	vld [tilespmem:s16+$0x50D0];
	v23 =	vadd.f32 v18, v8;
	v25 =	vadd.f32 v19, v8  }
0x19a: {  	v18 =	vld [tilespmem:s16+$0x5040];
	v21 =	vadd.f32 v9, v11;
	v22 =	vadd.f32 v10, v22  }
0x19b: {  	v19 =	vld [tilespmem:s16+$0x5050];
	v23 =	vadd.f32 v20, v23;
	v24 =	vadd.f32 v24, v25  }
0x19c: {  	s17 =	simm.s32 $0x800;
	v20 =	vld [tilespmem:s16+$0x5060];
	v11 =	vimm.f32 $0.0e+00;
	v10 =	vimm.f32 $0.0e+00;
	v9 =	vimm.f32 $0.0e+00  }
.LBB2_12:
0x19d: {  	p0 =	sne.s32 s17, $0x3800;
	v25 =	vld [tilespmem:s16+$0x5070];
	v13 =	vadd.f32 v13, v21;
	v15 =	vadd.f32 v15, v22  }
0x19e: {  	v21 =	vld [tilespmem:s16+$0x50E0];
	v12 =	vadd.f32 v12, v23;
	v14 =	vadd.f32 v14, v24  }
0x19f: {  	v22 =	vld [tilespmem:s16+$0x50F0];
	v23 =	vadd.f32 v2, v13;
	v24 =	vadd.f32 v4, v15  }
0x1a0: {  	v13 =	vld [tilespmem:s16+$0x5160];
	v26 =	vadd.f32 v5, v12;
	v27 =	vadd.f32 v6, v14  }
0x1a1: {  	v2 =	vadd.f32 v18, v8;
	v4 =	vadd.f32 v19, v11;
	v6 =	vld [tilespmem:s16+$0x5170]  }
0x1a2: {  	v5 =	vadd.f32 v20, v10;
	v8 =	vadd.f32 v25, v9;
	v9 =	vld [tilespmem:s16+$0x51E0]  }
0x1a3: {  	v10 =	vadd.f32 v16, v2;
	v11 =	vadd.f32 v17, v4;
	v12 =	vld [tilespmem:s16+$0x51F0];
	s16 =	sshra.s32 s17, $0x2  }
0x1a4: {  	v14 =	vadd.f32 v21, v5;
	v2 =	vld [tilespmem:s16+$0x5180];
	v8 =	vadd.f32 v22, v8  }
0x1a5: {  	v3 =	vadd.f32 v3, v10;
	v7 =	vadd.f32 v7, v11;
	v4 =	vld [tilespmem:s16+$0x5190]  }
0x1a6: {  	v10 =	vadd.f32 v13, v14;
	v5 =	vld [tilespmem:s16+$0x51A0];
	v13 =	vadd.f32 v6, v8  }
0x1a7: {  	v8 =	vadd.f32 v0, v3;
	v11 =	vadd.f32 v1, v7;
	v6 =	vld [tilespmem:s16+$0x51B0]  }
0x1a8: {  	v10 =	vadd.f32 v9, v10;
	v0 =	vld [tilespmem:s16+$0x51C0];
	v9 =	vadd.f32 v12, v13  }
0x1a9: {  	v1 =	vld [tilespmem:s16+$0x51D0]  }
0x1aa: {  	v13 =	vld [tilespmem:s16+$0x5100]  }
0x1ab: {  	v15 =	vld [tilespmem:s16+$0x5110]  }
0x1ac: {  	v12 =	vld [tilespmem:s16+$0x5120]  }
0x1ad: {  	v14 =	vld [tilespmem:s16+$0x5130]  }
0x1ae: {  	v3 =	vld [tilespmem:s16+$0x5140]  }
0x1af: {  	v7 =	vld [tilespmem:s16+$0x5150]  }
0x1b0: {  	v20 =	vld [tilespmem:s16+$0x5080]  }
0x1b1: {  	v22 =	vld [tilespmem:s16+$0x5090]  }
0x1b2: {  	v17 =	vld [tilespmem:s16+$0x5000]  }
0x1b3: {  	v18 =	vld [tilespmem:s16+$0x5010]  }
0x1b4: {  	v19 =	vld [tilespmem:s16+$0x5020]  }
0x1b5: {  	v21 =	vld [tilespmem:s16+$0x5030]  }
0x1b6: {  	v25 =	vld [tilespmem:s16+$0x50A0]  }
0x1b7: {  	v28 =	vld [tilespmem:s16+$0x50B0]  }
.Ltmp5:
0x1b8: {  	v16 =	vld [tilespmem:s16+$0x50C0];
	(pc) =	sbr.rel @p0 .LBB2_12-.Ltmp5, $4  }
0x1b9: {  	v23 =	vadd.f32 v17, v23;
	v24 =	vadd.f32 v18, v24;
	v17 =	vld [tilespmem:s16+$0x50D0]  }
0x1ba: {  	v26 =	vadd.f32 v19, v26;
	v27 =	vadd.f32 v21, v27;
	v18 =	vld [tilespmem:s16+$0x5040]  }
0x1bb: {  	v21 =	vadd.f32 v20, v23;
	v22 =	vadd.f32 v22, v24;
	v19 =	vld [tilespmem:s16+$0x5050]  }
0x1bc: {  	s17 =	sadd.s32 $0x800, s17;
	v23 =	vadd.f32 v25, v26;
	v20 =	vld [tilespmem:s16+$0x5060];
	v24 =	vadd.f32 v28, v27  }
0x1bd: {  	v13 =	vadd.f32 v13, v21;
	v15 =	vadd.f32 v15, v22  }
0x1be: {  	v25 =	vld [tilespmem:s16+$0x5070];
	v12 =	vadd.f32 v12, v23;
	v14 =	vadd.f32 v14, v24  }
0x1bf: {  	v21 =	vld [tilespmem:s16+$0x50E0];
	v2 =	vadd.f32 v2, v13;
	v4 =	vadd.f32 v4, v15  }
0x1c0: {  	v22 =	vld [tilespmem:s16+$0x50F0];
	v8 =	vadd.f32 v18, v8;
	v5 =	vadd.f32 v5, v12  }
0x1c1: {  	v13 =	vld [tilespmem:s16+$0x5160];
	v6 =	vadd.f32 v6, v14;
	v11 =	vadd.f32 v19, v11  }
0x1c2: {  	v12 =	vld [tilespmem:s16+$0x5170];
	v10 =	vadd.f32 v20, v10;
	v8 =	vadd.f32 v16, v8  }
0x1c3: {  	v14 =	vld [tilespmem:s16+$0x51E0];
	v9 =	vadd.f32 v25, v9;
	v11 =	vadd.f32 v17, v11  }
0x1c4: {  	v15 =	vld [tilespmem:s16+$0x51F0];
	[tilespmem:$0x8080] =	vst v2;
	v10 =	vadd.f32 v21, v10;
	v3 =	vadd.f32 v3, v8  }
0x1c5: {  	[tilespmem:$0x8090] =	vst v4;
	v2 =	vadd.f32 v22, v9;
	v7 =	vadd.f32 v7, v11  }
0x1c6: {  	[tilespmem:$0x80A0] =	vst v5;
	v4 =	vadd.f32 v13, v10;
	v0 =	vadd.f32 v0, v3  }
0x1c7: {  	[tilespmem:$0x80B0] =	vst v6;
	v2 =	vadd.f32 v12, v2;
	v1 =	vadd.f32 v1, v7  }
0x1c8: {  	v3 =	vadd.f32 v14, v4;
	[tilespmem:$0x80C0] =	vst v0  }
0x1c9: {  	v0 =	vadd.f32 v15, v2;
	[tilespmem:$0x80D0] =	vst v1  }
0x1ca: {  	[tilespmem:$0x80E0] =	vst v3  }
0x1cb: {  	s16 =	simm.s32 $0x0;
	[tilespmem:$0x80F0] =	vst v0  }
0x1cc: {  	v2 =	vld [tilespmem:s16+$0x6180]  }
0x1cd: {  	v4 =	vld [tilespmem:s16+$0x6190]  }
0x1ce: {  	v5 =	vld [tilespmem:s16+$0x61A0]  }
0x1cf: {  	v6 =	vld [tilespmem:s16+$0x61B0]  }
0x1d0: {  	v0 =	vld [tilespmem:s16+$0x61C0]  }
0x1d1: {  	v1 =	vld [tilespmem:s16+$0x61D0]  }
0x1d2: {  	v13 =	vld [tilespmem:s16+$0x6100]  }
0x1d3: {  	v15 =	vld [tilespmem:s16+$0x6110]  }
0x1d4: {  	v12 =	vld [tilespmem:s16+$0x6120]  }
0x1d5: {  	v14 =	vld [tilespmem:s16+$0x6130]  }
0x1d6: {  	v3 =	vld [tilespmem:s16+$0x6140]  }
0x1d7: {  	v9 =	vld [tilespmem:s16+$0x6080]  }
0x1d8: {  	v10 =	vld [tilespmem:s16+$0x6090]  }
0x1d9: {  	v11 =	vld [tilespmem:s16+$0x6000]  }
0x1da: {  	v17 =	vld [tilespmem:s16+$0x6010]  }
0x1db: {  	v18 =	vld [tilespmem:s16+$0x6020]  }
0x1dc: {  	v19 =	vld [tilespmem:s16+$0x6030]  }
0x1dd: {  	v20 =	vld [tilespmem:s16+$0x60A0]  }
0x1de: {  	v24 =	vld [tilespmem:s16+$0x60B0]  }
0x1df: {  	v8 =	vimm.f32 $0.0e+00;
	v7 =	vld [tilespmem:s16+$0x6150]  }
0x1e0: {  	v16 =	vld [tilespmem:s16+$0x60C0];
	v11 =	vadd.f32 v11, v8;
	v22 =	vadd.f32 v17, v8  }
0x1e1: {  	v17 =	vld [tilespmem:s16+$0x60D0];
	v23 =	vadd.f32 v18, v8;
	v25 =	vadd.f32 v19, v8  }
0x1e2: {  	v18 =	vld [tilespmem:s16+$0x6040];
	v21 =	vadd.f32 v9, v11;
	v22 =	vadd.f32 v10, v22  }
0x1e3: {  	v19 =	vld [tilespmem:s16+$0x6050];
	v23 =	vadd.f32 v20, v23;
	v24 =	vadd.f32 v24, v25  }
0x1e4: {  	s17 =	simm.s32 $0x800;
	v20 =	vld [tilespmem:s16+$0x6060];
	v11 =	vimm.f32 $0.0e+00;
	v10 =	vimm.f32 $0.0e+00;
	v9 =	vimm.f32 $0.0e+00  }
.LBB2_14:
0x1e5: {  	p0 =	sne.s32 s17, $0x3800;
	v25 =	vld [tilespmem:s16+$0x6070];
	v13 =	vadd.f32 v13, v21;
	v15 =	vadd.f32 v15, v22  }
0x1e6: {  	v21 =	vld [tilespmem:s16+$0x60E0];
	v12 =	vadd.f32 v12, v23;
	v14 =	vadd.f32 v14, v24  }
0x1e7: {  	v22 =	vld [tilespmem:s16+$0x60F0];
	v23 =	vadd.f32 v2, v13;
	v24 =	vadd.f32 v4, v15  }
0x1e8: {  	v13 =	vld [tilespmem:s16+$0x6160];
	v26 =	vadd.f32 v5, v12;
	v27 =	vadd.f32 v6, v14  }
0x1e9: {  	v2 =	vadd.f32 v18, v8;
	v4 =	vadd.f32 v19, v11;
	v6 =	vld [tilespmem:s16+$0x6170]  }
0x1ea: {  	v5 =	vadd.f32 v20, v10;
	v8 =	vadd.f32 v25, v9;
	v9 =	vld [tilespmem:s16+$0x61E0]  }
0x1eb: {  	v10 =	vadd.f32 v16, v2;
	v11 =	vadd.f32 v17, v4;
	v12 =	vld [tilespmem:s16+$0x61F0];
	s16 =	sshra.s32 s17, $0x2  }
0x1ec: {  	v14 =	vadd.f32 v21, v5;
	v2 =	vld [tilespmem:s16+$0x6180];
	v8 =	vadd.f32 v22, v8  }
0x1ed: {  	v3 =	vadd.f32 v3, v10;
	v7 =	vadd.f32 v7, v11;
	v4 =	vld [tilespmem:s16+$0x6190]  }
0x1ee: {  	v10 =	vadd.f32 v13, v14;
	v5 =	vld [tilespmem:s16+$0x61A0];
	v13 =	vadd.f32 v6, v8  }
0x1ef: {  	v8 =	vadd.f32 v0, v3;
	v11 =	vadd.f32 v1, v7;
	v6 =	vld [tilespmem:s16+$0x61B0]  }
0x1f0: {  	v10 =	vadd.f32 v9, v10;
	v0 =	vld [tilespmem:s16+$0x61C0];
	v9 =	vadd.f32 v12, v13  }
0x1f1: {  	v1 =	vld [tilespmem:s16+$0x61D0]  }
0x1f2: {  	v13 =	vld [tilespmem:s16+$0x6100]  }
0x1f3: {  	v15 =	vld [tilespmem:s16+$0x6110]  }
0x1f4: {  	v12 =	vld [tilespmem:s16+$0x6120]  }
0x1f5: {  	v14 =	vld [tilespmem:s16+$0x6130]  }
0x1f6: {  	v3 =	vld [tilespmem:s16+$0x6140]  }
0x1f7: {  	v7 =	vld [tilespmem:s16+$0x6150]  }
0x1f8: {  	v20 =	vld [tilespmem:s16+$0x6080]  }
0x1f9: {  	v22 =	vld [tilespmem:s16+$0x6090]  }
0x1fa: {  	v17 =	vld [tilespmem:s16+$0x6000]  }
0x1fb: {  	v18 =	vld [tilespmem:s16+$0x6010]  }
0x1fc: {  	v19 =	vld [tilespmem:s16+$0x6020]  }
0x1fd: {  	v21 =	vld [tilespmem:s16+$0x6030]  }
0x1fe: {  	v25 =	vld [tilespmem:s16+$0x60A0]  }
0x1ff: {  	v28 =	vld [tilespmem:s16+$0x60B0]  }
.Ltmp6:
0x200: {  	v16 =	vld [tilespmem:s16+$0x60C0];
	(pc) =	sbr.rel @p0 .LBB2_14-.Ltmp6, $4  }
0x201: {  	v23 =	vadd.f32 v17, v23;
	v24 =	vadd.f32 v18, v24;
	v17 =	vld [tilespmem:s16+$0x60D0]  }
0x202: {  	v26 =	vadd.f32 v19, v26;
	v27 =	vadd.f32 v21, v27;
	v18 =	vld [tilespmem:s16+$0x6040]  }
0x203: {  	v21 =	vadd.f32 v20, v23;
	v22 =	vadd.f32 v22, v24;
	v19 =	vld [tilespmem:s16+$0x6050]  }
0x204: {  	s17 =	sadd.s32 $0x800, s17;
	v23 =	vadd.f32 v25, v26;
	v20 =	vld [tilespmem:s16+$0x6060];
	v24 =	vadd.f32 v28, v27  }
0x205: {  	v13 =	vadd.f32 v13, v21;
	v15 =	vadd.f32 v15, v22  }
0x206: {  	v25 =	vld [tilespmem:s16+$0x6070];
	v12 =	vadd.f32 v12, v23;
	v14 =	vadd.f32 v14, v24  }
0x207: {  	v21 =	vld [tilespmem:s16+$0x60E0];
	v2 =	vadd.f32 v2, v13;
	v4 =	vadd.f32 v4, v15  }
0x208: {  	v22 =	vld [tilespmem:s16+$0x60F0];
	v8 =	vadd.f32 v18, v8;
	v5 =	vadd.f32 v5, v12  }
0x209: {  	v13 =	vld [tilespmem:s16+$0x6160];
	v6 =	vadd.f32 v6, v14;
	v11 =	vadd.f32 v19, v11  }
0x20a: {  	v12 =	vld [tilespmem:s16+$0x6170];
	v10 =	vadd.f32 v20, v10;
	v8 =	vadd.f32 v16, v8  }
0x20b: {  	v14 =	vld [tilespmem:s16+$0x61E0];
	v9 =	vadd.f32 v25, v9;
	v11 =	vadd.f32 v17, v11  }
0x20c: {  	v15 =	vld [tilespmem:s16+$0x61F0];
	[tilespmem:$0x8100] =	vst v2;
	v10 =	vadd.f32 v21, v10;
	v3 =	vadd.f32 v3, v8  }
0x20d: {  	[tilespmem:$0x8110] =	vst v4;
	v2 =	vadd.f32 v22, v9;
	v7 =	vadd.f32 v7, v11  }
0x20e: {  	[tilespmem:$0x8120] =	vst v5;
	v4 =	vadd.f32 v13, v10;
	v0 =	vadd.f32 v0, v3  }
0x20f: {  	[tilespmem:$0x8130] =	vst v6;
	v2 =	vadd.f32 v12, v2;
	v1 =	vadd.f32 v1, v7  }
0x210: {  	v3 =	vadd.f32 v14, v4;
	[tilespmem:$0x8140] =	vst v0  }
0x211: {  	v0 =	vadd.f32 v15, v2;
	[tilespmem:$0x8150] =	vst v1  }
0x212: {  	[tilespmem:$0x8160] =	vst v3  }
0x213: {  	s16 =	simm.s32 $0x0;
	[tilespmem:$0x8170] =	vst v0  }
0x214: {  	v2 =	vld [tilespmem:s16+$0x7180]  }
0x215: {  	v4 =	vld [tilespmem:s16+$0x7190]  }
0x216: {  	v5 =	vld [tilespmem:s16+$0x71A0]  }
0x217: {  	v6 =	vld [tilespmem:s16+$0x71B0]  }
0x218: {  	v0 =	vld [tilespmem:s16+$0x71C0]  }
0x219: {  	v1 =	vld [tilespmem:s16+$0x71D0]  }
0x21a: {  	v13 =	vld [tilespmem:s16+$0x7100]  }
0x21b: {  	v15 =	vld [tilespmem:s16+$0x7110]  }
0x21c: {  	v12 =	vld [tilespmem:s16+$0x7120]  }
0x21d: {  	v14 =	vld [tilespmem:s16+$0x7130]  }
0x21e: {  	v3 =	vld [tilespmem:s16+$0x7140]  }
0x21f: {  	v9 =	vld [tilespmem:s16+$0x7080]  }
0x220: {  	v10 =	vld [tilespmem:s16+$0x7090]  }
0x221: {  	v11 =	vld [tilespmem:s16+$0x7000]  }
0x222: {  	v17 =	vld [tilespmem:s16+$0x7010]  }
0x223: {  	v18 =	vld [tilespmem:s16+$0x7020]  }
0x224: {  	v19 =	vld [tilespmem:s16+$0x7030]  }
0x225: {  	v20 =	vld [tilespmem:s16+$0x70A0]  }
0x226: {  	v24 =	vld [tilespmem:s16+$0x70B0]  }
0x227: {  	v8 =	vimm.f32 $0.0e+00;
	v7 =	vld [tilespmem:s16+$0x7150]  }
0x228: {  	v16 =	vld [tilespmem:s16+$0x70C0];
	v11 =	vadd.f32 v11, v8;
	v22 =	vadd.f32 v17, v8  }
0x229: {  	v17 =	vld [tilespmem:s16+$0x70D0];
	v23 =	vadd.f32 v18, v8;
	v25 =	vadd.f32 v19, v8  }
0x22a: {  	v18 =	vld [tilespmem:s16+$0x7040];
	v21 =	vadd.f32 v9, v11;
	v22 =	vadd.f32 v10, v22  }
0x22b: {  	v19 =	vld [tilespmem:s16+$0x7050];
	v23 =	vadd.f32 v20, v23;
	v24 =	vadd.f32 v24, v25  }
0x22c: {  	s17 =	simm.s32 $0x800;
	v20 =	vld [tilespmem:s16+$0x7060];
	v11 =	vimm.f32 $0.0e+00;
	v10 =	vimm.f32 $0.0e+00;
	v9 =	vimm.f32 $0.0e+00  }
.LBB2_16:
0x22d: {  	p0 =	sne.s32 s17, $0x3800;
	v25 =	vld [tilespmem:s16+$0x7070];
	v13 =	vadd.f32 v13, v21;
	v15 =	vadd.f32 v15, v22  }
0x22e: {  	v21 =	vld [tilespmem:s16+$0x70E0];
	v12 =	vadd.f32 v12, v23;
	v14 =	vadd.f32 v14, v24  }
0x22f: {  	v22 =	vld [tilespmem:s16+$0x70F0];
	v23 =	vadd.f32 v2, v13;
	v24 =	vadd.f32 v4, v15  }
0x230: {  	v13 =	vld [tilespmem:s16+$0x7160];
	v26 =	vadd.f32 v5, v12;
	v27 =	vadd.f32 v6, v14  }
0x231: {  	v2 =	vadd.f32 v18, v8;
	v4 =	vadd.f32 v19, v11;
	v6 =	vld [tilespmem:s16+$0x7170]  }
0x232: {  	v5 =	vadd.f32 v20, v10;
	v8 =	vadd.f32 v25, v9;
	v9 =	vld [tilespmem:s16+$0x71E0]  }
0x233: {  	v10 =	vadd.f32 v16, v2;
	v11 =	vadd.f32 v17, v4;
	v12 =	vld [tilespmem:s16+$0x71F0];
	s16 =	sshra.s32 s17, $0x2  }
0x234: {  	v14 =	vadd.f32 v21, v5;
	v2 =	vld [tilespmem:s16+$0x7180];
	v8 =	vadd.f32 v22, v8  }
0x235: {  	v3 =	vadd.f32 v3, v10;
	v7 =	vadd.f32 v7, v11;
	v4 =	vld [tilespmem:s16+$0x7190]  }
0x236: {  	v10 =	vadd.f32 v13, v14;
	v5 =	vld [tilespmem:s16+$0x71A0];
	v13 =	vadd.f32 v6, v8  }
0x237: {  	v8 =	vadd.f32 v0, v3;
	v11 =	vadd.f32 v1, v7;
	v6 =	vld [tilespmem:s16+$0x71B0]  }
0x238: {  	v10 =	vadd.f32 v9, v10;
	v0 =	vld [tilespmem:s16+$0x71C0];
	v9 =	vadd.f32 v12, v13  }
0x239: {  	v1 =	vld [tilespmem:s16+$0x71D0]  }
0x23a: {  	v13 =	vld [tilespmem:s16+$0x7100]  }
0x23b: {  	v15 =	vld [tilespmem:s16+$0x7110]  }
0x23c: {  	v12 =	vld [tilespmem:s16+$0x7120]  }
0x23d: {  	v14 =	vld [tilespmem:s16+$0x7130]  }
0x23e: {  	v3 =	vld [tilespmem:s16+$0x7140]  }
0x23f: {  	v7 =	vld [tilespmem:s16+$0x7150]  }
0x240: {  	v20 =	vld [tilespmem:s16+$0x7080]  }
0x241: {  	v22 =	vld [tilespmem:s16+$0x7090]  }
0x242: {  	v17 =	vld [tilespmem:s16+$0x7000]  }
0x243: {  	v18 =	vld [tilespmem:s16+$0x7010]  }
0x244: {  	v19 =	vld [tilespmem:s16+$0x7020]  }
0x245: {  	v21 =	vld [tilespmem:s16+$0x7030]  }
0x246: {  	v25 =	vld [tilespmem:s16+$0x70A0]  }
0x247: {  	v28 =	vld [tilespmem:s16+$0x70B0]  }
.Ltmp7:
0x248: {  	v16 =	vld [tilespmem:s16+$0x70C0];
	(pc) =	sbr.rel @p0 .LBB2_16-.Ltmp7, $4  }
0x249: {  	v23 =	vadd.f32 v17, v23;
	v24 =	vadd.f32 v18, v24;
	v17 =	vld [tilespmem:s16+$0x70D0]  }
0x24a: {  	v26 =	vadd.f32 v19, v26;
	v27 =	vadd.f32 v21, v27;
	v18 =	vld [tilespmem:s16+$0x7040]  }
0x24b: {  	v21 =	vadd.f32 v20, v23;
	v22 =	vadd.f32 v22, v24;
	v19 =	vld [tilespmem:s16+$0x7050]  }
0x24c: {  	s17 =	sadd.s32 $0x800, s17;
	v23 =	vadd.f32 v25, v26;
	v20 =	vld [tilespmem:s16+$0x7060];
	v24 =	vadd.f32 v28, v27  }
0x24d: {  	v13 =	vadd.f32 v13, v21;
	v15 =	vadd.f32 v15, v22  }
0x24e: {  	v25 =	vld [tilespmem:s16+$0x7070];
	v12 =	vadd.f32 v12, v23;
	v14 =	vadd.f32 v14, v24  }
0x24f: {  	v54 =	vld [tilespmem:s16+$0x70E0];
	v2 =	vadd.f32 v2, v13;
	v4 =	vadd.f32 v4, v15  }
0x250: {  	v55 =	vld [tilespmem:s16+$0x70F0];
	v8 =	vadd.f32 v18, v8;
	v5 =	vadd.f32 v5, v12  }
0x251: {  	v56 =	vld [tilespmem:s16+$0x7160];
	v6 =	vadd.f32 v6, v14;
	v11 =	vadd.f32 v19, v11  }
0x252: {  	v57 =	vld [tilespmem:s16+$0x7170];
	v10 =	vadd.f32 v20, v10;
	v8 =	vadd.f32 v16, v8  }
0x253: {  	v58 =	vld [tilespmem:s16+$0x71E0];
	v9 =	vadd.f32 v25, v9;
	v11 =	vadd.f32 v17, v11  }
0x254: {  	v59 =	vld [tilespmem:s16+$0x71F0];
	[tilespmem:$0x8180] =	vst v2;
	v10 =	vadd.f32 v54, v10;
	v3 =	vadd.f32 v3, v8  }
0x255: {  	[tilespmem:$0x8190] =	vst v4;
	v60 =	vadd.f32 v55, v9;
	v7 =	vadd.f32 v7, v11  }
0x256: {  	[tilespmem:$0x81A0] =	vst v5;
	v61 =	vadd.f32 v56, v10;
	v0 =	vadd.f32 v0, v3  }
0x257: {  	[tilespmem:$0x81B0] =	vst v6;
	v2 =	vadd.f32 v57, v60;
	v1 =	vadd.f32 v1, v7  }
0x258: {  	v62 =	vadd.f32 v58, v61;
	[tilespmem:$0x81C0] =	vst v0  }
0x259: {  	s14 =	sadd.s32 $0x1, s14;
	v63 =	vadd.f32 v59, v2;
	[tilespmem:$0x81D0] =	vst v1  }
0x25a: {  	s15 =	sshll.u32 s15, $0x4;
	p0 =	sne.s32 s14, $0x28;
	[tilespmem:$0x81E0] =	vst v62  }
.Ltmp8:
0x25b: {  	s15 =	sadd.s32 s3, s15;
	[tilespmem:$0x81F0] =	vst v63;
	(pc) =	sbr.rel @p0 .LBB2_1-.Ltmp8, $4  }
0x25c: {  	[hbm4b:s15+s4] =	stream.linear.scatter [tilespmem:s10], [sflag:$0x3], $0x200, $0x38;
	[tilespmem:$0x8200] =	vst v63  }
0x25d: {  	_ =	swait.ge [sflag:s13], $0x200  }
0x25e: {  	[sflag:s13] =	ssyncset.done $0x0  }
0x25f: {  	[sflag:s13] =	ssyncadd.s32 $0xFFFFFE00  }
0x260: {  	_ =	sfence.sel $0x180000  }
0x261: {  	[bflag:$0x0] =	sbarrier.arrive $0xFFFF  }
0x262: {  	p0 =	sne.s32 s1, $0x0;
	_ =	strace $0x9000004A  }
0x263: {  	s0 =	sadd.s32 @!p0 $0x100000, s0;
	[bflag:$0x2] =	sbarrier.arrive $0xFFFF  }
0x264: {  	[sflag:s0] =	ssyncadd.tile.s32 @!p0 $0x1;
	_ =	shalt  }
.Lfunc_end2:
_tile_overlayer_lowered:
.L_overlay_start_2:
0x265: {  	(tag) =	ssettag $0x2  }
0x266: {  	s0 =	rddreg [dreg:$0x0];
	s2 =	stileid.u32  }
0x267: {  	s1 =	rddreg [dreg:$0x1];
	p0 =	sne.s32 s2, $0x0  }
0x268: {  	s3 =	rddreg [dreg:$0x2];
	[bflag:$0x3] =	sbarrier.arrive $0xFFFF;
	s2 =	simm.s32 @!p0 $0x1C03  }
0x269: {  	[timem:s3], [sflag:s2] =	dma.local @!p0 [hbm:s0], s1  }
0x26a: {  	s0 =	simm.s32 @!p0 $0x3  }
0x26b: {  	_ =	swait.ge @!p0 [sflag:s0], s1  }
0x26c: {  	s1 =	ssub.s32 @!p0 $0x0, s1;
	[sflag:s0] =	ssyncset.done @!p0 $0x0  }
0x26d: {  	[sflag:s0] =	ssyncadd.s32 @!p0 s1  }
0x26e: {  	[bflag:$0x3] =	sbarrier.arrive $0xFFFF  }
0x26f: {  	_ =	shalt  }

// kernel: kernel.9.cloned.1.call-start
scs
__scs_entry_jumppad:
0x0: {  	(pc) =	sbr.rel $0x88, $3  }
0x1: {  	(tag) =	ssettag $0x0;
	lr =	simm.s32 $0x1  }
0x2: {  	[smem:$0x3F89] =	sst lr;
	_ =	strace $0xD0000000  }
0x3: {  	_ = 	snop  }
0x4: {  	_ = 	snop  }
0x5: {  	_ = 	snop  }
0x6: {  	_ = 	snop  }
0x7: {  	_ = 	snop  }
__scs_overlays_trampoline_lowered:
0x8: {  	[smem:$0x3F98] =	sst s0  }
0x9: {  	[smem:$0x3F99] =	sst s1  }
0xa: {  	[smem:$0x3F9A] =	sst s2  }
0xb: {  	[smem:$0x3F9B] =	sst s3  }
0xc: {  	[smem:$0x3F9C] =	sst s4  }
0xd: {  	[smem:$0x3F9D] =	sst s5  }
0xe: {  	[smem:$0x3F9E] =	sst s6  }
0xf: {  	[smem:$0x3F9F] =	sst s7  }
0x10: {  	[smem:$0x3FA0] =	sst s8  }
0x11: {  	[smem:$0x3FA1] =	sst s9;
	s0 =	simm.s32 @!p0 $0x0  }
0x12: {  	s1 =	sld [smem:$0x3F87];
	s0 =	simm.s32 @p0 $0x1  }
0x13: {  	[smem:$0x3FA2] =	sst s0;
	s0 =	simm.s32 @!p1 $0x0  }
0x14: {  	s2 =	sld [smem:$0x3F86];
	s0 =	simm.s32 @p1 $0x1  }
0x15: {  	[smem:$0x3FA3] =	sst s0;
	s0 =	simm.s32 @!p2 $0x0  }
0x16: {  	s3 =	sld [smem:$0x3FDB];
	s0 =	simm.s32 @p2 $0x1  }
0x17: {  	s4 =	simm.s32 $0x1BF5;
	[smem:$0x3FA5] =	sst s0  }
0x18: {  	s0 =	sld [smem:$0x3F88];
	_ =	swait.ge [sflag:s4], $0x0  }
0x19: {  	s7 =	sld [smem:$0x3F89]  }
0x1a: {  	s8 =	sadd.s32 $0xFFFFE003, lr  }
0x1b: {  	s9 =	sadd.s32 $0xFFFFFEF7, lr;
	s5 =	simm.s32 $0xFFFFFFFF;
	p2 =	slt.u32 s8, $0xFFFFF086  }
0x1c: {  	p1 =	slt.u32 s9, $0xF7A;
	s5 =	simm.s32 @!p2 $0x0  }
0x1d: {  	s5 =	simm.s32 @p1 $0x1;
	p0 =	seq.s32 s7, s2  }
0x1e: {  	s7 =	smul.u32 @!p0 $0xF7A, s2;
	p2 =	seq.s32 @!p0 s5, $0x0  }
0x1f: {  	s9 =	smul.u32 $0xF7A, s1;
	s8 =	simm.s32 @!p0 $0x1BF5;
	p2 =	por !p2, p0  }
0x20: {  	[sflag:s8] =	ssyncset.s32 @!p0 $0xFFFFF086;
	s6 =	sadd.s32 @!p0 s3, s7;
	s7 =	simm.s32 @!p0 $0x108  }
0x21: {  	s3 =	sadd.s32 s3, s9;
	s6 =	sadd.s32 @!p0 $0x88, s6;
	s7 =	simm.s32 @p2 $0x1082  }
0x22: {  	[simem:s7], [sflag:s8] =	dma.local @!p0 [hbm:s6], $0xF7A  }
0x23: {  	s9 =	sor.u32 $0xD0000000, s2;
	s6 =	simm.s32 $0x108;
	_ =	swait.ge @!p0 [sflag:s8], $0x0  }
0x24: {  	s3 =	sadd.s32 $0x88, s3;
	s6 =	simm.s32 @!p1 $0x1082;
	[sflag:s4] =	ssyncset.s32 $0xFFFFF086  }
0x25: {  	[simem:s6], [sflag:s4] =	dma.local [hbm:s3], $0xF7A  }
0x26: {  	[smem:$0x3F89] =	sst s1;
	(tag) =	ssettag s2;
	_ =	strace s9  }
0x27: {  	s1 =	sld [smem:$0x3F99]  }
0x28: {  	s2 =	sld [smem:$0x3F9A]  }
0x29: {  	s4 =	sld [smem:$0x3F9C]  }
0x2a: {  	p0 =	seq.s32 s5, $0x0;
	s5 =	sld [smem:$0x3F9D]  }
0x2b: {  	s6 =	sld [smem:$0x3F9E]  }
0x2c: {  	s7 =	sld [smem:$0x3F9F]  }
0x2d: {  	s3 =	simm.s32 $0x108;
	s8 =	sld [smem:$0x3FA0]  }
0x2e: {  	s3 =	simm.s32 @!p0 $0x1082;
	s9 =	sld [smem:$0x3FA1]  }
0x2f: {  	lr =	sadd.s32 s0, s3;
	s0 =	sld [smem:$0x3F98]  }
0x30: {  	s3 =	sld [smem:$0x3F9B]  }
0x31: {  	[smem:$0x3FA4] =	sst s10  }
0x32: {  	s10 =	sld [smem:$0x3FA2];
	_ =	sdelay $0x3  }
0x33: {  	p0 =	seq.s32 s10, $0x1;
	s10 =	sld [smem:$0x3FA4];
	_ =	sdelay $0x3  }
0x34: {  	[smem:$0x3FA4] =	sst s10  }
0x35: {  	s10 =	sld [smem:$0x3FA3];
	_ =	sdelay $0x3  }
0x36: {  	p1 =	seq.s32 s10, $0x1;
	s10 =	sld [smem:$0x3FA4];
	_ =	sdelay $0x3  }
0x37: {  	[smem:$0x3FA4] =	sst s10  }
0x38: {  	s10 =	sld [smem:$0x3FA5]  }
0x39: {  	_ = 	snop;
	(pc) =	sbr.ind lr, $3  }
0x3a: {  	_ = 	snop  }
0x3b: {  	_ = 	snop  }
0x3c: {  	p2 =	seq.s32 s10, $0x1;
	s10 =	sld [smem:$0x3FA4]  }
0x3d: {  	_ =	shalt  }
0x3e: {  	_ =	shalt  }
0x3f: {  	_ =	shalt  }
0x40: {  	_ =	shalt  }
0x41: {  	_ =	shalt  }
0x42: {  	_ =	shalt  }
0x43: {  	_ =	shalt  }
0x44: {  	_ =	shalt  }
0x45: {  	_ =	shalt  }
0x46: {  	_ =	shalt  }
0x47: {  	_ =	shalt  }
0x48: {  	_ =	shalt  }
0x49: {  	_ =	shalt  }
0x4a: {  	_ =	shalt  }
0x4b: {  	_ =	shalt  }
0x4c: {  	_ =	shalt  }
0x4d: {  	_ =	shalt  }
0x4e: {  	_ =	shalt  }
0x4f: {  	_ =	shalt  }
0x50: {  	_ =	shalt  }
0x51: {  	_ =	shalt  }
0x52: {  	_ =	shalt  }
0x53: {  	_ =	shalt  }
0x54: {  	_ =	shalt  }
0x55: {  	_ =	shalt  }
0x56: {  	_ =	shalt  }
0x57: {  	_ =	shalt  }
0x58: {  	_ =	shalt  }
0x59: {  	_ =	shalt  }
0x5a: {  	_ =	shalt  }
0x5b: {  	_ =	shalt  }
0x5c: {  	_ =	shalt  }
0x5d: {  	_ =	shalt  }
0x5e: {  	_ =	shalt  }
0x5f: {  	_ =	shalt  }
0x60: {  	_ =	shalt  }
0x61: {  	_ =	shalt  }
0x62: {  	_ =	shalt  }
0x63: {  	_ =	shalt  }
0x64: {  	_ =	shalt  }
0x65: {  	_ =	shalt  }
0x66: {  	_ =	shalt  }
0x67: {  	_ =	shalt  }
0x68: {  	_ =	shalt  }
0x69: {  	_ =	shalt  }
0x6a: {  	_ =	shalt  }
0x6b: {  	_ =	shalt  }
0x6c: {  	_ =	shalt  }
0x6d: {  	_ =	shalt  }
0x6e: {  	_ =	shalt  }
0x6f: {  	_ =	shalt  }
0x70: {  	_ =	shalt  }
0x71: {  	_ =	shalt  }
0x72: {  	_ =	shalt  }
0x73: {  	_ =	shalt  }
0x74: {  	_ =	shalt  }
0x75: {  	_ =	shalt  }
0x76: {  	_ =	shalt  }
0x77: {  	_ =	shalt  }
0x78: {  	_ =	shalt  }
0x79: {  	_ =	shalt  }
0x7a: {  	_ =	shalt  }
0x7b: {  	_ =	shalt  }
0x7c: {  	_ =	shalt  }
0x7d: {  	_ =	shalt  }
0x7e: {  	_ =	shalt  }
0x7f: {  	_ =	shalt  }
0x80: {  	_ =	shalt  }
0x81: {  	_ =	shalt  }
0x82: {  	_ =	shalt  }
0x83: {  	_ =	shalt  }
0x84: {  	_ =	shalt  }
0x85: {  	_ =	shalt  }
0x86: {  	_ =	shalt  }
0x87: {  	_ =	shalt  }
.Lfunc_end0:
.L_simem_size_0:
called_computation.1_lowered:
.L_overlay_start_0:
0x88: {  	s0 =	sld [smem:$0x3FD9]  }
0x89: {  	s1 =	sld [smem:$0x3FFE];
	_ =	sdelay $0x3  }
0x8a: {  	s0 =	sadd.s32 s1, s0  }
0x8b: {  	[smem:$0x3FB0] =	sst s0  }
0x8c: {  	_ = 	snop  }
0x8d: {  	s0 =	sld [smem:$0x3FD0];
	_ =	sdelay $0x2  }
0x8e: {  	s2 =	simm.s32 $0xB;
	s3 =	simm.s32 $0x10;
	s14 =	sld [smem:$0x3FC8]  }
0x8f: {  	[smem:s3], [sflag:s2] =	dma.local [hbm:s0], $0x1  }
0x90: {  	_ =	swait.eq [sflag:s2], $0x1  }
0x91: {  	[sflag:s2] =	ssyncset.done $0x0  }
0x92: {  	[sflag:s2] =	ssyncadd.s32 $0xFFFFFFFF  }
0x93: {  	s15 =	sld [smem:$0x10];
	(tm) =	ssettm $0x1  }
0x94: {  	s16 =	sld [smem:$0x3FFB];
	_ =	sdelay $0x3  }
0x95: {  	_ =	strace s16  }
0x96: {  	s2 =	sld [smem:$0x3FFC];
	_ =	sdelay $0x3  }
0x97: {  	_ =	strace s2  }
0x98: {  	s2 =	sld [smem:$0x3FFD];
	_ =	sdelay $0x3  }
0x99: {  	_ =	strace s2  }
0x9a: {  	_ =	strace $0x8FFFFFFF  }
0x9b: {  	s17 =	sld [smem:$0x3FDB];
	_ =	sdelay $0x1  }
0x9c: {  	s18 =	simm.s32 $_scs_section_size  }
0x9d: {  	s4 =	simm.s32 $_size__tile_overlayer_lowered;
	s5 =	simm.s32 $_tile_overlayer_lowered  }
0x9e: {  	s21 =	simm.s32 $0x1BFF;
	s20 =	sshll.u32 s5, $0x1;
	s2 =	sadd.s32 s18, s17  }
0x9f: {  	s6 =	simm.s32 $0x0;
	s19 =	sshll.u32 s4, $0x1;
	s4 =	sadd.s32 s20, s2  }
0xa0: {  	[timem:s6], [sflag:s21] =	dma.local [hbm:s4], s19  }
0xa1: {  	_ =	swait.ge [sflag:s21], s19  }
0xa2: {  	s3 =	ssub.s32 $0x0, s19;
	[sflag:s21] =	ssyncset.done $0x0  }
0xa3: {  	[sflag:s21] =	ssyncadd.s32 s3;
	_ =	sdelay $0x1  }
0xa4: {  	s22 =	simm.s32 $0x1B8B  }
0xa5: {  	_ =	swait.ge [sflag:s22], $0x1  }
0xa6: {  	[sflag:s22] =	ssyncset.done $0x0  }
0xa7: {  	s23 =	simm.s32 $0x1B8E;
	[sflag:s22] =	ssyncadd.s32 $0xFFFFFFFF  }
0xa8: {  	s24 =	simm.s32 $execute0_lowered;
	[smem:$0x3FD2] =	sst s23  }
0xa9: {  	s3 =	sshll.u32 s24, $0x1;
	_ =	strace $0x80000046;
	[dreg:$0x1] =	wrdreg $0xFFFFFFFF  }
0xaa: {  	s25 =	simm.s32 $_size_execute0_lowered;
	s2 =	sadd.s32 s2, s3;
	[dreg:$0x0] =	wrdreg $0x0  }
0xab: {  	s3 =	sshll.u32 s25, $0x1;
	[dreg:$0x2] =	wrdreg s2  }
0xac: {  	[dreg:$0x3] =	wrdreg s3  }
0xad: {  	[dreg:$0x4] =	wrdreg $0xC0  }
0xae: {  	_ =	task [dreg:s6], $0x5FFFF  }
0xaf: {  	[dreg:$0x1] =	wrdreg $0xFFFFFFFF  }
0xb0: {  	[dreg:$0x0] =	wrdreg $0x60  }
0xb1: {  	[dreg:$0x2] =	wrdreg s14  }
0xb2: {  	[dreg:$0x3] =	wrdreg s15  }
0xb3: {  	[dreg:$0x4] =	wrdreg $0xA  }
0xb4: {  	_ =	task.clear_ibuf [dreg:s6], $0x5FFFF;
	_ =	strace $0x90000046  }
0xb5: {  	s26 =	simm.s32 $0xA;
	_ =	strace $0x80000048  }
0xb6: {  	_ =	swait.ge [sflag:s26], $0x1  }
0xb7: {  	[sflag:s26] =	ssyncadd.s32 $0xFFFFFFFF  }
0xb8: {  	_ =	strace $0x90000048  }
0xb9: {  	_ =	sfence  }
0xba: {  	s28 =	sld [smem:$0x0];
	_ =	sdelay $0x1  }
0xbb: {  	s29 =	srdreg.scid  }
0xbc: {  	s30 =	sshll.u32 s29, $0xD;
	s31 =	sshrl.u32 s29, $0x2  }
0xbd: {  	s1 =	sand.u32 $0x1, s29;
	s2 =	sand.u32 $0x4000, s30;
	s0 =	sadd.s32 s31, s28  }
0xbe: {  	s1 =	sor.u32 s2, s1;
	s0 =	sshll.u32 s0, $0x11  }
0xbf: {  	s0 =	sor.u32 s0, s1  }
0xc0: {  	s0 =	sadd.s32 $0x8F2B, s0  }
0xc1: {  	[sflag:s0] =	ssyncadd.remote.s32 $0x1  }
0xc2: {  	_ =	sfence.sel $0xFFFF  }
0xc3: {  	[dreg:$0x0] =	wrdreg $0xFFFFFFFF;
	(pc) =	sbr.abs _section_cstart, $3  }
0xc4: {  	[dreg:$0x1] =	wrdreg $0xFFFFFFFF  }
0xc5: {  	_ =	task.clear_ibuf [dreg:s6], $0x2FFFF;
	_ =	strace $0x9FFFFFFF  }
0xc6: {  	(tm) =	ssettm $0x7FFFFFFF  }
0xc7: {  	_ =	shalt  }
tec
execute0_lowered:
.L_overlay_start_1:
0x0: {  	(tag) =	ssettag $0x1  }
0x1: {  	s2 =	rddreg [dreg:$0x0]  }
0x2: {  	s3 =	rddreg [dreg:$0x1]  }
0x3: {  	s0 =	stileid.u32;
	s1 =	rddreg [dreg:$0x2]  }
0x4: {  	s5 =	simm.s32 $0x0;
	s10 =	simm.s32 $0x8000;
	s4 =	smul.u32 $0x13C, s0  }
0x5: {  	s11 =	simm.s32 $0x4;
	s12 =	simm.s32 $0x2;
	s13 =	simm.s32 $0x3  }
.Ltmp0:
0x6: {  	s14 =	simm.s32 $0x0;
	s6 =	sadd.s32 $0x13C0, s4;
	(pc) =	sbr.rel .LBB2_1-.Ltmp0, $4  }
0x7: {  	[smem:$0x7FF] =	sst s5;
	s7 =	sshll.u32 s0, $0x6;
	s8 =	sshll.u32 s6, $0x9  }
0x8: {  	_ =	strace $0x80000047;
	s7 =	sand.u32 $0x40, s7;
	s9 =	sadd.s32 s2, s8  }
0x9: {  	[tilespmem:s5], [sflag:$0x1] =	stream.linear.gather [hbm4b:s9+s5], $0x4000, $0x38;
	[tilespmem:$0x8200] =	vst v63  }
0xa: {  	s7 =	sadd.s32 s3, s7;
	s8 =	sadd.s32 $0x13C8, s4;
	s9 =	simm.s32 $0x1  }
.LBB2_20:
0xb: {  	v13 =	vadd.f32 v13, v21;
	v15 =	vadd.f32 v15, v22  }
0xc: {  	v25 =	vld [tilespmem:s16+$0x7070];
	v12 =	vadd.f32 v12, v23;
	v14 =	vadd.f32 v14, v24  }
0xd: {  	v54 =	vld [tilespmem:s16+$0x70E0];
	v8 =	vadd.f32 v18, v8;
	v11 =	vadd.f32 v19, v11  }
0xe: {  	v55 =	vld [tilespmem:s16+$0x70F0];
	v10 =	vadd.f32 v20, v10;
	v2 =	vadd.f32 v2, v13  }
0xf: {  	v56 =	vld [tilespmem:s16+$0x7160];
	v4 =	vadd.f32 v4, v15;
	v5 =	vadd.f32 v5, v12  }
0x10: {  	v57 =	vld [tilespmem:s16+$0x7170];
	v6 =	vadd.f32 v6, v14;
	v8 =	vadd.f32 v16, v8  }
0x11: {  	v58 =	vld [tilespmem:s16+$0x71E0];
	v11 =	vadd.f32 v17, v11;
	v9 =	vadd.f32 v25, v9  }
0x12: {  	v59 =	vld [tilespmem:s16+$0x71F0];
	v3 =	vadd.f32 v3, v8;
	[tilespmem:$0x8180] =	vst v2;
	v10 =	vadd.f32 v54, v10  }
0x13: {  	v7 =	vadd.f32 v7, v11;
	[tilespmem:$0x8190] =	vst v4;
	v60 =	vadd.f32 v55, v9  }
0x14: {  	[tilespmem:$0x81A0] =	vst v5;
	v0 =	vadd.f32 v0, v3;
	v61 =	vadd.f32 v56, v10  }
0x15: {  	[tilespmem:$0x81B0] =	vst v6;
	v1 =	vadd.f32 v1, v7;
	v2 =	vadd.f32 v57, v60  }
0x16: {  	[tilespmem:$0x81C0] =	vst v0;
	v62 =	vadd.f32 v58, v61  }
0x17: {  	s15 =	sadd.s32 s4, s15;
	[tilespmem:$0x81D0] =	vst v1;
	v63 =	vadd.f32 v59, v2  }
0x18: {  	s15 =	sshll.u32 s15, $0x4;
	[tilespmem:$0x81E0] =	vst v62  }
0x19: {  	s15 =	sadd.s32 s3, s15;
	[tilespmem:$0x81F0] =	vst v63  }
0x1a: {  	[hbm4b:s15+s5] =	stream.linear.scatter [tilespmem:s10], [sflag:$0x3], $0x200, $0x38;
	[tilespmem:$0x8200] =	vst v63  }
0x1b: {  	_ =	swait.ge [sflag:s13], $0x200  }
0x1c: {  	[sflag:s13] =	ssyncset.done $0x0  }
0x1d: {  	[sflag:s13] =	ssyncadd.s32 $0xFFFFFE00  }
.LBB2_21:
0x1e: {  	s14 =	sadd.s32 $0x1, s14  }
0x1f: {  	p0 =	sne.s32 s14, $0x28  }
.Ltmp1:
0x20: {  	_ = 	snop;
	(pc) =	sbr.rel @!p0 .LBB2_22-.Ltmp1, $1  }
0x21: {  	_ =	sdelay $0x3  }
.LBB2_1:
0x22: {  	s16 =	sshll.u32 s14, $0x3  }
0x23: {  	s31 =	sadd.s32 s6, s16  }
0x24: {  	s15 =	sor.u32 $0x4, s16;
	p1 =	sgt.u32 s31, $0x270F  }
.Ltmp2:
0x25: {  	s17 =	sadd.s32 s6, s15;
	(pc) =	sbr.rel @p1 .LBB2_11-.Ltmp2, $4  }
0x26: {  	p0 =	sgt.u32 s17, $0x270F  }
0x27: {  	s17 =	sshll.u32 @!p0 s17, $0x9  }
0x28: {  	s18 =	simm.s32 @!p0 $0x0;
	s19 =	simm.s32 @!p0 $0x4000;
	s17 =	sadd.s32 @!p0 s2, s17  }
0x29: {  	[tilespmem:s19], [sflag:$0x2] =	stream.linear.gather @!p0 [hbm4b:s17+s18], $0x4000, $0x38;
	[tilespmem:$0x8200] =	vst v63  }
0x2a: {  	_ =	swait.ge [sflag:s9], $0x4000  }
0x2b: {  	[sflag:s9] =	ssyncset.done $0x0  }
0x2c: {  	s17 =	simm.s32 $0x0;
	[sflag:s9] =	ssyncadd.s32 $0xFFFFC000  }
0x2d: {  	v2 =	vld [tilespmem:s17+$0x180]  }
0x2e: {  	v4 =	vld [tilespmem:s17+$0x190]  }
0x2f: {  	v5 =	vld [tilespmem:s17+$0x1A0]  }
0x30: {  	v6 =	vld [tilespmem:s17+$0x1B0]  }
0x31: {  	v0 =	vld [tilespmem:s17+$0x1C0]  }
0x32: {  	v1 =	vld [tilespmem:s17+$0x1D0]  }
0x33: {  	v13 =	vld [tilespmem:s17+$0x100]  }
0x34: {  	v15 =	vld [tilespmem:s17+$0x110]  }
0x35: {  	v12 =	vld [tilespmem:s17+$0x120]  }
0x36: {  	v14 =	vld [tilespmem:s17+$0x130]  }
0x37: {  	v3 =	vld [tilespmem:s17+$0x140]  }
0x38: {  	v9 =	vld [tilespmem:s17+$0x80]  }
0x39: {  	v10 =	vld [tilespmem:s17+$0x90]  }
0x3a: {  	v11 =	vld [tilespmem:s17+$0x0]  }
0x3b: {  	v17 =	vld [tilespmem:s17+$0x10]  }
0x3c: {  	v18 =	vld [tilespmem:s17+$0x20]  }
0x3d: {  	v19 =	vld [tilespmem:s17+$0x30]  }
0x3e: {  	v20 =	vld [tilespmem:s17+$0xA0]  }
0x3f: {  	v24 =	vld [tilespmem:s17+$0xB0]  }
0x40: {  	v8 =	vimm.f32 $0.0e+00;
	v7 =	vld [tilespmem:s17+$0x150]  }
0x41: {  	v16 =	vld [tilespmem:s17+$0xC0];
	v11 =	vadd.f32 v11, v8;
	v22 =	vadd.f32 v17, v8  }
0x42: {  	v17 =	vld [tilespmem:s17+$0xD0];
	v23 =	vadd.f32 v18, v8;
	v25 =	vadd.f32 v19, v8  }
0x43: {  	v18 =	vld [tilespmem:s17+$0x40];
	v21 =	vadd.f32 v9, v11;
	v22 =	vadd.f32 v10, v22  }
0x44: {  	v19 =	vld [tilespmem:s17+$0x50];
	v23 =	vadd.f32 v20, v23;
	v24 =	vadd.f32 v24, v25  }
0x45: {  	s18 =	simm.s32 $0x800;
	v20 =	vld [tilespmem:s17+$0x60];
	v11 =	vimm.f32 $0.0e+00;
	v10 =	vimm.f32 $0.0e+00;
	v9 =	vimm.f32 $0.0e+00  }
.LBB2_3:
0x46: {  	p1 =	sne.s32 s18, $0x3800;
	v25 =	vld [tilespmem:s17+$0x70];
	v13 =	vadd.f32 v13, v21;
	v15 =	vadd.f32 v15, v22  }
0x47: {  	v21 =	vld [tilespmem:s17+$0xE0];
	v12 =	vadd.f32 v12, v23;
	v14 =	vadd.f32 v14, v24  }
0x48: {  	v22 =	vld [tilespmem:s17+$0xF0];
	v23 =	vadd.f32 v2, v13;
	v24 =	vadd.f32 v4, v15  }
0x49: {  	v13 =	vld [tilespmem:s17+$0x160];
	v26 =	vadd.f32 v5, v12;
	v27 =	vadd.f32 v6, v14  }
0x4a: {  	v2 =	vadd.f32 v18, v8;
	v4 =	vadd.f32 v19, v11;
	v6 =	vld [tilespmem:s17+$0x170]  }
0x4b: {  	v5 =	vadd.f32 v20, v10;
	v8 =	vadd.f32 v25, v9;
	v9 =	vld [tilespmem:s17+$0x1E0]  }
0x4c: {  	v10 =	vadd.f32 v16, v2;
	v11 =	vadd.f32 v17, v4;
	v12 =	vld [tilespmem:s17+$0x1F0];
	s17 =	sshra.s32 s18, $0x2  }
0x4d: {  	v14 =	vadd.f32 v21, v5;
	v2 =	vld [tilespmem:s17+$0x180];
	v8 =	vadd.f32 v22, v8  }
0x4e: {  	v3 =	vadd.f32 v3, v10;
	v7 =	vadd.f32 v7, v11;
	v4 =	vld [tilespmem:s17+$0x190]  }
0x4f: {  	v10 =	vadd.f32 v13, v14;
	v5 =	vld [tilespmem:s17+$0x1A0];
	v13 =	vadd.f32 v6, v8  }
0x50: {  	v8 =	vadd.f32 v0, v3;
	v11 =	vadd.f32 v1, v7;
	v6 =	vld [tilespmem:s17+$0x1B0]  }
0x51: {  	v10 =	vadd.f32 v9, v10;
	v0 =	vld [tilespmem:s17+$0x1C0];
	v9 =	vadd.f32 v12, v13  }
0x52: {  	v1 =	vld [tilespmem:s17+$0x1D0]  }
0x53: {  	v13 =	vld [tilespmem:s17+$0x100]  }
0x54: {  	v15 =	vld [tilespmem:s17+$0x110]  }
0x55: {  	v12 =	vld [tilespmem:s17+$0x120]  }
0x56: {  	v14 =	vld [tilespmem:s17+$0x130]  }
0x57: {  	v3 =	vld [tilespmem:s17+$0x140]  }
0x58: {  	v7 =	vld [tilespmem:s17+$0x150]  }
0x59: {  	v20 =	vld [tilespmem:s17+$0x80]  }
0x5a: {  	v22 =	vld [tilespmem:s17+$0x90]  }
0x5b: {  	v17 =	vld [tilespmem:s17+$0x0]  }
0x5c: {  	v18 =	vld [tilespmem:s17+$0x10]  }
0x5d: {  	v19 =	vld [tilespmem:s17+$0x20]  }
0x5e: {  	v21 =	vld [tilespmem:s17+$0x30]  }
0x5f: {  	v25 =	vld [tilespmem:s17+$0xA0]  }
0x60: {  	v28 =	vld [tilespmem:s17+$0xB0]  }
.Ltmp3:
0x61: {  	v16 =	vld [tilespmem:s17+$0xC0];
	(pc) =	sbr.rel @p1 .LBB2_3-.Ltmp3, $4  }
0x62: {  	v23 =	vadd.f32 v17, v23;
	v24 =	vadd.f32 v18, v24;
	v17 =	vld [tilespmem:s17+$0xD0]  }
0x63: {  	v26 =	vadd.f32 v19, v26;
	v27 =	vadd.f32 v21, v27;
	v18 =	vld [tilespmem:s17+$0x40]  }
0x64: {  	v21 =	vadd.f32 v20, v23;
	v22 =	vadd.f32 v22, v24;
	v19 =	vld [tilespmem:s17+$0x50]  }
0x65: {  	s18 =	sadd.s32 $0x800, s18;
	v23 =	vadd.f32 v25, v26;
	v20 =	vld [tilespmem:s17+$0x60];
	v24 =	vadd.f32 v28, v27  }
0x66: {  	v13 =	vadd.f32 v13, v21;
	v15 =	vadd.f32 v15, v22  }
0x67: {  	v25 =	vld [tilespmem:s17+$0x70];
	v12 =	vadd.f32 v12, v23;
	v14 =	vadd.f32 v14, v24  }
0x68: {  	v21 =	vld [tilespmem:s17+$0xE0];
	v2 =	vadd.f32 v2, v13;
	v4 =	vadd.f32 v4, v15  }
0x69: {  	v22 =	vld [tilespmem:s17+$0xF0];
	v8 =	vadd.f32 v18, v8;
	v5 =	vadd.f32 v5, v12  }
0x6a: {  	v13 =	vld [tilespmem:s17+$0x160];
	v6 =	vadd.f32 v6, v14;
	v11 =	vadd.f32 v19, v11  }
0x6b: {  	v12 =	vld [tilespmem:s17+$0x170];
	v10 =	vadd.f32 v20, v10;
	v8 =	vadd.f32 v16, v8  }
0x6c: {  	v14 =	vld [tilespmem:s17+$0x1E0];
	v9 =	vadd.f32 v25, v9;
	v11 =	vadd.f32 v17, v11  }
0x6d: {  	v15 =	vld [tilespmem:s17+$0x1F0];
	[tilespmem:$0x8000] =	vst v2;
	v10 =	vadd.f32 v21, v10;
	v3 =	vadd.f32 v3, v8  }
0x6e: {  	[tilespmem:$0x8010] =	vst v4;
	v2 =	vadd.f32 v22, v9;
	v7 =	vadd.f32 v7, v11  }
0x6f: {  	[tilespmem:$0x8020] =	vst v5;
	v4 =	vadd.f32 v13, v10;
	v0 =	vadd.f32 v0, v3  }
0x70: {  	[tilespmem:$0x8030] =	vst v6;
	v2 =	vadd.f32 v12, v2;
	v1 =	vadd.f32 v1, v7  }
0x71: {  	v3 =	vadd.f32 v14, v4;
	[tilespmem:$0x8040] =	vst v0  }
0x72: {  	v0 =	vadd.f32 v15, v2;
	[tilespmem:$0x8050] =	vst v1  }
0x73: {  	[tilespmem:$0x8060] =	vst v3  }
0x74: {  	s17 =	simm.s32 $0x0;
	[tilespmem:$0x8070] =	vst v0  }
0x75: {  	v2 =	vld [tilespmem:s17+$0x1180]  }
0x76: {  	v4 =	vld [tilespmem:s17+$0x1190]  }
0x77: {  	v5 =	vld [tilespmem:s17+$0x11A0]  }
0x78: {  	v6 =	vld [tilespmem:s17+$0x11B0]  }
0x79: {  	v0 =	vld [tilespmem:s17+$0x11C0]  }
0x7a: {  	v1 =	vld [tilespmem:s17+$0x11D0]  }
0x7b: {  	v13 =	vld [tilespmem:s17+$0x1100]  }
0x7c: {  	v15 =	vld [tilespmem:s17+$0x1110]  }
0x7d: {  	v12 =	vld [tilespmem:s17+$0x1120]  }
0x7e: {  	v14 =	vld [tilespmem:s17+$0x1130]  }
0x7f: {  	v3 =	vld [tilespmem:s17+$0x1140]  }
0x80: {  	v9 =	vld [tilespmem:s17+$0x1080]  }
0x81: {  	v10 =	vld [tilespmem:s17+$0x1090]  }
0x82: {  	v11 =	vld [tilespmem:s17+$0x1000]  }
0x83: {  	v17 =	vld [tilespmem:s17+$0x1010]  }
0x84: {  	v18 =	vld [tilespmem:s17+$0x1020]  }
0x85: {  	v19 =	vld [tilespmem:s17+$0x1030]  }
0x86: {  	v20 =	vld [tilespmem:s17+$0x10A0]  }
0x87: {  	v24 =	vld [tilespmem:s17+$0x10B0]  }
0x88: {  	v8 =	vimm.f32 $0.0e+00;
	v7 =	vld [tilespmem:s17+$0x1150]  }
0x89: {  	v16 =	vld [tilespmem:s17+$0x10C0];
	v11 =	vadd.f32 v11, v8;
	v22 =	vadd.f32 v17, v8  }
0x8a: {  	v17 =	vld [tilespmem:s17+$0x10D0];
	v23 =	vadd.f32 v18, v8;
	v25 =	vadd.f32 v19, v8  }
0x8b: {  	v18 =	vld [tilespmem:s17+$0x1040];
	v21 =	vadd.f32 v9, v11;
	v22 =	vadd.f32 v10, v22  }
0x8c: {  	v19 =	vld [tilespmem:s17+$0x1050];
	v23 =	vadd.f32 v20, v23;
	v24 =	vadd.f32 v24, v25  }
0x8d: {  	s18 =	simm.s32 $0x800;
	v20 =	vld [tilespmem:s17+$0x1060];
	v11 =	vimm.f32 $0.0e+00;
	v10 =	vimm.f32 $0.0e+00;
	v9 =	vimm.f32 $0.0e+00  }
.LBB2_5:
0x8e: {  	p1 =	sne.s32 s18, $0x3800;
	v25 =	vld [tilespmem:s17+$0x1070];
	v13 =	vadd.f32 v13, v21;
	v15 =	vadd.f32 v15, v22  }
0x8f: {  	v21 =	vld [tilespmem:s17+$0x10E0];
	v12 =	vadd.f32 v12, v23;
	v14 =	vadd.f32 v14, v24  }
0x90: {  	v22 =	vld [tilespmem:s17+$0x10F0];
	v23 =	vadd.f32 v2, v13;
	v24 =	vadd.f32 v4, v15  }
0x91: {  	v13 =	vld [tilespmem:s17+$0x1160];
	v26 =	vadd.f32 v5, v12;
	v27 =	vadd.f32 v6, v14  }
0x92: {  	v2 =	vadd.f32 v18, v8;
	v4 =	vadd.f32 v19, v11;
	v6 =	vld [tilespmem:s17+$0x1170]  }
0x93: {  	v5 =	vadd.f32 v20, v10;
	v8 =	vadd.f32 v25, v9;
	v9 =	vld [tilespmem:s17+$0x11E0]  }
0x94: {  	v10 =	vadd.f32 v16, v2;
	v11 =	vadd.f32 v17, v4;
	v12 =	vld [tilespmem:s17+$0x11F0];
	s17 =	sshra.s32 s18, $0x2  }
0x95: {  	v14 =	vadd.f32 v21, v5;
	v2 =	vld [tilespmem:s17+$0x1180];
	v8 =	vadd.f32 v22, v8  }
0x96: {  	v3 =	vadd.f32 v3, v10;
	v7 =	vadd.f32 v7, v11;
	v4 =	vld [tilespmem:s17+$0x1190]  }
0x97: {  	v10 =	vadd.f32 v13, v14;
	v5 =	vld [tilespmem:s17+$0x11A0];
	v13 =	vadd.f32 v6, v8  }
0x98: {  	v8 =	vadd.f32 v0, v3;
	v11 =	vadd.f32 v1, v7;
	v6 =	vld [tilespmem:s17+$0x11B0]  }
0x99: {  	v10 =	vadd.f32 v9, v10;
	v0 =	vld [tilespmem:s17+$0x11C0];
	v9 =	vadd.f32 v12, v13  }
0x9a: {  	v1 =	vld [tilespmem:s17+$0x11D0]  }
0x9b: {  	v13 =	vld [tilespmem:s17+$0x1100]  }
0x9c: {  	v15 =	vld [tilespmem:s17+$0x1110]  }
0x9d: {  	v12 =	vld [tilespmem:s17+$0x1120]  }
0x9e: {  	v14 =	vld [tilespmem:s17+$0x1130]  }
0x9f: {  	v3 =	vld [tilespmem:s17+$0x1140]  }
0xa0: {  	v7 =	vld [tilespmem:s17+$0x1150]  }
0xa1: {  	v20 =	vld [tilespmem:s17+$0x1080]  }
0xa2: {  	v22 =	vld [tilespmem:s17+$0x1090]  }
0xa3: {  	v17 =	vld [tilespmem:s17+$0x1000]  }
0xa4: {  	v18 =	vld [tilespmem:s17+$0x1010]  }
0xa5: {  	v19 =	vld [tilespmem:s17+$0x1020]  }
0xa6: {  	v21 =	vld [tilespmem:s17+$0x1030]  }
0xa7: {  	v25 =	vld [tilespmem:s17+$0x10A0]  }
0xa8: {  	v28 =	vld [tilespmem:s17+$0x10B0]  }
.Ltmp4:
0xa9: {  	v16 =	vld [tilespmem:s17+$0x10C0];
	(pc) =	sbr.rel @p1 .LBB2_5-.Ltmp4, $4  }
0xaa: {  	v23 =	vadd.f32 v17, v23;
	v24 =	vadd.f32 v18, v24;
	v17 =	vld [tilespmem:s17+$0x10D0]  }
0xab: {  	v26 =	vadd.f32 v19, v26;
	v27 =	vadd.f32 v21, v27;
	v18 =	vld [tilespmem:s17+$0x1040]  }
0xac: {  	v21 =	vadd.f32 v20, v23;
	v22 =	vadd.f32 v22, v24;
	v19 =	vld [tilespmem:s17+$0x1050]  }
0xad: {  	s18 =	sadd.s32 $0x800, s18;
	v23 =	vadd.f32 v25, v26;
	v20 =	vld [tilespmem:s17+$0x1060];
	v24 =	vadd.f32 v28, v27  }
0xae: {  	v13 =	vadd.f32 v13, v21;
	v15 =	vadd.f32 v15, v22  }
0xaf: {  	v25 =	vld [tilespmem:s17+$0x1070];
	v12 =	vadd.f32 v12, v23;
	v14 =	vadd.f32 v14, v24  }
0xb0: {  	v21 =	vld [tilespmem:s17+$0x10E0];
	v2 =	vadd.f32 v2, v13;
	v4 =	vadd.f32 v4, v15  }
0xb1: {  	v22 =	vld [tilespmem:s17+$0x10F0];
	v8 =	vadd.f32 v18, v8;
	v5 =	vadd.f32 v5, v12  }
0xb2: {  	v13 =	vld [tilespmem:s17+$0x1160];
	v6 =	vadd.f32 v6, v14;
	v11 =	vadd.f32 v19, v11  }
0xb3: {  	v12 =	vld [tilespmem:s17+$0x1170];
	v10 =	vadd.f32 v20, v10;
	v8 =	vadd.f32 v16, v8  }
0xb4: {  	v14 =	vld [tilespmem:s17+$0x11E0];
	v9 =	vadd.f32 v25, v9;
	v11 =	vadd.f32 v17, v11  }
0xb5: {  	v15 =	vld [tilespmem:s17+$0x11F0];
	[tilespmem:$0x8080] =	vst v2;
	v10 =	vadd.f32 v21, v10;
	v3 =	vadd.f32 v3, v8  }
0xb6: {  	[tilespmem:$0x8090] =	vst v4;
	v2 =	vadd.f32 v22, v9;
	v7 =	vadd.f32 v7, v11  }
0xb7: {  	[tilespmem:$0x80A0] =	vst v5;
	v4 =	vadd.f32 v13, v10;
	v0 =	vadd.f32 v0, v3  }
0xb8: {  	[tilespmem:$0x80B0] =	vst v6;
	v2 =	vadd.f32 v12, v2;
	v1 =	vadd.f32 v1, v7  }
0xb9: {  	v3 =	vadd.f32 v14, v4;
	[tilespmem:$0x80C0] =	vst v0  }
0xba: {  	v0 =	vadd.f32 v15, v2;
	[tilespmem:$0x80D0] =	vst v1  }
0xbb: {  	[tilespmem:$0x80E0] =	vst v3  }
0xbc: {  	s17 =	simm.s32 $0x0;
	[tilespmem:$0x80F0] =	vst v0  }
0xbd: {  	v2 =	vld [tilespmem:s17+$0x2180]  }
0xbe: {  	v4 =	vld [tilespmem:s17+$0x2190]  }
0xbf: {  	v5 =	vld [tilespmem:s17+$0x21A0]  }
0xc0: {  	v6 =	vld [tilespmem:s17+$0x21B0]  }
0xc1: {  	v0 =	vld [tilespmem:s17+$0x21C0]  }
0xc2: {  	v1 =	vld [tilespmem:s17+$0x21D0]  }
0xc3: {  	v13 =	vld [tilespmem:s17+$0x2100]  }
0xc4: {  	v15 =	vld [tilespmem:s17+$0x2110]  }
0xc5: {  	v12 =	vld [tilespmem:s17+$0x2120]  }
0xc6: {  	v14 =	vld [tilespmem:s17+$0x2130]  }
0xc7: {  	v3 =	vld [tilespmem:s17+$0x2140]  }
0xc8: {  	v9 =	vld [tilespmem:s17+$0x2080]  }
0xc9: {  	v10 =	vld [tilespmem:s17+$0x2090]  }
0xca: {  	v11 =	vld [tilespmem:s17+$0x2000]  }
0xcb: {  	v17 =	vld [tilespmem:s17+$0x2010]  }
0xcc: {  	v18 =	vld [tilespmem:s17+$0x2020]  }
0xcd: {  	v19 =	vld [tilespmem:s17+$0x2030]  }
0xce: {  	v20 =	vld [tilespmem:s17+$0x20A0]  }
0xcf: {  	v24 =	vld [tilespmem:s17+$0x20B0]  }
0xd0: {  	v8 =	vimm.f32 $0.0e+00;
	v7 =	vld [tilespmem:s17+$0x2150]  }
0xd1: {  	v16 =	vld [tilespmem:s17+$0x20C0];
	v11 =	vadd.f32 v11, v8;
	v22 =	vadd.f32 v17, v8  }
0xd2: {  	v17 =	vld [tilespmem:s17+$0x20D0];
	v23 =	vadd.f32 v18, v8;
	v25 =	vadd.f32 v19, v8  }
0xd3: {  	v18 =	vld [tilespmem:s17+$0x2040];
	v21 =	vadd.f32 v9, v11;
	v22 =	vadd.f32 v10, v22  }
0xd4: {  	v19 =	vld [tilespmem:s17+$0x2050];
	v23 =	vadd.f32 v20, v23;
	v24 =	vadd.f32 v24, v25  }
0xd5: {  	s18 =	simm.s32 $0x800;
	v20 =	vld [tilespmem:s17+$0x2060];
	v11 =	vimm.f32 $0.0e+00;
	v10 =	vimm.f32 $0.0e+00;
	v9 =	vimm.f32 $0.0e+00  }
.LBB2_7:
0xd6: {  	p1 =	sne.s32 s18, $0x3800;
	v25 =	vld [tilespmem:s17+$0x2070];
	v13 =	vadd.f32 v13, v21;
	v15 =	vadd.f32 v15, v22  }
0xd7: {  	v21 =	vld [tilespmem:s17+$0x20E0];
	v12 =	vadd.f32 v12, v23;
	v14 =	vadd.f32 v14, v24  }
0xd8: {  	v22 =	vld [tilespmem:s17+$0x20F0];
	v23 =	vadd.f32 v2, v13;
	v24 =	vadd.f32 v4, v15  }
0xd9: {  	v13 =	vld [tilespmem:s17+$0x2160];
	v26 =	vadd.f32 v5, v12;
	v27 =	vadd.f32 v6, v14  }
0xda: {  	v2 =	vadd.f32 v18, v8;
	v4 =	vadd.f32 v19, v11;
	v6 =	vld [tilespmem:s17+$0x2170]  }
0xdb: {  	v5 =	vadd.f32 v20, v10;
	v8 =	vadd.f32 v25, v9;
	v9 =	vld [tilespmem:s17+$0x21E0]  }
0xdc: {  	v10 =	vadd.f32 v16, v2;
	v11 =	vadd.f32 v17, v4;
	v12 =	vld [tilespmem:s17+$0x21F0];
	s17 =	sshra.s32 s18, $0x2  }
0xdd: {  	v14 =	vadd.f32 v21, v5;
	v2 =	vld [tilespmem:s17+$0x2180];
	v8 =	vadd.f32 v22, v8  }
0xde: {  	v3 =	vadd.f32 v3, v10;
	v7 =	vadd.f32 v7, v11;
	v4 =	vld [tilespmem:s17+$0x2190]  }
0xdf: {  	v10 =	vadd.f32 v13, v14;
	v5 =	vld [tilespmem:s17+$0x21A0];
	v13 =	vadd.f32 v6, v8  }
0xe0: {  	v8 =	vadd.f32 v0, v3;
	v11 =	vadd.f32 v1, v7;
	v6 =	vld [tilespmem:s17+$0x21B0]  }
0xe1: {  	v10 =	vadd.f32 v9, v10;
	v0 =	vld [tilespmem:s17+$0x21C0];
	v9 =	vadd.f32 v12, v13  }
0xe2: {  	v1 =	vld [tilespmem:s17+$0x21D0]  }
0xe3: {  	v13 =	vld [tilespmem:s17+$0x2100]  }
0xe4: {  	v15 =	vld [tilespmem:s17+$0x2110]  }
0xe5: {  	v12 =	vld [tilespmem:s17+$0x2120]  }
0xe6: {  	v14 =	vld [tilespmem:s17+$0x2130]  }
0xe7: {  	v3 =	vld [tilespmem:s17+$0x2140]  }
0xe8: {  	v7 =	vld [tilespmem:s17+$0x2150]  }
0xe9: {  	v20 =	vld [tilespmem:s17+$0x2080]  }
0xea: {  	v22 =	vld [tilespmem:s17+$0x2090]  }
0xeb: {  	v17 =	vld [tilespmem:s17+$0x2000]  }
0xec: {  	v18 =	vld [tilespmem:s17+$0x2010]  }
0xed: {  	v19 =	vld [tilespmem:s17+$0x2020]  }
0xee: {  	v21 =	vld [tilespmem:s17+$0x2030]  }
0xef: {  	v25 =	vld [tilespmem:s17+$0x20A0]  }
0xf0: {  	v28 =	vld [tilespmem:s17+$0x20B0]  }
.Ltmp5:
0xf1: {  	v16 =	vld [tilespmem:s17+$0x20C0];
	(pc) =	sbr.rel @p1 .LBB2_7-.Ltmp5, $4  }
0xf2: {  	v23 =	vadd.f32 v17, v23;
	v24 =	vadd.f32 v18, v24;
	v17 =	vld [tilespmem:s17+$0x20D0]  }
0xf3: {  	v26 =	vadd.f32 v19, v26;
	v27 =	vadd.f32 v21, v27;
	v18 =	vld [tilespmem:s17+$0x2040]  }
0xf4: {  	v21 =	vadd.f32 v20, v23;
	v22 =	vadd.f32 v22, v24;
	v19 =	vld [tilespmem:s17+$0x2050]  }
0xf5: {  	s18 =	sadd.s32 $0x800, s18;
	v23 =	vadd.f32 v25, v26;
	v20 =	vld [tilespmem:s17+$0x2060];
	v24 =	vadd.f32 v28, v27  }
0xf6: {  	v13 =	vadd.f32 v13, v21;
	v15 =	vadd.f32 v15, v22  }
0xf7: {  	v25 =	vld [tilespmem:s17+$0x2070];
	v12 =	vadd.f32 v12, v23;
	v14 =	vadd.f32 v14, v24  }
0xf8: {  	v21 =	vld [tilespmem:s17+$0x20E0];
	v2 =	vadd.f32 v2, v13;
	v4 =	vadd.f32 v4, v15  }
0xf9: {  	v22 =	vld [tilespmem:s17+$0x20F0];
	v8 =	vadd.f32 v18, v8;
	v5 =	vadd.f32 v5, v12  }
0xfa: {  	v13 =	vld [tilespmem:s17+$0x2160];
	v6 =	vadd.f32 v6, v14;
	v11 =	vadd.f32 v19, v11  }
0xfb: {  	v12 =	vld [tilespmem:s17+$0x2170];
	v10 =	vadd.f32 v20, v10;
	v8 =	vadd.f32 v16, v8  }
0xfc: {  	v14 =	vld [tilespmem:s17+$0x21E0];
	v9 =	vadd.f32 v25, v9;
	v11 =	vadd.f32 v17, v11  }
0xfd: {  	v15 =	vld [tilespmem:s17+$0x21F0];
	[tilespmem:$0x8100] =	vst v2;
	v10 =	vadd.f32 v21, v10;
	v3 =	vadd.f32 v3, v8  }
0xfe: {  	[tilespmem:$0x8110] =	vst v4;
	v2 =	vadd.f32 v22, v9;
	v7 =	vadd.f32 v7, v11  }
0xff: {  	[tilespmem:$0x8120] =	vst v5;
	v4 =	vadd.f32 v13, v10;
	v0 =	vadd.f32 v0, v3  }
0x100: {  	[tilespmem:$0x8130] =	vst v6;
	v2 =	vadd.f32 v12, v2;
	v1 =	vadd.f32 v1, v7  }
0x101: {  	v3 =	vadd.f32 v14, v4;
	[tilespmem:$0x8140] =	vst v0  }
0x102: {  	v0 =	vadd.f32 v15, v2;
	[tilespmem:$0x8150] =	vst v1  }
0x103: {  	[tilespmem:$0x8160] =	vst v3  }
0x104: {  	s17 =	simm.s32 $0x0;
	[tilespmem:$0x8170] =	vst v0  }
0x105: {  	v2 =	vld [tilespmem:s17+$0x3180]  }
0x106: {  	v4 =	vld [tilespmem:s17+$0x3190]  }
0x107: {  	v5 =	vld [tilespmem:s17+$0x31A0]  }
0x108: {  	v6 =	vld [tilespmem:s17+$0x31B0]  }
0x109: {  	v0 =	vld [tilespmem:s17+$0x31C0]  }
0x10a: {  	v1 =	vld [tilespmem:s17+$0x31D0]  }
0x10b: {  	v13 =	vld [tilespmem:s17+$0x3100]  }
0x10c: {  	v15 =	vld [tilespmem:s17+$0x3110]  }
0x10d: {  	v12 =	vld [tilespmem:s17+$0x3120]  }
0x10e: {  	v14 =	vld [tilespmem:s17+$0x3130]  }
0x10f: {  	v3 =	vld [tilespmem:s17+$0x3140]  }
0x110: {  	v9 =	vld [tilespmem:s17+$0x3080]  }
0x111: {  	v10 =	vld [tilespmem:s17+$0x3090]  }
0x112: {  	v11 =	vld [tilespmem:s17+$0x3000]  }
0x113: {  	v17 =	vld [tilespmem:s17+$0x3010]  }
0x114: {  	v18 =	vld [tilespmem:s17+$0x3020]  }
0x115: {  	v19 =	vld [tilespmem:s17+$0x3030]  }
0x116: {  	v20 =	vld [tilespmem:s17+$0x30A0]  }
0x117: {  	v24 =	vld [tilespmem:s17+$0x30B0]  }
0x118: {  	v8 =	vimm.f32 $0.0e+00;
	v7 =	vld [tilespmem:s17+$0x3150]  }
0x119: {  	v16 =	vld [tilespmem:s17+$0x30C0];
	v11 =	vadd.f32 v11, v8;
	v22 =	vadd.f32 v17, v8  }
0x11a: {  	v17 =	vld [tilespmem:s17+$0x30D0];
	v23 =	vadd.f32 v18, v8;
	v25 =	vadd.f32 v19, v8  }
0x11b: {  	v18 =	vld [tilespmem:s17+$0x3040];
	v21 =	vadd.f32 v9, v11;
	v22 =	vadd.f32 v10, v22  }
0x11c: {  	v19 =	vld [tilespmem:s17+$0x3050];
	v23 =	vadd.f32 v20, v23;
	v24 =	vadd.f32 v24, v25  }
0x11d: {  	s18 =	simm.s32 $0x800;
	v20 =	vld [tilespmem:s17+$0x3060];
	v11 =	vimm.f32 $0.0e+00;
	v10 =	vimm.f32 $0.0e+00;
	v9 =	vimm.f32 $0.0e+00  }
.LBB2_9:
0x11e: {  	p1 =	sne.s32 s18, $0x3800;
	v25 =	vld [tilespmem:s17+$0x3070];
	v13 =	vadd.f32 v13, v21;
	v15 =	vadd.f32 v15, v22  }
0x11f: {  	v21 =	vld [tilespmem:s17+$0x30E0];
	v12 =	vadd.f32 v12, v23;
	v14 =	vadd.f32 v14, v24  }
0x120: {  	v22 =	vld [tilespmem:s17+$0x30F0];
	v23 =	vadd.f32 v2, v13;
	v24 =	vadd.f32 v4, v15  }
0x121: {  	v13 =	vld [tilespmem:s17+$0x3160];
	v26 =	vadd.f32 v5, v12;
	v27 =	vadd.f32 v6, v14  }
0x122: {  	v2 =	vadd.f32 v18, v8;
	v4 =	vadd.f32 v19, v11;
	v6 =	vld [tilespmem:s17+$0x3170]  }
0x123: {  	v5 =	vadd.f32 v20, v10;
	v8 =	vadd.f32 v25, v9;
	v9 =	vld [tilespmem:s17+$0x31E0]  }
0x124: {  	v10 =	vadd.f32 v16, v2;
	v11 =	vadd.f32 v17, v4;
	v12 =	vld [tilespmem:s17+$0x31F0];
	s17 =	sshra.s32 s18, $0x2  }
0x125: {  	v14 =	vadd.f32 v21, v5;
	v2 =	vld [tilespmem:s17+$0x3180];
	v8 =	vadd.f32 v22, v8  }
0x126: {  	v3 =	vadd.f32 v3, v10;
	v7 =	vadd.f32 v7, v11;
	v4 =	vld [tilespmem:s17+$0x3190]  }
0x127: {  	v10 =	vadd.f32 v13, v14;
	v5 =	vld [tilespmem:s17+$0x31A0];
	v13 =	vadd.f32 v6, v8  }
0x128: {  	v8 =	vadd.f32 v0, v3;
	v11 =	vadd.f32 v1, v7;
	v6 =	vld [tilespmem:s17+$0x31B0]  }
0x129: {  	v10 =	vadd.f32 v9, v10;
	v0 =	vld [tilespmem:s17+$0x31C0];
	v9 =	vadd.f32 v12, v13  }
0x12a: {  	v1 =	vld [tilespmem:s17+$0x31D0]  }
0x12b: {  	v13 =	vld [tilespmem:s17+$0x3100]  }
0x12c: {  	v15 =	vld [tilespmem:s17+$0x3110]  }
0x12d: {  	v12 =	vld [tilespmem:s17+$0x3120]  }
0x12e: {  	v14 =	vld [tilespmem:s17+$0x3130]  }
0x12f: {  	v3 =	vld [tilespmem:s17+$0x3140]  }
0x130: {  	v7 =	vld [tilespmem:s17+$0x3150]  }
0x131: {  	v20 =	vld [tilespmem:s17+$0x3080]  }
0x132: {  	v22 =	vld [tilespmem:s17+$0x3090]  }
0x133: {  	v17 =	vld [tilespmem:s17+$0x3000]  }
0x134: {  	v18 =	vld [tilespmem:s17+$0x3010]  }
0x135: {  	v19 =	vld [tilespmem:s17+$0x3020]  }
0x136: {  	v21 =	vld [tilespmem:s17+$0x3030]  }
0x137: {  	v25 =	vld [tilespmem:s17+$0x30A0]  }
0x138: {  	v28 =	vld [tilespmem:s17+$0x30B0]  }
.Ltmp6:
0x139: {  	v16 =	vld [tilespmem:s17+$0x30C0];
	(pc) =	sbr.rel @p1 .LBB2_9-.Ltmp6, $4  }
0x13a: {  	v23 =	vadd.f32 v17, v23;
	v24 =	vadd.f32 v18, v24;
	v17 =	vld [tilespmem:s17+$0x30D0]  }
0x13b: {  	v26 =	vadd.f32 v19, v26;
	v27 =	vadd.f32 v21, v27;
	v18 =	vld [tilespmem:s17+$0x3040]  }
0x13c: {  	v21 =	vadd.f32 v20, v23;
	v22 =	vadd.f32 v22, v24;
	v19 =	vld [tilespmem:s17+$0x3050]  }
0x13d: {  	s18 =	sadd.s32 $0x800, s18;
	v23 =	vadd.f32 v25, v26;
	v20 =	vld [tilespmem:s17+$0x3060];
	v24 =	vadd.f32 v28, v27  }
0x13e: {  	v13 =	vadd.f32 v13, v21;
	v15 =	vadd.f32 v15, v22  }
0x13f: {  	v25 =	vld [tilespmem:s17+$0x3070];
	v12 =	vadd.f32 v12, v23;
	v14 =	vadd.f32 v14, v24  }
0x140: {  	v54 =	vld [tilespmem:s17+$0x30E0];
	v2 =	vadd.f32 v2, v13;
	v4 =	vadd.f32 v4, v15  }
0x141: {  	v55 =	vld [tilespmem:s17+$0x30F0];
	v8 =	vadd.f32 v18, v8;
	v5 =	vadd.f32 v5, v12  }
0x142: {  	v56 =	vld [tilespmem:s17+$0x3160];
	v6 =	vadd.f32 v6, v14;
	v11 =	vadd.f32 v19, v11  }
0x143: {  	v57 =	vld [tilespmem:s17+$0x3170];
	v10 =	vadd.f32 v20, v10;
	v8 =	vadd.f32 v16, v8  }
0x144: {  	v58 =	vld [tilespmem:s17+$0x31E0];
	v9 =	vadd.f32 v25, v9;
	v11 =	vadd.f32 v17, v11  }
0x145: {  	v59 =	vld [tilespmem:s17+$0x31F0];
	[tilespmem:$0x8180] =	vst v2;
	v10 =	vadd.f32 v54, v10;
	v3 =	vadd.f32 v3, v8  }
0x146: {  	[tilespmem:$0x8190] =	vst v4;
	v60 =	vadd.f32 v55, v9;
	v7 =	vadd.f32 v7, v11  }
0x147: {  	[tilespmem:$0x81A0] =	vst v5;
	v61 =	vadd.f32 v56, v10;
	v0 =	vadd.f32 v0, v3  }
0x148: {  	[tilespmem:$0x81B0] =	vst v6;
	v2 =	vadd.f32 v57, v60;
	v1 =	vadd.f32 v1, v7  }
0x149: {  	s31 =	sadd.s32 s4, s16;
	v62 =	vadd.f32 v58, v61;
	[tilespmem:$0x81C0] =	vst v0  }
0x14a: {  	s17 =	sshll.u32 s31, $0x4;
	v63 =	vadd.f32 v59, v2;
	[tilespmem:$0x81D0] =	vst v1  }
0x14b: {  	s17 =	sand.u32 $0x3FF80, s17;
	[tilespmem:$0x81E0] =	vst v62  }
0x14c: {  	s17 =	sadd.s32 s17, s7;
	[tilespmem:$0x81F0] =	vst v63  }
0x14d: {  	[hbm4b:s17+s5] =	stream.linear.scatter [tilespmem:s10], [sflag:$0x4], $0x200, $0x38;
	[tilespmem:$0x8200] =	vst v63  }
0x14e: {  	_ =	swait.ge [sflag:s11], $0x200  }
0x14f: {  	[sflag:s11] =	ssyncset.done $0x0  }
0x150: {  	[sflag:s11] =	ssyncadd.s32 $0xFFFFFE00  }
.LBB2_11:
0x151: {  	p1 =	seq.s32 s14, $0x27;
	s16 =	sadd.s32 s16, s8  }
.Ltmp7:
0x152: {  	p2 =	sgt.u32 @!p1 s16, $0x270F;
	(pc) =	sbr.rel @p0 .LBB2_21-.Ltmp7, $4  }
0x153: {  	p1 =	por p2, p1  }
0x154: {  	s16 =	sshll.u32 @!p1 s16, $0x9  }
0x155: {  	s17 =	simm.s32 @!p1 $0x0;
	s16 =	sadd.s32 @!p1 s2, s16  }
0x156: {  	[tilespmem:s17], [sflag:$0x1] =	stream.linear.gather @!p1 [hbm4b:s16+s17], $0x4000, $0x38;
	[tilespmem:$0x8200] =	vst v63  }
0x157: {  	_ =	swait.ge [sflag:s12], $0x4000  }
0x158: {  	[sflag:s12] =	ssyncset.done $0x0  }
0x159: {  	s16 =	simm.s32 $0x0;
	[sflag:s12] =	ssyncadd.s32 $0xFFFFC000  }
0x15a: {  	v2 =	vld [tilespmem:s16+$0x4180]  }
0x15b: {  	v4 =	vld [tilespmem:s16+$0x4190]  }
0x15c: {  	v5 =	vld [tilespmem:s16+$0x41A0]  }
0x15d: {  	v6 =	vld [tilespmem:s16+$0x41B0]  }
0x15e: {  	v0 =	vld [tilespmem:s16+$0x41C0]  }
0x15f: {  	v1 =	vld [tilespmem:s16+$0x41D0]  }
0x160: {  	v13 =	vld [tilespmem:s16+$0x4100]  }
0x161: {  	v15 =	vld [tilespmem:s16+$0x4110]  }
0x162: {  	v12 =	vld [tilespmem:s16+$0x4120]  }
0x163: {  	v14 =	vld [tilespmem:s16+$0x4130]  }
0x164: {  	v3 =	vld [tilespmem:s16+$0x4140]  }
0x165: {  	v9 =	vld [tilespmem:s16+$0x4080]  }
0x166: {  	v10 =	vld [tilespmem:s16+$0x4090]  }
0x167: {  	v11 =	vld [tilespmem:s16+$0x4000]  }
0x168: {  	v17 =	vld [tilespmem:s16+$0x4010]  }
0x169: {  	v18 =	vld [tilespmem:s16+$0x4020]  }
0x16a: {  	v19 =	vld [tilespmem:s16+$0x4030]  }
0x16b: {  	v20 =	vld [tilespmem:s16+$0x40A0]  }
0x16c: {  	v24 =	vld [tilespmem:s16+$0x40B0]  }
0x16d: {  	v8 =	vimm.f32 $0.0e+00;
	v7 =	vld [tilespmem:s16+$0x4150]  }
0x16e: {  	v16 =	vld [tilespmem:s16+$0x40C0];
	v11 =	vadd.f32 v11, v8;
	v22 =	vadd.f32 v17, v8  }
0x16f: {  	v17 =	vld [tilespmem:s16+$0x40D0];
	v23 =	vadd.f32 v18, v8;
	v25 =	vadd.f32 v19, v8  }
0x170: {  	v18 =	vld [tilespmem:s16+$0x4040];
	v21 =	vadd.f32 v9, v11;
	v22 =	vadd.f32 v10, v22  }
0x171: {  	v19 =	vld [tilespmem:s16+$0x4050];
	v23 =	vadd.f32 v20, v23;
	v24 =	vadd.f32 v24, v25  }
0x172: {  	s17 =	simm.s32 $0x800;
	v20 =	vld [tilespmem:s16+$0x4060];
	v11 =	vimm.f32 $0.0e+00;
	v10 =	vimm.f32 $0.0e+00;
	v9 =	vimm.f32 $0.0e+00  }
.LBB2_13:
0x173: {  	p0 =	sne.s32 s17, $0x3800;
	v25 =	vld [tilespmem:s16+$0x4070];
	v13 =	vadd.f32 v13, v21;
	v15 =	vadd.f32 v15, v22  }
0x174: {  	v21 =	vld [tilespmem:s16+$0x40E0];
	v12 =	vadd.f32 v12, v23;
	v14 =	vadd.f32 v14, v24  }
0x175: {  	v22 =	vld [tilespmem:s16+$0x40F0];
	v23 =	vadd.f32 v2, v13;
	v24 =	vadd.f32 v4, v15  }
0x176: {  	v13 =	vld [tilespmem:s16+$0x4160];
	v26 =	vadd.f32 v5, v12;
	v27 =	vadd.f32 v6, v14  }
0x177: {  	v2 =	vadd.f32 v18, v8;
	v4 =	vadd.f32 v19, v11;
	v6 =	vld [tilespmem:s16+$0x4170]  }
0x178: {  	v5 =	vadd.f32 v20, v10;
	v8 =	vadd.f32 v25, v9;
	v9 =	vld [tilespmem:s16+$0x41E0]  }
0x179: {  	v10 =	vadd.f32 v16, v2;
	v11 =	vadd.f32 v17, v4;
	v12 =	vld [tilespmem:s16+$0x41F0];
	s16 =	sshra.s32 s17, $0x2  }
0x17a: {  	v14 =	vadd.f32 v21, v5;
	v2 =	vld [tilespmem:s16+$0x4180];
	v8 =	vadd.f32 v22, v8  }
0x17b: {  	v3 =	vadd.f32 v3, v10;
	v7 =	vadd.f32 v7, v11;
	v4 =	vld [tilespmem:s16+$0x4190]  }
0x17c: {  	v10 =	vadd.f32 v13, v14;
	v5 =	vld [tilespmem:s16+$0x41A0];
	v13 =	vadd.f32 v6, v8  }
0x17d: {  	v8 =	vadd.f32 v0, v3;
	v11 =	vadd.f32 v1, v7;
	v6 =	vld [tilespmem:s16+$0x41B0]  }
0x17e: {  	v10 =	vadd.f32 v9, v10;
	v0 =	vld [tilespmem:s16+$0x41C0];
	v9 =	vadd.f32 v12, v13  }
0x17f: {  	v1 =	vld [tilespmem:s16+$0x41D0]  }
0x180: {  	v13 =	vld [tilespmem:s16+$0x4100]  }
0x181: {  	v15 =	vld [tilespmem:s16+$0x4110]  }
0x182: {  	v12 =	vld [tilespmem:s16+$0x4120]  }
0x183: {  	v14 =	vld [tilespmem:s16+$0x4130]  }
0x184: {  	v3 =	vld [tilespmem:s16+$0x4140]  }
0x185: {  	v7 =	vld [tilespmem:s16+$0x4150]  }
0x186: {  	v20 =	vld [tilespmem:s16+$0x4080]  }
0x187: {  	v22 =	vld [tilespmem:s16+$0x4090]  }
0x188: {  	v17 =	vld [tilespmem:s16+$0x4000]  }
0x189: {  	v18 =	vld [tilespmem:s16+$0x4010]  }
0x18a: {  	v19 =	vld [tilespmem:s16+$0x4020]  }
0x18b: {  	v21 =	vld [tilespmem:s16+$0x4030]  }
0x18c: {  	v25 =	vld [tilespmem:s16+$0x40A0]  }
0x18d: {  	v28 =	vld [tilespmem:s16+$0x40B0]  }
.Ltmp8:
0x18e: {  	v16 =	vld [tilespmem:s16+$0x40C0];
	(pc) =	sbr.rel @p0 .LBB2_13-.Ltmp8, $4  }
0x18f: {  	v23 =	vadd.f32 v17, v23;
	v24 =	vadd.f32 v18, v24;
	v17 =	vld [tilespmem:s16+$0x40D0]  }
0x190: {  	v26 =	vadd.f32 v19, v26;
	v27 =	vadd.f32 v21, v27;
	v18 =	vld [tilespmem:s16+$0x4040]  }
0x191: {  	v21 =	vadd.f32 v20, v23;
	v22 =	vadd.f32 v22, v24;
	v19 =	vld [tilespmem:s16+$0x4050]  }
0x192: {  	s17 =	sadd.s32 $0x800, s17;
	v23 =	vadd.f32 v25, v26;
	v20 =	vld [tilespmem:s16+$0x4060];
	v24 =	vadd.f32 v28, v27  }
0x193: {  	v13 =	vadd.f32 v13, v21;
	v15 =	vadd.f32 v15, v22  }
0x194: {  	v25 =	vld [tilespmem:s16+$0x4070];
	v12 =	vadd.f32 v12, v23;
	v14 =	vadd.f32 v14, v24  }
0x195: {  	v21 =	vld [tilespmem:s16+$0x40E0];
	v2 =	vadd.f32 v2, v13;
	v4 =	vadd.f32 v4, v15  }
0x196: {  	v22 =	vld [tilespmem:s16+$0x40F0];
	v8 =	vadd.f32 v18, v8;
	v5 =	vadd.f32 v5, v12  }
0x197: {  	v13 =	vld [tilespmem:s16+$0x4160];
	v6 =	vadd.f32 v6, v14;
	v11 =	vadd.f32 v19, v11  }
0x198: {  	v12 =	vld [tilespmem:s16+$0x4170];
	v10 =	vadd.f32 v20, v10;
	v8 =	vadd.f32 v16, v8  }
0x199: {  	v14 =	vld [tilespmem:s16+$0x41E0];
	v9 =	vadd.f32 v25, v9;
	v11 =	vadd.f32 v17, v11  }
0x19a: {  	v15 =	vld [tilespmem:s16+$0x41F0];
	[tilespmem:$0x8000] =	vst v2;
	v10 =	vadd.f32 v21, v10;
	v3 =	vadd.f32 v3, v8  }
0x19b: {  	[tilespmem:$0x8010] =	vst v4;
	v2 =	vadd.f32 v22, v9;
	v7 =	vadd.f32 v7, v11  }
0x19c: {  	[tilespmem:$0x8020] =	vst v5;
	v4 =	vadd.f32 v13, v10;
	v0 =	vadd.f32 v0, v3  }
0x19d: {  	[tilespmem:$0x8030] =	vst v6;
	v2 =	vadd.f32 v12, v2;
	v1 =	vadd.f32 v1, v7  }
0x19e: {  	v3 =	vadd.f32 v14, v4;
	[tilespmem:$0x8040] =	vst v0  }
0x19f: {  	v0 =	vadd.f32 v15, v2;
	[tilespmem:$0x8050] =	vst v1  }
0x1a0: {  	[tilespmem:$0x8060] =	vst v3  }
0x1a1: {  	s16 =	simm.s32 $0x0;
	[tilespmem:$0x8070] =	vst v0  }
0x1a2: {  	v2 =	vld [tilespmem:s16+$0x5180]  }
0x1a3: {  	v4 =	vld [tilespmem:s16+$0x5190]  }
0x1a4: {  	v5 =	vld [tilespmem:s16+$0x51A0]  }
0x1a5: {  	v6 =	vld [tilespmem:s16+$0x51B0]  }
0x1a6: {  	v0 =	vld [tilespmem:s16+$0x51C0]  }
0x1a7: {  	v1 =	vld [tilespmem:s16+$0x51D0]  }
0x1a8: {  	v13 =	vld [tilespmem:s16+$0x5100]  }
0x1a9: {  	v15 =	vld [tilespmem:s16+$0x5110]  }
0x1aa: {  	v12 =	vld [tilespmem:s16+$0x5120]  }
0x1ab: {  	v14 =	vld [tilespmem:s16+$0x5130]  }
0x1ac: {  	v3 =	vld [tilespmem:s16+$0x5140]  }
0x1ad: {  	v9 =	vld [tilespmem:s16+$0x5080]  }
0x1ae: {  	v10 =	vld [tilespmem:s16+$0x5090]  }
0x1af: {  	v11 =	vld [tilespmem:s16+$0x5000]  }
0x1b0: {  	v17 =	vld [tilespmem:s16+$0x5010]  }
0x1b1: {  	v18 =	vld [tilespmem:s16+$0x5020]  }
0x1b2: {  	v19 =	vld [tilespmem:s16+$0x5030]  }
0x1b3: {  	v20 =	vld [tilespmem:s16+$0x50A0]  }
0x1b4: {  	v24 =	vld [tilespmem:s16+$0x50B0]  }
0x1b5: {  	v8 =	vimm.f32 $0.0e+00;
	v7 =	vld [tilespmem:s16+$0x5150]  }
0x1b6: {  	v16 =	vld [tilespmem:s16+$0x50C0];
	v11 =	vadd.f32 v11, v8;
	v22 =	vadd.f32 v17, v8  }
0x1b7: {  	v17 =	vld [tilespmem:s16+$0x50D0];
	v23 =	vadd.f32 v18, v8;
	v25 =	vadd.f32 v19, v8  }
0x1b8: {  	v18 =	vld [tilespmem:s16+$0x5040];
	v21 =	vadd.f32 v9, v11;
	v22 =	vadd.f32 v10, v22  }
0x1b9: {  	v19 =	vld [tilespmem:s16+$0x5050];
	v23 =	vadd.f32 v20, v23;
	v24 =	vadd.f32 v24, v25  }
0x1ba: {  	s17 =	simm.s32 $0x800;
	v20 =	vld [tilespmem:s16+$0x5060];
	v11 =	vimm.f32 $0.0e+00;
	v10 =	vimm.f32 $0.0e+00;
	v9 =	vimm.f32 $0.0e+00  }
.LBB2_15:
0x1bb: {  	p0 =	sne.s32 s17, $0x3800;
	v25 =	vld [tilespmem:s16+$0x5070];
	v13 =	vadd.f32 v13, v21;
	v15 =	vadd.f32 v15, v22  }
0x1bc: {  	v21 =	vld [tilespmem:s16+$0x50E0];
	v12 =	vadd.f32 v12, v23;
	v14 =	vadd.f32 v14, v24  }
0x1bd: {  	v22 =	vld [tilespmem:s16+$0x50F0];
	v23 =	vadd.f32 v2, v13;
	v24 =	vadd.f32 v4, v15  }
0x1be: {  	v13 =	vld [tilespmem:s16+$0x5160];
	v26 =	vadd.f32 v5, v12;
	v27 =	vadd.f32 v6, v14  }
0x1bf: {  	v2 =	vadd.f32 v18, v8;
	v4 =	vadd.f32 v19, v11;
	v6 =	vld [tilespmem:s16+$0x5170]  }
0x1c0: {  	v5 =	vadd.f32 v20, v10;
	v8 =	vadd.f32 v25, v9;
	v9 =	vld [tilespmem:s16+$0x51E0]  }
0x1c1: {  	v10 =	vadd.f32 v16, v2;
	v11 =	vadd.f32 v17, v4;
	v12 =	vld [tilespmem:s16+$0x51F0];
	s16 =	sshra.s32 s17, $0x2  }
0x1c2: {  	v14 =	vadd.f32 v21, v5;
	v2 =	vld [tilespmem:s16+$0x5180];
	v8 =	vadd.f32 v22, v8  }
0x1c3: {  	v3 =	vadd.f32 v3, v10;
	v7 =	vadd.f32 v7, v11;
	v4 =	vld [tilespmem:s16+$0x5190]  }
0x1c4: {  	v10 =	vadd.f32 v13, v14;
	v5 =	vld [tilespmem:s16+$0x51A0];
	v13 =	vadd.f32 v6, v8  }
0x1c5: {  	v8 =	vadd.f32 v0, v3;
	v11 =	vadd.f32 v1, v7;
	v6 =	vld [tilespmem:s16+$0x51B0]  }
0x1c6: {  	v10 =	vadd.f32 v9, v10;
	v0 =	vld [tilespmem:s16+$0x51C0];
	v9 =	vadd.f32 v12, v13  }
0x1c7: {  	v1 =	vld [tilespmem:s16+$0x51D0]  }
0x1c8: {  	v13 =	vld [tilespmem:s16+$0x5100]  }
0x1c9: {  	v15 =	vld [tilespmem:s16+$0x5110]  }
0x1ca: {  	v12 =	vld [tilespmem:s16+$0x5120]  }
0x1cb: {  	v14 =	vld [tilespmem:s16+$0x5130]  }
0x1cc: {  	v3 =	vld [tilespmem:s16+$0x5140]  }
0x1cd: {  	v7 =	vld [tilespmem:s16+$0x5150]  }
0x1ce: {  	v20 =	vld [tilespmem:s16+$0x5080]  }
0x1cf: {  	v22 =	vld [tilespmem:s16+$0x5090]  }
0x1d0: {  	v17 =	vld [tilespmem:s16+$0x5000]  }
0x1d1: {  	v18 =	vld [tilespmem:s16+$0x5010]  }
0x1d2: {  	v19 =	vld [tilespmem:s16+$0x5020]  }
0x1d3: {  	v21 =	vld [tilespmem:s16+$0x5030]  }
0x1d4: {  	v25 =	vld [tilespmem:s16+$0x50A0]  }
0x1d5: {  	v28 =	vld [tilespmem:s16+$0x50B0]  }
.Ltmp9:
0x1d6: {  	v16 =	vld [tilespmem:s16+$0x50C0];
	(pc) =	sbr.rel @p0 .LBB2_15-.Ltmp9, $4  }
0x1d7: {  	v23 =	vadd.f32 v17, v23;
	v24 =	vadd.f32 v18, v24;
	v17 =	vld [tilespmem:s16+$0x50D0]  }
0x1d8: {  	v26 =	vadd.f32 v19, v26;
	v27 =	vadd.f32 v21, v27;
	v18 =	vld [tilespmem:s16+$0x5040]  }
0x1d9: {  	v21 =	vadd.f32 v20, v23;
	v22 =	vadd.f32 v22, v24;
	v19 =	vld [tilespmem:s16+$0x5050]  }
0x1da: {  	s17 =	sadd.s32 $0x800, s17;
	v23 =	vadd.f32 v25, v26;
	v20 =	vld [tilespmem:s16+$0x5060];
	v24 =	vadd.f32 v28, v27  }
0x1db: {  	v13 =	vadd.f32 v13, v21;
	v15 =	vadd.f32 v15, v22  }
0x1dc: {  	v25 =	vld [tilespmem:s16+$0x5070];
	v12 =	vadd.f32 v12, v23;
	v14 =	vadd.f32 v14, v24  }
0x1dd: {  	v21 =	vld [tilespmem:s16+$0x50E0];
	v2 =	vadd.f32 v2, v13;
	v4 =	vadd.f32 v4, v15  }
0x1de: {  	v22 =	vld [tilespmem:s16+$0x50F0];
	v8 =	vadd.f32 v18, v8;
	v5 =	vadd.f32 v5, v12  }
0x1df: {  	v13 =	vld [tilespmem:s16+$0x5160];
	v6 =	vadd.f32 v6, v14;
	v11 =	vadd.f32 v19, v11  }
0x1e0: {  	v12 =	vld [tilespmem:s16+$0x5170];
	v10 =	vadd.f32 v20, v10;
	v8 =	vadd.f32 v16, v8  }
0x1e1: {  	v14 =	vld [tilespmem:s16+$0x51E0];
	v9 =	vadd.f32 v25, v9;
	v11 =	vadd.f32 v17, v11  }
0x1e2: {  	v15 =	vld [tilespmem:s16+$0x51F0];
	[tilespmem:$0x8080] =	vst v2;
	v10 =	vadd.f32 v21, v10;
	v3 =	vadd.f32 v3, v8  }
0x1e3: {  	[tilespmem:$0x8090] =	vst v4;
	v2 =	vadd.f32 v22, v9;
	v7 =	vadd.f32 v7, v11  }
0x1e4: {  	[tilespmem:$0x80A0] =	vst v5;
	v4 =	vadd.f32 v13, v10;
	v0 =	vadd.f32 v0, v3  }
0x1e5: {  	[tilespmem:$0x80B0] =	vst v6;
	v2 =	vadd.f32 v12, v2;
	v1 =	vadd.f32 v1, v7  }
0x1e6: {  	v3 =	vadd.f32 v14, v4;
	[tilespmem:$0x80C0] =	vst v0  }
0x1e7: {  	v0 =	vadd.f32 v15, v2;
	[tilespmem:$0x80D0] =	vst v1  }
0x1e8: {  	[tilespmem:$0x80E0] =	vst v3  }
0x1e9: {  	s16 =	simm.s32 $0x0;
	[tilespmem:$0x80F0] =	vst v0  }
0x1ea: {  	v2 =	vld [tilespmem:s16+$0x6180]  }
0x1eb: {  	v4 =	vld [tilespmem:s16+$0x6190]  }
0x1ec: {  	v5 =	vld [tilespmem:s16+$0x61A0]  }
0x1ed: {  	v6 =	vld [tilespmem:s16+$0x61B0]  }
0x1ee: {  	v0 =	vld [tilespmem:s16+$0x61C0]  }
0x1ef: {  	v1 =	vld [tilespmem:s16+$0x61D0]  }
0x1f0: {  	v13 =	vld [tilespmem:s16+$0x6100]  }
0x1f1: {  	v15 =	vld [tilespmem:s16+$0x6110]  }
0x1f2: {  	v12 =	vld [tilespmem:s16+$0x6120]  }
0x1f3: {  	v14 =	vld [tilespmem:s16+$0x6130]  }
0x1f4: {  	v3 =	vld [tilespmem:s16+$0x6140]  }
0x1f5: {  	v9 =	vld [tilespmem:s16+$0x6080]  }
0x1f6: {  	v10 =	vld [tilespmem:s16+$0x6090]  }
0x1f7: {  	v11 =	vld [tilespmem:s16+$0x6000]  }
0x1f8: {  	v17 =	vld [tilespmem:s16+$0x6010]  }
0x1f9: {  	v18 =	vld [tilespmem:s16+$0x6020]  }
0x1fa: {  	v19 =	vld [tilespmem:s16+$0x6030]  }
0x1fb: {  	v20 =	vld [tilespmem:s16+$0x60A0]  }
0x1fc: {  	v24 =	vld [tilespmem:s16+$0x60B0]  }
0x1fd: {  	v8 =	vimm.f32 $0.0e+00;
	v7 =	vld [tilespmem:s16+$0x6150]  }
0x1fe: {  	v16 =	vld [tilespmem:s16+$0x60C0];
	v11 =	vadd.f32 v11, v8;
	v22 =	vadd.f32 v17, v8  }
0x1ff: {  	v17 =	vld [tilespmem:s16+$0x60D0];
	v23 =	vadd.f32 v18, v8;
	v25 =	vadd.f32 v19, v8  }
0x200: {  	v18 =	vld [tilespmem:s16+$0x6040];
	v21 =	vadd.f32 v9, v11;
	v22 =	vadd.f32 v10, v22  }
0x201: {  	v19 =	vld [tilespmem:s16+$0x6050];
	v23 =	vadd.f32 v20, v23;
	v24 =	vadd.f32 v24, v25  }
0x202: {  	s17 =	simm.s32 $0x800;
	v20 =	vld [tilespmem:s16+$0x6060];
	v11 =	vimm.f32 $0.0e+00;
	v10 =	vimm.f32 $0.0e+00;
	v9 =	vimm.f32 $0.0e+00  }
.LBB2_17:
0x203: {  	p0 =	sne.s32 s17, $0x3800;
	v25 =	vld [tilespmem:s16+$0x6070];
	v13 =	vadd.f32 v13, v21;
	v15 =	vadd.f32 v15, v22  }
0x204: {  	v21 =	vld [tilespmem:s16+$0x60E0];
	v12 =	vadd.f32 v12, v23;
	v14 =	vadd.f32 v14, v24  }
0x205: {  	v22 =	vld [tilespmem:s16+$0x60F0];
	v23 =	vadd.f32 v2, v13;
	v24 =	vadd.f32 v4, v15  }
0x206: {  	v13 =	vld [tilespmem:s16+$0x6160];
	v26 =	vadd.f32 v5, v12;
	v27 =	vadd.f32 v6, v14  }
0x207: {  	v2 =	vadd.f32 v18, v8;
	v4 =	vadd.f32 v19, v11;
	v6 =	vld [tilespmem:s16+$0x6170]  }
0x208: {  	v5 =	vadd.f32 v20, v10;
	v8 =	vadd.f32 v25, v9;
	v9 =	vld [tilespmem:s16+$0x61E0]  }
0x209: {  	v10 =	vadd.f32 v16, v2;
	v11 =	vadd.f32 v17, v4;
	v12 =	vld [tilespmem:s16+$0x61F0];
	s16 =	sshra.s32 s17, $0x2  }
0x20a: {  	v14 =	vadd.f32 v21, v5;
	v2 =	vld [tilespmem:s16+$0x6180];
	v8 =	vadd.f32 v22, v8  }
0x20b: {  	v3 =	vadd.f32 v3, v10;
	v7 =	vadd.f32 v7, v11;
	v4 =	vld [tilespmem:s16+$0x6190]  }
0x20c: {  	v10 =	vadd.f32 v13, v14;
	v5 =	vld [tilespmem:s16+$0x61A0];
	v13 =	vadd.f32 v6, v8  }
0x20d: {  	v8 =	vadd.f32 v0, v3;
	v11 =	vadd.f32 v1, v7;
	v6 =	vld [tilespmem:s16+$0x61B0]  }
0x20e: {  	v10 =	vadd.f32 v9, v10;
	v0 =	vld [tilespmem:s16+$0x61C0];
	v9 =	vadd.f32 v12, v13  }
0x20f: {  	v1 =	vld [tilespmem:s16+$0x61D0]  }
0x210: {  	v13 =	vld [tilespmem:s16+$0x6100]  }
0x211: {  	v15 =	vld [tilespmem:s16+$0x6110]  }
0x212: {  	v12 =	vld [tilespmem:s16+$0x6120]  }
0x213: {  	v14 =	vld [tilespmem:s16+$0x6130]  }
0x214: {  	v3 =	vld [tilespmem:s16+$0x6140]  }
0x215: {  	v7 =	vld [tilespmem:s16+$0x6150]  }
0x216: {  	v20 =	vld [tilespmem:s16+$0x6080]  }
0x217: {  	v22 =	vld [tilespmem:s16+$0x6090]  }
0x218: {  	v17 =	vld [tilespmem:s16+$0x6000]  }
0x219: {  	v18 =	vld [tilespmem:s16+$0x6010]  }
0x21a: {  	v19 =	vld [tilespmem:s16+$0x6020]  }
0x21b: {  	v21 =	vld [tilespmem:s16+$0x6030]  }
0x21c: {  	v25 =	vld [tilespmem:s16+$0x60A0]  }
0x21d: {  	v28 =	vld [tilespmem:s16+$0x60B0]  }
.Ltmp10:
0x21e: {  	v16 =	vld [tilespmem:s16+$0x60C0];
	(pc) =	sbr.rel @p0 .LBB2_17-.Ltmp10, $4  }
0x21f: {  	v23 =	vadd.f32 v17, v23;
	v24 =	vadd.f32 v18, v24;
	v17 =	vld [tilespmem:s16+$0x60D0]  }
0x220: {  	v26 =	vadd.f32 v19, v26;
	v27 =	vadd.f32 v21, v27;
	v18 =	vld [tilespmem:s16+$0x6040]  }
0x221: {  	v21 =	vadd.f32 v20, v23;
	v22 =	vadd.f32 v22, v24;
	v19 =	vld [tilespmem:s16+$0x6050]  }
0x222: {  	s17 =	sadd.s32 $0x800, s17;
	v23 =	vadd.f32 v25, v26;
	v20 =	vld [tilespmem:s16+$0x6060];
	v24 =	vadd.f32 v28, v27  }
0x223: {  	v13 =	vadd.f32 v13, v21;
	v15 =	vadd.f32 v15, v22  }
0x224: {  	v25 =	vld [tilespmem:s16+$0x6070];
	v12 =	vadd.f32 v12, v23;
	v14 =	vadd.f32 v14, v24  }
0x225: {  	v21 =	vld [tilespmem:s16+$0x60E0];
	v2 =	vadd.f32 v2, v13;
	v4 =	vadd.f32 v4, v15  }
0x226: {  	v22 =	vld [tilespmem:s16+$0x60F0];
	v8 =	vadd.f32 v18, v8;
	v5 =	vadd.f32 v5, v12  }
0x227: {  	v13 =	vld [tilespmem:s16+$0x6160];
	v6 =	vadd.f32 v6, v14;
	v11 =	vadd.f32 v19, v11  }
0x228: {  	v12 =	vld [tilespmem:s16+$0x6170];
	v10 =	vadd.f32 v20, v10;
	v8 =	vadd.f32 v16, v8  }
0x229: {  	v14 =	vld [tilespmem:s16+$0x61E0];
	v9 =	vadd.f32 v25, v9;
	v11 =	vadd.f32 v17, v11  }
0x22a: {  	v15 =	vld [tilespmem:s16+$0x61F0];
	[tilespmem:$0x8100] =	vst v2;
	v10 =	vadd.f32 v21, v10;
	v3 =	vadd.f32 v3, v8  }
0x22b: {  	[tilespmem:$0x8110] =	vst v4;
	v2 =	vadd.f32 v22, v9;
	v7 =	vadd.f32 v7, v11  }
0x22c: {  	[tilespmem:$0x8120] =	vst v5;
	v4 =	vadd.f32 v13, v10;
	v0 =	vadd.f32 v0, v3  }
0x22d: {  	[tilespmem:$0x8130] =	vst v6;
	v2 =	vadd.f32 v12, v2;
	v1 =	vadd.f32 v1, v7  }
0x22e: {  	v3 =	vadd.f32 v14, v4;
	[tilespmem:$0x8140] =	vst v0  }
0x22f: {  	v0 =	vadd.f32 v15, v2;
	[tilespmem:$0x8150] =	vst v1  }
0x230: {  	[tilespmem:$0x8160] =	vst v3  }
0x231: {  	s16 =	simm.s32 $0x0;
	[tilespmem:$0x8170] =	vst v0  }
0x232: {  	v2 =	vld [tilespmem:s16+$0x7180]  }
0x233: {  	v4 =	vld [tilespmem:s16+$0x7190]  }
0x234: {  	v5 =	vld [tilespmem:s16+$0x71A0]  }
0x235: {  	v6 =	vld [tilespmem:s16+$0x71B0]  }
0x236: {  	v0 =	vld [tilespmem:s16+$0x71C0]  }
0x237: {  	v1 =	vld [tilespmem:s16+$0x71D0]  }
0x238: {  	v13 =	vld [tilespmem:s16+$0x7100]  }
0x239: {  	v15 =	vld [tilespmem:s16+$0x7110]  }
0x23a: {  	v12 =	vld [tilespmem:s16+$0x7120]  }
0x23b: {  	v14 =	vld [tilespmem:s16+$0x7130]  }
0x23c: {  	v3 =	vld [tilespmem:s16+$0x7140]  }
0x23d: {  	v9 =	vld [tilespmem:s16+$0x7080]  }
0x23e: {  	v10 =	vld [tilespmem:s16+$0x7090]  }
0x23f: {  	v11 =	vld [tilespmem:s16+$0x7000]  }
0x240: {  	v17 =	vld [tilespmem:s16+$0x7010]  }
0x241: {  	v18 =	vld [tilespmem:s16+$0x7020]  }
0x242: {  	v19 =	vld [tilespmem:s16+$0x7030]  }
0x243: {  	v20 =	vld [tilespmem:s16+$0x70A0]  }
0x244: {  	v24 =	vld [tilespmem:s16+$0x70B0]  }
0x245: {  	v8 =	vimm.f32 $0.0e+00;
	v7 =	vld [tilespmem:s16+$0x7150]  }
0x246: {  	v16 =	vld [tilespmem:s16+$0x70C0];
	v11 =	vadd.f32 v11, v8;
	v22 =	vadd.f32 v17, v8  }
0x247: {  	v17 =	vld [tilespmem:s16+$0x70D0];
	v23 =	vadd.f32 v18, v8;
	v25 =	vadd.f32 v19, v8  }
0x248: {  	v18 =	vld [tilespmem:s16+$0x7040];
	v21 =	vadd.f32 v9, v11;
	v22 =	vadd.f32 v10, v22  }
0x249: {  	v19 =	vld [tilespmem:s16+$0x7050];
	v23 =	vadd.f32 v20, v23;
	v24 =	vadd.f32 v24, v25  }
0x24a: {  	s17 =	simm.s32 $0x800;
	v20 =	vld [tilespmem:s16+$0x7060];
	v11 =	vimm.f32 $0.0e+00;
	v10 =	vimm.f32 $0.0e+00;
	v9 =	vimm.f32 $0.0e+00  }
.LBB2_19:
0x24b: {  	p0 =	sne.s32 s17, $0x3800;
	v25 =	vld [tilespmem:s16+$0x7070];
	v13 =	vadd.f32 v13, v21;
	v15 =	vadd.f32 v15, v22  }
0x24c: {  	v12 =	vadd.f32 v12, v23;
	v14 =	vadd.f32 v14, v24;
	v21 =	vld [tilespmem:s16+$0x70E0]  }
0x24d: {  	v22 =	vld [tilespmem:s16+$0x70F0];
	v23 =	vadd.f32 v2, v13;
	v24 =	vadd.f32 v4, v15  }
0x24e: {  	v26 =	vadd.f32 v5, v12;
	v27 =	vadd.f32 v6, v14;
	v13 =	vld [tilespmem:s16+$0x7160]  }
0x24f: {  	v2 =	vadd.f32 v18, v8;
	v4 =	vadd.f32 v19, v11;
	v6 =	vld [tilespmem:s16+$0x7170]  }
0x250: {  	v5 =	vadd.f32 v20, v10;
	v8 =	vadd.f32 v25, v9;
	v9 =	vld [tilespmem:s16+$0x71E0]  }
0x251: {  	v10 =	vadd.f32 v16, v2;
	v11 =	vadd.f32 v17, v4;
	v12 =	vld [tilespmem:s16+$0x71F0];
	s16 =	sshra.s32 s17, $0x2  }
0x252: {  	v14 =	vadd.f32 v21, v5;
	v2 =	vld [tilespmem:s16+$0x7180];
	v8 =	vadd.f32 v22, v8  }
0x253: {  	v3 =	vadd.f32 v3, v10;
	v7 =	vadd.f32 v7, v11;
	v4 =	vld [tilespmem:s16+$0x7190]  }
0x254: {  	v10 =	vadd.f32 v13, v14;
	v5 =	vld [tilespmem:s16+$0x71A0];
	v13 =	vadd.f32 v6, v8  }
0x255: {  	v11 =	vadd.f32 v1, v7;
	v8 =	vadd.f32 v0, v3;
	v6 =	vld [tilespmem:s16+$0x71B0]  }
0x256: {  	v10 =	vadd.f32 v9, v10;
	v0 =	vld [tilespmem:s16+$0x71C0];
	v9 =	vadd.f32 v12, v13  }
0x257: {  	v1 =	vld [tilespmem:s16+$0x71D0]  }
0x258: {  	v13 =	vld [tilespmem:s16+$0x7100]  }
0x259: {  	v15 =	vld [tilespmem:s16+$0x7110]  }
0x25a: {  	v12 =	vld [tilespmem:s16+$0x7120]  }
0x25b: {  	v14 =	vld [tilespmem:s16+$0x7130]  }
0x25c: {  	v3 =	vld [tilespmem:s16+$0x7140]  }
0x25d: {  	v7 =	vld [tilespmem:s16+$0x7150]  }
0x25e: {  	v20 =	vld [tilespmem:s16+$0x7080]  }
0x25f: {  	v22 =	vld [tilespmem:s16+$0x7090]  }
0x260: {  	v17 =	vld [tilespmem:s16+$0x7000]  }
0x261: {  	v18 =	vld [tilespmem:s16+$0x7010]  }
0x262: {  	v19 =	vld [tilespmem:s16+$0x7020]  }
0x263: {  	v21 =	vld [tilespmem:s16+$0x7030]  }
0x264: {  	v25 =	vld [tilespmem:s16+$0x70A0]  }
0x265: {  	v28 =	vld [tilespmem:s16+$0x70B0]  }
.Ltmp11:
0x266: {  	v16 =	vld [tilespmem:s16+$0x70C0];
	(pc) =	sbr.rel @p0 .LBB2_19-.Ltmp11, $4  }
0x267: {  	v23 =	vadd.f32 v17, v23;
	v24 =	vadd.f32 v18, v24;
	v17 =	vld [tilespmem:s16+$0x70D0]  }
0x268: {  	v26 =	vadd.f32 v19, v26;
	v27 =	vadd.f32 v21, v27;
	v18 =	vld [tilespmem:s16+$0x7040]  }
0x269: {  	v21 =	vadd.f32 v20, v23;
	v22 =	vadd.f32 v22, v24;
	v19 =	vld [tilespmem:s16+$0x7050]  }
0x26a: {  	s17 =	sadd.s32 $0x800, s17;
	v23 =	vadd.f32 v25, v26;
	v20 =	vld [tilespmem:s16+$0x7060];
	v24 =	vadd.f32 v28, v27  }
.Ltmp12:
0x26b: {  	_ = 	snop;
	(pc) =	sbr.rel .LBB2_20-.Ltmp12, $1  }
0x26c: {  	_ =	sdelay $0x3  }
.LBB2_22:
0x26d: {  	_ =	sfence.sel $0x180000  }
0x26e: {  	[bflag:$0x0] =	sbarrier.arrive $0xFFFF  }
0x26f: {  	p0 =	sne.s32 s0, $0x0;
	_ =	strace $0x90000047  }
0x270: {  	s0 =	sadd.s32 @!p0 $0x100000, s1;
	[bflag:$0x2] =	sbarrier.arrive $0xFFFF  }
0x271: {  	[sflag:s0] =	ssyncadd.tile.s32 @!p0 $0x1;
	_ =	shalt  }
.Lfunc_end2:
_tile_overlayer_lowered:
.L_overlay_start_2:
0x272: {  	(tag) =	ssettag $0x2  }
0x273: {  	s0 =	rddreg [dreg:$0x0];
	s2 =	stileid.u32  }
0x274: {  	s1 =	rddreg [dreg:$0x1];
	p0 =	sne.s32 s2, $0x0  }
0x275: {  	s3 =	rddreg [dreg:$0x2];
	[bflag:$0x3] =	sbarrier.arrive $0xFFFF;
	s2 =	simm.s32 @!p0 $0x1C03  }
0x276: {  	[timem:s3], [sflag:s2] =	dma.local @!p0 [hbm:s0], s1  }
0x277: {  	s0 =	simm.s32 @!p0 $0x3  }
0x278: {  	_ =	swait.ge @!p0 [sflag:s0], s1  }
0x279: {  	s1 =	ssub.s32 @!p0 $0x0, s1;
	[sflag:s0] =	ssyncset.done @!p0 $0x0  }
0x27a: {  	[sflag:s0] =	ssyncadd.s32 @!p0 s1  }
0x27b: {  	[bflag:$0x3] =	sbarrier.arrive $0xFFFF  }
0x27c: {  	_ =	shalt  }

</sc_bundles>
